<compile_context>
chip_gen: v7x
topology: tpu7x:2x2x1
jax: 0.10.2.dev20260603
libtpu: 0.0.44.dev20260713+nightly
codegen_flags: <defaults>
</compile_context>

<pallas_src>
import functools

import jax
import jax.numpy as jnp
from jax import lax
from jax.experimental import pallas as pl
from jax.experimental.pallas import tpu as pltpu
from jax.experimental.pallas import tpu_sc as plsc

NX = 512
NY = 512
C = 64
B = 2
P = 32000
S = NX * NY
OUTC = 2 * C
FLAT_OUT = B * OUTC * S

NC = 2
NS = 16
L = 16
NW = NC * NS
TS = (B * S) // NW
NPV = P // L
NOV = TS // L


def _idx_body(coords_ref, flat_ref):
    c = coords_ref[...]
    flat_ref[...] = (c[0:1] * S + c[1:2] + c[2:3] * NX + c[3:4])


def _flat_indices(coords_t):
    return pl.pallas_call(
        _idx_body,
        out_shape=jax.ShapeDtypeStruct((1, P), jnp.int32),
    )(coords_t)


RS = 64
NBS = NY // RS


def _stats_body(obsp_ref, g_ref, xs_ref):
    i = pl.program_id(1)
    y0 = i * RS
    rows = obsp_ref[0, pl.ds(y0, RS + 8), :]
    cols = []
    for di in range(3):
        for dj in range(3):
            sl = lax.slice(rows, (di, dj), (di + RS, dj + NX))
            cols.append(jnp.reshape(sl, (1, RS * NX)))
    x2 = jnp.concatenate(cols, axis=0)
    g = lax.dot_general(x2, x2, (((1,), (1,)), ((), ())),
                        preferred_element_type=jnp.float32)
    xs = jnp.sum(x2, axis=1, keepdims=True)

    @pl.when(jnp.logical_and(pl.program_id(0) == 0, i == 0))
    def _():
        g_ref[...] = jnp.zeros_like(g_ref)
        xs_ref[...] = jnp.zeros_like(xs_ref)

    g_ref[...] += g
    xs_ref[...] += xs


def _stats(obsp):
    return pl.pallas_call(
        _stats_body,
        grid=(B, NBS),
        in_specs=[pl.BlockSpec((1, NY + 8, NX + 2), lambda b, i: (b, 0, 0))],
        out_specs=[
            pl.BlockSpec((9, 9), lambda b, i: (0, 0)),
            pl.BlockSpec((9, 1), lambda b, i: (0, 0)),
        ],
        out_shape=[
            jax.ShapeDtypeStruct((9, 9), jnp.float32),
            jax.ShapeDtypeStruct((9, 1), jnp.float32),
        ],
    )(obsp)


RW = 16
NBW = NY // RW


def _write_body(obsp_ref, w9_ref, g_ref, xs_ref, gam_ref, bet_ref, cv_ref,
                out_ref):
    i = pl.program_id(1)
    y0 = i * RW

    w9 = w9_ref[...]
    n = jnp.float32(B * S)
    mean = lax.dot_general(w9, xs_ref[...], (((1,), (0,)), ((), ())),
                           preferred_element_type=jnp.float32) / n
    wg = lax.dot_general(w9, g_ref[...], (((1,), (0,)), ((), ())),
                         preferred_element_type=jnp.float32)
    ex2 = jnp.sum(wg * w9, axis=1, keepdims=True) / n
    var = ex2 - mean * mean
    inv = lax.rsqrt(var + 1e-3)
    scale = gam_ref[...][:, None] * inv
    shift = bet_ref[...][:, None] - mean * scale

    rows = obsp_ref[0, pl.ds(y0, RW + 8), :]
    cols = []
    for di in range(3):
        for dj in range(3):
            sl = lax.slice(rows, (di, dj), (di + RW, dj + NX))
            cols.append(jnp.reshape(sl, (1, RW * NX)))
    x2 = jnp.concatenate(cols, axis=0)
    conv = lax.dot_general(w9, x2, (((1,), (0,)), ((), ())),
                           preferred_element_type=jnp.float32)
    feat = jnp.maximum(conv * scale + shift, 0.0)
    out_ref[0, :, :, :] = jnp.reshape(feat, (C, RW, NX))


def _write(obsp, w9, g, xs, gamma, beta, cv):
    return pl.pallas_call(
        _write_body,
        grid=(B, NBW),
        in_specs=[
            pl.BlockSpec((1, NY + 8, NX + 2), lambda b, i: (b, 0, 0)),
            pl.BlockSpec((C, 9), lambda b, i: (0, 0)),
            pl.BlockSpec((9, 9), lambda b, i: (0, 0)),
            pl.BlockSpec((9, 1), lambda b, i: (0, 0)),
            pl.BlockSpec((C,), lambda b, i: (0,)),
            pl.BlockSpec((C,), lambda b, i: (0,)),
            pl.BlockSpec(memory_space=pl.ANY),
        ],
        out_specs=pl.BlockSpec((1, C, RW, NX), lambda b, i: (b, 1, i, 0)),
        out_shape=jax.ShapeDtypeStruct((B, OUTC, NY, NX), jnp.float32),
        input_output_aliases={6: 0},
    )(obsp, w9, g, xs, gamma, beta, cv)


LPT = TS // NX
ROWS_PER_LINE = C * (NX // 128)
PPAD = 256 * 128
ICH = 32
NICH = PPAD // (128 * ICH)


def _sc_body(flat_hbm, feat_hbm, canvas,
             idx_c, owner_v, stag, rows_v, xl_v, pl_v, gix_v,
             gsem, ssem):
    wid = lax.axis_index("s") * NC + lax.axis_index("c")
    base = wid * TS
    iota = lax.iota(jnp.int32, L)

    def init_body(i, carry):
        owner_v[pl.ds(i * L, L)] = jnp.full((L,), -1, jnp.int32)
        return carry
    lax.fori_loop(0, NOV, init_body, 0, unroll=8)

    def zs_body(i, carry):
        stag[lax.shift_right_logical(i, 3),
             pl.ds((i % 8) * L, L)] = jnp.zeros((L,), jnp.float32)
        return carry
    lax.fori_loop(0, ROWS_PER_LINE * 8, zs_body, 0, unroll=8)

    def chunk_body(cc, carry):
        pltpu.sync_copy(flat_hbm.at[pl.ds(cc * ICH, ICH)], idx_c)

        def row_body(r, c2):
            def sub_body(j, c3):
                v = idx_c[r, pl.ds(j * L, L)]
                loc = v - base
                msk = jnp.logical_and(loc >= 0, loc < TS)
                locc = jnp.clip(loc, 0, TS - 1)
                pidv = (cc * ICH + r) * 128 + j * L + iota
                plsc.store_scatter(owner_v, [locc], pidv, mask=msk)
                return c3
            lax.fori_loop(0, 8, sub_body, 0, unroll=8)
            return c2
        lax.fori_loop(0, ICH, row_body, 0)
        return carry
    lax.fori_loop(0, NICH, chunk_body, 0)

    def pair_body(p, carry):
        gp = wid * (LPT // 2) + p
        rowbase = lax.shift_right_logical(gp, 8) * S \
            + jnp.bitwise_and(gp, 255) * 8

        def cmp_body(i, nw):
            o = owner_v[pl.ds(p * 2 * NX + i * L, L)]
            msk = o >= 0
            plsc.store_compressed(xl_v.at[pl.ds(nw, L)], i * L + iota,
                                  mask=msk)
            plsc.store_compressed(pl_v.at[pl.ds(nw, L)], o, mask=msk)
            cnt = lax.reduce_max(plsc.all_reduce_population_count(msk), (0,))
            return nw + cnt
        nw = lax.fori_loop(0, 2 * NX // L, cmp_body, 0, unroll=4)

        for h in range(2):
            def cc_body(cc, c2):
                s = cc * 128

                def gix_body(k, c3):
                    pv = pl_v[pl.ds(s + k * L, L)]
                    gix_v[pl.ds(k * L, L)] = jnp.clip(pv, 0, P - 1)
                    return c3
                if h == 0:
                    lax.fori_loop(0, 8, gix_body, 0, unroll=8)
                    pltpu.async_copy(feat_hbm.at[gix_v], rows_v, gsem).wait()
                else:
                    @pl.when(nw > 128)
                    def _():
                        lax.fori_loop(0, 8, gix_body, 0, unroll=8)
                        pltpu.async_copy(feat_hbm.at[gix_v], rows_v,
                                         gsem).wait()

                kk = jnp.minimum(nw - s, 128)
                kv = (kk + L - 1) // L

                def comp_body(k, c4):
                    valid = (s + k * L + iota) < nw
                    xv = jnp.clip(xl_v[pl.ds(s + k * L, L)], 0, 2 * NX - 1)
                    r0 = lax.shift_right_logical(xv, 7)
                    c0 = jnp.bitwise_and(xv, 127)

                    def ch_body(c, c5):
                        col = plsc.load_gather(
                            rows_v, [k * L + iota,
                                     jnp.full((L,), h * (C // 2), jnp.int32)
                                     + c])
                        plsc.store_scatter(stag, [c * 8 + r0, c0], col,
                                           mask=valid)
                        return c5
                    lax.fori_loop(0, C // 2, ch_body, 0, unroll=4)
                    return c4
                lax.fori_loop(0, kv, comp_body, 0)
                return c2
            lax.fori_loop(0, (nw + 127) // 128, cc_body, 0)

            for c in range(C // 2):
                off = pl.multiple_of(
                    rowbase + (h * (C // 2) + c) * (4 * NX // 2) * 2, 8)
                pltpu.async_copy(stag.at[pl.ds(c * 8, 8)],
                                 canvas.at[pl.ds(off, 8)], ssem)
            for c in range(C // 2):
                off = pl.multiple_of(
                    rowbase + (h * (C // 2) + c) * (4 * NX // 2) * 2, 8)
                pltpu.make_async_copy(stag.at[pl.ds(c * 8, 8)],
                                      canvas.at[pl.ds(off, 8)], ssem).wait()

            def rz_cc(cc, c2):
                s = cc * 128
                kk = jnp.minimum(nw - s, 128)
                kv = (kk + L - 1) // L

                def rz_k(k, c4):
                    valid = (s + k * L + iota) < nw
                    xv = jnp.clip(xl_v[pl.ds(s + k * L, L)], 0, 2 * NX - 1)
                    r0 = lax.shift_right_logical(xv, 7)
                    c0 = jnp.bitwise_and(xv, 127)
                    zero = jnp.zeros((L,), jnp.float32)

                    def rz_c(c, c5):
                        plsc.store_scatter(stag, [c * 8 + r0, c0], zero,
                                           mask=valid)
                        return c5
                    lax.fori_loop(0, C // 2, rz_c, 0, unroll=4)
                    return c4
                lax.fori_loop(0, kv, rz_k, 0)
                return c2
            lax.fori_loop(0, (nw + 127) // 128, rz_cc, 0)
        return carry
    lax.fori_loop(0, LPT // 2, pair_body, 0)


def _sc_canvas(flat, feats):
    mesh = plsc.VectorSubcoreMesh(core_axis_name="c", subcore_axis_name="s",
                                  num_cores=NC, num_subcores=NS)
    k = pl.kernel(
        _sc_body,
        out_type=jax.ShapeDtypeStruct((FLAT_OUT // 128, 128), jnp.float32),
        mesh=mesh,
        compiler_params=pltpu.CompilerParams(needs_layout_passes=False,
                                             use_tc_tiling_on_sc=False),
        scratch_types=[
            pltpu.VMEM((ICH, 128), jnp.int32),
            pltpu.VMEM((TS,), jnp.int32),
            pltpu.VMEM((ROWS_PER_LINE, 128), jnp.float32),
            pltpu.VMEM((128, C), jnp.float32),
            pltpu.VMEM((2 * NX,), jnp.int32),
            pltpu.VMEM((2 * NX,), jnp.int32),
            pltpu.VMEM((128,), jnp.int32),
            pltpu.SemaphoreType.DMA,
            pltpu.SemaphoreType.DMA,
        ],
    )
    return k(flat, feats)


def kernel(pillar_features, voxel_coords, observations, conv_w, bn_gamma,
           bn_beta):
    obsp = jnp.pad(observations.reshape(B, NY, NX),
                   ((0, 0), (1, 7), (1, 1)))
    w9 = conv_w.reshape(C, 9)

    flat = jnp.pad(_flat_indices(voxel_coords.T).reshape(P // 128, 128),
                   ((0, (PPAD - P) // 128), (0, 0)),
                   constant_values=jnp.int32(2**30))
    cv = _sc_canvas(flat, pillar_features).reshape(B, OUTC, NY, NX)
    g, xs = _stats(obsp)
    return _write(obsp, w9, g, xs, bn_gamma, bn_beta, cv)

# --- scband reference (transcript-rebuilt; emitter-appended) ---
"""Pipeline reference for scband-point-pillar-scatter-36721970380807 (READ-ONLY COPY).

The authoritative reference and input builder live on the scoring server;
editing this copy changes nothing except your own understanding.
"""

import jax, jax.numpy as jnp
import numpy as np

NX, NY, NZ = 512, 512, 1
C = 64
B = 2
P = 32000


def setup_inputs(seed: int = 0) -> dict:
    key = jax.random.key(seed)
    k1, k2, k3, k4, k5, k6 = jax.random.split(key, 6)
    pillar_features = jax.random.normal(k1, (P, C), dtype=jnp.float32)
    b_idx = jax.random.randint(k2, (P,), 0, B, dtype=jnp.int32)
    z_idx = jnp.zeros((P,), dtype=jnp.int32)
    y_idx = jax.random.randint(k3, (P,), 0, NY, dtype=jnp.int32)
    x_idx = jax.random.randint(k4, (P,), 0, NX, dtype=jnp.int32)
    voxel_coords = jnp.stack([b_idx, z_idx, y_idx, x_idx], axis=1)
    observations = jax.random.normal(k5, (B, NY * NX), dtype=jnp.float32)
    conv_w = jax.random.normal(k6, (64, 1, 3, 3), dtype=jnp.float32) * 0.05
    bn_gamma = jnp.ones((64,), dtype=jnp.float32)
    bn_beta = jnp.zeros((64,), dtype=jnp.float32)
    return {
        'pillar_features': pillar_features,
        'voxel_coords': voxel_coords,
        'observations': observations,
        'conv_w': conv_w,
        'bn_gamma': bn_gamma,
        'bn_beta': bn_beta,
    }


def reference(pillar_features, voxel_coords, observations, conv_w, bn_gamma, bn_beta):
    batch_size = observations.shape[0]
    c = pillar_features.shape[1]
    # indices = coords[:,1] + coords[:,2]*nx + coords[:,3], per batch canvas of size nz*nx*ny
    flat_idx = (voxel_coords[:, 0] * (NZ * NX * NY)
                + voxel_coords[:, 1]
                + voxel_coords[:, 2] * NX
                + voxel_coords[:, 3])
    spatial = jnp.zeros((batch_size * NZ * NX * NY, c), dtype=pillar_features.dtype)
    spatial = spatial.at[flat_idx].set(pillar_features)  # scatter-overwrite
    bev = spatial.reshape(batch_size, NY, NX, c).transpose(0, 3, 1, 2)  # (B, 64, ny, nx)
    # conv_obser: Conv2d(1,64,k=3,p=1,bias=False) -> BatchNorm2d(train-mode batch stats, eps=1e-3) -> ReLU
    obs = observations.reshape(batch_size, 1, NY, NX)
    conv = jax.lax.conv_general_dilated(
        obs, conv_w, window_strides=(1, 1), padding='SAME',
        dimension_numbers=('NCHW', 'OIHW', 'NCHW'))
    mean = conv.mean(axis=(0, 2, 3), keepdims=True)
    var = conv.var(axis=(0, 2, 3), keepdims=True)
    normed = (conv - mean) / jnp.sqrt(var + 1e-3)
    obs_feat = jax.nn.relu(normed * bn_gamma.reshape(1, -1, 1, 1) + bn_beta.reshape(1, -1, 1, 1))
    out = jnp.concatenate([bev, obs_feat], axis=1)  # (B, 128, ny, nx)
    return out

if __name__ == "__main__":
    import jax
    _d = setup_inputs()
    print(jax.jit(kernel)(*tuple(_d.values())))

</pallas_src>

<mosaic_0001>
#map = affine_map<(d0, d1) -> (0, 0)>
module attributes {stable_mosaic.version = 14 : i64} {
  func.func @_sc_body(%arg0: i32, %arg1: i32, %arg2: memref<256x128xi32, #tpu.memory_space<hbm>>, %arg3: memref<32000x64xf32, #tpu.memory_space<hbm>>, %arg4: memref<524288x128xf32, #tpu.memory_space<hbm>>, %arg5: memref<32x128xi32, #tpu.memory_space<vmem>>, %arg6: memref<16384xi32, #tpu.memory_space<vmem>>, %arg7: memref<256x128xf32, #tpu.memory_space<vmem>>, %arg8: memref<128x64xf32, #tpu.memory_space<vmem>>, %arg9: memref<1024xi32, #tpu.memory_space<vmem>>, %arg10: memref<1024xi32, #tpu.memory_space<vmem>>, %arg11: memref<128xi32, #tpu.memory_space<vmem>>, %arg12: memref<!tpu.dma_semaphore, #tpu.memory_space<semaphore_mem>>, %arg13: memref<!tpu.dma_semaphore, #tpu.memory_space<semaphore_mem>>) attributes {dimension_semantics = [#tpu.dimension_semantics<core_parallel>, #tpu.dimension_semantics<subcore_parallel>], iteration_bounds = array<i64: 2, 16>, scalar_prefetch = 0 : i64, scratch_operands = 9 : i64, tpu.core_type = #tpu.core_type<sc_vector_subcore>, window_params = [{transform_indices = #map}, {transform_indices = #map}, {transform_indices = #map}]} {
    %mul3A = arith.constant 2 : i32
    %mul3A_0 = arith.muli %arg1, %mul3A : i32
    %add3A = arith.addi %mul3A_0, %arg0 : i32
    %mul3A_1 = arith.constant 16384 : i32
    %mul3A_2 = arith.muli %add3A, %mul3A_1 : i32
    %iota3A = tpu.iota {dimensions = array<i32: 0>} : vector<16xi32>
    %scan3A = arith.constant 0 : i32
    %scan3A_3 = arith.constant 0 : i32
    %scan3A_4 = arith.constant 1024 : i32
    %scan3A_5 = arith.addi %scan3A_3, %scan3A_4 : i32
    %scan3A_6 = arith.constant 8 : i32
    scf.for %scan3A_26 = %scan3A_3 to %scan3A_5 step %scan3A_6  : i32 {
      %broadcast_in_dim3A = arith.constant -1 : i32
      %broadcast_in_dim3A_27 = vector.broadcast %broadcast_in_dim3A : i32 to vector<16xi32>
      %mul3A_28 = arith.constant 16 : i32
      %mul3A_29 = arith.muli %scan3A_26, %mul3A_28 : i32
      %swap3A = arith.index_cast %mul3A_29 : i32 to index
      %swap3A_30 = tpu.vector_load %arg6[%swap3A] {strides = array<i32>} : memref<16384xi32, #tpu.memory_space<vmem>>, vector<16xi32>,
      tpu.vector_store %arg6[%swap3A], %broadcast_in_dim3A_27 {strides = array<i32>} : memref<16384xi32, #tpu.memory_space<vmem>>, vector<16xi32>,
      %scan3A_31 = arith.constant 1 : i32
      %scan3A_32 = arith.addi %scan3A_26, %scan3A_31 : i32
      %broadcast_in_dim3A_33 = arith.constant -1 : i32
      %broadcast_in_dim3A_34 = vector.broadcast %broadcast_in_dim3A_33 : i32 to vector<16xi32>
      %mul3A_35 = arith.constant 16 : i32
      %mul3A_36 = arith.muli %scan3A_32, %mul3A_35 : i32
      %swap3A_37 = arith.index_cast %mul3A_36 : i32 to index
      %swap3A_38 = tpu.vector_load %arg6[%swap3A_37] {strides = array<i32>} : memref<16384xi32, #tpu.memory_space<vmem>>, vector<16xi32>,
      tpu.vector_store %arg6[%swap3A_37], %broadcast_in_dim3A_34 {strides = array<i32>} : memref<16384xi32, #tpu.memory_space<vmem>>, vector<16xi32>,
      %scan3A_39 = arith.constant 2 : i32
      %scan3A_40 = arith.addi %scan3A_26, %scan3A_39 : i32
      %broadcast_in_dim3A_41 = arith.constant -1 : i32
      %broadcast_in_dim3A_42 = vector.broadcast %broadcast_in_dim3A_41 : i32 to vector<16xi32>
      %mul3A_43 = arith.constant 16 : i32
      %mul3A_44 = arith.muli %scan3A_40, %mul3A_43 : i32
      %swap3A_45 = arith.index_cast %mul3A_44 : i32 to index
      %swap3A_46 = tpu.vector_load %arg6[%swap3A_45] {strides = array<i32>} : memref<16384xi32, #tpu.memory_space<vmem>>, vector<16xi32>,
      tpu.vector_store %arg6[%swap3A_45], %broadcast_in_dim3A_42 {strides = array<i32>} : memref<16384xi32, #tpu.memory_space<vmem>>, vector<16xi32>,
      %scan3A_47 = arith.constant 3 : i32
      %scan3A_48 = arith.addi %scan3A_26, %scan3A_47 : i32
      %broadcast_in_dim3A_49 = arith.constant -1 : i32
      %broadcast_in_dim3A_50 = vector.broadcast %broadcast_in_dim3A_49 : i32 to vector<16xi32>
      %mul3A_51 = arith.constant 16 : i32
      %mul3A_52 = arith.muli %scan3A_48, %mul3A_51 : i32
      %swap3A_53 = arith.index_cast %mul3A_52 : i32 to index
      %swap3A_54 = tpu.vector_load %arg6[%swap3A_53] {strides = array<i32>} : memref<16384xi32, #tpu.memory_space<vmem>>, vector<16xi32>,
      tpu.vector_store %arg6[%swap3A_53], %broadcast_in_dim3A_50 {strides = array<i32>} : memref<16384xi32, #tpu.memory_space<vmem>>, vector<16xi32>,
      %scan3A_55 = arith.constant 4 : i32
      %scan3A_56 = arith.addi %scan3A_26, %scan3A_55 : i32
      %broadcast_in_dim3A_57 = arith.constant -1 : i32
      %broadcast_in_dim3A_58 = vector.broadcast %broadcast_in_dim3A_57 : i32 to vector<16xi32>
      %mul3A_59 = arith.constant 16 : i32
      %mul3A_60 = arith.muli %scan3A_56, %mul3A_59 : i32
      %swap3A_61 = arith.index_cast %mul3A_60 : i32 to index
      %swap3A_62 = tpu.vector_load %arg6[%swap3A_61] {strides = array<i32>} : memref<16384xi32, #tpu.memory_space<vmem>>, vector<16xi32>,
      tpu.vector_store %arg6[%swap3A_61], %broadcast_in_dim3A_58 {strides = array<i32>} : memref<16384xi32, #tpu.memory_space<vmem>>, vector<16xi32>,
      %scan3A_63 = arith.constant 5 : i32
      %scan3A_64 = arith.addi %scan3A_26, %scan3A_63 : i32
      %broadcast_in_dim3A_65 = arith.constant -1 : i32
      %broadcast_in_dim3A_66 = vector.broadcast %broadcast_in_dim3A_65 : i32 to vector<16xi32>
      %mul3A_67 = arith.constant 16 : i32
      %mul3A_68 = arith.muli %scan3A_64, %mul3A_67 : i32
      %swap3A_69 = arith.index_cast %mul3A_68 : i32 to index
      %swap3A_70 = tpu.vector_load %arg6[%swap3A_69] {strides = array<i32>} : memref<16384xi32, #tpu.memory_space<vmem>>, vector<16xi32>,
      tpu.vector_store %arg6[%swap3A_69], %broadcast_in_dim3A_66 {strides = array<i32>} : memref<16384xi32, #tpu.memory_space<vmem>>, vector<16xi32>,
      %scan3A_71 = arith.constant 6 : i32
      %scan3A_72 = arith.addi %scan3A_26, %scan3A_71 : i32
      %broadcast_in_dim3A_73 = arith.constant -1 : i32
      %broadcast_in_dim3A_74 = vector.broadcast %broadcast_in_dim3A_73 : i32 to vector<16xi32>
      %mul3A_75 = arith.constant 16 : i32
      %mul3A_76 = arith.muli %scan3A_72, %mul3A_75 : i32
      %swap3A_77 = arith.index_cast %mul3A_76 : i32 to index
      %swap3A_78 = tpu.vector_load %arg6[%swap3A_77] {strides = array<i32>} : memref<16384xi32, #tpu.memory_space<vmem>>, vector<16xi32>,
      tpu.vector_store %arg6[%swap3A_77], %broadcast_in_dim3A_74 {strides = array<i32>} : memref<16384xi32, #tpu.memory_space<vmem>>, vector<16xi32>,
      %scan3A_79 = arith.constant 7 : i32
      %scan3A_80 = arith.addi %scan3A_26, %scan3A_79 : i32
      %broadcast_in_dim3A_81 = arith.constant -1 : i32
      %broadcast_in_dim3A_82 = vector.broadcast %broadcast_in_dim3A_81 : i32 to vector<16xi32>
      %mul3A_83 = arith.constant 16 : i32
      %mul3A_84 = arith.muli %scan3A_80, %mul3A_83 : i32
      %swap3A_85 = arith.index_cast %mul3A_84 : i32 to index
      %swap3A_86 = tpu.vector_load %arg6[%swap3A_85] {strides = array<i32>} : memref<16384xi32, #tpu.memory_space<vmem>>, vector<16xi32>,
      tpu.vector_store %arg6[%swap3A_85], %broadcast_in_dim3A_82 {strides = array<i32>} : memref<16384xi32, #tpu.memory_space<vmem>>, vector<16xi32>,
    }
    %scan3A_7 = arith.constant 1024 : i32
    %scan3A_8 = arith.constant 0 : i32
    %scan3A_9 = arith.constant 0 : i32
    %scan3A_10 = arith.constant 2048 : i32
    %scan3A_11 = arith.addi %scan3A_9, %scan3A_10 : i32
    %scan3A_12 = arith.constant 8 : i32
    scf.for %scan3A_26 = %scan3A_9 to %scan3A_11 step %scan3A_12  : i32 {
      %broadcast_in_dim3A = arith.constant 0.000000e+00 : f32
      %broadcast_in_dim3A_27 = vector.broadcast %broadcast_in_dim3A : f32 to vector<16xf32>
      %shift_right_logical3A = arith.constant 3 : i32
      %shift_right_logical3A_28 = arith.shrui %scan3A_26, %shift_right_logical3A : i32
      %jit3A = arith.constant 8 : i32
      %eq3A = arith.constant 0 : i32
      %eq3A_29 = arith.cmpi eq, %jit3A, %eq3A : i32
      %jit3A_30 = arith.constant 1 : i32
      %select_n3A = arith.select %eq3A_29, %jit3A_30, %jit3A : i32
      %rem3A = arith.remsi %scan3A_26, %select_n3A : i32
      %ne3A = arith.constant 0 : i32
      %ne3A_31 = arith.cmpi ne, %rem3A, %ne3A : i32
      %lt3A = arith.constant 0 : i32
      %lt3A_32 = arith.cmpi slt, %rem3A, %lt3A : i32
      %lt3A_33 = arith.constant 0 : i32
      %lt3A_34 = arith.cmpi slt, %select_n3A, %lt3A_33 : i32
      %ne3A_35 = arith.xori %lt3A_32, %lt3A_34 : i1
      %and3A = arith.andi %ne3A_35, %ne3A_31 : i1
      %add3A_36 = arith.addi %rem3A, %select_n3A : i32
      %select_n3A_37 = arith.select %and3A, %add3A_36, %rem3A : i32
      %mul3A_38 = arith.constant 16 : i32
      %mul3A_39 = arith.muli %select_n3A_37, %mul3A_38 : i32
      %swap3A = arith.index_cast %shift_right_logical3A_28 : i32 to index
      %swap3A_40 = arith.index_cast %mul3A_39 : i32 to index
      %swap3A_41 = tpu.vector_load %arg7[%swap3A, %swap3A_40] {strides = array<i32>} : memref<256x128xf32, #tpu.memory_space<vmem>>, vector<16xf32>,
      tpu.vector_store %arg7[%swap3A, %swap3A_40], %broadcast_in_dim3A_27 {strides = array<i32>} : memref<256x128xf32, #tpu.memory_space<vmem>>, vector<16xf32>,
      %scan3A_42 = arith.constant 1 : i32
      %scan3A_43 = arith.addi %scan3A_26, %scan3A_42 : i32
      %broadcast_in_dim3A_44 = arith.constant 0.000000e+00 : f32
      %broadcast_in_dim3A_45 = vector.broadcast %broadcast_in_dim3A_44 : f32 to vector<16xf32>
      %shift_right_logical3A_46 = arith.constant 3 : i32
      %shift_right_logical3A_47 = arith.shrui %scan3A_43, %shift_right_logical3A_46 : i32
      %jit3A_48 = arith.constant 8 : i32
      %eq3A_49 = arith.constant 0 : i32
      %eq3A_50 = arith.cmpi eq, %jit3A_48, %eq3A_49 : i32
      %jit3A_51 = arith.constant 1 : i32
      %select_n3A_52 = arith.select %eq3A_50, %jit3A_51, %jit3A_48 : i32
      %rem3A_53 = arith.remsi %scan3A_43, %select_n3A_52 : i32
      %ne3A_54 = arith.constant 0 : i32
      %ne3A_55 = arith.cmpi ne, %rem3A_53, %ne3A_54 : i32
      %lt3A_56 = arith.constant 0 : i32
      %lt3A_57 = arith.cmpi slt, %rem3A_53, %lt3A_56 : i32
      %lt3A_58 = arith.constant 0 : i32
      %lt3A_59 = arith.cmpi slt, %select_n3A_52, %lt3A_58 : i32
      %ne3A_60 = arith.xori %lt3A_57, %lt3A_59 : i1
      %and3A_61 = arith.andi %ne3A_60, %ne3A_55 : i1
      %add3A_62 = arith.addi %rem3A_53, %select_n3A_52 : i32
      %select_n3A_63 = arith.select %and3A_61, %add3A_62, %rem3A_53 : i32
      %mul3A_64 = arith.constant 16 : i32
      %mul3A_65 = arith.muli %select_n3A_63, %mul3A_64 : i32
      %swap3A_66 = arith.index_cast %shift_right_logical3A_47 : i32 to index
      %swap3A_67 = arith.index_cast %mul3A_65 : i32 to index
      %swap3A_68 = tpu.vector_load %arg7[%swap3A_66, %swap3A_67] {strides = array<i32>} : memref<256x128xf32, #tpu.memory_space<vmem>>, vector<16xf32>,
      tpu.vector_store %arg7[%swap3A_66, %swap3A_67], %broadcast_in_dim3A_45 {strides = array<i32>} : memref<256x128xf32, #tpu.memory_space<vmem>>, vector<16xf32>,
      %scan3A_69 = arith.constant 2 : i32
      %scan3A_70 = arith.addi %scan3A_26, %scan3A_69 : i32
      %broadcast_in_dim3A_71 = arith.constant 0.000000e+00 : f32
      %broadcast_in_dim3A_72 = vector.broadcast %broadcast_in_dim3A_71 : f32 to vector<16xf32>
      %shift_right_logical3A_73 = arith.constant 3 : i32
      %shift_right_logical3A_74 = arith.shrui %scan3A_70, %shift_right_logical3A_73 : i32
      %jit3A_75 = arith.constant 8 : i32
      %eq3A_76 = arith.constant 0 : i32
      %eq3A_77 = arith.cmpi eq, %jit3A_75, %eq3A_76 : i32
      %jit3A_78 = arith.constant 1 : i32
      %select_n3A_79 = arith.select %eq3A_77, %jit3A_78, %jit3A_75 : i32
      %rem3A_80 = arith.remsi %scan3A_70, %select_n3A_79 : i32
      %ne3A_81 = arith.constant 0 : i32
      %ne3A_82 = arith.cmpi ne, %rem3A_80, %ne3A_81 : i32
      %lt3A_83 = arith.constant 0 : i32
      %lt3A_84 = arith.cmpi slt, %rem3A_80, %lt3A_83 : i32
      %lt3A_85 = arith.constant 0 : i32
      %lt3A_86 = arith.cmpi slt, %select_n3A_79, %lt3A_85 : i32
      %ne3A_87 = arith.xori %lt3A_84, %lt3A_86 : i1
      %and3A_88 = arith.andi %ne3A_87, %ne3A_82 : i1
      %add3A_89 = arith.addi %rem3A_80, %select_n3A_79 : i32
      %select_n3A_90 = arith.select %and3A_88, %add3A_89, %rem3A_80 : i32
      %mul3A_91 = arith.constant 16 : i32
      %mul3A_92 = arith.muli %select_n3A_90, %mul3A_91 : i32
      %swap3A_93 = arith.index_cast %shift_right_logical3A_74 : i32 to index
      %swap3A_94 = arith.index_cast %mul3A_92 : i32 to index
      %swap3A_95 = tpu.vector_load %arg7[%swap3A_93, %swap3A_94] {strides = array<i32>} : memref<256x128xf32, #tpu.memory_space<vmem>>, vector<16xf32>,
      tpu.vector_store %arg7[%swap3A_93, %swap3A_94], %broadcast_in_dim3A_72 {strides = array<i32>} : memref<256x128xf32, #tpu.memory_space<vmem>>, vector<16xf32>,
      %scan3A_96 = arith.constant 3 : i32
      %scan3A_97 = arith.addi %scan3A_26, %scan3A_96 : i32
      %broadcast_in_dim3A_98 = arith.constant 0.000000e+00 : f32
      %broadcast_in_dim3A_99 = vector.broadcast %broadcast_in_dim3A_98 : f32 to vector<16xf32>
      %shift_right_logical3A_100 = arith.constant 3 : i32
      %shift_right_logical3A_101 = arith.shrui %scan3A_97, %shift_right_logical3A_100 : i32
      %jit3A_102 = arith.constant 8 : i32
      %eq3A_103 = arith.constant 0 : i32
      %eq3A_104 = arith.cmpi eq, %jit3A_102, %eq3A_103 : i32
      %jit3A_105 = arith.constant 1 : i32
      %select_n3A_106 = arith.select %eq3A_104, %jit3A_105, %jit3A_102 : i32
      %rem3A_107 = arith.remsi %scan3A_97, %select_n3A_106 : i32
      %ne3A_108 = arith.constant 0 : i32
      %ne3A_109 = arith.cmpi ne, %rem3A_107, %ne3A_108 : i32
      %lt3A_110 = arith.constant 0 : i32
      %lt3A_111 = arith.cmpi slt, %rem3A_107, %lt3A_110 : i32
      %lt3A_112 = arith.constant 0 : i32
      %lt3A_113 = arith.cmpi slt, %select_n3A_106, %lt3A_112 : i32
      %ne3A_114 = arith.xori %lt3A_111, %lt3A_113 : i1
      %and3A_115 = arith.andi %ne3A_114, %ne3A_109 : i1
      %add3A_116 = arith.addi %rem3A_107, %select_n3A_106 : i32
      %select_n3A_117 = arith.select %and3A_115, %add3A_116, %rem3A_107 : i32
      %mul3A_118 = arith.constant 16 : i32
      %mul3A_119 = arith.muli %select_n3A_117, %mul3A_118 : i32
      %swap3A_120 = arith.index_cast %shift_right_logical3A_101 : i32 to index
      %swap3A_121 = arith.index_cast %mul3A_119 : i32 to index
      %swap3A_122 = tpu.vector_load %arg7[%swap3A_120, %swap3A_121] {strides = array<i32>} : memref<256x128xf32, #tpu.memory_space<vmem>>, vector<16xf32>,
      tpu.vector_store %arg7[%swap3A_120, %swap3A_121], %broadcast_in_dim3A_99 {strides = array<i32>} : memref<256x128xf32, #tpu.memory_space<vmem>>, vector<16xf32>,
      %scan3A_123 = arith.constant 4 : i32
      %scan3A_124 = arith.addi %scan3A_26, %scan3A_123 : i32
      %broadcast_in_dim3A_125 = arith.constant 0.000000e+00 : f32
      %broadcast_in_dim3A_126 = vector.broadcast %broadcast_in_dim3A_125 : f32 to vector<16xf32>
      %shift_right_logical3A_127 = arith.constant 3 : i32
      %shift_right_logical3A_128 = arith.shrui %scan3A_124, %shift_right_logical3A_127 : i32
      %jit3A_129 = arith.constant 8 : i32
      %eq3A_130 = arith.constant 0 : i32
      %eq3A_131 = arith.cmpi eq, %jit3A_129, %eq3A_130 : i32
      %jit3A_132 = arith.constant 1 : i32
      %select_n3A_133 = arith.select %eq3A_131, %jit3A_132, %jit3A_129 : i32
      %rem3A_134 = arith.remsi %scan3A_124, %select_n3A_133 : i32
      %ne3A_135 = arith.constant 0 : i32
      %ne3A_136 = arith.cmpi ne, %rem3A_134, %ne3A_135 : i32
      %lt3A_137 = arith.constant 0 : i32
      %lt3A_138 = arith.cmpi slt, %rem3A_134, %lt3A_137 : i32
      %lt3A_139 = arith.constant 0 : i32
      %lt3A_140 = arith.cmpi slt, %select_n3A_133, %lt3A_139 : i32
      %ne3A_141 = arith.xori %lt3A_138, %lt3A_140 : i1
      %and3A_142 = arith.andi %ne3A_141, %ne3A_136 : i1
      %add3A_143 = arith.addi %rem3A_134, %select_n3A_133 : i32
      %select_n3A_144 = arith.select %and3A_142, %add3A_143, %rem3A_134 : i32
      %mul3A_145 = arith.constant 16 : i32
      %mul3A_146 = arith.muli %select_n3A_144, %mul3A_145 : i32
      %swap3A_147 = arith.index_cast %shift_right_logical3A_128 : i32 to index
      %swap3A_148 = arith.index_cast %mul3A_146 : i32 to index
      %swap3A_149 = tpu.vector_load %arg7[%swap3A_147, %swap3A_148] {strides = array<i32>} : memref<256x128xf32, #tpu.memory_space<vmem>>, vector<16xf32>,
      tpu.vector_store %arg7[%swap3A_147, %swap3A_148], %broadcast_in_dim3A_126 {strides = array<i32>} : memref<256x128xf32, #tpu.memory_space<vmem>>, vector<16xf32>,
      %scan3A_150 = arith.constant 5 : i32
      %scan3A_151 = arith.addi %scan3A_26, %scan3A_150 : i32
      %broadcast_in_dim3A_152 = arith.constant 0.000000e+00 : f32
      %broadcast_in_dim3A_153 = vector.broadcast %broadcast_in_dim3A_152 : f32 to vector<16xf32>
      %shift_right_logical3A_154 = arith.constant 3 : i32
      %shift_right_logical3A_155 = arith.shrui %scan3A_151, %shift_right_logical3A_154 : i32
      %jit3A_156 = arith.constant 8 : i32
      %eq3A_157 = arith.constant 0 : i32
      %eq3A_158 = arith.cmpi eq, %jit3A_156, %eq3A_157 : i32
      %jit3A_159 = arith.constant 1 : i32
      %select_n3A_160 = arith.select %eq3A_158, %jit3A_159, %jit3A_156 : i32
      %rem3A_161 = arith.remsi %scan3A_151, %select_n3A_160 : i32
      %ne3A_162 = arith.constant 0 : i32
      %ne3A_163 = arith.cmpi ne, %rem3A_161, %ne3A_162 : i32
      %lt3A_164 = arith.constant 0 : i32
      %lt3A_165 = arith.cmpi slt, %rem3A_161, %lt3A_164 : i32
      %lt3A_166 = arith.constant 0 : i32
      %lt3A_167 = arith.cmpi slt, %select_n3A_160, %lt3A_166 : i32
      %ne3A_168 = arith.xori %lt3A_165, %lt3A_167 : i1
      %and3A_169 = arith.andi %ne3A_168, %ne3A_163 : i1
      %add3A_170 = arith.addi %rem3A_161, %select_n3A_160 : i32
      %select_n3A_171 = arith.select %and3A_169, %add3A_170, %rem3A_161 : i32
      %mul3A_172 = arith.constant 16 : i32
      %mul3A_173 = arith.muli %select_n3A_171, %mul3A_172 : i32
      %swap3A_174 = arith.index_cast %shift_right_logical3A_155 : i32 to index
      %swap3A_175 = arith.index_cast %mul3A_173 : i32 to index
      %swap3A_176 = tpu.vector_load %arg7[%swap3A_174, %swap3A_175] {strides = array<i32>} : memref<256x128xf32, #tpu.memory_space<vmem>>, vector<16xf32>,
      tpu.vector_store %arg7[%swap3A_174, %swap3A_175], %broadcast_in_dim3A_153 {strides = array<i32>} : memref<256x128xf32, #tpu.memory_space<vmem>>, vector<16xf32>,
      %scan3A_177 = arith.constant 6 : i32
      %scan3A_178 = arith.addi %scan3A_26, %scan3A_177 : i32
      %broadcast_in_dim3A_179 = arith.constant 0.000000e+00 : f32
      %broadcast_in_dim3A_180 = vector.broadcast %broadcast_in_dim3A_179 : f32 to vector<16xf32>
      %shift_right_logical3A_181 = arith.constant 3 : i32
      %shift_right_logical3A_182 = arith.shrui %scan3A_178, %shift_right_logical3A_181 : i32
      %jit3A_183 = arith.constant 8 : i32
      %eq3A_184 = arith.constant 0 : i32
      %eq3A_185 = arith.cmpi eq, %jit3A_183, %eq3A_184 : i32
      %jit3A_186 = arith.constant 1 : i32
      %select_n3A_187 = arith.select %eq3A_185, %jit3A_186, %jit3A_183 : i32
      %rem3A_188 = arith.remsi %scan3A_178, %select_n3A_187 : i32
      %ne3A_189 = arith.constant 0 : i32
      %ne3A_190 = arith.cmpi ne, %rem3A_188, %ne3A_189 : i32
      %lt3A_191 = arith.constant 0 : i32
      %lt3A_192 = arith.cmpi slt, %rem3A_188, %lt3A_191 : i32
      %lt3A_193 = arith.constant 0 : i32
      %lt3A_194 = arith.cmpi slt, %select_n3A_187, %lt3A_193 : i32
      %ne3A_195 = arith.xori %lt3A_192, %lt3A_194 : i1
      %and3A_196 = arith.andi %ne3A_195, %ne3A_190 : i1
      %add3A_197 = arith.addi %rem3A_188, %select_n3A_187 : i32
      %select_n3A_198 = arith.select %and3A_196, %add3A_197, %rem3A_188 : i32
      %mul3A_199 = arith.constant 16 : i32
      %mul3A_200 = arith.muli %select_n3A_198, %mul3A_199 : i32
      %swap3A_201 = arith.index_cast %shift_right_logical3A_182 : i32 to index
      %swap3A_202 = arith.index_cast %mul3A_200 : i32 to index
      %swap3A_203 = tpu.vector_load %arg7[%swap3A_201, %swap3A_202] {strides = array<i32>} : memref<256x128xf32, #tpu.memory_space<vmem>>, vector<16xf32>,
      tpu.vector_store %arg7[%swap3A_201, %swap3A_202], %broadcast_in_dim3A_180 {strides = array<i32>} : memref<256x128xf32, #tpu.memory_space<vmem>>, vector<16xf32>,
      %scan3A_204 = arith.constant 7 : i32
      %scan3A_205 = arith.addi %scan3A_26, %scan3A_204 : i32
      %broadcast_in_dim3A_206 = arith.constant 0.000000e+00 : f32
      %broadcast_in_dim3A_207 = vector.broadcast %broadcast_in_dim3A_206 : f32 to vector<16xf32>
      %shift_right_logical3A_208 = arith.constant 3 : i32
      %shift_right_logical3A_209 = arith.shrui %scan3A_205, %shift_right_logical3A_208 : i32
      %jit3A_210 = arith.constant 8 : i32
      %eq3A_211 = arith.constant 0 : i32
      %eq3A_212 = arith.cmpi eq, %jit3A_210, %eq3A_211 : i32
      %jit3A_213 = arith.constant 1 : i32
      %select_n3A_214 = arith.select %eq3A_212, %jit3A_213, %jit3A_210 : i32
      %rem3A_215 = arith.remsi %scan3A_205, %select_n3A_214 : i32
      %ne3A_216 = arith.constant 0 : i32
      %ne3A_217 = arith.cmpi ne, %rem3A_215, %ne3A_216 : i32
      %lt3A_218 = arith.constant 0 : i32
      %lt3A_219 = arith.cmpi slt, %rem3A_215, %lt3A_218 : i32
      %lt3A_220 = arith.constant 0 : i32
      %lt3A_221 = arith.cmpi slt, %select_n3A_214, %lt3A_220 : i32
      %ne3A_222 = arith.xori %lt3A_219, %lt3A_221 : i1
      %and3A_223 = arith.andi %ne3A_222, %ne3A_217 : i1
      %add3A_224 = arith.addi %rem3A_215, %select_n3A_214 : i32
      %select_n3A_225 = arith.select %and3A_223, %add3A_224, %rem3A_215 : i32
      %mul3A_226 = arith.constant 16 : i32
      %mul3A_227 = arith.muli %select_n3A_225, %mul3A_226 : i32
      %swap3A_228 = arith.index_cast %shift_right_logical3A_209 : i32 to index
      %swap3A_229 = arith.index_cast %mul3A_227 : i32 to index
      %swap3A_230 = tpu.vector_load %arg7[%swap3A_228, %swap3A_229] {strides = array<i32>} : memref<256x128xf32, #tpu.memory_space<vmem>>, vector<16xf32>,
      tpu.vector_store %arg7[%swap3A_228, %swap3A_229], %broadcast_in_dim3A_207 {strides = array<i32>} : memref<256x128xf32, #tpu.memory_space<vmem>>, vector<16xf32>,
    }
    %scan3A_13 = arith.constant 2048 : i32
    %scan3A_14 = arith.constant 0 : i32
    %scan3A_15 = arith.constant 0 : i32
    %scan3A_16 = arith.constant 8 : i32
    %scan3A_17 = arith.addi %scan3A_15, %scan3A_16 : i32
    %scan3A_18 = arith.constant 1 : i32
    scf.for %scan3A_26 = %scan3A_15 to %scan3A_17 step %scan3A_18  : i32 {
      %mul3A_27 = arith.constant 32 : i32
      %mul3A_28 = arith.muli %scan3A_26, %mul3A_27 : i32
      "tpu.region"() ({
        %run_scoped3A = tpu.sem_alloc : memref<!tpu.dma_semaphore, #tpu.memory_space<semaphore_mem>>
        %dma_start3A = arith.constant 0 : i32
        %dma_start3A_35 = tpu.memref_slice %arg2[%mul3A_28, %dma_start3A] : memref<256x128xi32, #tpu.memory_space<hbm>> -> memref<32x128xi32, #tpu.memory_space<hbm>>
        %dma_start3A_36 = arith.constant 0 : i32
        %dma_start3A_37 = tpu.memref_slice %arg2[%mul3A_28, %dma_start3A_36] : memref<256x128xi32, #tpu.memory_space<hbm>> -> memref<32x128xi32, #tpu.memory_space<hbm>>
        tpu.enqueue_dma source(%dma_start3A_37 : memref<32x128xi32, #tpu.memory_space<hbm>>) target(%arg5 : memref<32x128xi32, #tpu.memory_space<vmem>>) target_semaphore(%run_scoped3A : memref<!tpu.dma_semaphore, #tpu.memory_space<semaphore_mem>>)
        %dma_wait3A = arith.constant 0 : i32
        %dma_wait3A_38 = tpu.memref_slice %arg2[%mul3A_28, %dma_wait3A] : memref<256x128xi32, #tpu.memory_space<hbm>> -> memref<32x128xi32, #tpu.memory_space<hbm>>
        %dma_wait3A_39 = arith.constant 0 : i32
        %dma_wait3A_40 = tpu.memref_slice %arg2[%mul3A_28, %dma_wait3A_39] : memref<256x128xi32, #tpu.memory_space<hbm>> -> memref<32x128xi32, #tpu.memory_space<hbm>>
        tpu.wait_dma2 semaphore(%run_scoped3A : memref<!tpu.dma_semaphore, #tpu.memory_space<semaphore_mem>>) src(%dma_wait3A_40 : memref<32x128xi32, #tpu.memory_space<hbm>>) dst(%arg5 : memref<32x128xi32, #tpu.memory_space<vmem>>)
        tpu.yield
      }) : () -> ()
      %scan3A_29 = arith.constant 0 : i32
      %scan3A_30 = arith.constant 0 : i32
      %scan3A_31 = arith.constant 32 : i32
      %scan3A_32 = arith.addi %scan3A_30, %scan3A_31 : i32
      %scan3A_33 = arith.constant 1 : i32
      scf.for %scan3A_35 = %scan3A_30 to %scan3A_32 step %scan3A_33  : i32 {
        %scan3A_36 = arith.constant 0 : i32
        %scan3A_37 = arith.constant 0 : i32
        %mul3A_38 = arith.constant 16 : i32
        %mul3A_39 = arith.muli %scan3A_37, %mul3A_38 : i32
        %get3A = arith.index_cast %scan3A_35 : i32 to index
        %get3A_40 = arith.index_cast %mul3A_39 : i32 to index
        %get3A_41 = tpu.vector_load %arg5[%get3A, %get3A_40] {strides = array<i32>} : memref<32x128xi32, #tpu.memory_space<vmem>>, vector<16xi32>,
        %sub3A = vector.broadcast %mul3A_2 : i32 to vector<16xi32>
        %sub3A_42 = arith.subi %get3A_41, %sub3A : vector<16xi32>
        %ge3A = arith.constant 0 : i32
        %ge3A_43 = vector.broadcast %ge3A : i32 to vector<16xi32>
        %ge3A_44 = arith.cmpi sge, %sub3A_42, %ge3A_43 : vector<16xi32>
        %lt3A = arith.constant 16384 : i32
        %lt3A_45 = vector.broadcast %lt3A : i32 to vector<16xi32>
        %lt3A_46 = arith.cmpi slt, %sub3A_42, %lt3A_45 : vector<16xi32>
        %and3A = arith.andi %ge3A_44, %lt3A_46 : vector<16xi1>
        %jit3A = arith.constant 0 : i32
        %jit3A_47 = arith.constant 16383 : i32
        %max3A = vector.broadcast %jit3A : i32 to vector<16xi32>
        %max3A_48 = arith.maxsi %max3A, %sub3A_42 : vector<16xi32>
        %min3A = vector.broadcast %jit3A_47 : i32 to vector<16xi32>
        %min3A_49 = arith.minsi %min3A, %max3A_48 : vector<16xi32>
        %mul3A_50 = arith.constant 32 : i32
        %mul3A_51 = arith.muli %scan3A_26, %mul3A_50 : i32
        %add3A_52 = arith.addi %mul3A_51, %scan3A_35 : i32
        %mul3A_53 = arith.constant 128 : i32
        %mul3A_54 = arith.muli %add3A_52, %mul3A_53 : i32
        %mul3A_55 = arith.constant 16 : i32
        %mul3A_56 = arith.muli %scan3A_37, %mul3A_55 : i32
        %add3A_57 = arith.addi %mul3A_54, %mul3A_56 : i32
        %add3A_58 = vector.broadcast %add3A_57 : i32 to vector<16xi32>
        %add3A_59 = arith.addi %add3A_58, %iota3A : vector<16xi32>
        tpu.vector_store_idx %arg6[%min3A_49], %add3A_59 masked %and3A : memref<16384xi32, #tpu.memory_space<vmem>>[vector<16xi32>], vector<16xi32>, vector<16xi1>
        %scan3A_60 = arith.constant 1 : i32
        %mul3A_61 = arith.constant 16 : i32
        %mul3A_62 = arith.muli %scan3A_60, %mul3A_61 : i32
        %get3A_63 = arith.index_cast %scan3A_35 : i32 to index
        %get3A_64 = arith.index_cast %mul3A_62 : i32 to index
        %get3A_65 = tpu.vector_load %arg5[%get3A_63, %get3A_64] {strides = array<i32>} : memref<32x128xi32, #tpu.memory_space<vmem>>, vector<16xi32>,
        %sub3A_66 = vector.broadcast %mul3A_2 : i32 to vector<16xi32>
        %sub3A_67 = arith.subi %get3A_65, %sub3A_66 : vector<16xi32>
        %ge3A_68 = arith.constant 0 : i32
        %ge3A_69 = vector.broadcast %ge3A_68 : i32 to vector<16xi32>
        %ge3A_70 = arith.cmpi sge, %sub3A_67, %ge3A_69 : vector<16xi32>
        %lt3A_71 = arith.constant 16384 : i32
        %lt3A_72 = vector.broadcast %lt3A_71 : i32 to vector<16xi32>
        %lt3A_73 = arith.cmpi slt, %sub3A_67, %lt3A_72 : vector<16xi32>
        %and3A_74 = arith.andi %ge3A_70, %lt3A_73 : vector<16xi1>
        %jit3A_75 = arith.constant 0 : i32
        %jit3A_76 = arith.constant 16383 : i32
        %max3A_77 = vector.broadcast %jit3A_75 : i32 to vector<16xi32>
        %max3A_78 = arith.maxsi %max3A_77, %sub3A_67 : vector<16xi32>
        %min3A_79 = vector.broadcast %jit3A_76 : i32 to vector<16xi32>
        %min3A_80 = arith.minsi %min3A_79, %max3A_78 : vector<16xi32>
        %mul3A_81 = arith.constant 32 : i32
        %mul3A_82 = arith.muli %scan3A_26, %mul3A_81 : i32
        %add3A_83 = arith.addi %mul3A_82, %scan3A_35 : i32
        %mul3A_84 = arith.constant 128 : i32
        %mul3A_85 = arith.muli %add3A_83, %mul3A_84 : i32
        %mul3A_86 = arith.constant 16 : i32
        %mul3A_87 = arith.muli %scan3A_60, %mul3A_86 : i32
        %add3A_88 = arith.addi %mul3A_85, %mul3A_87 : i32
        %add3A_89 = vector.broadcast %add3A_88 : i32 to vector<16xi32>
        %add3A_90 = arith.addi %add3A_89, %iota3A : vector<16xi32>
        tpu.vector_store_idx %arg6[%min3A_80], %add3A_90 masked %and3A_74 : memref<16384xi32, #tpu.memory_space<vmem>>[vector<16xi32>], vector<16xi32>, vector<16xi1>
        %scan3A_91 = arith.constant 2 : i32
        %mul3A_92 = arith.constant 16 : i32
        %mul3A_93 = arith.muli %scan3A_91, %mul3A_92 : i32
        %get3A_94 = arith.index_cast %scan3A_35 : i32 to index
        %get3A_95 = arith.index_cast %mul3A_93 : i32 to index
        %get3A_96 = tpu.vector_load %arg5[%get3A_94, %get3A_95] {strides = array<i32>} : memref<32x128xi32, #tpu.memory_space<vmem>>, vector<16xi32>,
        %sub3A_97 = vector.broadcast %mul3A_2 : i32 to vector<16xi32>
        %sub3A_98 = arith.subi %get3A_96, %sub3A_97 : vector<16xi32>
        %ge3A_99 = arith.constant 0 : i32
        %ge3A_100 = vector.broadcast %ge3A_99 : i32 to vector<16xi32>
        %ge3A_101 = arith.cmpi sge, %sub3A_98, %ge3A_100 : vector<16xi32>
        %lt3A_102 = arith.constant 16384 : i32
        %lt3A_103 = vector.broadcast %lt3A_102 : i32 to vector<16xi32>
        %lt3A_104 = arith.cmpi slt, %sub3A_98, %lt3A_103 : vector<16xi32>
        %and3A_105 = arith.andi %ge3A_101, %lt3A_104 : vector<16xi1>
        %jit3A_106 = arith.constant 0 : i32
        %jit3A_107 = arith.constant 16383 : i32
        %max3A_108 = vector.broadcast %jit3A_106 : i32 to vector<16xi32>
        %max3A_109 = arith.maxsi %max3A_108, %sub3A_98 : vector<16xi32>
        %min3A_110 = vector.broadcast %jit3A_107 : i32 to vector<16xi32>
        %min3A_111 = arith.minsi %min3A_110, %max3A_109 : vector<16xi32>
        %mul3A_112 = arith.constant 32 : i32
        %mul3A_113 = arith.muli %scan3A_26, %mul3A_112 : i32
        %add3A_114 = arith.addi %mul3A_113, %scan3A_35 : i32
        %mul3A_115 = arith.constant 128 : i32
        %mul3A_116 = arith.muli %add3A_114, %mul3A_115 : i32
        %mul3A_117 = arith.constant 16 : i32
        %mul3A_118 = arith.muli %scan3A_91, %mul3A_117 : i32
        %add3A_119 = arith.addi %mul3A_116, %mul3A_118 : i32
        %add3A_120 = vector.broadcast %add3A_119 : i32 to vector<16xi32>
        %add3A_121 = arith.addi %add3A_120, %iota3A : vector<16xi32>
        tpu.vector_store_idx %arg6[%min3A_111], %add3A_121 masked %and3A_105 : memref<16384xi32, #tpu.memory_space<vmem>>[vector<16xi32>], vector<16xi32>, vector<16xi1>
        %scan3A_122 = arith.constant 3 : i32
        %mul3A_123 = arith.constant 16 : i32
        %mul3A_124 = arith.muli %scan3A_122, %mul3A_123 : i32
        %get3A_125 = arith.index_cast %scan3A_35 : i32 to index
        %get3A_126 = arith.index_cast %mul3A_124 : i32 to index
        %get3A_127 = tpu.vector_load %arg5[%get3A_125, %get3A_126] {strides = array<i32>} : memref<32x128xi32, #tpu.memory_space<vmem>>, vector<16xi32>,
        %sub3A_128 = vector.broadcast %mul3A_2 : i32 to vector<16xi32>
        %sub3A_129 = arith.subi %get3A_127, %sub3A_128 : vector<16xi32>
        %ge3A_130 = arith.constant 0 : i32
        %ge3A_131 = vector.broadcast %ge3A_130 : i32 to vector<16xi32>
        %ge3A_132 = arith.cmpi sge, %sub3A_129, %ge3A_131 : vector<16xi32>
        %lt3A_133 = arith.constant 16384 : i32
        %lt3A_134 = vector.broadcast %lt3A_133 : i32 to vector<16xi32>
        %lt3A_135 = arith.cmpi slt, %sub3A_129, %lt3A_134 : vector<16xi32>
        %and3A_136 = arith.andi %ge3A_132, %lt3A_135 : vector<16xi1>
        %jit3A_137 = arith.constant 0 : i32
        %jit3A_138 = arith.constant 16383 : i32
        %max3A_139 = vector.broadcast %jit3A_137 : i32 to vector<16xi32>
        %max3A_140 = arith.maxsi %max3A_139, %sub3A_129 : vector<16xi32>
        %min3A_141 = vector.broadcast %jit3A_138 : i32 to vector<16xi32>
        %min3A_142 = arith.minsi %min3A_141, %max3A_140 : vector<16xi32>
        %mul3A_143 = arith.constant 32 : i32
        %mul3A_144 = arith.muli %scan3A_26, %mul3A_143 : i32
        %add3A_145 = arith.addi %mul3A_144, %scan3A_35 : i32
        %mul3A_146 = arith.constant 128 : i32
        %mul3A_147 = arith.muli %add3A_145, %mul3A_146 : i32
        %mul3A_148 = arith.constant 16 : i32
        %mul3A_149 = arith.muli %scan3A_122, %mul3A_148 : i32
        %add3A_150 = arith.addi %mul3A_147, %mul3A_149 : i32
        %add3A_151 = vector.broadcast %add3A_150 : i32 to vector<16xi32>
        %add3A_152 = arith.addi %add3A_151, %iota3A : vector<16xi32>
        tpu.vector_store_idx %arg6[%min3A_142], %add3A_152 masked %and3A_136 : memref<16384xi32, #tpu.memory_space<vmem>>[vector<16xi32>], vector<16xi32>, vector<16xi1>
        %scan3A_153 = arith.constant 4 : i32
        %mul3A_154 = arith.constant 16 : i32
        %mul3A_155 = arith.muli %scan3A_153, %mul3A_154 : i32
        %get3A_156 = arith.index_cast %scan3A_35 : i32 to index
        %get3A_157 = arith.index_cast %mul3A_155 : i32 to index
        %get3A_158 = tpu.vector_load %arg5[%get3A_156, %get3A_157] {strides = array<i32>} : memref<32x128xi32, #tpu.memory_space<vmem>>, vector<16xi32>,
        %sub3A_159 = vector.broadcast %mul3A_2 : i32 to vector<16xi32>
        %sub3A_160 = arith.subi %get3A_158, %sub3A_159 : vector<16xi32>
        %ge3A_161 = arith.constant 0 : i32
        %ge3A_162 = vector.broadcast %ge3A_161 : i32 to vector<16xi32>
        %ge3A_163 = arith.cmpi sge, %sub3A_160, %ge3A_162 : vector<16xi32>
        %lt3A_164 = arith.constant 16384 : i32
        %lt3A_165 = vector.broadcast %lt3A_164 : i32 to vector<16xi32>
        %lt3A_166 = arith.cmpi slt, %sub3A_160, %lt3A_165 : vector<16xi32>
        %and3A_167 = arith.andi %ge3A_163, %lt3A_166 : vector<16xi1>
        %jit3A_168 = arith.constant 0 : i32
        %jit3A_169 = arith.constant 16383 : i32
        %max3A_170 = vector.broadcast %jit3A_168 : i32 to vector<16xi32>
        %max3A_171 = arith.maxsi %max3A_170, %sub3A_160 : vector<16xi32>
        %min3A_172 = vector.broadcast %jit3A_169 : i32 to vector<16xi32>
        %min3A_173 = arith.minsi %min3A_172, %max3A_171 : vector<16xi32>
        %mul3A_174 = arith.constant 32 : i32
        %mul3A_175 = arith.muli %scan3A_26, %mul3A_174 : i32
        %add3A_176 = arith.addi %mul3A_175, %scan3A_35 : i32
        %mul3A_177 = arith.constant 128 : i32
        %mul3A_178 = arith.muli %add3A_176, %mul3A_177 : i32
        %mul3A_179 = arith.constant 16 : i32
        %mul3A_180 = arith.muli %scan3A_153, %mul3A_179 : i32
        %add3A_181 = arith.addi %mul3A_178, %mul3A_180 : i32
        %add3A_182 = vector.broadcast %add3A_181 : i32 to vector<16xi32>
        %add3A_183 = arith.addi %add3A_182, %iota3A : vector<16xi32>
        tpu.vector_store_idx %arg6[%min3A_173], %add3A_183 masked %and3A_167 : memref<16384xi32, #tpu.memory_space<vmem>>[vector<16xi32>], vector<16xi32>, vector<16xi1>
        %scan3A_184 = arith.constant 5 : i32
        %mul3A_185 = arith.constant 16 : i32
        %mul3A_186 = arith.muli %scan3A_184, %mul3A_185 : i32
        %get3A_187 = arith.index_cast %scan3A_35 : i32 to index
        %get3A_188 = arith.index_cast %mul3A_186 : i32 to index
        %get3A_189 = tpu.vector_load %arg5[%get3A_187, %get3A_188] {strides = array<i32>} : memref<32x128xi32, #tpu.memory_space<vmem>>, vector<16xi32>,
        %sub3A_190 = vector.broadcast %mul3A_2 : i32 to vector<16xi32>
        %sub3A_191 = arith.subi %get3A_189, %sub3A_190 : vector<16xi32>
        %ge3A_192 = arith.constant 0 : i32
        %ge3A_193 = vector.broadcast %ge3A_192 : i32 to vector<16xi32>
        %ge3A_194 = arith.cmpi sge, %sub3A_191, %ge3A_193 : vector<16xi32>
        %lt3A_195 = arith.constant 16384 : i32
        %lt3A_196 = vector.broadcast %lt3A_195 : i32 to vector<16xi32>
        %lt3A_197 = arith.cmpi slt, %sub3A_191, %lt3A_196 : vector<16xi32>
        %and3A_198 = arith.andi %ge3A_194, %lt3A_197 : vector<16xi1>
        %jit3A_199 = arith.constant 0 : i32
        %jit3A_200 = arith.constant 16383 : i32
        %max3A_201 = vector.broadcast %jit3A_199 : i32 to vector<16xi32>
        %max3A_202 = arith.maxsi %max3A_201, %sub3A_191 : vector<16xi32>
        %min3A_203 = vector.broadcast %jit3A_200 : i32 to vector<16xi32>
        %min3A_204 = arith.minsi %min3A_203, %max3A_202 : vector<16xi32>
        %mul3A_205 = arith.constant 32 : i32
        %mul3A_206 = arith.muli %scan3A_26, %mul3A_205 : i32
        %add3A_207 = arith.addi %mul3A_206, %scan3A_35 : i32
        %mul3A_208 = arith.constant 128 : i32
        %mul3A_209 = arith.muli %add3A_207, %mul3A_208 : i32
        %mul3A_210 = arith.constant 16 : i32
        %mul3A_211 = arith.muli %scan3A_184, %mul3A_210 : i32
        %add3A_212 = arith.addi %mul3A_209, %mul3A_211 : i32
        %add3A_213 = vector.broadcast %add3A_212 : i32 to vector<16xi32>
        %add3A_214 = arith.addi %add3A_213, %iota3A : vector<16xi32>
        tpu.vector_store_idx %arg6[%min3A_204], %add3A_214 masked %and3A_198 : memref<16384xi32, #tpu.memory_space<vmem>>[vector<16xi32>], vector<16xi32>, vector<16xi1>
        %scan3A_215 = arith.constant 6 : i32
        %mul3A_216 = arith.constant 16 : i32
        %mul3A_217 = arith.muli %scan3A_215, %mul3A_216 : i32
        %get3A_218 = arith.index_cast %scan3A_35 : i32 to index
        %get3A_219 = arith.index_cast %mul3A_217 : i32 to index
        %get3A_220 = tpu.vector_load %arg5[%get3A_218, %get3A_219] {strides = array<i32>} : memref<32x128xi32, #tpu.memory_space<vmem>>, vector<16xi32>,
        %sub3A_221 = vector.broadcast %mul3A_2 : i32 to vector<16xi32>
        %sub3A_222 = arith.subi %get3A_220, %sub3A_221 : vector<16xi32>
        %ge3A_223 = arith.constant 0 : i32
        %ge3A_224 = vector.broadcast %ge3A_223 : i32 to vector<16xi32>
        %ge3A_225 = arith.cmpi sge, %sub3A_222, %ge3A_224 : vector<16xi32>
        %lt3A_226 = arith.constant 16384 : i32
        %lt3A_227 = vector.broadcast %lt3A_226 : i32 to vector<16xi32>
        %lt3A_228 = arith.cmpi slt, %sub3A_222, %lt3A_227 : vector<16xi32>
        %and3A_229 = arith.andi %ge3A_225, %lt3A_228 : vector<16xi1>
        %jit3A_230 = arith.constant 0 : i32
        %jit3A_231 = arith.constant 16383 : i32
        %max3A_232 = vector.broadcast %jit3A_230 : i32 to vector<16xi32>
        %max3A_233 = arith.maxsi %max3A_232, %sub3A_222 : vector<16xi32>
        %min3A_234 = vector.broadcast %jit3A_231 : i32 to vector<16xi32>
        %min3A_235 = arith.minsi %min3A_234, %max3A_233 : vector<16xi32>
        %mul3A_236 = arith.constant 32 : i32
        %mul3A_237 = arith.muli %scan3A_26, %mul3A_236 : i32
        %add3A_238 = arith.addi %mul3A_237, %scan3A_35 : i32
        %mul3A_239 = arith.constant 128 : i32
        %mul3A_240 = arith.muli %add3A_238, %mul3A_239 : i32
        %mul3A_241 = arith.constant 16 : i32
        %mul3A_242 = arith.muli %scan3A_215, %mul3A_241 : i32
        %add3A_243 = arith.addi %mul3A_240, %mul3A_242 : i32
        %add3A_244 = vector.broadcast %add3A_243 : i32 to vector<16xi32>
        %add3A_245 = arith.addi %add3A_244, %iota3A : vector<16xi32>
        tpu.vector_store_idx %arg6[%min3A_235], %add3A_245 masked %and3A_229 : memref<16384xi32, #tpu.memory_space<vmem>>[vector<16xi32>], vector<16xi32>, vector<16xi1>
        %scan3A_246 = arith.constant 7 : i32
        %mul3A_247 = arith.constant 16 : i32
        %mul3A_248 = arith.muli %scan3A_246, %mul3A_247 : i32
        %get3A_249 = arith.index_cast %scan3A_35 : i32 to index
        %get3A_250 = arith.index_cast %mul3A_248 : i32 to index
        %get3A_251 = tpu.vector_load %arg5[%get3A_249, %get3A_250] {strides = array<i32>} : memref<32x128xi32, #tpu.memory_space<vmem>>, vector<16xi32>,
        %sub3A_252 = vector.broadcast %mul3A_2 : i32 to vector<16xi32>
        %sub3A_253 = arith.subi %get3A_251, %sub3A_252 : vector<16xi32>
        %ge3A_254 = arith.constant 0 : i32
        %ge3A_255 = vector.broadcast %ge3A_254 : i32 to vector<16xi32>
        %ge3A_256 = arith.cmpi sge, %sub3A_253, %ge3A_255 : vector<16xi32>
        %lt3A_257 = arith.constant 16384 : i32
        %lt3A_258 = vector.broadcast %lt3A_257 : i32 to vector<16xi32>
        %lt3A_259 = arith.cmpi slt, %sub3A_253, %lt3A_258 : vector<16xi32>
        %and3A_260 = arith.andi %ge3A_256, %lt3A_259 : vector<16xi1>
        %jit3A_261 = arith.constant 0 : i32
        %jit3A_262 = arith.constant 16383 : i32
        %max3A_263 = vector.broadcast %jit3A_261 : i32 to vector<16xi32>
        %max3A_264 = arith.maxsi %max3A_263, %sub3A_253 : vector<16xi32>
        %min3A_265 = vector.broadcast %jit3A_262 : i32 to vector<16xi32>
        %min3A_266 = arith.minsi %min3A_265, %max3A_264 : vector<16xi32>
        %mul3A_267 = arith.constant 32 : i32
        %mul3A_268 = arith.muli %scan3A_26, %mul3A_267 : i32
        %add3A_269 = arith.addi %mul3A_268, %scan3A_35 : i32
        %mul3A_270 = arith.constant 128 : i32
        %mul3A_271 = arith.muli %add3A_269, %mul3A_270 : i32
        %mul3A_272 = arith.constant 16 : i32
        %mul3A_273 = arith.muli %scan3A_246, %mul3A_272 : i32
        %add3A_274 = arith.addi %mul3A_271, %mul3A_273 : i32
        %add3A_275 = vector.broadcast %add3A_274 : i32 to vector<16xi32>
        %add3A_276 = arith.addi %add3A_275, %iota3A : vector<16xi32>
        tpu.vector_store_idx %arg6[%min3A_266], %add3A_276 masked %and3A_260 : memref<16384xi32, #tpu.memory_space<vmem>>[vector<16xi32>], vector<16xi32>, vector<16xi1>
        %scan3A_277 = arith.constant 8 : i32
      }
      %scan3A_34 = arith.constant 32 : i32
    }
    %scan3A_19 = arith.constant 8 : i32
    %scan3A_20 = arith.constant 0 : i32
    %scan3A_21 = arith.constant 0 : i32
    %scan3A_22 = arith.constant 16 : i32
    %scan3A_23 = arith.addi %scan3A_21, %scan3A_22 : i32
    %scan3A_24 = arith.constant 1 : i32
    scf.for %scan3A_26 = %scan3A_21 to %scan3A_23 step %scan3A_24  : i32 {
      %mul3A_27 = arith.constant 16 : i32
      %mul3A_28 = arith.muli %add3A, %mul3A_27 : i32
      %add3A_29 = arith.addi %mul3A_28, %scan3A_26 : i32
      %shift_right_logical3A = arith.constant 8 : i32
      %shift_right_logical3A_30 = arith.shrui %add3A_29, %shift_right_logical3A : i32
      %mul3A_31 = arith.constant 262144 : i32
      %mul3A_32 = arith.muli %shift_right_logical3A_30, %mul3A_31 : i32
      %and3A = arith.constant 255 : i32
      %and3A_33 = arith.andi %add3A_29, %and3A : i32
      %mul3A_34 = arith.constant 8 : i32
      %mul3A_35 = arith.muli %and3A_33, %mul3A_34 : i32
      %add3A_36 = arith.addi %mul3A_32, %mul3A_35 : i32
      %scan3A_37 = arith.constant 0 : i32
      %scan3A_38 = arith.constant 0 : i32
      %scan3A_39 = arith.constant 64 : i32
      %scan3A_40 = arith.addi %scan3A_38, %scan3A_39 : i32
      %scan3A_41 = arith.constant 4 : i32
      %scan3A_42 = scf.for %scan3A_1841 = %scan3A_38 to %scan3A_40 step %scan3A_41 iter_args(%scan3A_1842 = %scan3A_37) -> (i32)  : i32 {
        %mul3A_1843 = arith.constant 2 : i32
        %mul3A_1844 = arith.muli %scan3A_26, %mul3A_1843 : i32
        %mul3A_1845 = arith.constant 512 : i32
        %mul3A_1846 = arith.muli %mul3A_1844, %mul3A_1845 : i32
        %mul3A_1847 = arith.constant 16 : i32
        %mul3A_1848 = arith.muli %scan3A_1841, %mul3A_1847 : i32
        %add3A_1849 = arith.addi %mul3A_1846, %mul3A_1848 : i32
        %get3A = arith.index_cast %add3A_1849 : i32 to index
        %get3A_1850 = tpu.vector_load %arg6[%get3A] {strides = array<i32>} : memref<16384xi32, #tpu.memory_space<vmem>>, vector<16xi32>,
        %ge3A = arith.constant 0 : i32
        %ge3A_1851 = vector.broadcast %ge3A : i32 to vector<16xi32>
        %ge3A_1852 = arith.cmpi sge, %get3A_1850, %ge3A_1851 : vector<16xi32>
        %mul3A_1853 = arith.constant 16 : i32
        %mul3A_1854 = arith.muli %scan3A_1841, %mul3A_1853 : i32
        %add3A_1855 = vector.broadcast %mul3A_1854 : i32 to vector<16xi32>
        %add3A_1856 = arith.addi %add3A_1855, %iota3A : vector<16xi32>
        %swap3A = arith.index_cast %scan3A_1842 : i32 to index
        %swap3A_1857 = tpu.vector_load %arg9[%swap3A] masked %ge3A_1852 {strides = array<i32>} : memref<1024xi32, #tpu.memory_space<vmem>>, vector<16xi32>, vector<16xi1>
        tpu.vector_store %arg9[%swap3A], %add3A_1856 masked %ge3A_1852 {strides = array<i32>} : memref<1024xi32, #tpu.memory_space<vmem>>, vector<16xi32>, vector<16xi1>
        %swap3A_1858 = arith.index_cast %scan3A_1842 : i32 to index
        %swap3A_1859 = tpu.vector_load %arg10[%swap3A_1858] masked %ge3A_1852 {strides = array<i32>} : memref<1024xi32, #tpu.memory_space<vmem>>, vector<16xi32>, vector<16xi1>
        tpu.vector_store %arg10[%swap3A_1858], %get3A_1850 masked %ge3A_1852 {strides = array<i32>} : memref<1024xi32, #tpu.memory_space<vmem>>, vector<16xi32>, vector<16xi1>
        %all_reduce_population_count3A = tpu.all_reduce %ge3A_1852 {dim = 0 : i64, kind = #tpu.reduction_kind<sum>} : vector<16xi1> -> vector<16xi32>
        %reduce_max3A = arith.constant true
        %reduce_max3A_1860 = vector.broadcast %reduce_max3A : i1 to vector<16xi1>
        %reduce_max3A_1861 = arith.constant -2147483648 : i32
        %reduce_max3A_1862 = vector.broadcast %reduce_max3A_1861 : i32 to vector<16xi32>
        %reduce_max3A_1863 = arith.xori %all_reduce_population_count3A, %reduce_max3A_1862 : vector<16xi32>
        %reduce_max3A_1864 = tpu.scan <max>, %reduce_max3A_1863 masked %reduce_max3A_1860 : vector<16xi32>, vector<16xi1> -> vector<16xi32>
        %reduce_max3A_1865 = arith.xori %reduce_max3A_1864, %reduce_max3A_1862 : vector<16xi32>
        %reduce_max3A_1866 = vector.extract %reduce_max3A_1865[15] : i32 from vector<16xi32>
        %add3A_1867 = arith.addi %scan3A_1842, %reduce_max3A_1866 : i32
        %scan3A_1868 = arith.constant 1 : i32
        %scan3A_1869 = arith.addi %scan3A_1841, %scan3A_1868 : i32
        %mul3A_1870 = arith.constant 2 : i32
        %mul3A_1871 = arith.muli %scan3A_26, %mul3A_1870 : i32
        %mul3A_1872 = arith.constant 512 : i32
        %mul3A_1873 = arith.muli %mul3A_1871, %mul3A_1872 : i32
        %mul3A_1874 = arith.constant 16 : i32
        %mul3A_1875 = arith.muli %scan3A_1869, %mul3A_1874 : i32
        %add3A_1876 = arith.addi %mul3A_1873, %mul3A_1875 : i32
        %get3A_1877 = arith.index_cast %add3A_1876 : i32 to index
        %get3A_1878 = tpu.vector_load %arg6[%get3A_1877] {strides = array<i32>} : memref<16384xi32, #tpu.memory_space<vmem>>, vector<16xi32>,
        %ge3A_1879 = arith.constant 0 : i32
        %ge3A_1880 = vector.broadcast %ge3A_1879 : i32 to vector<16xi32>
        %ge3A_1881 = arith.cmpi sge, %get3A_1878, %ge3A_1880 : vector<16xi32>
        %mul3A_1882 = arith.constant 16 : i32
        %mul3A_1883 = arith.muli %scan3A_1869, %mul3A_1882 : i32
        %add3A_1884 = vector.broadcast %mul3A_1883 : i32 to vector<16xi32>
        %add3A_1885 = arith.addi %add3A_1884, %iota3A : vector<16xi32>
        %swap3A_1886 = arith.index_cast %add3A_1867 : i32 to index
        %swap3A_1887 = tpu.vector_load %arg9[%swap3A_1886] masked %ge3A_1881 {strides = array<i32>} : memref<1024xi32, #tpu.memory_space<vmem>>, vector<16xi32>, vector<16xi1>
        tpu.vector_store %arg9[%swap3A_1886], %add3A_1885 masked %ge3A_1881 {strides = array<i32>} : memref<1024xi32, #tpu.memory_space<vmem>>, vector<16xi32>, vector<16xi1>
        %swap3A_1888 = arith.index_cast %add3A_1867 : i32 to index
        %swap3A_1889 = tpu.vector_load %arg10[%swap3A_1888] masked %ge3A_1881 {strides = array<i32>} : memref<1024xi32, #tpu.memory_space<vmem>>, vector<16xi32>, vector<16xi1>
        tpu.vector_store %arg10[%swap3A_1888], %get3A_1878 masked %ge3A_1881 {strides = array<i32>} : memref<1024xi32, #tpu.memory_space<vmem>>, vector<16xi32>, vector<16xi1>
        %all_reduce_population_count3A_1890 = tpu.all_reduce %ge3A_1881 {dim = 0 : i64, kind = #tpu.reduction_kind<sum>} : vector<16xi1> -> vector<16xi32>
        %reduce_max3A_1891 = arith.constant true
        %reduce_max3A_1892 = vector.broadcast %reduce_max3A_1891 : i1 to vector<16xi1>
        %reduce_max3A_1893 = arith.constant -2147483648 : i32
        %reduce_max3A_1894 = vector.broadcast %reduce_max3A_1893 : i32 to vector<16xi32>
        %reduce_max3A_1895 = arith.xori %all_reduce_population_count3A_1890, %reduce_max3A_1894 : vector<16xi32>
        %reduce_max3A_1896 = tpu.scan <max>, %reduce_max3A_1895 masked %reduce_max3A_1892 : vector<16xi32>, vector<16xi1> -> vector<16xi32>
        %reduce_max3A_1897 = arith.xori %reduce_max3A_1896, %reduce_max3A_1894 : vector<16xi32>
        %reduce_max3A_1898 = vector.extract %reduce_max3A_1897[15] : i32 from vector<16xi32>
        %add3A_1899 = arith.addi %add3A_1867, %reduce_max3A_1898 : i32
        %scan3A_1900 = arith.constant 2 : i32
        %scan3A_1901 = arith.addi %scan3A_1841, %scan3A_1900 : i32
        %mul3A_1902 = arith.constant 2 : i32
        %mul3A_1903 = arith.muli %scan3A_26, %mul3A_1902 : i32
        %mul3A_1904 = arith.constant 512 : i32
        %mul3A_1905 = arith.muli %mul3A_1903, %mul3A_1904 : i32
        %mul3A_1906 = arith.constant 16 : i32
        %mul3A_1907 = arith.muli %scan3A_1901, %mul3A_1906 : i32
        %add3A_1908 = arith.addi %mul3A_1905, %mul3A_1907 : i32
        %get3A_1909 = arith.index_cast %add3A_1908 : i32 to index
        %get3A_1910 = tpu.vector_load %arg6[%get3A_1909] {strides = array<i32>} : memref<16384xi32, #tpu.memory_space<vmem>>, vector<16xi32>,
        %ge3A_1911 = arith.constant 0 : i32
        %ge3A_1912 = vector.broadcast %ge3A_1911 : i32 to vector<16xi32>
        %ge3A_1913 = arith.cmpi sge, %get3A_1910, %ge3A_1912 : vector<16xi32>
        %mul3A_1914 = arith.constant 16 : i32
        %mul3A_1915 = arith.muli %scan3A_1901, %mul3A_1914 : i32
        %add3A_1916 = vector.broadcast %mul3A_1915 : i32 to vector<16xi32>
        %add3A_1917 = arith.addi %add3A_1916, %iota3A : vector<16xi32>
        %swap3A_1918 = arith.index_cast %add3A_1899 : i32 to index
        %swap3A_1919 = tpu.vector_load %arg9[%swap3A_1918] masked %ge3A_1913 {strides = array<i32>} : memref<1024xi32, #tpu.memory_space<vmem>>, vector<16xi32>, vector<16xi1>
        tpu.vector_store %arg9[%swap3A_1918], %add3A_1917 masked %ge3A_1913 {strides = array<i32>} : memref<1024xi32, #tpu.memory_space<vmem>>, vector<16xi32>, vector<16xi1>
        %swap3A_1920 = arith.index_cast %add3A_1899 : i32 to index
        %swap3A_1921 = tpu.vector_load %arg10[%swap3A_1920] masked %ge3A_1913 {strides = array<i32>} : memref<1024xi32, #tpu.memory_space<vmem>>, vector<16xi32>, vector<16xi1>
        tpu.vector_store %arg10[%swap3A_1920], %get3A_1910 masked %ge3A_1913 {strides = array<i32>} : memref<1024xi32, #tpu.memory_space<vmem>>, vector<16xi32>, vector<16xi1>
        %all_reduce_population_count3A_1922 = tpu.all_reduce %ge3A_1913 {dim = 0 : i64, kind = #tpu.reduction_kind<sum>} : vector<16xi1> -> vector<16xi32>
        %reduce_max3A_1923 = arith.constant true
        %reduce_max3A_1924 = vector.broadcast %reduce_max3A_1923 : i1 to vector<16xi1>
        %reduce_max3A_1925 = arith.constant -2147483648 : i32
        %reduce_max3A_1926 = vector.broadcast %reduce_max3A_1925 : i32 to vector<16xi32>
        %reduce_max3A_1927 = arith.xori %all_reduce_population_count3A_1922, %reduce_max3A_1926 : vector<16xi32>
        %reduce_max3A_1928 = tpu.scan <max>, %reduce_max3A_1927 masked %reduce_max3A_1924 : vector<16xi32>, vector<16xi1> -> vector<16xi32>
        %reduce_max3A_1929 = arith.xori %reduce_max3A_1928, %reduce_max3A_1926 : vector<16xi32>
        %reduce_max3A_1930 = vector.extract %reduce_max3A_1929[15] : i32 from vector<16xi32>
        %add3A_1931 = arith.addi %add3A_1899, %reduce_max3A_1930 : i32
        %scan3A_1932 = arith.constant 3 : i32
        %scan3A_1933 = arith.addi %scan3A_1841, %scan3A_1932 : i32
        %mul3A_1934 = arith.constant 2 : i32
        %mul3A_1935 = arith.muli %scan3A_26, %mul3A_1934 : i32
        %mul3A_1936 = arith.constant 512 : i32
        %mul3A_1937 = arith.muli %mul3A_1935, %mul3A_1936 : i32
        %mul3A_1938 = arith.constant 16 : i32
        %mul3A_1939 = arith.muli %scan3A_1933, %mul3A_1938 : i32
        %add3A_1940 = arith.addi %mul3A_1937, %mul3A_1939 : i32
        %get3A_1941 = arith.index_cast %add3A_1940 : i32 to index
        %get3A_1942 = tpu.vector_load %arg6[%get3A_1941] {strides = array<i32>} : memref<16384xi32, #tpu.memory_space<vmem>>, vector<16xi32>,
        %ge3A_1943 = arith.constant 0 : i32
        %ge3A_1944 = vector.broadcast %ge3A_1943 : i32 to vector<16xi32>
        %ge3A_1945 = arith.cmpi sge, %get3A_1942, %ge3A_1944 : vector<16xi32>
        %mul3A_1946 = arith.constant 16 : i32
        %mul3A_1947 = arith.muli %scan3A_1933, %mul3A_1946 : i32
        %add3A_1948 = vector.broadcast %mul3A_1947 : i32 to vector<16xi32>
        %add3A_1949 = arith.addi %add3A_1948, %iota3A : vector<16xi32>
        %swap3A_1950 = arith.index_cast %add3A_1931 : i32 to index
        %swap3A_1951 = tpu.vector_load %arg9[%swap3A_1950] masked %ge3A_1945 {strides = array<i32>} : memref<1024xi32, #tpu.memory_space<vmem>>, vector<16xi32>, vector<16xi1>
        tpu.vector_store %arg9[%swap3A_1950], %add3A_1949 masked %ge3A_1945 {strides = array<i32>} : memref<1024xi32, #tpu.memory_space<vmem>>, vector<16xi32>, vector<16xi1>
        %swap3A_1952 = arith.index_cast %add3A_1931 : i32 to index
        %swap3A_1953 = tpu.vector_load %arg10[%swap3A_1952] masked %ge3A_1945 {strides = array<i32>} : memref<1024xi32, #tpu.memory_space<vmem>>, vector<16xi32>, vector<16xi1>
        tpu.vector_store %arg10[%swap3A_1952], %get3A_1942 masked %ge3A_1945 {strides = array<i32>} : memref<1024xi32, #tpu.memory_space<vmem>>, vector<16xi32>, vector<16xi1>
        %all_reduce_population_count3A_1954 = tpu.all_reduce %ge3A_1945 {dim = 0 : i64, kind = #tpu.reduction_kind<sum>} : vector<16xi1> -> vector<16xi32>
        %reduce_max3A_1955 = arith.constant true
        %reduce_max3A_1956 = vector.broadcast %reduce_max3A_1955 : i1 to vector<16xi1>
        %reduce_max3A_1957 = arith.constant -2147483648 : i32
        %reduce_max3A_1958 = vector.broadcast %reduce_max3A_1957 : i32 to vector<16xi32>
        %reduce_max3A_1959 = arith.xori %all_reduce_population_count3A_1954, %reduce_max3A_1958 : vector<16xi32>
        %reduce_max3A_1960 = tpu.scan <max>, %reduce_max3A_1959 masked %reduce_max3A_1956 : vector<16xi32>, vector<16xi1> -> vector<16xi32>
        %reduce_max3A_1961 = arith.xori %reduce_max3A_1960, %reduce_max3A_1958 : vector<16xi32>
        %reduce_max3A_1962 = vector.extract %reduce_max3A_1961[15] : i32 from vector<16xi32>
        %add3A_1963 = arith.addi %add3A_1931, %reduce_max3A_1962 : i32
        scf.yield %add3A_1963 : i32
      }
      %scan3A_43 = arith.constant 64 : i32
      %add3A_44 = arith.constant 127 : i32
      %add3A_45 = arith.addi %scan3A_42, %add3A_44 : i32
      %jit3A = arith.constant 128 : i32
      %div3A = arith.divsi %add3A_45, %jit3A : i32
      %sign3A = arith.constant 0 : i32
      %sign3A_46 = arith.cmpi sgt, %add3A_45, %sign3A : i32
      %sign3A_47 = arith.extui %sign3A_46 : i1 to i32
      %sign3A_48 = arith.constant 0 : i32
      %sign3A_49 = arith.cmpi slt, %add3A_45, %sign3A_48 : i32
      %sign3A_50 = arith.extui %sign3A_49 : i1 to i32
      %sign3A_51 = arith.subi %sign3A_47, %sign3A_50 : i32
      %sign3A_52 = arith.constant 0 : i32
      %sign3A_53 = arith.cmpi sgt, %jit3A, %sign3A_52 : i32
      %sign3A_54 = arith.extui %sign3A_53 : i1 to i32
      %sign3A_55 = arith.constant 0 : i32
      %sign3A_56 = arith.cmpi slt, %jit3A, %sign3A_55 : i32
      %sign3A_57 = arith.extui %sign3A_56 : i1 to i32
      %sign3A_58 = arith.subi %sign3A_54, %sign3A_57 : i32
      %ne3A = arith.cmpi ne, %sign3A_51, %sign3A_58 : i32
      %rem3A = arith.remsi %add3A_45, %jit3A : i32
      %ne3A_59 = arith.constant 0 : i32
      %ne3A_60 = arith.cmpi ne, %rem3A, %ne3A_59 : i32
      %and3A_61 = arith.andi %ne3A, %ne3A_60 : i1
      %sub3A = arith.constant 1 : i32
      %sub3A_62 = arith.subi %div3A, %sub3A : i32
      %select_n3A = arith.select %and3A_61, %sub3A_62, %div3A : i32
      %while3A = arith.constant 0 : i32
      %while3A_63 = arith.constant 0 : i32
      %while3A_64 = arith.subi %select_n3A, %while3A_63 : i32
      %while3A_65 = arith.addi %while3A_63, %while3A_64 : i32
      %while3A_66 = arith.constant 1 : i32
      %while3A_67 = arith.divsi %while3A_64, %while3A_66 : i32
      %while3A_68 = arith.muli %while3A_67, %while3A_66 : i32
      %while3A_69 = arith.addi %while3A_63, %while3A_68 : i32
      %while3A_70 = arith.constant 1 : i32
      scf.for %while3A_1841 = %while3A_63 to %while3A_69 step %while3A_70  : i32 {
        %mul3A_1842 = arith.constant 128 : i32
        %mul3A_1843 = arith.muli %while3A_1841, %mul3A_1842 : i32
        %scan3A_1844 = arith.constant 0 : i32
        %scan3A_1845 = arith.constant 0 : i32
        %mul3A_1846 = arith.constant 16 : i32
        %mul3A_1847 = arith.muli %scan3A_1845, %mul3A_1846 : i32
        %add3A_1848 = arith.addi %mul3A_1843, %mul3A_1847 : i32
        %get3A = arith.index_cast %add3A_1848 : i32 to index
        %get3A_1849 = tpu.vector_load %arg10[%get3A] {strides = array<i32>} : memref<1024xi32, #tpu.memory_space<vmem>>, vector<16xi32>,
        %jit3A_1850 = arith.constant 0 : i32
        %jit3A_1851 = arith.constant 31999 : i32
        %max3A = vector.broadcast %jit3A_1850 : i32 to vector<16xi32>
        %max3A_1852 = arith.maxsi %max3A, %get3A_1849 : vector<16xi32>
        %min3A = vector.broadcast %jit3A_1851 : i32 to vector<16xi32>
        %min3A_1853 = arith.minsi %min3A, %max3A_1852 : vector<16xi32>
        %mul3A_1854 = arith.constant 16 : i32
        %mul3A_1855 = arith.muli %scan3A_1845, %mul3A_1854 : i32
        %swap3A = arith.index_cast %mul3A_1855 : i32 to index
        %swap3A_1856 = tpu.vector_load %arg11[%swap3A] {strides = array<i32>} : memref<128xi32, #tpu.memory_space<vmem>>, vector<16xi32>,
        tpu.vector_store %arg11[%swap3A], %min3A_1853 {strides = array<i32>} : memref<128xi32, #tpu.memory_space<vmem>>, vector<16xi32>,
        %scan3A_1857 = arith.constant 1 : i32
        %mul3A_1858 = arith.constant 16 : i32
        %mul3A_1859 = arith.muli %scan3A_1857, %mul3A_1858 : i32
        %add3A_1860 = arith.addi %mul3A_1843, %mul3A_1859 : i32
        %get3A_1861 = arith.index_cast %add3A_1860 : i32 to index
        %get3A_1862 = tpu.vector_load %arg10[%get3A_1861] {strides = array<i32>} : memref<1024xi32, #tpu.memory_space<vmem>>, vector<16xi32>,
        %jit3A_1863 = arith.constant 0 : i32
        %jit3A_1864 = arith.constant 31999 : i32
        %max3A_1865 = vector.broadcast %jit3A_1863 : i32 to vector<16xi32>
        %max3A_1866 = arith.maxsi %max3A_1865, %get3A_1862 : vector<16xi32>
        %min3A_1867 = vector.broadcast %jit3A_1864 : i32 to vector<16xi32>
        %min3A_1868 = arith.minsi %min3A_1867, %max3A_1866 : vector<16xi32>
        %mul3A_1869 = arith.constant 16 : i32
        %mul3A_1870 = arith.muli %scan3A_1857, %mul3A_1869 : i32
        %swap3A_1871 = arith.index_cast %mul3A_1870 : i32 to index
        %swap3A_1872 = tpu.vector_load %arg11[%swap3A_1871] {strides = array<i32>} : memref<128xi32, #tpu.memory_space<vmem>>, vector<16xi32>,
        tpu.vector_store %arg11[%swap3A_1871], %min3A_1868 {strides = array<i32>} : memref<128xi32, #tpu.memory_space<vmem>>, vector<16xi32>,
        %scan3A_1873 = arith.constant 2 : i32
        %mul3A_1874 = arith.constant 16 : i32
        %mul3A_1875 = arith.muli %scan3A_1873, %mul3A_1874 : i32
        %add3A_1876 = arith.addi %mul3A_1843, %mul3A_1875 : i32
        %get3A_1877 = arith.index_cast %add3A_1876 : i32 to index
        %get3A_1878 = tpu.vector_load %arg10[%get3A_1877] {strides = array<i32>} : memref<1024xi32, #tpu.memory_space<vmem>>, vector<16xi32>,
        %jit3A_1879 = arith.constant 0 : i32
        %jit3A_1880 = arith.constant 31999 : i32
        %max3A_1881 = vector.broadcast %jit3A_1879 : i32 to vector<16xi32>
        %max3A_1882 = arith.maxsi %max3A_1881, %get3A_1878 : vector<16xi32>
        %min3A_1883 = vector.broadcast %jit3A_1880 : i32 to vector<16xi32>
        %min3A_1884 = arith.minsi %min3A_1883, %max3A_1882 : vector<16xi32>
        %mul3A_1885 = arith.constant 16 : i32
        %mul3A_1886 = arith.muli %scan3A_1873, %mul3A_1885 : i32
        %swap3A_1887 = arith.index_cast %mul3A_1886 : i32 to index
        %swap3A_1888 = tpu.vector_load %arg11[%swap3A_1887] {strides = array<i32>} : memref<128xi32, #tpu.memory_space<vmem>>, vector<16xi32>,
        tpu.vector_store %arg11[%swap3A_1887], %min3A_1884 {strides = array<i32>} : memref<128xi32, #tpu.memory_space<vmem>>, vector<16xi32>,
        %scan3A_1889 = arith.constant 3 : i32
        %mul3A_1890 = arith.constant 16 : i32
        %mul3A_1891 = arith.muli %scan3A_1889, %mul3A_1890 : i32
        %add3A_1892 = arith.addi %mul3A_1843, %mul3A_1891 : i32
        %get3A_1893 = arith.index_cast %add3A_1892 : i32 to index
        %get3A_1894 = tpu.vector_load %arg10[%get3A_1893] {strides = array<i32>} : memref<1024xi32, #tpu.memory_space<vmem>>, vector<16xi32>,
        %jit3A_1895 = arith.constant 0 : i32
        %jit3A_1896 = arith.constant 31999 : i32
        %max3A_1897 = vector.broadcast %jit3A_1895 : i32 to vector<16xi32>
        %max3A_1898 = arith.maxsi %max3A_1897, %get3A_1894 : vector<16xi32>
        %min3A_1899 = vector.broadcast %jit3A_1896 : i32 to vector<16xi32>
        %min3A_1900 = arith.minsi %min3A_1899, %max3A_1898 : vector<16xi32>
        %mul3A_1901 = arith.constant 16 : i32
        %mul3A_1902 = arith.muli %scan3A_1889, %mul3A_1901 : i32
        %swap3A_1903 = arith.index_cast %mul3A_1902 : i32 to index
        %swap3A_1904 = tpu.vector_load %arg11[%swap3A_1903] {strides = array<i32>} : memref<128xi32, #tpu.memory_space<vmem>>, vector<16xi32>,
        tpu.vector_store %arg11[%swap3A_1903], %min3A_1900 {strides = array<i32>} : memref<128xi32, #tpu.memory_space<vmem>>, vector<16xi32>,
        %scan3A_1905 = arith.constant 4 : i32
        %mul3A_1906 = arith.constant 16 : i32
        %mul3A_1907 = arith.muli %scan3A_1905, %mul3A_1906 : i32
        %add3A_1908 = arith.addi %mul3A_1843, %mul3A_1907 : i32
        %get3A_1909 = arith.index_cast %add3A_1908 : i32 to index
        %get3A_1910 = tpu.vector_load %arg10[%get3A_1909] {strides = array<i32>} : memref<1024xi32, #tpu.memory_space<vmem>>, vector<16xi32>,
        %jit3A_1911 = arith.constant 0 : i32
        %jit3A_1912 = arith.constant 31999 : i32
        %max3A_1913 = vector.broadcast %jit3A_1911 : i32 to vector<16xi32>
        %max3A_1914 = arith.maxsi %max3A_1913, %get3A_1910 : vector<16xi32>
        %min3A_1915 = vector.broadcast %jit3A_1912 : i32 to vector<16xi32>
        %min3A_1916 = arith.minsi %min3A_1915, %max3A_1914 : vector<16xi32>
        %mul3A_1917 = arith.constant 16 : i32
        %mul3A_1918 = arith.muli %scan3A_1905, %mul3A_1917 : i32
        %swap3A_1919 = arith.index_cast %mul3A_1918 : i32 to index
        %swap3A_1920 = tpu.vector_load %arg11[%swap3A_1919] {strides = array<i32>} : memref<128xi32, #tpu.memory_space<vmem>>, vector<16xi32>,
        tpu.vector_store %arg11[%swap3A_1919], %min3A_1916 {strides = array<i32>} : memref<128xi32, #tpu.memory_space<vmem>>, vector<16xi32>,
        %scan3A_1921 = arith.constant 5 : i32
        %mul3A_1922 = arith.constant 16 : i32
        %mul3A_1923 = arith.muli %scan3A_1921, %mul3A_1922 : i32
        %add3A_1924 = arith.addi %mul3A_1843, %mul3A_1923 : i32
        %get3A_1925 = arith.index_cast %add3A_1924 : i32 to index
        %get3A_1926 = tpu.vector_load %arg10[%get3A_1925] {strides = array<i32>} : memref<1024xi32, #tpu.memory_space<vmem>>, vector<16xi32>,
        %jit3A_1927 = arith.constant 0 : i32
        %jit3A_1928 = arith.constant 31999 : i32
        %max3A_1929 = vector.broadcast %jit3A_1927 : i32 to vector<16xi32>
        %max3A_1930 = arith.maxsi %max3A_1929, %get3A_1926 : vector<16xi32>
        %min3A_1931 = vector.broadcast %jit3A_1928 : i32 to vector<16xi32>
        %min3A_1932 = arith.minsi %min3A_1931, %max3A_1930 : vector<16xi32>
        %mul3A_1933 = arith.constant 16 : i32
        %mul3A_1934 = arith.muli %scan3A_1921, %mul3A_1933 : i32
        %swap3A_1935 = arith.index_cast %mul3A_1934 : i32 to index
        %swap3A_1936 = tpu.vector_load %arg11[%swap3A_1935] {strides = array<i32>} : memref<128xi32, #tpu.memory_space<vmem>>, vector<16xi32>,
        tpu.vector_store %arg11[%swap3A_1935], %min3A_1932 {strides = array<i32>} : memref<128xi32, #tpu.memory_space<vmem>>, vector<16xi32>,
        %scan3A_1937 = arith.constant 6 : i32
        %mul3A_1938 = arith.constant 16 : i32
        %mul3A_1939 = arith.muli %scan3A_1937, %mul3A_1938 : i32
        %add3A_1940 = arith.addi %mul3A_1843, %mul3A_1939 : i32
        %get3A_1941 = arith.index_cast %add3A_1940 : i32 to index
        %get3A_1942 = tpu.vector_load %arg10[%get3A_1941] {strides = array<i32>} : memref<1024xi32, #tpu.memory_space<vmem>>, vector<16xi32>,
        %jit3A_1943 = arith.constant 0 : i32
        %jit3A_1944 = arith.constant 31999 : i32
        %max3A_1945 = vector.broadcast %jit3A_1943 : i32 to vector<16xi32>
        %max3A_1946 = arith.maxsi %max3A_1945, %get3A_1942 : vector<16xi32>
        %min3A_1947 = vector.broadcast %jit3A_1944 : i32 to vector<16xi32>
        %min3A_1948 = arith.minsi %min3A_1947, %max3A_1946 : vector<16xi32>
        %mul3A_1949 = arith.constant 16 : i32
        %mul3A_1950 = arith.muli %scan3A_1937, %mul3A_1949 : i32
        %swap3A_1951 = arith.index_cast %mul3A_1950 : i32 to index
        %swap3A_1952 = tpu.vector_load %arg11[%swap3A_1951] {strides = array<i32>} : memref<128xi32, #tpu.memory_space<vmem>>, vector<16xi32>,
        tpu.vector_store %arg11[%swap3A_1951], %min3A_1948 {strides = array<i32>} : memref<128xi32, #tpu.memory_space<vmem>>, vector<16xi32>,
        %scan3A_1953 = arith.constant 7 : i32
        %mul3A_1954 = arith.constant 16 : i32
        %mul3A_1955 = arith.muli %scan3A_1953, %mul3A_1954 : i32
        %add3A_1956 = arith.addi %mul3A_1843, %mul3A_1955 : i32
        %get3A_1957 = arith.index_cast %add3A_1956 : i32 to index
        %get3A_1958 = tpu.vector_load %arg10[%get3A_1957] {strides = array<i32>} : memref<1024xi32, #tpu.memory_space<vmem>>, vector<16xi32>,
        %jit3A_1959 = arith.constant 0 : i32
        %jit3A_1960 = arith.constant 31999 : i32
        %max3A_1961 = vector.broadcast %jit3A_1959 : i32 to vector<16xi32>
        %max3A_1962 = arith.maxsi %max3A_1961, %get3A_1958 : vector<16xi32>
        %min3A_1963 = vector.broadcast %jit3A_1960 : i32 to vector<16xi32>
        %min3A_1964 = arith.minsi %min3A_1963, %max3A_1962 : vector<16xi32>
        %mul3A_1965 = arith.constant 16 : i32
        %mul3A_1966 = arith.muli %scan3A_1953, %mul3A_1965 : i32
        %swap3A_1967 = arith.index_cast %mul3A_1966 : i32 to index
        %swap3A_1968 = tpu.vector_load %arg11[%swap3A_1967] {strides = array<i32>} : memref<128xi32, #tpu.memory_space<vmem>>, vector<16xi32>,
        tpu.vector_store %arg11[%swap3A_1967], %min3A_1964 {strides = array<i32>} : memref<128xi32, #tpu.memory_space<vmem>>, vector<16xi32>,
        %scan3A_1969 = arith.constant 8 : i32
        %dma_start3A_1970 = arith.constant 0 : i32
        %dma_start3A_1971 = arith.constant 0 : i32
        %dma_start3A_1972 = tpu.memref_slice %arg3[%dma_start3A_1970, %dma_start3A_1971] : memref<32000x64xf32, #tpu.memory_space<hbm>> -> memref<32000x64xf32, #tpu.memory_space<hbm>>
        tpu.enqueue_indirect_dma source(%dma_start3A_1972 : memref<32000x64xf32, #tpu.memory_space<hbm>>) target(%arg8 : memref<128x64xf32, #tpu.memory_space<vmem>>) offsets(%arg11 : memref<128xi32, #tpu.memory_space<vmem>>) semaphore(%arg12 : memref<!tpu.dma_semaphore, #tpu.memory_space<semaphore_mem>>)
        %dma_wait3A_1973 = arith.constant 0 : i32
        %dma_wait3A_1974 = arith.constant 0 : i32
        %dma_wait3A_1975 = tpu.memref_slice %arg3[%dma_wait3A_1973, %dma_wait3A_1974] : memref<32000x64xf32, #tpu.memory_space<hbm>> -> memref<32000x64xf32, #tpu.memory_space<hbm>>
        tpu.wait_indirect_dma semaphore(%arg12 : memref<!tpu.dma_semaphore, #tpu.memory_space<semaphore_mem>>) src(%dma_wait3A_1975 : memref<32000x64xf32, #tpu.memory_space<hbm>>) dst(%arg8 : memref<128x64xf32, #tpu.memory_space<vmem>>)
        %sub3A_1976 = arith.subi %scan3A_42, %mul3A_1843 : i32
        %min3A_1977 = arith.constant 128 : i32
        %min3A_1978 = arith.minsi %sub3A_1976, %min3A_1977 : i32
        %add3A_1979 = arith.constant 16 : i32
        %add3A_1980 = arith.addi %min3A_1978, %add3A_1979 : i32
        %sub3A_1981 = arith.constant 1 : i32
        %sub3A_1982 = arith.subi %add3A_1980, %sub3A_1981 : i32
        %jit3A_1983 = arith.constant 16 : i32
        %div3A_1984 = arith.divsi %sub3A_1982, %jit3A_1983 : i32
        %sign3A_1985 = arith.constant 0 : i32
        %sign3A_1986 = arith.cmpi sgt, %sub3A_1982, %sign3A_1985 : i32
        %sign3A_1987 = arith.extui %sign3A_1986 : i1 to i32
        %sign3A_1988 = arith.constant 0 : i32
        %sign3A_1989 = arith.cmpi slt, %sub3A_1982, %sign3A_1988 : i32
        %sign3A_1990 = arith.extui %sign3A_1989 : i1 to i32
        %sign3A_1991 = arith.subi %sign3A_1987, %sign3A_1990 : i32
        %sign3A_1992 = arith.constant 0 : i32
        %sign3A_1993 = arith.cmpi sgt, %jit3A_1983, %sign3A_1992 : i32
        %sign3A_1994 = arith.extui %sign3A_1993 : i1 to i32
        %sign3A_1995 = arith.constant 0 : i32
        %sign3A_1996 = arith.cmpi slt, %jit3A_1983, %sign3A_1995 : i32
        %sign3A_1997 = arith.extui %sign3A_1996 : i1 to i32
        %sign3A_1998 = arith.subi %sign3A_1994, %sign3A_1997 : i32
        %ne3A_1999 = arith.cmpi ne, %sign3A_1991, %sign3A_1998 : i32
        %rem3A_2000 = arith.remsi %sub3A_1982, %jit3A_1983 : i32
        %ne3A_2001 = arith.constant 0 : i32
        %ne3A_2002 = arith.cmpi ne, %rem3A_2000, %ne3A_2001 : i32
        %and3A_2003 = arith.andi %ne3A_1999, %ne3A_2002 : i1
        %sub3A_2004 = arith.constant 1 : i32
        %sub3A_2005 = arith.subi %div3A_1984, %sub3A_2004 : i32
        %select_n3A_2006 = arith.select %and3A_2003, %sub3A_2005, %div3A_1984 : i32
        %while3A_2007 = arith.constant 0 : i32
        %while3A_2008 = arith.constant 0 : i32
        %while3A_2009 = arith.subi %select_n3A_2006, %while3A_2008 : i32
        %while3A_2010 = arith.addi %while3A_2008, %while3A_2009 : i32
        %while3A_2011 = arith.constant 1 : i32
        %while3A_2012 = arith.divsi %while3A_2009, %while3A_2011 : i32
        %while3A_2013 = arith.muli %while3A_2012, %while3A_2011 : i32
        %while3A_2014 = arith.addi %while3A_2008, %while3A_2013 : i32
        %while3A_2015 = arith.constant 1 : i32
        scf.for %while3A_2017 = %while3A_2008 to %while3A_2014 step %while3A_2015  : i32 {
          %mul3A_2018 = arith.constant 16 : i32
          %mul3A_2019 = arith.muli %while3A_2017, %mul3A_2018 : i32
          %add3A_2020 = arith.addi %mul3A_1843, %mul3A_2019 : i32
          %add3A_2021 = vector.broadcast %add3A_2020 : i32 to vector<16xi32>
          %add3A_2022 = arith.addi %add3A_2021, %iota3A : vector<16xi32>
          %lt3A = vector.broadcast %scan3A_42 : i32 to vector<16xi32>
          %lt3A_2023 = arith.cmpi slt, %add3A_2022, %lt3A : vector<16xi32>
          %mul3A_2024 = arith.constant 16 : i32
          %mul3A_2025 = arith.muli %while3A_2017, %mul3A_2024 : i32
          %add3A_2026 = arith.addi %mul3A_1843, %mul3A_2025 : i32
          %get3A_2027 = arith.index_cast %add3A_2026 : i32 to index
          %get3A_2028 = tpu.vector_load %arg9[%get3A_2027] {strides = array<i32>} : memref<1024xi32, #tpu.memory_space<vmem>>, vector<16xi32>,
          %jit3A_2029 = arith.constant 0 : i32
          %jit3A_2030 = arith.constant 1023 : i32
          %max3A_2031 = vector.broadcast %jit3A_2029 : i32 to vector<16xi32>
          %max3A_2032 = arith.maxsi %max3A_2031, %get3A_2028 : vector<16xi32>
          %min3A_2033 = vector.broadcast %jit3A_2030 : i32 to vector<16xi32>
          %min3A_2034 = arith.minsi %min3A_2033, %max3A_2032 : vector<16xi32>
          %shift_right_logical3A_2035 = arith.constant 7 : i32
          %shift_right_logical3A_2036 = vector.broadcast %shift_right_logical3A_2035 : i32 to vector<16xi32>
          %shift_right_logical3A_2037 = arith.shrui %min3A_2034, %shift_right_logical3A_2036 : vector<16xi32>
          %and3A_2038 = arith.constant 127 : i32
          %and3A_2039 = vector.broadcast %and3A_2038 : i32 to vector<16xi32>
          %and3A_2040 = arith.andi %min3A_2034, %and3A_2039 : vector<16xi32>
          %scan3A_2041 = arith.constant 0 : i32
          %scan3A_2042 = arith.constant 0 : i32
          %scan3A_2043 = arith.constant 32 : i32
          %scan3A_2044 = arith.addi %scan3A_2042, %scan3A_2043 : i32
          %scan3A_2045 = arith.constant 4 : i32
          scf.for %scan3A_2047 = %scan3A_2042 to %scan3A_2044 step %scan3A_2045  : i32 {
            %mul3A_2048 = arith.constant 16 : i32
            %mul3A_2049 = arith.muli %while3A_2017, %mul3A_2048 : i32
            %add3A_2050 = vector.broadcast %mul3A_2049 : i32 to vector<16xi32>
            %add3A_2051 = arith.addi %add3A_2050, %iota3A : vector<16xi32>
            %broadcast_in_dim3A = arith.constant 0 : i32
            %broadcast_in_dim3A_2052 = vector.broadcast %broadcast_in_dim3A : i32 to vector<16xi32>
            %add3A_2053 = vector.broadcast %scan3A_2047 : i32 to vector<16xi32>
            %add3A_2054 = arith.addi %broadcast_in_dim3A_2052, %add3A_2053 : vector<16xi32>
            %gather3A = tpu.vector_load_idx %arg8[%add3A_2051, %add3A_2054] : memref<128x64xf32, #tpu.memory_space<vmem>>[vector<16xi32>, vector<16xi32>], vector<16xf32>,
            %mul3A_2055 = arith.constant 8 : i32
            %mul3A_2056 = arith.muli %scan3A_2047, %mul3A_2055 : i32
            %add3A_2057 = vector.broadcast %mul3A_2056 : i32 to vector<16xi32>
            %add3A_2058 = arith.addi %add3A_2057, %shift_right_logical3A_2037 : vector<16xi32>
            tpu.vector_store_idx %arg7[%add3A_2058, %and3A_2040], %gather3A masked %lt3A_2023 : memref<256x128xf32, #tpu.memory_space<vmem>>[vector<16xi32>, vector<16xi32>], vector<16xf32>, vector<16xi1>
            %scan3A_2059 = arith.constant 1 : i32
            %scan3A_2060 = arith.addi %scan3A_2047, %scan3A_2059 : i32
            %mul3A_2061 = arith.constant 16 : i32
            %mul3A_2062 = arith.muli %while3A_2017, %mul3A_2061 : i32
            %add3A_2063 = vector.broadcast %mul3A_2062 : i32 to vector<16xi32>
            %add3A_2064 = arith.addi %add3A_2063, %iota3A : vector<16xi32>
            %broadcast_in_dim3A_2065 = arith.constant 0 : i32
            %broadcast_in_dim3A_2066 = vector.broadcast %broadcast_in_dim3A_2065 : i32 to vector<16xi32>
            %add3A_2067 = vector.broadcast %scan3A_2060 : i32 to vector<16xi32>
            %add3A_2068 = arith.addi %broadcast_in_dim3A_2066, %add3A_2067 : vector<16xi32>
            %gather3A_2069 = tpu.vector_load_idx %arg8[%add3A_2064, %add3A_2068] : memref<128x64xf32, #tpu.memory_space<vmem>>[vector<16xi32>, vector<16xi32>], vector<16xf32>,
            %mul3A_2070 = arith.constant 8 : i32
            %mul3A_2071 = arith.muli %scan3A_2060, %mul3A_2070 : i32
            %add3A_2072 = vector.broadcast %mul3A_2071 : i32 to vector<16xi32>
            %add3A_2073 = arith.addi %add3A_2072, %shift_right_logical3A_2037 : vector<16xi32>
            tpu.vector_store_idx %arg7[%add3A_2073, %and3A_2040], %gather3A_2069 masked %lt3A_2023 : memref<256x128xf32, #tpu.memory_space<vmem>>[vector<16xi32>, vector<16xi32>], vector<16xf32>, vector<16xi1>
            %scan3A_2074 = arith.constant 2 : i32
            %scan3A_2075 = arith.addi %scan3A_2047, %scan3A_2074 : i32
            %mul3A_2076 = arith.constant 16 : i32
            %mul3A_2077 = arith.muli %while3A_2017, %mul3A_2076 : i32
            %add3A_2078 = vector.broadcast %mul3A_2077 : i32 to vector<16xi32>
            %add3A_2079 = arith.addi %add3A_2078, %iota3A : vector<16xi32>
            %broadcast_in_dim3A_2080 = arith.constant 0 : i32
            %broadcast_in_dim3A_2081 = vector.broadcast %broadcast_in_dim3A_2080 : i32 to vector<16xi32>
            %add3A_2082 = vector.broadcast %scan3A_2075 : i32 to vector<16xi32>
            %add3A_2083 = arith.addi %broadcast_in_dim3A_2081, %add3A_2082 : vector<16xi32>
            %gather3A_2084 = tpu.vector_load_idx %arg8[%add3A_2079, %add3A_2083] : memref<128x64xf32, #tpu.memory_space<vmem>>[vector<16xi32>, vector<16xi32>], vector<16xf32>,
            %mul3A_2085 = arith.constant 8 : i32
            %mul3A_2086 = arith.muli %scan3A_2075, %mul3A_2085 : i32
            %add3A_2087 = vector.broadcast %mul3A_2086 : i32 to vector<16xi32>
            %add3A_2088 = arith.addi %add3A_2087, %shift_right_logical3A_2037 : vector<16xi32>
            tpu.vector_store_idx %arg7[%add3A_2088, %and3A_2040], %gather3A_2084 masked %lt3A_2023 : memref<256x128xf32, #tpu.memory_space<vmem>>[vector<16xi32>, vector<16xi32>], vector<16xf32>, vector<16xi1>
            %scan3A_2089 = arith.constant 3 : i32
            %scan3A_2090 = arith.addi %scan3A_2047, %scan3A_2089 : i32
            %mul3A_2091 = arith.constant 16 : i32
            %mul3A_2092 = arith.muli %while3A_2017, %mul3A_2091 : i32
            %add3A_2093 = vector.broadcast %mul3A_2092 : i32 to vector<16xi32>
            %add3A_2094 = arith.addi %add3A_2093, %iota3A : vector<16xi32>
            %broadcast_in_dim3A_2095 = arith.constant 0 : i32
            %broadcast_in_dim3A_2096 = vector.broadcast %broadcast_in_dim3A_2095 : i32 to vector<16xi32>
            %add3A_2097 = vector.broadcast %scan3A_2090 : i32 to vector<16xi32>
            %add3A_2098 = arith.addi %broadcast_in_dim3A_2096, %add3A_2097 : vector<16xi32>
            %gather3A_2099 = tpu.vector_load_idx %arg8[%add3A_2094, %add3A_2098] : memref<128x64xf32, #tpu.memory_space<vmem>>[vector<16xi32>, vector<16xi32>], vector<16xf32>,
            %mul3A_2100 = arith.constant 8 : i32
            %mul3A_2101 = arith.muli %scan3A_2090, %mul3A_2100 : i32
            %add3A_2102 = vector.broadcast %mul3A_2101 : i32 to vector<16xi32>
            %add3A_2103 = arith.addi %add3A_2102, %shift_right_logical3A_2037 : vector<16xi32>
            tpu.vector_store_idx %arg7[%add3A_2103, %and3A_2040], %gather3A_2099 masked %lt3A_2023 : memref<256x128xf32, #tpu.memory_space<vmem>>[vector<16xi32>, vector<16xi32>], vector<16xf32>, vector<16xi1>
          }
          %scan3A_2046 = arith.constant 32 : i32
        }
        %while3A_2016 = arith.constant 1 : i32
        scf.for %while3A_2017 = %while3A_2014 to %while3A_2010 step %while3A_2016  : i32 {
          %mul3A_2018 = arith.constant 16 : i32
          %mul3A_2019 = arith.muli %while3A_2017, %mul3A_2018 : i32
          %add3A_2020 = arith.addi %mul3A_1843, %mul3A_2019 : i32
          %add3A_2021 = vector.broadcast %add3A_2020 : i32 to vector<16xi32>
          %add3A_2022 = arith.addi %add3A_2021, %iota3A : vector<16xi32>
          %lt3A = vector.broadcast %scan3A_42 : i32 to vector<16xi32>
          %lt3A_2023 = arith.cmpi slt, %add3A_2022, %lt3A : vector<16xi32>
          %mul3A_2024 = arith.constant 16 : i32
          %mul3A_2025 = arith.muli %while3A_2017, %mul3A_2024 : i32
          %add3A_2026 = arith.addi %mul3A_1843, %mul3A_2025 : i32
          %get3A_2027 = arith.index_cast %add3A_2026 : i32 to index
          %get3A_2028 = tpu.vector_load %arg9[%get3A_2027] {strides = array<i32>} : memref<1024xi32, #tpu.memory_space<vmem>>, vector<16xi32>,
          %jit3A_2029 = arith.constant 0 : i32
          %jit3A_2030 = arith.constant 1023 : i32
          %max3A_2031 = vector.broadcast %jit3A_2029 : i32 to vector<16xi32>
          %max3A_2032 = arith.maxsi %max3A_2031, %get3A_2028 : vector<16xi32>
          %min3A_2033 = vector.broadcast %jit3A_2030 : i32 to vector<16xi32>
          %min3A_2034 = arith.minsi %min3A_2033, %max3A_2032 : vector<16xi32>
          %shift_right_logical3A_2035 = arith.constant 7 : i32
          %shift_right_logical3A_2036 = vector.broadcast %shift_right_logical3A_2035 : i32 to vector<16xi32>
          %shift_right_logical3A_2037 = arith.shrui %min3A_2034, %shift_right_logical3A_2036 : vector<16xi32>
          %and3A_2038 = arith.constant 127 : i32
          %and3A_2039 = vector.broadcast %and3A_2038 : i32 to vector<16xi32>
          %and3A_2040 = arith.andi %min3A_2034, %and3A_2039 : vector<16xi32>
          %scan3A_2041 = arith.constant 0 : i32
          %scan3A_2042 = arith.constant 0 : i32
          %scan3A_2043 = arith.constant 32 : i32
          %scan3A_2044 = arith.addi %scan3A_2042, %scan3A_2043 : i32
          %scan3A_2045 = arith.constant 4 : i32
          scf.for %scan3A_2047 = %scan3A_2042 to %scan3A_2044 step %scan3A_2045  : i32 {
            %mul3A_2048 = arith.constant 16 : i32
            %mul3A_2049 = arith.muli %while3A_2017, %mul3A_2048 : i32
            %add3A_2050 = vector.broadcast %mul3A_2049 : i32 to vector<16xi32>
            %add3A_2051 = arith.addi %add3A_2050, %iota3A : vector<16xi32>
            %broadcast_in_dim3A = arith.constant 0 : i32
            %broadcast_in_dim3A_2052 = vector.broadcast %broadcast_in_dim3A : i32 to vector<16xi32>
            %add3A_2053 = vector.broadcast %scan3A_2047 : i32 to vector<16xi32>
            %add3A_2054 = arith.addi %broadcast_in_dim3A_2052, %add3A_2053 : vector<16xi32>
            %gather3A = tpu.vector_load_idx %arg8[%add3A_2051, %add3A_2054] : memref<128x64xf32, #tpu.memory_space<vmem>>[vector<16xi32>, vector<16xi32>], vector<16xf32>,
            %mul3A_2055 = arith.constant 8 : i32
            %mul3A_2056 = arith.muli %scan3A_2047, %mul3A_2055 : i32
            %add3A_2057 = vector.broadcast %mul3A_2056 : i32 to vector<16xi32>
            %add3A_2058 = arith.addi %add3A_2057, %shift_right_logical3A_2037 : vector<16xi32>
            tpu.vector_store_idx %arg7[%add3A_2058, %and3A_2040], %gather3A masked %lt3A_2023 : memref<256x128xf32, #tpu.memory_space<vmem>>[vector<16xi32>, vector<16xi32>], vector<16xf32>, vector<16xi1>
            %scan3A_2059 = arith.constant 1 : i32
            %scan3A_2060 = arith.addi %scan3A_2047, %scan3A_2059 : i32
            %mul3A_2061 = arith.constant 16 : i32
            %mul3A_2062 = arith.muli %while3A_2017, %mul3A_2061 : i32
            %add3A_2063 = vector.broadcast %mul3A_2062 : i32 to vector<16xi32>
            %add3A_2064 = arith.addi %add3A_2063, %iota3A : vector<16xi32>
            %broadcast_in_dim3A_2065 = arith.constant 0 : i32
            %broadcast_in_dim3A_2066 = vector.broadcast %broadcast_in_dim3A_2065 : i32 to vector<16xi32>
            %add3A_2067 = vector.broadcast %scan3A_2060 : i32 to vector<16xi32>
            %add3A_2068 = arith.addi %broadcast_in_dim3A_2066, %add3A_2067 : vector<16xi32>
            %gather3A_2069 = tpu.vector_load_idx %arg8[%add3A_2064, %add3A_2068] : memref<128x64xf32, #tpu.memory_space<vmem>>[vector<16xi32>, vector<16xi32>], vector<16xf32>,
            %mul3A_2070 = arith.constant 8 : i32
            %mul3A_2071 = arith.muli %scan3A_2060, %mul3A_2070 : i32
            %add3A_2072 = vector.broadcast %mul3A_2071 : i32 to vector<16xi32>
            %add3A_2073 = arith.addi %add3A_2072, %shift_right_logical3A_2037 : vector<16xi32>
            tpu.vector_store_idx %arg7[%add3A_2073, %and3A_2040], %gather3A_2069 masked %lt3A_2023 : memref<256x128xf32, #tpu.memory_space<vmem>>[vector<16xi32>, vector<16xi32>], vector<16xf32>, vector<16xi1>
            %scan3A_2074 = arith.constant 2 : i32
            %scan3A_2075 = arith.addi %scan3A_2047, %scan3A_2074 : i32
            %mul3A_2076 = arith.constant 16 : i32
            %mul3A_2077 = arith.muli %while3A_2017, %mul3A_2076 : i32
            %add3A_2078 = vector.broadcast %mul3A_2077 : i32 to vector<16xi32>
            %add3A_2079 = arith.addi %add3A_2078, %iota3A : vector<16xi32>
            %broadcast_in_dim3A_2080 = arith.constant 0 : i32
            %broadcast_in_dim3A_2081 = vector.broadcast %broadcast_in_dim3A_2080 : i32 to vector<16xi32>
            %add3A_2082 = vector.broadcast %scan3A_2075 : i32 to vector<16xi32>
            %add3A_2083 = arith.addi %broadcast_in_dim3A_2081, %add3A_2082 : vector<16xi32>
            %gather3A_2084 = tpu.vector_load_idx %arg8[%add3A_2079, %add3A_2083] : memref<128x64xf32, #tpu.memory_space<vmem>>[vector<16xi32>, vector<16xi32>], vector<16xf32>,
            %mul3A_2085 = arith.constant 8 : i32
            %mul3A_2086 = arith.muli %scan3A_2075, %mul3A_2085 : i32
            %add3A_2087 = vector.broadcast %mul3A_2086 : i32 to vector<16xi32>
            %add3A_2088 = arith.addi %add3A_2087, %shift_right_logical3A_2037 : vector<16xi32>
            tpu.vector_store_idx %arg7[%add3A_2088, %and3A_2040], %gather3A_2084 masked %lt3A_2023 : memref<256x128xf32, #tpu.memory_space<vmem>>[vector<16xi32>, vector<16xi32>], vector<16xf32>, vector<16xi1>
            %scan3A_2089 = arith.constant 3 : i32
            %scan3A_2090 = arith.addi %scan3A_2047, %scan3A_2089 : i32
            %mul3A_2091 = arith.constant 16 : i32
            %mul3A_2092 = arith.muli %while3A_2017, %mul3A_2091 : i32
            %add3A_2093 = vector.broadcast %mul3A_2092 : i32 to vector<16xi32>
            %add3A_2094 = arith.addi %add3A_2093, %iota3A : vector<16xi32>
            %broadcast_in_dim3A_2095 = arith.constant 0 : i32
            %broadcast_in_dim3A_2096 = vector.broadcast %broadcast_in_dim3A_2095 : i32 to vector<16xi32>
            %add3A_2097 = vector.broadcast %scan3A_2090 : i32 to vector<16xi32>
            %add3A_2098 = arith.addi %broadcast_in_dim3A_2096, %add3A_2097 : vector<16xi32>
            %gather3A_2099 = tpu.vector_load_idx %arg8[%add3A_2094, %add3A_2098] : memref<128x64xf32, #tpu.memory_space<vmem>>[vector<16xi32>, vector<16xi32>], vector<16xf32>,
            %mul3A_2100 = arith.constant 8 : i32
            %mul3A_2101 = arith.muli %scan3A_2090, %mul3A_2100 : i32
            %add3A_2102 = vector.broadcast %mul3A_2101 : i32 to vector<16xi32>
            %add3A_2103 = arith.addi %add3A_2102, %shift_right_logical3A_2037 : vector<16xi32>
            tpu.vector_store_idx %arg7[%add3A_2103, %and3A_2040], %gather3A_2099 masked %lt3A_2023 : memref<256x128xf32, #tpu.memory_space<vmem>>[vector<16xi32>, vector<16xi32>], vector<16xf32>, vector<16xi1>
          }
          %scan3A_2046 = arith.constant 32 : i32
        }
      }
      %while3A_71 = arith.constant 1 : i32
      scf.for %while3A_1841 = %while3A_69 to %while3A_65 step %while3A_71  : i32 {
        %mul3A_1842 = arith.constant 128 : i32
        %mul3A_1843 = arith.muli %while3A_1841, %mul3A_1842 : i32
        %scan3A_1844 = arith.constant 0 : i32
        %scan3A_1845 = arith.constant 0 : i32
        %mul3A_1846 = arith.constant 16 : i32
        %mul3A_1847 = arith.muli %scan3A_1845, %mul3A_1846 : i32
        %add3A_1848 = arith.addi %mul3A_1843, %mul3A_1847 : i32
        %get3A = arith.index_cast %add3A_1848 : i32 to index
        %get3A_1849 = tpu.vector_load %arg10[%get3A] {strides = array<i32>} : memref<1024xi32, #tpu.memory_space<vmem>>, vector<16xi32>,
        %jit3A_1850 = arith.constant 0 : i32
        %jit3A_1851 = arith.constant 31999 : i32
        %max3A = vector.broadcast %jit3A_1850 : i32 to vector<16xi32>
        %max3A_1852 = arith.maxsi %max3A, %get3A_1849 : vector<16xi32>
        %min3A = vector.broadcast %jit3A_1851 : i32 to vector<16xi32>
        %min3A_1853 = arith.minsi %min3A, %max3A_1852 : vector<16xi32>
        %mul3A_1854 = arith.constant 16 : i32
        %mul3A_1855 = arith.muli %scan3A_1845, %mul3A_1854 : i32
        %swap3A = arith.index_cast %mul3A_1855 : i32 to index
        %swap3A_1856 = tpu.vector_load %arg11[%swap3A] {strides = array<i32>} : memref<128xi32, #tpu.memory_space<vmem>>, vector<16xi32>,
        tpu.vector_store %arg11[%swap3A], %min3A_1853 {strides = array<i32>} : memref<128xi32, #tpu.memory_space<vmem>>, vector<16xi32>,
        %scan3A_1857 = arith.constant 1 : i32
        %mul3A_1858 = arith.constant 16 : i32
        %mul3A_1859 = arith.muli %scan3A_1857, %mul3A_1858 : i32
        %add3A_1860 = arith.addi %mul3A_1843, %mul3A_1859 : i32
        %get3A_1861 = arith.index_cast %add3A_1860 : i32 to index
        %get3A_1862 = tpu.vector_load %arg10[%get3A_1861] {strides = array<i32>} : memref<1024xi32, #tpu.memory_space<vmem>>, vector<16xi32>,
        %jit3A_1863 = arith.constant 0 : i32
        %jit3A_1864 = arith.constant 31999 : i32
        %max3A_1865 = vector.broadcast %jit3A_1863 : i32 to vector<16xi32>
        %max3A_1866 = arith.maxsi %max3A_1865, %get3A_1862 : vector<16xi32>
        %min3A_1867 = vector.broadcast %jit3A_1864 : i32 to vector<16xi32>
        %min3A_1868 = arith.minsi %min3A_1867, %max3A_1866 : vector<16xi32>
        %mul3A_1869 = arith.constant 16 : i32
        %mul3A_1870 = arith.muli %scan3A_1857, %mul3A_1869 : i32
        %swap3A_1871 = arith.index_cast %mul3A_1870 : i32 to index
        %swap3A_1872 = tpu.vector_load %arg11[%swap3A_1871] {strides = array<i32>} : memref<128xi32, #tpu.memory_space<vmem>>, vector<16xi32>,
        tpu.vector_store %arg11[%swap3A_1871], %min3A_1868 {strides = array<i32>} : memref<128xi32, #tpu.memory_space<vmem>>, vector<16xi32>,
        %scan3A_1873 = arith.constant 2 : i32
        %mul3A_1874 = arith.constant 16 : i32
        %mul3A_1875 = arith.muli %scan3A_1873, %mul3A_1874 : i32
        %add3A_1876 = arith.addi %mul3A_1843, %mul3A_1875 : i32
        %get3A_1877 = arith.index_cast %add3A_1876 : i32 to index
        %get3A_1878 = tpu.vector_load %arg10[%get3A_1877] {strides = array<i32>} : memref<1024xi32, #tpu.memory_space<vmem>>, vector<16xi32>,
        %jit3A_1879 = arith.constant 0 : i32
        %jit3A_1880 = arith.constant 31999 : i32
        %max3A_1881 = vector.broadcast %jit3A_1879 : i32 to vector<16xi32>
        %max3A_1882 = arith.maxsi %max3A_1881, %get3A_1878 : vector<16xi32>
        %min3A_1883 = vector.broadcast %jit3A_1880 : i32 to vector<16xi32>
        %min3A_1884 = arith.minsi %min3A_1883, %max3A_1882 : vector<16xi32>
        %mul3A_1885 = arith.constant 16 : i32
        %mul3A_1886 = arith.muli %scan3A_1873, %mul3A_1885 : i32
        %swap3A_1887 = arith.index_cast %mul3A_1886 : i32 to index
        %swap3A_1888 = tpu.vector_load %arg11[%swap3A_1887] {strides = array<i32>} : memref<128xi32, #tpu.memory_space<vmem>>, vector<16xi32>,
        tpu.vector_store %arg11[%swap3A_1887], %min3A_1884 {strides = array<i32>} : memref<128xi32, #tpu.memory_space<vmem>>, vector<16xi32>,
        %scan3A_1889 = arith.constant 3 : i32
        %mul3A_1890 = arith.constant 16 : i32
        %mul3A_1891 = arith.muli %scan3A_1889, %mul3A_1890 : i32
        %add3A_1892 = arith.addi %mul3A_1843, %mul3A_1891 : i32
        %get3A_1893 = arith.index_cast %add3A_1892 : i32 to index
        %get3A_1894 = tpu.vector_load %arg10[%get3A_1893] {strides = array<i32>} : memref<1024xi32, #tpu.memory_space<vmem>>, vector<16xi32>,
        %jit3A_1895 = arith.constant 0 : i32
        %jit3A_1896 = arith.constant 31999 : i32
        %max3A_1897 = vector.broadcast %jit3A_1895 : i32 to vector<16xi32>
        %max3A_1898 = arith.maxsi %max3A_1897, %get3A_1894 : vector<16xi32>
        %min3A_1899 = vector.broadcast %jit3A_1896 : i32 to vector<16xi32>
        %min3A_1900 = arith.minsi %min3A_1899, %max3A_1898 : vector<16xi32>
        %mul3A_1901 = arith.constant 16 : i32
        %mul3A_1902 = arith.muli %scan3A_1889, %mul3A_1901 : i32
        %swap3A_1903 = arith.index_cast %mul3A_1902 : i32 to index
        %swap3A_1904 = tpu.vector_load %arg11[%swap3A_1903] {strides = array<i32>} : memref<128xi32, #tpu.memory_space<vmem>>, vector<16xi32>,
        tpu.vector_store %arg11[%swap3A_1903], %min3A_1900 {strides = array<i32>} : memref<128xi32, #tpu.memory_space<vmem>>, vector<16xi32>,
        %scan3A_1905 = arith.constant 4 : i32
        %mul3A_1906 = arith.constant 16 : i32
        %mul3A_1907 = arith.muli %scan3A_1905, %mul3A_1906 : i32
        %add3A_1908 = arith.addi %mul3A_1843, %mul3A_1907 : i32
        %get3A_1909 = arith.index_cast %add3A_1908 : i32 to index
        %get3A_1910 = tpu.vector_load %arg10[%get3A_1909] {strides = array<i32>} : memref<1024xi32, #tpu.memory_space<vmem>>, vector<16xi32>,
        %jit3A_1911 = arith.constant 0 : i32
        %jit3A_1912 = arith.constant 31999 : i32
        %max3A_1913 = vector.broadcast %jit3A_1911 : i32 to vector<16xi32>
        %max3A_1914 = arith.maxsi %max3A_1913, %get3A_1910 : vector<16xi32>
        %min3A_1915 = vector.broadcast %jit3A_1912 : i32 to vector<16xi32>
        %min3A_1916 = arith.minsi %min3A_1915, %max3A_1914 : vector<16xi32>
        %mul3A_1917 = arith.constant 16 : i32
        %mul3A_1918 = arith.muli %scan3A_1905, %mul3A_1917 : i32
        %swap3A_1919 = arith.index_cast %mul3A_1918 : i32 to index
        %swap3A_1920 = tpu.vector_load %arg11[%swap3A_1919] {strides = array<i32>} : memref<128xi32, #tpu.memory_space<vmem>>, vector<16xi32>,
        tpu.vector_store %arg11[%swap3A_1919], %min3A_1916 {strides = array<i32>} : memref<128xi32, #tpu.memory_space<vmem>>, vector<16xi32>,
        %scan3A_1921 = arith.constant 5 : i32
        %mul3A_1922 = arith.constant 16 : i32
        %mul3A_1923 = arith.muli %scan3A_1921, %mul3A_1922 : i32
        %add3A_1924 = arith.addi %mul3A_1843, %mul3A_1923 : i32
        %get3A_1925 = arith.index_cast %add3A_1924 : i32 to index
        %get3A_1926 = tpu.vector_load %arg10[%get3A_1925] {strides = array<i32>} : memref<1024xi32, #tpu.memory_space<vmem>>, vector<16xi32>,
        %jit3A_1927 = arith.constant 0 : i32
        %jit3A_1928 = arith.constant 31999 : i32
        %max3A_1929 = vector.broadcast %jit3A_1927 : i32 to vector<16xi32>
        %max3A_1930 = arith.maxsi %max3A_1929, %get3A_1926 : vector<16xi32>
        %min3A_1931 = vector.broadcast %jit3A_1928 : i32 to vector<16xi32>
        %min3A_1932 = arith.minsi %min3A_1931, %max3A_1930 : vector<16xi32>
        %mul3A_1933 = arith.constant 16 : i32
        %mul3A_1934 = arith.muli %scan3A_1921, %mul3A_1933 : i32
        %swap3A_1935 = arith.index_cast %mul3A_1934 : i32 to index
        %swap3A_1936 = tpu.vector_load %arg11[%swap3A_1935] {strides = array<i32>} : memref<128xi32, #tpu.memory_space<vmem>>, vector<16xi32>,
        tpu.vector_store %arg11[%swap3A_1935], %min3A_1932 {strides = array<i32>} : memref<128xi32, #tpu.memory_space<vmem>>, vector<16xi32>,
        %scan3A_1937 = arith.constant 6 : i32
        %mul3A_1938 = arith.constant 16 : i32
        %mul3A_1939 = arith.muli %scan3A_1937, %mul3A_1938 : i32
        %add3A_1940 = arith.addi %mul3A_1843, %mul3A_1939 : i32
        %get3A_1941 = arith.index_cast %add3A_1940 : i32 to index
        %get3A_1942 = tpu.vector_load %arg10[%get3A_1941] {strides = array<i32>} : memref<1024xi32, #tpu.memory_space<vmem>>, vector<16xi32>,
        %jit3A_1943 = arith.constant 0 : i32
        %jit3A_1944 = arith.constant 31999 : i32
        %max3A_1945 = vector.broadcast %jit3A_1943 : i32 to vector<16xi32>
        %max3A_1946 = arith.maxsi %max3A_1945, %get3A_1942 : vector<16xi32>
        %min3A_1947 = vector.broadcast %jit3A_1944 : i32 to vector<16xi32>
        %min3A_1948 = arith.minsi %min3A_1947, %max3A_1946 : vector<16xi32>
        %mul3A_1949 = arith.constant 16 : i32
        %mul3A_1950 = arith.muli %scan3A_1937, %mul3A_1949 : i32
        %swap3A_1951 = arith.index_cast %mul3A_1950 : i32 to index
        %swap3A_1952 = tpu.vector_load %arg11[%swap3A_1951] {strides = array<i32>} : memref<128xi32, #tpu.memory_space<vmem>>, vector<16xi32>,
        tpu.vector_store %arg11[%swap3A_1951], %min3A_1948 {strides = array<i32>} : memref<128xi32, #tpu.memory_space<vmem>>, vector<16xi32>,
        %scan3A_1953 = arith.constant 7 : i32
        %mul3A_1954 = arith.constant 16 : i32
        %mul3A_1955 = arith.muli %scan3A_1953, %mul3A_1954 : i32
        %add3A_1956 = arith.addi %mul3A_1843, %mul3A_1955 : i32
        %get3A_1957 = arith.index_cast %add3A_1956 : i32 to index
        %get3A_1958 = tpu.vector_load %arg10[%get3A_1957] {strides = array<i32>} : memref<1024xi32, #tpu.memory_space<vmem>>, vector<16xi32>,
        %jit3A_1959 = arith.constant 0 : i32
        %jit3A_1960 = arith.constant 31999 : i32
        %max3A_1961 = vector.broadcast %jit3A_1959 : i32 to vector<16xi32>
        %max3A_1962 = arith.maxsi %max3A_1961, %get3A_1958 : vector<16xi32>
        %min3A_1963 = vector.broadcast %jit3A_1960 : i32 to vector<16xi32>
        %min3A_1964 = arith.minsi %min3A_1963, %max3A_1962 : vector<16xi32>
        %mul3A_1965 = arith.constant 16 : i32
        %mul3A_1966 = arith.muli %scan3A_1953, %mul3A_1965 : i32
        %swap3A_1967 = arith.index_cast %mul3A_1966 : i32 to index
        %swap3A_1968 = tpu.vector_load %arg11[%swap3A_1967] {strides = array<i32>} : memref<128xi32, #tpu.memory_space<vmem>>, vector<16xi32>,
        tpu.vector_store %arg11[%swap3A_1967], %min3A_1964 {strides = array<i32>} : memref<128xi32, #tpu.memory_space<vmem>>, vector<16xi32>,
        %scan3A_1969 = arith.constant 8 : i32
        %dma_start3A_1970 = arith.constant 0 : i32
        %dma_start3A_1971 = arith.constant 0 : i32
        %dma_start3A_1972 = tpu.memref_slice %arg3[%dma_start3A_1970, %dma_start3A_1971] : memref<32000x64xf32, #tpu.memory_space<hbm>> -> memref<32000x64xf32, #tpu.memory_space<hbm>>
        tpu.enqueue_indirect_dma source(%dma_start3A_1972 : memref<32000x64xf32, #tpu.memory_space<hbm>>) target(%arg8 : memref<128x64xf32, #tpu.memory_space<vmem>>) offsets(%arg11 : memref<128xi32, #tpu.memory_space<vmem>>) semaphore(%arg12 : memref<!tpu.dma_semaphore, #tpu.memory_space<semaphore_mem>>)
        %dma_wait3A_1973 = arith.constant 0 : i32
        %dma_wait3A_1974 = arith.constant 0 : i32
        %dma_wait3A_1975 = tpu.memref_slice %arg3[%dma_wait3A_1973, %dma_wait3A_1974] : memref<32000x64xf32, #tpu.memory_space<hbm>> -> memref<32000x64xf32, #tpu.memory_space<hbm>>
        tpu.wait_indirect_dma semaphore(%arg12 : memref<!tpu.dma_semaphore, #tpu.memory_space<semaphore_mem>>) src(%dma_wait3A_1975 : memref<32000x64xf32, #tpu.memory_space<hbm>>) dst(%arg8 : memref<128x64xf32, #tpu.memory_space<vmem>>)
        %sub3A_1976 = arith.subi %scan3A_42, %mul3A_1843 : i32
        %min3A_1977 = arith.constant 128 : i32
        %min3A_1978 = arith.minsi %sub3A_1976, %min3A_1977 : i32
        %add3A_1979 = arith.constant 16 : i32
        %add3A_1980 = arith.addi %min3A_1978, %add3A_1979 : i32
        %sub3A_1981 = arith.constant 1 : i32
        %sub3A_1982 = arith.subi %add3A_1980, %sub3A_1981 : i32
        %jit3A_1983 = arith.constant 16 : i32
        %div3A_1984 = arith.divsi %sub3A_1982, %jit3A_1983 : i32
        %sign3A_1985 = arith.constant 0 : i32
        %sign3A_1986 = arith.cmpi sgt, %sub3A_1982, %sign3A_1985 : i32
        %sign3A_1987 = arith.extui %sign3A_1986 : i1 to i32
        %sign3A_1988 = arith.constant 0 : i32
        %sign3A_1989 = arith.cmpi slt, %sub3A_1982, %sign3A_1988 : i32
        %sign3A_1990 = arith.extui %sign3A_1989 : i1 to i32
        %sign3A_1991 = arith.subi %sign3A_1987, %sign3A_1990 : i32
        %sign3A_1992 = arith.constant 0 : i32
        %sign3A_1993 = arith.cmpi sgt, %jit3A_1983, %sign3A_1992 : i32
        %sign3A_1994 = arith.extui %sign3A_1993 : i1 to i32
        %sign3A_1995 = arith.constant 0 : i32
        %sign3A_1996 = arith.cmpi slt, %jit3A_1983, %sign3A_1995 : i32
        %sign3A_1997 = arith.extui %sign3A_1996 : i1 to i32
        %sign3A_1998 = arith.subi %sign3A_1994, %sign3A_1997 : i32
        %ne3A_1999 = arith.cmpi ne, %sign3A_1991, %sign3A_1998 : i32
        %rem3A_2000 = arith.remsi %sub3A_1982, %jit3A_1983 : i32
        %ne3A_2001 = arith.constant 0 : i32
        %ne3A_2002 = arith.cmpi ne, %rem3A_2000, %ne3A_2001 : i32
        %and3A_2003 = arith.andi %ne3A_1999, %ne3A_2002 : i1
        %sub3A_2004 = arith.constant 1 : i32
        %sub3A_2005 = arith.subi %div3A_1984, %sub3A_2004 : i32
        %select_n3A_2006 = arith.select %and3A_2003, %sub3A_2005, %div3A_1984 : i32
        %while3A_2007 = arith.constant 0 : i32
        %while3A_2008 = arith.constant 0 : i32
        %while3A_2009 = arith.subi %select_n3A_2006, %while3A_2008 : i32
        %while3A_2010 = arith.addi %while3A_2008, %while3A_2009 : i32
        %while3A_2011 = arith.constant 1 : i32
        %while3A_2012 = arith.divsi %while3A_2009, %while3A_2011 : i32
        %while3A_2013 = arith.muli %while3A_2012, %while3A_2011 : i32
        %while3A_2014 = arith.addi %while3A_2008, %while3A_2013 : i32
        %while3A_2015 = arith.constant 1 : i32
        scf.for %while3A_2017 = %while3A_2008 to %while3A_2014 step %while3A_2015  : i32 {
          %mul3A_2018 = arith.constant 16 : i32
          %mul3A_2019 = arith.muli %while3A_2017, %mul3A_2018 : i32
          %add3A_2020 = arith.addi %mul3A_1843, %mul3A_2019 : i32
          %add3A_2021 = vector.broadcast %add3A_2020 : i32 to vector<16xi32>
          %add3A_2022 = arith.addi %add3A_2021, %iota3A : vector<16xi32>
          %lt3A = vector.broadcast %scan3A_42 : i32 to vector<16xi32>
          %lt3A_2023 = arith.cmpi slt, %add3A_2022, %lt3A : vector<16xi32>
          %mul3A_2024 = arith.constant 16 : i32
          %mul3A_2025 = arith.muli %while3A_2017, %mul3A_2024 : i32
          %add3A_2026 = arith.addi %mul3A_1843, %mul3A_2025 : i32
          %get3A_2027 = arith.index_cast %add3A_2026 : i32 to index
          %get3A_2028 = tpu.vector_load %arg9[%get3A_2027] {strides = array<i32>} : memref<1024xi32, #tpu.memory_space<vmem>>, vector<16xi32>,
          %jit3A_2029 = arith.constant 0 : i32
          %jit3A_2030 = arith.constant 1023 : i32
          %max3A_2031 = vector.broadcast %jit3A_2029 : i32 to vector<16xi32>
          %max3A_2032 = arith.maxsi %max3A_2031, %get3A_2028 : vector<16xi32>
          %min3A_2033 = vector.broadcast %jit3A_2030 : i32 to vector<16xi32>
          %min3A_2034 = arith.minsi %min3A_2033, %max3A_2032 : vector<16xi32>
          %shift_right_logical3A_2035 = arith.constant 7 : i32
          %shift_right_logical3A_2036 = vector.broadcast %shift_right_logical3A_2035 : i32 to vector<16xi32>
          %shift_right_logical3A_2037 = arith.shrui %min3A_2034, %shift_right_logical3A_2036 : vector<16xi32>
          %and3A_2038 = arith.constant 127 : i32
          %and3A_2039 = vector.broadcast %and3A_2038 : i32 to vector<16xi32>
          %and3A_2040 = arith.andi %min3A_2034, %and3A_2039 : vector<16xi32>
          %scan3A_2041 = arith.constant 0 : i32
          %scan3A_2042 = arith.constant 0 : i32
          %scan3A_2043 = arith.constant 32 : i32
          %scan3A_2044 = arith.addi %scan3A_2042, %scan3A_2043 : i32
          %scan3A_2045 = arith.constant 4 : i32
          scf.for %scan3A_2047 = %scan3A_2042 to %scan3A_2044 step %scan3A_2045  : i32 {
            %mul3A_2048 = arith.constant 16 : i32
            %mul3A_2049 = arith.muli %while3A_2017, %mul3A_2048 : i32
            %add3A_2050 = vector.broadcast %mul3A_2049 : i32 to vector<16xi32>
            %add3A_2051 = arith.addi %add3A_2050, %iota3A : vector<16xi32>
            %broadcast_in_dim3A = arith.constant 0 : i32
            %broadcast_in_dim3A_2052 = vector.broadcast %broadcast_in_dim3A : i32 to vector<16xi32>
            %add3A_2053 = vector.broadcast %scan3A_2047 : i32 to vector<16xi32>
            %add3A_2054 = arith.addi %broadcast_in_dim3A_2052, %add3A_2053 : vector<16xi32>
            %gather3A = tpu.vector_load_idx %arg8[%add3A_2051, %add3A_2054] : memref<128x64xf32, #tpu.memory_space<vmem>>[vector<16xi32>, vector<16xi32>], vector<16xf32>,
            %mul3A_2055 = arith.constant 8 : i32
            %mul3A_2056 = arith.muli %scan3A_2047, %mul3A_2055 : i32
            %add3A_2057 = vector.broadcast %mul3A_2056 : i32 to vector<16xi32>
            %add3A_2058 = arith.addi %add3A_2057, %shift_right_logical3A_2037 : vector<16xi32>
            tpu.vector_store_idx %arg7[%add3A_2058, %and3A_2040], %gather3A masked %lt3A_2023 : memref<256x128xf32, #tpu.memory_space<vmem>>[vector<16xi32>, vector<16xi32>], vector<16xf32>, vector<16xi1>
            %scan3A_2059 = arith.constant 1 : i32
            %scan3A_2060 = arith.addi %scan3A_2047, %scan3A_2059 : i32
            %mul3A_2061 = arith.constant 16 : i32
            %mul3A_2062 = arith.muli %while3A_2017, %mul3A_2061 : i32
            %add3A_2063 = vector.broadcast %mul3A_2062 : i32 to vector<16xi32>
            %add3A_2064 = arith.addi %add3A_2063, %iota3A : vector<16xi32>
            %broadcast_in_dim3A_2065 = arith.constant 0 : i32
            %broadcast_in_dim3A_2066 = vector.broadcast %broadcast_in_dim3A_2065 : i32 to vector<16xi32>
            %add3A_2067 = vector.broadcast %scan3A_2060 : i32 to vector<16xi32>
            %add3A_2068 = arith.addi %broadcast_in_dim3A_2066, %add3A_2067 : vector<16xi32>
            %gather3A_2069 = tpu.vector_load_idx %arg8[%add3A_2064, %add3A_2068] : memref<128x64xf32, #tpu.memory_space<vmem>>[vector<16xi32>, vector<16xi32>], vector<16xf32>,
            %mul3A_2070 = arith.constant 8 : i32
            %mul3A_2071 = arith.muli %scan3A_2060, %mul3A_2070 : i32
            %add3A_2072 = vector.broadcast %mul3A_2071 : i32 to vector<16xi32>
            %add3A_2073 = arith.addi %add3A_2072, %shift_right_logical3A_2037 : vector<16xi32>
            tpu.vector_store_idx %arg7[%add3A_2073, %and3A_2040], %gather3A_2069 masked %lt3A_2023 : memref<256x128xf32, #tpu.memory_space<vmem>>[vector<16xi32>, vector<16xi32>], vector<16xf32>, vector<16xi1>
            %scan3A_2074 = arith.constant 2 : i32
            %scan3A_2075 = arith.addi %scan3A_2047, %scan3A_2074 : i32
            %mul3A_2076 = arith.constant 16 : i32
            %mul3A_2077 = arith.muli %while3A_2017, %mul3A_2076 : i32
            %add3A_2078 = vector.broadcast %mul3A_2077 : i32 to vector<16xi32>
            %add3A_2079 = arith.addi %add3A_2078, %iota3A : vector<16xi32>
            %broadcast_in_dim3A_2080 = arith.constant 0 : i32
            %broadcast_in_dim3A_2081 = vector.broadcast %broadcast_in_dim3A_2080 : i32 to vector<16xi32>
            %add3A_2082 = vector.broadcast %scan3A_2075 : i32 to vector<16xi32>
            %add3A_2083 = arith.addi %broadcast_in_dim3A_2081, %add3A_2082 : vector<16xi32>
            %gather3A_2084 = tpu.vector_load_idx %arg8[%add3A_2079, %add3A_2083] : memref<128x64xf32, #tpu.memory_space<vmem>>[vector<16xi32>, vector<16xi32>], vector<16xf32>,
            %mul3A_2085 = arith.constant 8 : i32
            %mul3A_2086 = arith.muli %scan3A_2075, %mul3A_2085 : i32
            %add3A_2087 = vector.broadcast %mul3A_2086 : i32 to vector<16xi32>
            %add3A_2088 = arith.addi %add3A_2087, %shift_right_logical3A_2037 : vector<16xi32>
            tpu.vector_store_idx %arg7[%add3A_2088, %and3A_2040], %gather3A_2084 masked %lt3A_2023 : memref<256x128xf32, #tpu.memory_space<vmem>>[vector<16xi32>, vector<16xi32>], vector<16xf32>, vector<16xi1>
            %scan3A_2089 = arith.constant 3 : i32
            %scan3A_2090 = arith.addi %scan3A_2047, %scan3A_2089 : i32
            %mul3A_2091 = arith.constant 16 : i32
            %mul3A_2092 = arith.muli %while3A_2017, %mul3A_2091 : i32
            %add3A_2093 = vector.broadcast %mul3A_2092 : i32 to vector<16xi32>
            %add3A_2094 = arith.addi %add3A_2093, %iota3A : vector<16xi32>
            %broadcast_in_dim3A_2095 = arith.constant 0 : i32
            %broadcast_in_dim3A_2096 = vector.broadcast %broadcast_in_dim3A_2095 : i32 to vector<16xi32>
            %add3A_2097 = vector.broadcast %scan3A_2090 : i32 to vector<16xi32>
            %add3A_2098 = arith.addi %broadcast_in_dim3A_2096, %add3A_2097 : vector<16xi32>
            %gather3A_2099 = tpu.vector_load_idx %arg8[%add3A_2094, %add3A_2098] : memref<128x64xf32, #tpu.memory_space<vmem>>[vector<16xi32>, vector<16xi32>], vector<16xf32>,
            %mul3A_2100 = arith.constant 8 : i32
            %mul3A_2101 = arith.muli %scan3A_2090, %mul3A_2100 : i32
            %add3A_2102 = vector.broadcast %mul3A_2101 : i32 to vector<16xi32>
            %add3A_2103 = arith.addi %add3A_2102, %shift_right_logical3A_2037 : vector<16xi32>
            tpu.vector_store_idx %arg7[%add3A_2103, %and3A_2040], %gather3A_2099 masked %lt3A_2023 : memref<256x128xf32, #tpu.memory_space<vmem>>[vector<16xi32>, vector<16xi32>], vector<16xf32>, vector<16xi1>
          }
          %scan3A_2046 = arith.constant 32 : i32
        }
        %while3A_2016 = arith.constant 1 : i32
        scf.for %while3A_2017 = %while3A_2014 to %while3A_2010 step %while3A_2016  : i32 {
          %mul3A_2018 = arith.constant 16 : i32
          %mul3A_2019 = arith.muli %while3A_2017, %mul3A_2018 : i32
          %add3A_2020 = arith.addi %mul3A_1843, %mul3A_2019 : i32
          %add3A_2021 = vector.broadcast %add3A_2020 : i32 to vector<16xi32>
          %add3A_2022 = arith.addi %add3A_2021, %iota3A : vector<16xi32>
          %lt3A = vector.broadcast %scan3A_42 : i32 to vector<16xi32>
          %lt3A_2023 = arith.cmpi slt, %add3A_2022, %lt3A : vector<16xi32>
          %mul3A_2024 = arith.constant 16 : i32
          %mul3A_2025 = arith.muli %while3A_2017, %mul3A_2024 : i32
          %add3A_2026 = arith.addi %mul3A_1843, %mul3A_2025 : i32
          %get3A_2027 = arith.index_cast %add3A_2026 : i32 to index
          %get3A_2028 = tpu.vector_load %arg9[%get3A_2027] {strides = array<i32>} : memref<1024xi32, #tpu.memory_space<vmem>>, vector<16xi32>,
          %jit3A_2029 = arith.constant 0 : i32
          %jit3A_2030 = arith.constant 1023 : i32
          %max3A_2031 = vector.broadcast %jit3A_2029 : i32 to vector<16xi32>
          %max3A_2032 = arith.maxsi %max3A_2031, %get3A_2028 : vector<16xi32>
          %min3A_2033 = vector.broadcast %jit3A_2030 : i32 to vector<16xi32>
          %min3A_2034 = arith.minsi %min3A_2033, %max3A_2032 : vector<16xi32>
          %shift_right_logical3A_2035 = arith.constant 7 : i32
          %shift_right_logical3A_2036 = vector.broadcast %shift_right_logical3A_2035 : i32 to vector<16xi32>
          %shift_right_logical3A_2037 = arith.shrui %min3A_2034, %shift_right_logical3A_2036 : vector<16xi32>
          %and3A_2038 = arith.constant 127 : i32
          %and3A_2039 = vector.broadcast %and3A_2038 : i32 to vector<16xi32>
          %and3A_2040 = arith.andi %min3A_2034, %and3A_2039 : vector<16xi32>
          %scan3A_2041 = arith.constant 0 : i32
          %scan3A_2042 = arith.constant 0 : i32
          %scan3A_2043 = arith.constant 32 : i32
          %scan3A_2044 = arith.addi %scan3A_2042, %scan3A_2043 : i32
          %scan3A_2045 = arith.constant 4 : i32
          scf.for %scan3A_2047 = %scan3A_2042 to %scan3A_2044 step %scan3A_2045  : i32 {
            %mul3A_2048 = arith.constant 16 : i32
            %mul3A_2049 = arith.muli %while3A_2017, %mul3A_2048 : i32
            %add3A_2050 = vector.broadcast %mul3A_2049 : i32 to vector<16xi32>
            %add3A_2051 = arith.addi %add3A_2050, %iota3A : vector<16xi32>
            %broadcast_in_dim3A = arith.constant 0 : i32
            %broadcast_in_dim3A_2052 = vector.broadcast %broadcast_in_dim3A : i32 to vector<16xi32>
            %add3A_2053 = vector.broadcast %scan3A_2047 : i32 to vector<16xi32>
            %add3A_2054 = arith.addi %broadcast_in_dim3A_2052, %add3A_2053 : vector<16xi32>
            %gather3A = tpu.vector_load_idx %arg8[%add3A_2051, %add3A_2054] : memref<128x64xf32, #tpu.memory_space<vmem>>[vector<16xi32>, vector<16xi32>], vector<16xf32>,
            %mul3A_2055 = arith.constant 8 : i32
            %mul3A_2056 = arith.muli %scan3A_2047, %mul3A_2055 : i32
            %add3A_2057 = vector.broadcast %mul3A_2056 : i32 to vector<16xi32>
            %add3A_2058 = arith.addi %add3A_2057, %shift_right_logical3A_2037 : vector<16xi32>
            tpu.vector_store_idx %arg7[%add3A_2058, %and3A_2040], %gather3A masked %lt3A_2023 : memref<256x128xf32, #tpu.memory_space<vmem>>[vector<16xi32>, vector<16xi32>], vector<16xf32>, vector<16xi1>
            %scan3A_2059 = arith.constant 1 : i32
            %scan3A_2060 = arith.addi %scan3A_2047, %scan3A_2059 : i32
            %mul3A_2061 = arith.constant 16 : i32
            %mul3A_2062 = arith.muli %while3A_2017, %mul3A_2061 : i32
            %add3A_2063 = vector.broadcast %mul3A_2062 : i32 to vector<16xi32>
            %add3A_2064 = arith.addi %add3A_2063, %iota3A : vector<16xi32>
            %broadcast_in_dim3A_2065 = arith.constant 0 : i32
            %broadcast_in_dim3A_2066 = vector.broadcast %broadcast_in_dim3A_2065 : i32 to vector<16xi32>
            %add3A_2067 = vector.broadcast %scan3A_2060 : i32 to vector<16xi32>
            %add3A_2068 = arith.addi %broadcast_in_dim3A_2066, %add3A_2067 : vector<16xi32>
            %gather3A_2069 = tpu.vector_load_idx %arg8[%add3A_2064, %add3A_2068] : memref<128x64xf32, #tpu.memory_space<vmem>>[vector<16xi32>, vector<16xi32>], vector<16xf32>,
            %mul3A_2070 = arith.constant 8 : i32
            %mul3A_2071 = arith.muli %scan3A_2060, %mul3A_2070 : i32
            %add3A_2072 = vector.broadcast %mul3A_2071 : i32 to vector<16xi32>
            %add3A_2073 = arith.addi %add3A_2072, %shift_right_logical3A_2037 : vector<16xi32>
            tpu.vector_store_idx %arg7[%add3A_2073, %and3A_2040], %gather3A_2069 masked %lt3A_2023 : memref<256x128xf32, #tpu.memory_space<vmem>>[vector<16xi32>, vector<16xi32>], vector<16xf32>, vector<16xi1>
            %scan3A_2074 = arith.constant 2 : i32
            %scan3A_2075 = arith.addi %scan3A_2047, %scan3A_2074 : i32
            %mul3A_2076 = arith.constant 16 : i32
            %mul3A_2077 = arith.muli %while3A_2017, %mul3A_2076 : i32
            %add3A_2078 = vector.broadcast %mul3A_2077 : i32 to vector<16xi32>
            %add3A_2079 = arith.addi %add3A_2078, %iota3A : vector<16xi32>
            %broadcast_in_dim3A_2080 = arith.constant 0 : i32
            %broadcast_in_dim3A_2081 = vector.broadcast %broadcast_in_dim3A_2080 : i32 to vector<16xi32>
            %add3A_2082 = vector.broadcast %scan3A_2075 : i32 to vector<16xi32>
            %add3A_2083 = arith.addi %broadcast_in_dim3A_2081, %add3A_2082 : vector<16xi32>
            %gather3A_2084 = tpu.vector_load_idx %arg8[%add3A_2079, %add3A_2083] : memref<128x64xf32, #tpu.memory_space<vmem>>[vector<16xi32>, vector<16xi32>], vector<16xf32>,
            %mul3A_2085 = arith.constant 8 : i32
            %mul3A_2086 = arith.muli %scan3A_2075, %mul3A_2085 : i32
            %add3A_2087 = vector.broadcast %mul3A_2086 : i32 to vector<16xi32>
            %add3A_2088 = arith.addi %add3A_2087, %shift_right_logical3A_2037 : vector<16xi32>
            tpu.vector_store_idx %arg7[%add3A_2088, %and3A_2040], %gather3A_2084 masked %lt3A_2023 : memref<256x128xf32, #tpu.memory_space<vmem>>[vector<16xi32>, vector<16xi32>], vector<16xf32>, vector<16xi1>
            %scan3A_2089 = arith.constant 3 : i32
            %scan3A_2090 = arith.addi %scan3A_2047, %scan3A_2089 : i32
            %mul3A_2091 = arith.constant 16 : i32
            %mul3A_2092 = arith.muli %while3A_2017, %mul3A_2091 : i32
            %add3A_2093 = vector.broadcast %mul3A_2092 : i32 to vector<16xi32>
            %add3A_2094 = arith.addi %add3A_2093, %iota3A : vector<16xi32>
            %broadcast_in_dim3A_2095 = arith.constant 0 : i32
            %broadcast_in_dim3A_2096 = vector.broadcast %broadcast_in_dim3A_2095 : i32 to vector<16xi32>
            %add3A_2097 = vector.broadcast %scan3A_2090 : i32 to vector<16xi32>
            %add3A_2098 = arith.addi %broadcast_in_dim3A_2096, %add3A_2097 : vector<16xi32>
            %gather3A_2099 = tpu.vector_load_idx %arg8[%add3A_2094, %add3A_2098] : memref<128x64xf32, #tpu.memory_space<vmem>>[vector<16xi32>, vector<16xi32>], vector<16xf32>,
            %mul3A_2100 = arith.constant 8 : i32
            %mul3A_2101 = arith.muli %scan3A_2090, %mul3A_2100 : i32
            %add3A_2102 = vector.broadcast %mul3A_2101 : i32 to vector<16xi32>
            %add3A_2103 = arith.addi %add3A_2102, %shift_right_logical3A_2037 : vector<16xi32>
            tpu.vector_store_idx %arg7[%add3A_2103, %and3A_2040], %gather3A_2099 masked %lt3A_2023 : memref<256x128xf32, #tpu.memory_space<vmem>>[vector<16xi32>, vector<16xi32>], vector<16xf32>, vector<16xi1>
          }
          %scan3A_2046 = arith.constant 32 : i32
        }
      }
      %add3A_72 = arith.constant 0 : i32
      %add3A_73 = arith.addi %add3A_36, %add3A_72 : i32
      %multiple_of3A = tpu.assume_multiple %add3A_73, 8 : i32
      %dma_start3A = arith.constant 0 : i32
      %dma_start3A_74 = arith.constant 0 : i32
      %dma_start3A_75 = tpu.memref_slice %arg7[%dma_start3A, %dma_start3A_74] : memref<256x128xf32, #tpu.memory_space<vmem>> -> memref<8x128xf32, #tpu.memory_space<vmem>>
      %dma_start3A_76 = arith.constant 0 : i32
      %dma_start3A_77 = tpu.memref_slice %arg4[%multiple_of3A, %dma_start3A_76] : memref<524288x128xf32, #tpu.memory_space<hbm>> -> memref<8x128xf32, #tpu.memory_space<hbm>>
      %dma_start3A_78 = arith.constant 0 : i32
      %dma_start3A_79 = tpu.memref_slice %arg4[%multiple_of3A, %dma_start3A_78] : memref<524288x128xf32, #tpu.memory_space<hbm>> -> memref<8x128xf32, #tpu.memory_space<hbm>>
      %dma_start3A_80 = arith.constant 0 : i32
      %dma_start3A_81 = arith.constant 0 : i32
      %dma_start3A_82 = tpu.memref_slice %arg7[%dma_start3A_80, %dma_start3A_81] : memref<256x128xf32, #tpu.memory_space<vmem>> -> memref<8x128xf32, #tpu.memory_space<vmem>>
      tpu.enqueue_dma source(%dma_start3A_82 : memref<8x128xf32, #tpu.memory_space<vmem>>) target(%dma_start3A_79 : memref<8x128xf32, #tpu.memory_space<hbm>>) target_semaphore(%arg13 : memref<!tpu.dma_semaphore, #tpu.memory_space<semaphore_mem>>)
      %add3A_83 = arith.constant 2048 : i32
      %add3A_84 = arith.addi %add3A_36, %add3A_83 : i32
      %multiple_of3A_85 = tpu.assume_multiple %add3A_84, 8 : i32
      %dma_start3A_86 = arith.constant 8 : i32
      %dma_start3A_87 = arith.constant 0 : i32
      %dma_start3A_88 = tpu.memref_slice %arg7[%dma_start3A_86, %dma_start3A_87] : memref<256x128xf32, #tpu.memory_space<vmem>> -> memref<8x128xf32, #tpu.memory_space<vmem>>
      %dma_start3A_89 = arith.constant 0 : i32
      %dma_start3A_90 = tpu.memref_slice %arg4[%multiple_of3A_85, %dma_start3A_89] : memref<524288x128xf32, #tpu.memory_space<hbm>> -> memref<8x128xf32, #tpu.memory_space<hbm>>
      %dma_start3A_91 = arith.constant 0 : i32
      %dma_start3A_92 = tpu.memref_slice %arg4[%multiple_of3A_85, %dma_start3A_91] : memref<524288x128xf32, #tpu.memory_space<hbm>> -> memref<8x128xf32, #tpu.memory_space<hbm>>
      %dma_start3A_93 = arith.constant 8 : i32
      %dma_start3A_94 = arith.constant 0 : i32
      %dma_start3A_95 = tpu.memref_slice %arg7[%dma_start3A_93, %dma_start3A_94] : memref<256x128xf32, #tpu.memory_space<vmem>> -> memref<8x128xf32, #tpu.memory_space<vmem>>
      tpu.enqueue_dma source(%dma_start3A_95 : memref<8x128xf32, #tpu.memory_space<vmem>>) target(%dma_start3A_92 : memref<8x128xf32, #tpu.memory_space<hbm>>) target_semaphore(%arg13 : memref<!tpu.dma_semaphore, #tpu.memory_space<semaphore_mem>>)
      %add3A_96 = arith.constant 4096 : i32
      %add3A_97 = arith.addi %add3A_36, %add3A_96 : i32
      %multiple_of3A_98 = tpu.assume_multiple %add3A_97, 8 : i32
      %dma_start3A_99 = arith.constant 16 : i32
      %dma_start3A_100 = arith.constant 0 : i32
      %dma_start3A_101 = tpu.memref_slice %arg7[%dma_start3A_99, %dma_start3A_100] : memref<256x128xf32, #tpu.memory_space<vmem>> -> memref<8x128xf32, #tpu.memory_space<vmem>>
      %dma_start3A_102 = arith.constant 0 : i32
      %dma_start3A_103 = tpu.memref_slice %arg4[%multiple_of3A_98, %dma_start3A_102] : memref<524288x128xf32, #tpu.memory_space<hbm>> -> memref<8x128xf32, #tpu.memory_space<hbm>>
      %dma_start3A_104 = arith.constant 0 : i32
      %dma_start3A_105 = tpu.memref_slice %arg4[%multiple_of3A_98, %dma_start3A_104] : memref<524288x128xf32, #tpu.memory_space<hbm>> -> memref<8x128xf32, #tpu.memory_space<hbm>>
      %dma_start3A_106 = arith.constant 16 : i32
      %dma_start3A_107 = arith.constant 0 : i32
      %dma_start3A_108 = tpu.memref_slice %arg7[%dma_start3A_106, %dma_start3A_107] : memref<256x128xf32, #tpu.memory_space<vmem>> -> memref<8x128xf32, #tpu.memory_space<vmem>>
      tpu.enqueue_dma source(%dma_start3A_108 : memref<8x128xf32, #tpu.memory_space<vmem>>) target(%dma_start3A_105 : memref<8x128xf32, #tpu.memory_space<hbm>>) target_semaphore(%arg13 : memref<!tpu.dma_semaphore, #tpu.memory_space<semaphore_mem>>)
      %add3A_109 = arith.constant 6144 : i32
      %add3A_110 = arith.addi %add3A_36, %add3A_109 : i32
      %multiple_of3A_111 = tpu.assume_multiple %add3A_110, 8 : i32
      %dma_start3A_112 = arith.constant 24 : i32
      %dma_start3A_113 = arith.constant 0 : i32
      %dma_start3A_114 = tpu.memref_slice %arg7[%dma_start3A_112, %dma_start3A_113] : memref<256x128xf32, #tpu.memory_space<vmem>> -> memref<8x128xf32, #tpu.memory_space<vmem>>
      %dma_start3A_115 = arith.constant 0 : i32
      %dma_start3A_116 = tpu.memref_slice %arg4[%multiple_of3A_111, %dma_start3A_115] : memref<524288x128xf32, #tpu.memory_space<hbm>> -> memref<8x128xf32, #tpu.memory_space<hbm>>
      %dma_start3A_117 = arith.constant 0 : i32
      %dma_start3A_118 = tpu.memref_slice %arg4[%multiple_of3A_111, %dma_start3A_117] : memref<524288x128xf32, #tpu.memory_space<hbm>> -> memref<8x128xf32, #tpu.memory_space<hbm>>
      %dma_start3A_119 = arith.constant 24 : i32
      %dma_start3A_120 = arith.constant 0 : i32
      %dma_start3A_121 = tpu.memref_slice %arg7[%dma_start3A_119, %dma_start3A_120] : memref<256x128xf32, #tpu.memory_space<vmem>> -> memref<8x128xf32, #tpu.memory_space<vmem>>
      tpu.enqueue_dma source(%dma_start3A_121 : memref<8x128xf32, #tpu.memory_space<vmem>>) target(%dma_start3A_118 : memref<8x128xf32, #tpu.memory_space<hbm>>) target_semaphore(%arg13 : memref<!tpu.dma_semaphore, #tpu.memory_space<semaphore_mem>>)
      %add3A_122 = arith.constant 8192 : i32
      %add3A_123 = arith.addi %add3A_36, %add3A_122 : i32
      %multiple_of3A_124 = tpu.assume_multiple %add3A_123, 8 : i32
      %dma_start3A_125 = arith.constant 32 : i32
      %dma_start3A_126 = arith.constant 0 : i32
      %dma_start3A_127 = tpu.memref_slice %arg7[%dma_start3A_125, %dma_start3A_126] : memref<256x128xf32, #tpu.memory_space<vmem>> -> memref<8x128xf32, #tpu.memory_space<vmem>>
      %dma_start3A_128 = arith.constant 0 : i32
      %dma_start3A_129 = tpu.memref_slice %arg4[%multiple_of3A_124, %dma_start3A_128] : memref<524288x128xf32, #tpu.memory_space<hbm>> -> memref<8x128xf32, #tpu.memory_space<hbm>>
      %dma_start3A_130 = arith.constant 0 : i32
      %dma_start3A_131 = tpu.memref_slice %arg4[%multiple_of3A_124, %dma_start3A_130] : memref<524288x128xf32, #tpu.memory_space<hbm>> -> memref<8x128xf32, #tpu.memory_space<hbm>>
      %dma_start3A_132 = arith.constant 32 : i32
      %dma_start3A_133 = arith.constant 0 : i32
      %dma_start3A_134 = tpu.memref_slice %arg7[%dma_start3A_132, %dma_start3A_133] : memref<256x128xf32, #tpu.memory_space<vmem>> -> memref<8x128xf32, #tpu.memory_space<vmem>>
      tpu.enqueue_dma source(%dma_start3A_134 : memref<8x128xf32, #tpu.memory_space<vmem>>) target(%dma_start3A_131 : memref<8x128xf32, #tpu.memory_space<hbm>>) target_semaphore(%arg13 : memref<!tpu.dma_semaphore, #tpu.memory_space<semaphore_mem>>)
      %add3A_135 = arith.constant 10240 : i32
      %add3A_136 = arith.addi %add3A_36, %add3A_135 : i32
      %multiple_of3A_137 = tpu.assume_multiple %add3A_136, 8 : i32
      %dma_start3A_138 = arith.constant 40 : i32
      %dma_start3A_139 = arith.constant 0 : i32
      %dma_start3A_140 = tpu.memref_slice %arg7[%dma_start3A_138, %dma_start3A_139] : memref<256x128xf32, #tpu.memory_space<vmem>> -> memref<8x128xf32, #tpu.memory_space<vmem>>
      %dma_start3A_141 = arith.constant 0 : i32
      %dma_start3A_142 = tpu.memref_slice %arg4[%multiple_of3A_137, %dma_start3A_141] : memref<524288x128xf32, #tpu.memory_space<hbm>> -> memref<8x128xf32, #tpu.memory_space<hbm>>
      %dma_start3A_143 = arith.constant 0 : i32
      %dma_start3A_144 = tpu.memref_slice %arg4[%multiple_of3A_137, %dma_start3A_143] : memref<524288x128xf32, #tpu.memory_space<hbm>> -> memref<8x128xf32, #tpu.memory_space<hbm>>
      %dma_start3A_145 = arith.constant 40 : i32
      %dma_start3A_146 = arith.constant 0 : i32
      %dma_start3A_147 = tpu.memref_slice %arg7[%dma_start3A_145, %dma_start3A_146] : memref<256x128xf32, #tpu.memory_space<vmem>> -> memref<8x128xf32, #tpu.memory_space<vmem>>
      tpu.enqueue_dma source(%dma_start3A_147 : memref<8x128xf32, #tpu.memory_space<vmem>>) target(%dma_start3A_144 : memref<8x128xf32, #tpu.memory_space<hbm>>) target_semaphore(%arg13 : memref<!tpu.dma_semaphore, #tpu.memory_space<semaphore_mem>>)
      %add3A_148 = arith.constant 12288 : i32
      %add3A_149 = arith.addi %add3A_36, %add3A_148 : i32
      %multiple_of3A_150 = tpu.assume_multiple %add3A_149, 8 : i32
      %dma_start3A_151 = arith.constant 48 : i32
      %dma_start3A_152 = arith.constant 0 : i32
      %dma_start3A_153 = tpu.memref_slice %arg7[%dma_start3A_151, %dma_start3A_152] : memref<256x128xf32, #tpu.memory_space<vmem>> -> memref<8x128xf32, #tpu.memory_space<vmem>>
      %dma_start3A_154 = arith.constant 0 : i32
      %dma_start3A_155 = tpu.memref_slice %arg4[%multiple_of3A_150, %dma_start3A_154] : memref<524288x128xf32, #tpu.memory_space<hbm>> -> memref<8x128xf32, #tpu.memory_space<hbm>>
      %dma_start3A_156 = arith.constant 0 : i32
      %dma_start3A_157 = tpu.memref_slice %arg4[%multiple_of3A_150, %dma_start3A_156] : memref<524288x128xf32, #tpu.memory_space<hbm>> -> memref<8x128xf32, #tpu.memory_space<hbm>>
      %dma_start3A_158 = arith.constant 48 : i32
      %dma_start3A_159 = arith.constant 0 : i32
      %dma_start3A_160 = tpu.memref_slice %arg7[%dma_start3A_158, %dma_start3A_159] : memref<256x128xf32, #tpu.memory_space<vmem>> -> memref<8x128xf32, #tpu.memory_space<vmem>>
      tpu.enqueue_dma source(%dma_start3A_160 : memref<8x128xf32, #tpu.memory_space<vmem>>) target(%dma_start3A_157 : memref<8x128xf32, #tpu.memory_space<hbm>>) target_semaphore(%arg13 : memref<!tpu.dma_semaphore, #tpu.memory_space<semaphore_mem>>)
      %add3A_161 = arith.constant 14336 : i32
      %add3A_162 = arith.addi %add3A_36, %add3A_161 : i32
      %multiple_of3A_163 = tpu.assume_multiple %add3A_162, 8 : i32
      %dma_start3A_164 = arith.constant 56 : i32
      %dma_start3A_165 = arith.constant 0 : i32
      %dma_start3A_166 = tpu.memref_slice %arg7[%dma_start3A_164, %dma_start3A_165] : memref<256x128xf32, #tpu.memory_space<vmem>> -> memref<8x128xf32, #tpu.memory_space<vmem>>
      %dma_start3A_167 = arith.constant 0 : i32
      %dma_start3A_168 = tpu.memref_slice %arg4[%multiple_of3A_163, %dma_start3A_167] : memref<524288x128xf32, #tpu.memory_space<hbm>> -> memref<8x128xf32, #tpu.memory_space<hbm>>
      %dma_start3A_169 = arith.constant 0 : i32
      %dma_start3A_170 = tpu.memref_slice %arg4[%multiple_of3A_163, %dma_start3A_169] : memref<524288x128xf32, #tpu.memory_space<hbm>> -> memref<8x128xf32, #tpu.memory_space<hbm>>
      %dma_start3A_171 = arith.constant 56 : i32
      %dma_start3A_172 = arith.constant 0 : i32
      %dma_start3A_173 = tpu.memref_slice %arg7[%dma_start3A_171, %dma_start3A_172] : memref<256x128xf32, #tpu.memory_space<vmem>> -> memref<8x128xf32, #tpu.memory_space<vmem>>
      tpu.enqueue_dma source(%dma_start3A_173 : memref<8x128xf32, #tpu.memory_space<vmem>>) target(%dma_start3A_170 : memref<8x128xf32, #tpu.memory_space<hbm>>) target_semaphore(%arg13 : memref<!tpu.dma_semaphore, #tpu.memory_space<semaphore_mem>>)
      %add3A_174 = arith.constant 16384 : i32
      %add3A_175 = arith.addi %add3A_36, %add3A_174 : i32
      %multiple_of3A_176 = tpu.assume_multiple %add3A_175, 8 : i32
      %dma_start3A_177 = arith.constant 64 : i32
      %dma_start3A_178 = arith.constant 0 : i32
      %dma_start3A_179 = tpu.memref_slice %arg7[%dma_start3A_177, %dma_start3A_178] : memref<256x128xf32, #tpu.memory_space<vmem>> -> memref<8x128xf32, #tpu.memory_space<vmem>>
      %dma_start3A_180 = arith.constant 0 : i32
      %dma_start3A_181 = tpu.memref_slice %arg4[%multiple_of3A_176, %dma_start3A_180] : memref<524288x128xf32, #tpu.memory_space<hbm>> -> memref<8x128xf32, #tpu.memory_space<hbm>>
      %dma_start3A_182 = arith.constant 0 : i32
      %dma_start3A_183 = tpu.memref_slice %arg4[%multiple_of3A_176, %dma_start3A_182] : memref<524288x128xf32, #tpu.memory_space<hbm>> -> memref<8x128xf32, #tpu.memory_space<hbm>>
      %dma_start3A_184 = arith.constant 64 : i32
      %dma_start3A_185 = arith.constant 0 : i32
      %dma_start3A_186 = tpu.memref_slice %arg7[%dma_start3A_184, %dma_start3A_185] : memref<256x128xf32, #tpu.memory_space<vmem>> -> memref<8x128xf32, #tpu.memory_space<vmem>>
      tpu.enqueue_dma source(%dma_start3A_186 : memref<8x128xf32, #tpu.memory_space<vmem>>) target(%dma_start3A_183 : memref<8x128xf32, #tpu.memory_space<hbm>>) target_semaphore(%arg13 : memref<!tpu.dma_semaphore, #tpu.memory_space<semaphore_mem>>)
      %add3A_187 = arith.constant 18432 : i32
      %add3A_188 = arith.addi %add3A_36, %add3A_187 : i32
      %multiple_of3A_189 = tpu.assume_multiple %add3A_188, 8 : i32
      %dma_start3A_190 = arith.constant 72 : i32
      %dma_start3A_191 = arith.constant 0 : i32
      %dma_start3A_192 = tpu.memref_slice %arg7[%dma_start3A_190, %dma_start3A_191] : memref<256x128xf32, #tpu.memory_space<vmem>> -> memref<8x128xf32, #tpu.memory_space<vmem>>
      %dma_start3A_193 = arith.constant 0 : i32
      %dma_start3A_194 = tpu.memref_slice %arg4[%multiple_of3A_189, %dma_start3A_193] : memref<524288x128xf32, #tpu.memory_space<hbm>> -> memref<8x128xf32, #tpu.memory_space<hbm>>
      %dma_start3A_195 = arith.constant 0 : i32
      %dma_start3A_196 = tpu.memref_slice %arg4[%multiple_of3A_189, %dma_start3A_195] : memref<524288x128xf32, #tpu.memory_space<hbm>> -> memref<8x128xf32, #tpu.memory_space<hbm>>
      %dma_start3A_197 = arith.constant 72 : i32
      %dma_start3A_198 = arith.constant 0 : i32
      %dma_start3A_199 = tpu.memref_slice %arg7[%dma_start3A_197, %dma_start3A_198] : memref<256x128xf32, #tpu.memory_space<vmem>> -> memref<8x128xf32, #tpu.memory_space<vmem>>
      tpu.enqueue_dma source(%dma_start3A_199 : memref<8x128xf32, #tpu.memory_space<vmem>>) target(%dma_start3A_196 : memref<8x128xf32, #tpu.memory_space<hbm>>) target_semaphore(%arg13 : memref<!tpu.dma_semaphore, #tpu.memory_space<semaphore_mem>>)
      %add3A_200 = arith.constant 20480 : i32
      %add3A_201 = arith.addi %add3A_36, %add3A_200 : i32
      %multiple_of3A_202 = tpu.assume_multiple %add3A_201, 8 : i32
      %dma_start3A_203 = arith.constant 80 : i32
      %dma_start3A_204 = arith.constant 0 : i32
      %dma_start3A_205 = tpu.memref_slice %arg7[%dma_start3A_203, %dma_start3A_204] : memref<256x128xf32, #tpu.memory_space<vmem>> -> memref<8x128xf32, #tpu.memory_space<vmem>>
      %dma_start3A_206 = arith.constant 0 : i32
      %dma_start3A_207 = tpu.memref_slice %arg4[%multiple_of3A_202, %dma_start3A_206] : memref<524288x128xf32, #tpu.memory_space<hbm>> -> memref<8x128xf32, #tpu.memory_space<hbm>>
      %dma_start3A_208 = arith.constant 0 : i32
      %dma_start3A_209 = tpu.memref_slice %arg4[%multiple_of3A_202, %dma_start3A_208] : memref<524288x128xf32, #tpu.memory_space<hbm>> -> memref<8x128xf32, #tpu.memory_space<hbm>>
      %dma_start3A_210 = arith.constant 80 : i32
      %dma_start3A_211 = arith.constant 0 : i32
      %dma_start3A_212 = tpu.memref_slice %arg7[%dma_start3A_210, %dma_start3A_211] : memref<256x128xf32, #tpu.memory_space<vmem>> -> memref<8x128xf32, #tpu.memory_space<vmem>>
      tpu.enqueue_dma source(%dma_start3A_212 : memref<8x128xf32, #tpu.memory_space<vmem>>) target(%dma_start3A_209 : memref<8x128xf32, #tpu.memory_space<hbm>>) target_semaphore(%arg13 : memref<!tpu.dma_semaphore, #tpu.memory_space<semaphore_mem>>)
      %add3A_213 = arith.constant 22528 : i32
      %add3A_214 = arith.addi %add3A_36, %add3A_213 : i32
      %multiple_of3A_215 = tpu.assume_multiple %add3A_214, 8 : i32
      %dma_start3A_216 = arith.constant 88 : i32
      %dma_start3A_217 = arith.constant 0 : i32
      %dma_start3A_218 = tpu.memref_slice %arg7[%dma_start3A_216, %dma_start3A_217] : memref<256x128xf32, #tpu.memory_space<vmem>> -> memref<8x128xf32, #tpu.memory_space<vmem>>
      %dma_start3A_219 = arith.constant 0 : i32
      %dma_start3A_220 = tpu.memref_slice %arg4[%multiple_of3A_215, %dma_start3A_219] : memref<524288x128xf32, #tpu.memory_space<hbm>> -> memref<8x128xf32, #tpu.memory_space<hbm>>
      %dma_start3A_221 = arith.constant 0 : i32
      %dma_start3A_222 = tpu.memref_slice %arg4[%multiple_of3A_215, %dma_start3A_221] : memref<524288x128xf32, #tpu.memory_space<hbm>> -> memref<8x128xf32, #tpu.memory_space<hbm>>
      %dma_start3A_223 = arith.constant 88 : i32
      %dma_start3A_224 = arith.constant 0 : i32
      %dma_start3A_225 = tpu.memref_slice %arg7[%dma_start3A_223, %dma_start3A_224] : memref<256x128xf32, #tpu.memory_space<vmem>> -> memref<8x128xf32, #tpu.memory_space<vmem>>
      tpu.enqueue_dma source(%dma_start3A_225 : memref<8x128xf32, #tpu.memory_space<vmem>>) target(%dma_start3A_222 : memref<8x128xf32, #tpu.memory_space<hbm>>) target_semaphore(%arg13 : memref<!tpu.dma_semaphore, #tpu.memory_space<semaphore_mem>>)
      %add3A_226 = arith.constant 24576 : i32
      %add3A_227 = arith.addi %add3A_36, %add3A_226 : i32
      %multiple_of3A_228 = tpu.assume_multiple %add3A_227, 8 : i32
      %dma_start3A_229 = arith.constant 96 : i32
      %dma_start3A_230 = arith.constant 0 : i32
      %dma_start3A_231 = tpu.memref_slice %arg7[%dma_start3A_229, %dma_start3A_230] : memref<256x128xf32, #tpu.memory_space<vmem>> -> memref<8x128xf32, #tpu.memory_space<vmem>>
      %dma_start3A_232 = arith.constant 0 : i32
      %dma_start3A_233 = tpu.memref_slice %arg4[%multiple_of3A_228, %dma_start3A_232] : memref<524288x128xf32, #tpu.memory_space<hbm>> -> memref<8x128xf32, #tpu.memory_space<hbm>>
      %dma_start3A_234 = arith.constant 0 : i32
      %dma_start3A_235 = tpu.memref_slice %arg4[%multiple_of3A_228, %dma_start3A_234] : memref<524288x128xf32, #tpu.memory_space<hbm>> -> memref<8x128xf32, #tpu.memory_space<hbm>>
      %dma_start3A_236 = arith.constant 96 : i32
      %dma_start3A_237 = arith.constant 0 : i32
      %dma_start3A_238 = tpu.memref_slice %arg7[%dma_start3A_236, %dma_start3A_237] : memref<256x128xf32, #tpu.memory_space<vmem>> -> memref<8x128xf32, #tpu.memory_space<vmem>>
      tpu.enqueue_dma source(%dma_start3A_238 : memref<8x128xf32, #tpu.memory_space<vmem>>) target(%dma_start3A_235 : memref<8x128xf32, #tpu.memory_space<hbm>>) target_semaphore(%arg13 : memref<!tpu.dma_semaphore, #tpu.memory_space<semaphore_mem>>)
      %add3A_239 = arith.constant 26624 : i32
      %add3A_240 = arith.addi %add3A_36, %add3A_239 : i32
      %multiple_of3A_241 = tpu.assume_multiple %add3A_240, 8 : i32
      %dma_start3A_242 = arith.constant 104 : i32
      %dma_start3A_243 = arith.constant 0 : i32
      %dma_start3A_244 = tpu.memref_slice %arg7[%dma_start3A_242, %dma_start3A_243] : memref<256x128xf32, #tpu.memory_space<vmem>> -> memref<8x128xf32, #tpu.memory_space<vmem>>
      %dma_start3A_245 = arith.constant 0 : i32
      %dma_start3A_246 = tpu.memref_slice %arg4[%multiple_of3A_241, %dma_start3A_245] : memref<524288x128xf32, #tpu.memory_space<hbm>> -> memref<8x128xf32, #tpu.memory_space<hbm>>
      %dma_start3A_247 = arith.constant 0 : i32
      %dma_start3A_248 = tpu.memref_slice %arg4[%multiple_of3A_241, %dma_start3A_247] : memref<524288x128xf32, #tpu.memory_space<hbm>> -> memref<8x128xf32, #tpu.memory_space<hbm>>
      %dma_start3A_249 = arith.constant 104 : i32
      %dma_start3A_250 = arith.constant 0 : i32
      %dma_start3A_251 = tpu.memref_slice %arg7[%dma_start3A_249, %dma_start3A_250] : memref<256x128xf32, #tpu.memory_space<vmem>> -> memref<8x128xf32, #tpu.memory_space<vmem>>
      tpu.enqueue_dma source(%dma_start3A_251 : memref<8x128xf32, #tpu.memory_space<vmem>>) target(%dma_start3A_248 : memref<8x128xf32, #tpu.memory_space<hbm>>) target_semaphore(%arg13 : memref<!tpu.dma_semaphore, #tpu.memory_space<semaphore_mem>>)
      %add3A_252 = arith.constant 28672 : i32
      %add3A_253 = arith.addi %add3A_36, %add3A_252 : i32
      %multiple_of3A_254 = tpu.assume_multiple %add3A_253, 8 : i32
      %dma_start3A_255 = arith.constant 112 : i32
      %dma_start3A_256 = arith.constant 0 : i32
      %dma_start3A_257 = tpu.memref_slice %arg7[%dma_start3A_255, %dma_start3A_256] : memref<256x128xf32, #tpu.memory_space<vmem>> -> memref<8x128xf32, #tpu.memory_space<vmem>>
      %dma_start3A_258 = arith.constant 0 : i32
      %dma_start3A_259 = tpu.memref_slice %arg4[%multiple_of3A_254, %dma_start3A_258] : memref<524288x128xf32, #tpu.memory_space<hbm>> -> memref<8x128xf32, #tpu.memory_space<hbm>>
      %dma_start3A_260 = arith.constant 0 : i32
      %dma_start3A_261 = tpu.memref_slice %arg4[%multiple_of3A_254, %dma_start3A_260] : memref<524288x128xf32, #tpu.memory_space<hbm>> -> memref<8x128xf32, #tpu.memory_space<hbm>>
      %dma_start3A_262 = arith.constant 112 : i32
      %dma_start3A_263 = arith.constant 0 : i32
      %dma_start3A_264 = tpu.memref_slice %arg7[%dma_start3A_262, %dma_start3A_263] : memref<256x128xf32, #tpu.memory_space<vmem>> -> memref<8x128xf32, #tpu.memory_space<vmem>>
      tpu.enqueue_dma source(%dma_start3A_264 : memref<8x128xf32, #tpu.memory_space<vmem>>) target(%dma_start3A_261 : memref<8x128xf32, #tpu.memory_space<hbm>>) target_semaphore(%arg13 : memref<!tpu.dma_semaphore, #tpu.memory_space<semaphore_mem>>)
      %add3A_265 = arith.constant 30720 : i32
      %add3A_266 = arith.addi %add3A_36, %add3A_265 : i32
      %multiple_of3A_267 = tpu.assume_multiple %add3A_266, 8 : i32
      %dma_start3A_268 = arith.constant 120 : i32
      %dma_start3A_269 = arith.constant 0 : i32
      %dma_start3A_270 = tpu.memref_slice %arg7[%dma_start3A_268, %dma_start3A_269] : memref<256x128xf32, #tpu.memory_space<vmem>> -> memref<8x128xf32, #tpu.memory_space<vmem>>
      %dma_start3A_271 = arith.constant 0 : i32
      %dma_start3A_272 = tpu.memref_slice %arg4[%multiple_of3A_267, %dma_start3A_271] : memref<524288x128xf32, #tpu.memory_space<hbm>> -> memref<8x128xf32, #tpu.memory_space<hbm>>
      %dma_start3A_273 = arith.constant 0 : i32
      %dma_start3A_274 = tpu.memref_slice %arg4[%multiple_of3A_267, %dma_start3A_273] : memref<524288x128xf32, #tpu.memory_space<hbm>> -> memref<8x128xf32, #tpu.memory_space<hbm>>
      %dma_start3A_275 = arith.constant 120 : i32
      %dma_start3A_276 = arith.constant 0 : i32
      %dma_start3A_277 = tpu.memref_slice %arg7[%dma_start3A_275, %dma_start3A_276] : memref<256x128xf32, #tpu.memory_space<vmem>> -> memref<8x128xf32, #tpu.memory_space<vmem>>
      tpu.enqueue_dma source(%dma_start3A_277 : memref<8x128xf32, #tpu.memory_space<vmem>>) target(%dma_start3A_274 : memref<8x128xf32, #tpu.memory_space<hbm>>) target_semaphore(%arg13 : memref<!tpu.dma_semaphore, #tpu.memory_space<semaphore_mem>>)
      %add3A_278 = arith.constant 32768 : i32
      %add3A_279 = arith.addi %add3A_36, %add3A_278 : i32
      %multiple_of3A_280 = tpu.assume_multiple %add3A_279, 8 : i32
      %dma_start3A_281 = arith.constant 128 : i32
      %dma_start3A_282 = arith.constant 0 : i32
      %dma_start3A_283 = tpu.memref_slice %arg7[%dma_start3A_281, %dma_start3A_282] : memref<256x128xf32, #tpu.memory_space<vmem>> -> memref<8x128xf32, #tpu.memory_space<vmem>>
      %dma_start3A_284 = arith.constant 0 : i32
      %dma_start3A_285 = tpu.memref_slice %arg4[%multiple_of3A_280, %dma_start3A_284] : memref<524288x128xf32, #tpu.memory_space<hbm>> -> memref<8x128xf32, #tpu.memory_space<hbm>>
      %dma_start3A_286 = arith.constant 0 : i32
      %dma_start3A_287 = tpu.memref_slice %arg4[%multiple_of3A_280, %dma_start3A_286] : memref<524288x128xf32, #tpu.memory_space<hbm>> -> memref<8x128xf32, #tpu.memory_space<hbm>>
      %dma_start3A_288 = arith.constant 128 : i32
      %dma_start3A_289 = arith.constant 0 : i32
      %dma_start3A_290 = tpu.memref_slice %arg7[%dma_start3A_288, %dma_start3A_289] : memref<256x128xf32, #tpu.memory_space<vmem>> -> memref<8x128xf32, #tpu.memory_space<vmem>>
      tpu.enqueue_dma source(%dma_start3A_290 : memref<8x128xf32, #tpu.memory_space<vmem>>) target(%dma_start3A_287 : memref<8x128xf32, #tpu.memory_space<hbm>>) target_semaphore(%arg13 : memref<!tpu.dma_semaphore, #tpu.memory_space<semaphore_mem>>)
      %add3A_291 = arith.constant 34816 : i32
      %add3A_292 = arith.addi %add3A_36, %add3A_291 : i32
      %multiple_of3A_293 = tpu.assume_multiple %add3A_292, 8 : i32
      %dma_start3A_294 = arith.constant 136 : i32
      %dma_start3A_295 = arith.constant 0 : i32
      %dma_start3A_296 = tpu.memref_slice %arg7[%dma_start3A_294, %dma_start3A_295] : memref<256x128xf32, #tpu.memory_space<vmem>> -> memref<8x128xf32, #tpu.memory_space<vmem>>
      %dma_start3A_297 = arith.constant 0 : i32
      %dma_start3A_298 = tpu.memref_slice %arg4[%multiple_of3A_293, %dma_start3A_297] : memref<524288x128xf32, #tpu.memory_space<hbm>> -> memref<8x128xf32, #tpu.memory_space<hbm>>
      %dma_start3A_299 = arith.constant 0 : i32
      %dma_start3A_300 = tpu.memref_slice %arg4[%multiple_of3A_293, %dma_start3A_299] : memref<524288x128xf32, #tpu.memory_space<hbm>> -> memref<8x128xf32, #tpu.memory_space<hbm>>
      %dma_start3A_301 = arith.constant 136 : i32
      %dma_start3A_302 = arith.constant 0 : i32
      %dma_start3A_303 = tpu.memref_slice %arg7[%dma_start3A_301, %dma_start3A_302] : memref<256x128xf32, #tpu.memory_space<vmem>> -> memref<8x128xf32, #tpu.memory_space<vmem>>
      tpu.enqueue_dma source(%dma_start3A_303 : memref<8x128xf32, #tpu.memory_space<vmem>>) target(%dma_start3A_300 : memref<8x128xf32, #tpu.memory_space<hbm>>) target_semaphore(%arg13 : memref<!tpu.dma_semaphore, #tpu.memory_space<semaphore_mem>>)
      %add3A_304 = arith.constant 36864 : i32
      %add3A_305 = arith.addi %add3A_36, %add3A_304 : i32
      %multiple_of3A_306 = tpu.assume_multiple %add3A_305, 8 : i32
      %dma_start3A_307 = arith.constant 144 : i32
      %dma_start3A_308 = arith.constant 0 : i32
      %dma_start3A_309 = tpu.memref_slice %arg7[%dma_start3A_307, %dma_start3A_308] : memref<256x128xf32, #tpu.memory_space<vmem>> -> memref<8x128xf32, #tpu.memory_space<vmem>>
      %dma_start3A_310 = arith.constant 0 : i32
      %dma_start3A_311 = tpu.memref_slice %arg4[%multiple_of3A_306, %dma_start3A_310] : memref<524288x128xf32, #tpu.memory_space<hbm>> -> memref<8x128xf32, #tpu.memory_space<hbm>>
      %dma_start3A_312 = arith.constant 0 : i32
      %dma_start3A_313 = tpu.memref_slice %arg4[%multiple_of3A_306, %dma_start3A_312] : memref<524288x128xf32, #tpu.memory_space<hbm>> -> memref<8x128xf32, #tpu.memory_space<hbm>>
      %dma_start3A_314 = arith.constant 144 : i32
      %dma_start3A_315 = arith.constant 0 : i32
      %dma_start3A_316 = tpu.memref_slice %arg7[%dma_start3A_314, %dma_start3A_315] : memref<256x128xf32, #tpu.memory_space<vmem>> -> memref<8x128xf32, #tpu.memory_space<vmem>>
      tpu.enqueue_dma source(%dma_start3A_316 : memref<8x128xf32, #tpu.memory_space<vmem>>) target(%dma_start3A_313 : memref<8x128xf32, #tpu.memory_space<hbm>>) target_semaphore(%arg13 : memref<!tpu.dma_semaphore, #tpu.memory_space<semaphore_mem>>)
      %add3A_317 = arith.constant 38912 : i32
      %add3A_318 = arith.addi %add3A_36, %add3A_317 : i32
      %multiple_of3A_319 = tpu.assume_multiple %add3A_318, 8 : i32
      %dma_start3A_320 = arith.constant 152 : i32
      %dma_start3A_321 = arith.constant 0 : i32
      %dma_start3A_322 = tpu.memref_slice %arg7[%dma_start3A_320, %dma_start3A_321] : memref<256x128xf32, #tpu.memory_space<vmem>> -> memref<8x128xf32, #tpu.memory_space<vmem>>
      %dma_start3A_323 = arith.constant 0 : i32
      %dma_start3A_324 = tpu.memref_slice %arg4[%multiple_of3A_319, %dma_start3A_323] : memref<524288x128xf32, #tpu.memory_space<hbm>> -> memref<8x128xf32, #tpu.memory_space<hbm>>
      %dma_start3A_325 = arith.constant 0 : i32
      %dma_start3A_326 = tpu.memref_slice %arg4[%multiple_of3A_319, %dma_start3A_325] : memref<524288x128xf32, #tpu.memory_space<hbm>> -> memref<8x128xf32, #tpu.memory_space<hbm>>
      %dma_start3A_327 = arith.constant 152 : i32
      %dma_start3A_328 = arith.constant 0 : i32
      %dma_start3A_329 = tpu.memref_slice %arg7[%dma_start3A_327, %dma_start3A_328] : memref<256x128xf32, #tpu.memory_space<vmem>> -> memref<8x128xf32, #tpu.memory_space<vmem>>
      tpu.enqueue_dma source(%dma_start3A_329 : memref<8x128xf32, #tpu.memory_space<vmem>>) target(%dma_start3A_326 : memref<8x128xf32, #tpu.memory_space<hbm>>) target_semaphore(%arg13 : memref<!tpu.dma_semaphore, #tpu.memory_space<semaphore_mem>>)
      %add3A_330 = arith.constant 40960 : i32
      %add3A_331 = arith.addi %add3A_36, %add3A_330 : i32
      %multiple_of3A_332 = tpu.assume_multiple %add3A_331, 8 : i32
      %dma_start3A_333 = arith.constant 160 : i32
      %dma_start3A_334 = arith.constant 0 : i32
      %dma_start3A_335 = tpu.memref_slice %arg7[%dma_start3A_333, %dma_start3A_334] : memref<256x128xf32, #tpu.memory_space<vmem>> -> memref<8x128xf32, #tpu.memory_space<vmem>>
      %dma_start3A_336 = arith.constant 0 : i32
      %dma_start3A_337 = tpu.memref_slice %arg4[%multiple_of3A_332, %dma_start3A_336] : memref<524288x128xf32, #tpu.memory_space<hbm>> -> memref<8x128xf32, #tpu.memory_space<hbm>>
      %dma_start3A_338 = arith.constant 0 : i32
      %dma_start3A_339 = tpu.memref_slice %arg4[%multiple_of3A_332, %dma_start3A_338] : memref<524288x128xf32, #tpu.memory_space<hbm>> -> memref<8x128xf32, #tpu.memory_space<hbm>>
      %dma_start3A_340 = arith.constant 160 : i32
      %dma_start3A_341 = arith.constant 0 : i32
      %dma_start3A_342 = tpu.memref_slice %arg7[%dma_start3A_340, %dma_start3A_341] : memref<256x128xf32, #tpu.memory_space<vmem>> -> memref<8x128xf32, #tpu.memory_space<vmem>>
      tpu.enqueue_dma source(%dma_start3A_342 : memref<8x128xf32, #tpu.memory_space<vmem>>) target(%dma_start3A_339 : memref<8x128xf32, #tpu.memory_space<hbm>>) target_semaphore(%arg13 : memref<!tpu.dma_semaphore, #tpu.memory_space<semaphore_mem>>)
      %add3A_343 = arith.constant 43008 : i32
      %add3A_344 = arith.addi %add3A_36, %add3A_343 : i32
      %multiple_of3A_345 = tpu.assume_multiple %add3A_344, 8 : i32
      %dma_start3A_346 = arith.constant 168 : i32
      %dma_start3A_347 = arith.constant 0 : i32
      %dma_start3A_348 = tpu.memref_slice %arg7[%dma_start3A_346, %dma_start3A_347] : memref<256x128xf32, #tpu.memory_space<vmem>> -> memref<8x128xf32, #tpu.memory_space<vmem>>
      %dma_start3A_349 = arith.constant 0 : i32
      %dma_start3A_350 = tpu.memref_slice %arg4[%multiple_of3A_345, %dma_start3A_349] : memref<524288x128xf32, #tpu.memory_space<hbm>> -> memref<8x128xf32, #tpu.memory_space<hbm>>
      %dma_start3A_351 = arith.constant 0 : i32
      %dma_start3A_352 = tpu.memref_slice %arg4[%multiple_of3A_345, %dma_start3A_351] : memref<524288x128xf32, #tpu.memory_space<hbm>> -> memref<8x128xf32, #tpu.memory_space<hbm>>
      %dma_start3A_353 = arith.constant 168 : i32
      %dma_start3A_354 = arith.constant 0 : i32
      %dma_start3A_355 = tpu.memref_slice %arg7[%dma_start3A_353, %dma_start3A_354] : memref<256x128xf32, #tpu.memory_space<vmem>> -> memref<8x128xf32, #tpu.memory_space<vmem>>
      tpu.enqueue_dma source(%dma_start3A_355 : memref<8x128xf32, #tpu.memory_space<vmem>>) target(%dma_start3A_352 : memref<8x128xf32, #tpu.memory_space<hbm>>) target_semaphore(%arg13 : memref<!tpu.dma_semaphore, #tpu.memory_space<semaphore_mem>>)
      %add3A_356 = arith.constant 45056 : i32
      %add3A_357 = arith.addi %add3A_36, %add3A_356 : i32
      %multiple_of3A_358 = tpu.assume_multiple %add3A_357, 8 : i32
      %dma_start3A_359 = arith.constant 176 : i32
      %dma_start3A_360 = arith.constant 0 : i32
      %dma_start3A_361 = tpu.memref_slice %arg7[%dma_start3A_359, %dma_start3A_360] : memref<256x128xf32, #tpu.memory_space<vmem>> -> memref<8x128xf32, #tpu.memory_space<vmem>>
      %dma_start3A_362 = arith.constant 0 : i32
      %dma_start3A_363 = tpu.memref_slice %arg4[%multiple_of3A_358, %dma_start3A_362] : memref<524288x128xf32, #tpu.memory_space<hbm>> -> memref<8x128xf32, #tpu.memory_space<hbm>>
      %dma_start3A_364 = arith.constant 0 : i32
      %dma_start3A_365 = tpu.memref_slice %arg4[%multiple_of3A_358, %dma_start3A_364] : memref<524288x128xf32, #tpu.memory_space<hbm>> -> memref<8x128xf32, #tpu.memory_space<hbm>>
      %dma_start3A_366 = arith.constant 176 : i32
      %dma_start3A_367 = arith.constant 0 : i32
      %dma_start3A_368 = tpu.memref_slice %arg7[%dma_start3A_366, %dma_start3A_367] : memref<256x128xf32, #tpu.memory_space<vmem>> -> memref<8x128xf32, #tpu.memory_space<vmem>>
      tpu.enqueue_dma source(%dma_start3A_368 : memref<8x128xf32, #tpu.memory_space<vmem>>) target(%dma_start3A_365 : memref<8x128xf32, #tpu.memory_space<hbm>>) target_semaphore(%arg13 : memref<!tpu.dma_semaphore, #tpu.memory_space<semaphore_mem>>)
      %add3A_369 = arith.constant 47104 : i32
      %add3A_370 = arith.addi %add3A_36, %add3A_369 : i32
      %multiple_of3A_371 = tpu.assume_multiple %add3A_370, 8 : i32
      %dma_start3A_372 = arith.constant 184 : i32
      %dma_start3A_373 = arith.constant 0 : i32
      %dma_start3A_374 = tpu.memref_slice %arg7[%dma_start3A_372, %dma_start3A_373] : memref<256x128xf32, #tpu.memory_space<vmem>> -> memref<8x128xf32, #tpu.memory_space<vmem>>
      %dma_start3A_375 = arith.constant 0 : i32
      %dma_start3A_376 = tpu.memref_slice %arg4[%multiple_of3A_371, %dma_start3A_375] : memref<524288x128xf32, #tpu.memory_space<hbm>> -> memref<8x128xf32, #tpu.memory_space<hbm>>
      %dma_start3A_377 = arith.constant 0 : i32
      %dma_start3A_378 = tpu.memref_slice %arg4[%multiple_of3A_371, %dma_start3A_377] : memref<524288x128xf32, #tpu.memory_space<hbm>> -> memref<8x128xf32, #tpu.memory_space<hbm>>
      %dma_start3A_379 = arith.constant 184 : i32
      %dma_start3A_380 = arith.constant 0 : i32
      %dma_start3A_381 = tpu.memref_slice %arg7[%dma_start3A_379, %dma_start3A_380] : memref<256x128xf32, #tpu.memory_space<vmem>> -> memref<8x128xf32, #tpu.memory_space<vmem>>
      tpu.enqueue_dma source(%dma_start3A_381 : memref<8x128xf32, #tpu.memory_space<vmem>>) target(%dma_start3A_378 : memref<8x128xf32, #tpu.memory_space<hbm>>) target_semaphore(%arg13 : memref<!tpu.dma_semaphore, #tpu.memory_space<semaphore_mem>>)
      %add3A_382 = arith.constant 49152 : i32
      %add3A_383 = arith.addi %add3A_36, %add3A_382 : i32
      %multiple_of3A_384 = tpu.assume_multiple %add3A_383, 8 : i32
      %dma_start3A_385 = arith.constant 192 : i32
      %dma_start3A_386 = arith.constant 0 : i32
      %dma_start3A_387 = tpu.memref_slice %arg7[%dma_start3A_385, %dma_start3A_386] : memref<256x128xf32, #tpu.memory_space<vmem>> -> memref<8x128xf32, #tpu.memory_space<vmem>>
      %dma_start3A_388 = arith.constant 0 : i32
      %dma_start3A_389 = tpu.memref_slice %arg4[%multiple_of3A_384, %dma_start3A_388] : memref<524288x128xf32, #tpu.memory_space<hbm>> -> memref<8x128xf32, #tpu.memory_space<hbm>>
      %dma_start3A_390 = arith.constant 0 : i32
      %dma_start3A_391 = tpu.memref_slice %arg4[%multiple_of3A_384, %dma_start3A_390] : memref<524288x128xf32, #tpu.memory_space<hbm>> -> memref<8x128xf32, #tpu.memory_space<hbm>>
      %dma_start3A_392 = arith.constant 192 : i32
      %dma_start3A_393 = arith.constant 0 : i32
      %dma_start3A_394 = tpu.memref_slice %arg7[%dma_start3A_392, %dma_start3A_393] : memref<256x128xf32, #tpu.memory_space<vmem>> -> memref<8x128xf32, #tpu.memory_space<vmem>>
      tpu.enqueue_dma source(%dma_start3A_394 : memref<8x128xf32, #tpu.memory_space<vmem>>) target(%dma_start3A_391 : memref<8x128xf32, #tpu.memory_space<hbm>>) target_semaphore(%arg13 : memref<!tpu.dma_semaphore, #tpu.memory_space<semaphore_mem>>)
      %add3A_395 = arith.constant 51200 : i32
      %add3A_396 = arith.addi %add3A_36, %add3A_395 : i32
      %multiple_of3A_397 = tpu.assume_multiple %add3A_396, 8 : i32
      %dma_start3A_398 = arith.constant 200 : i32
      %dma_start3A_399 = arith.constant 0 : i32
      %dma_start3A_400 = tpu.memref_slice %arg7[%dma_start3A_398, %dma_start3A_399] : memref<256x128xf32, #tpu.memory_space<vmem>> -> memref<8x128xf32, #tpu.memory_space<vmem>>
      %dma_start3A_401 = arith.constant 0 : i32
      %dma_start3A_402 = tpu.memref_slice %arg4[%multiple_of3A_397, %dma_start3A_401] : memref<524288x128xf32, #tpu.memory_space<hbm>> -> memref<8x128xf32, #tpu.memory_space<hbm>>
      %dma_start3A_403 = arith.constant 0 : i32
      %dma_start3A_404 = tpu.memref_slice %arg4[%multiple_of3A_397, %dma_start3A_403] : memref<524288x128xf32, #tpu.memory_space<hbm>> -> memref<8x128xf32, #tpu.memory_space<hbm>>
      %dma_start3A_405 = arith.constant 200 : i32
      %dma_start3A_406 = arith.constant 0 : i32
      %dma_start3A_407 = tpu.memref_slice %arg7[%dma_start3A_405, %dma_start3A_406] : memref<256x128xf32, #tpu.memory_space<vmem>> -> memref<8x128xf32, #tpu.memory_space<vmem>>
      tpu.enqueue_dma source(%dma_start3A_407 : memref<8x128xf32, #tpu.memory_space<vmem>>) target(%dma_start3A_404 : memref<8x128xf32, #tpu.memory_space<hbm>>) target_semaphore(%arg13 : memref<!tpu.dma_semaphore, #tpu.memory_space<semaphore_mem>>)
      %add3A_408 = arith.constant 53248 : i32
      %add3A_409 = arith.addi %add3A_36, %add3A_408 : i32
      %multiple_of3A_410 = tpu.assume_multiple %add3A_409, 8 : i32
      %dma_start3A_411 = arith.constant 208 : i32
      %dma_start3A_412 = arith.constant 0 : i32
      %dma_start3A_413 = tpu.memref_slice %arg7[%dma_start3A_411, %dma_start3A_412] : memref<256x128xf32, #tpu.memory_space<vmem>> -> memref<8x128xf32, #tpu.memory_space<vmem>>
      %dma_start3A_414 = arith.constant 0 : i32
      %dma_start3A_415 = tpu.memref_slice %arg4[%multiple_of3A_410, %dma_start3A_414] : memref<524288x128xf32, #tpu.memory_space<hbm>> -> memref<8x128xf32, #tpu.memory_space<hbm>>
      %dma_start3A_416 = arith.constant 0 : i32
      %dma_start3A_417 = tpu.memref_slice %arg4[%multiple_of3A_410, %dma_start3A_416] : memref<524288x128xf32, #tpu.memory_space<hbm>> -> memref<8x128xf32, #tpu.memory_space<hbm>>
      %dma_start3A_418 = arith.constant 208 : i32
      %dma_start3A_419 = arith.constant 0 : i32
      %dma_start3A_420 = tpu.memref_slice %arg7[%dma_start3A_418, %dma_start3A_419] : memref<256x128xf32, #tpu.memory_space<vmem>> -> memref<8x128xf32, #tpu.memory_space<vmem>>
      tpu.enqueue_dma source(%dma_start3A_420 : memref<8x128xf32, #tpu.memory_space<vmem>>) target(%dma_start3A_417 : memref<8x128xf32, #tpu.memory_space<hbm>>) target_semaphore(%arg13 : memref<!tpu.dma_semaphore, #tpu.memory_space<semaphore_mem>>)
      %add3A_421 = arith.constant 55296 : i32
      %add3A_422 = arith.addi %add3A_36, %add3A_421 : i32
      %multiple_of3A_423 = tpu.assume_multiple %add3A_422, 8 : i32
      %dma_start3A_424 = arith.constant 216 : i32
      %dma_start3A_425 = arith.constant 0 : i32
      %dma_start3A_426 = tpu.memref_slice %arg7[%dma_start3A_424, %dma_start3A_425] : memref<256x128xf32, #tpu.memory_space<vmem>> -> memref<8x128xf32, #tpu.memory_space<vmem>>
      %dma_start3A_427 = arith.constant 0 : i32
      %dma_start3A_428 = tpu.memref_slice %arg4[%multiple_of3A_423, %dma_start3A_427] : memref<524288x128xf32, #tpu.memory_space<hbm>> -> memref<8x128xf32, #tpu.memory_space<hbm>>
      %dma_start3A_429 = arith.constant 0 : i32
      %dma_start3A_430 = tpu.memref_slice %arg4[%multiple_of3A_423, %dma_start3A_429] : memref<524288x128xf32, #tpu.memory_space<hbm>> -> memref<8x128xf32, #tpu.memory_space<hbm>>
      %dma_start3A_431 = arith.constant 216 : i32
      %dma_start3A_432 = arith.constant 0 : i32
      %dma_start3A_433 = tpu.memref_slice %arg7[%dma_start3A_431, %dma_start3A_432] : memref<256x128xf32, #tpu.memory_space<vmem>> -> memref<8x128xf32, #tpu.memory_space<vmem>>
      tpu.enqueue_dma source(%dma_start3A_433 : memref<8x128xf32, #tpu.memory_space<vmem>>) target(%dma_start3A_430 : memref<8x128xf32, #tpu.memory_space<hbm>>) target_semaphore(%arg13 : memref<!tpu.dma_semaphore, #tpu.memory_space<semaphore_mem>>)
      %add3A_434 = arith.constant 57344 : i32
      %add3A_435 = arith.addi %add3A_36, %add3A_434 : i32
      %multiple_of3A_436 = tpu.assume_multiple %add3A_435, 8 : i32
      %dma_start3A_437 = arith.constant 224 : i32
      %dma_start3A_438 = arith.constant 0 : i32
      %dma_start3A_439 = tpu.memref_slice %arg7[%dma_start3A_437, %dma_start3A_438] : memref<256x128xf32, #tpu.memory_space<vmem>> -> memref<8x128xf32, #tpu.memory_space<vmem>>
      %dma_start3A_440 = arith.constant 0 : i32
      %dma_start3A_441 = tpu.memref_slice %arg4[%multiple_of3A_436, %dma_start3A_440] : memref<524288x128xf32, #tpu.memory_space<hbm>> -> memref<8x128xf32, #tpu.memory_space<hbm>>
      %dma_start3A_442 = arith.constant 0 : i32
      %dma_start3A_443 = tpu.memref_slice %arg4[%multiple_of3A_436, %dma_start3A_442] : memref<524288x128xf32, #tpu.memory_space<hbm>> -> memref<8x128xf32, #tpu.memory_space<hbm>>
      %dma_start3A_444 = arith.constant 224 : i32
      %dma_start3A_445 = arith.constant 0 : i32
      %dma_start3A_446 = tpu.memref_slice %arg7[%dma_start3A_444, %dma_start3A_445] : memref<256x128xf32, #tpu.memory_space<vmem>> -> memref<8x128xf32, #tpu.memory_space<vmem>>
      tpu.enqueue_dma source(%dma_start3A_446 : memref<8x128xf32, #tpu.memory_space<vmem>>) target(%dma_start3A_443 : memref<8x128xf32, #tpu.memory_space<hbm>>) target_semaphore(%arg13 : memref<!tpu.dma_semaphore, #tpu.memory_space<semaphore_mem>>)
      %add3A_447 = arith.constant 59392 : i32
      %add3A_448 = arith.addi %add3A_36, %add3A_447 : i32
      %multiple_of3A_449 = tpu.assume_multiple %add3A_448, 8 : i32
      %dma_start3A_450 = arith.constant 232 : i32
      %dma_start3A_451 = arith.constant 0 : i32
      %dma_start3A_452 = tpu.memref_slice %arg7[%dma_start3A_450, %dma_start3A_451] : memref<256x128xf32, #tpu.memory_space<vmem>> -> memref<8x128xf32, #tpu.memory_space<vmem>>
      %dma_start3A_453 = arith.constant 0 : i32
      %dma_start3A_454 = tpu.memref_slice %arg4[%multiple_of3A_449, %dma_start3A_453] : memref<524288x128xf32, #tpu.memory_space<hbm>> -> memref<8x128xf32, #tpu.memory_space<hbm>>
      %dma_start3A_455 = arith.constant 0 : i32
      %dma_start3A_456 = tpu.memref_slice %arg4[%multiple_of3A_449, %dma_start3A_455] : memref<524288x128xf32, #tpu.memory_space<hbm>> -> memref<8x128xf32, #tpu.memory_space<hbm>>
      %dma_start3A_457 = arith.constant 232 : i32
      %dma_start3A_458 = arith.constant 0 : i32
      %dma_start3A_459 = tpu.memref_slice %arg7[%dma_start3A_457, %dma_start3A_458] : memref<256x128xf32, #tpu.memory_space<vmem>> -> memref<8x128xf32, #tpu.memory_space<vmem>>
      tpu.enqueue_dma source(%dma_start3A_459 : memref<8x128xf32, #tpu.memory_space<vmem>>) target(%dma_start3A_456 : memref<8x128xf32, #tpu.memory_space<hbm>>) target_semaphore(%arg13 : memref<!tpu.dma_semaphore, #tpu.memory_space<semaphore_mem>>)
      %add3A_460 = arith.constant 61440 : i32
      %add3A_461 = arith.addi %add3A_36, %add3A_460 : i32
      %multiple_of3A_462 = tpu.assume_multiple %add3A_461, 8 : i32
      %dma_start3A_463 = arith.constant 240 : i32
      %dma_start3A_464 = arith.constant 0 : i32
      %dma_start3A_465 = tpu.memref_slice %arg7[%dma_start3A_463, %dma_start3A_464] : memref<256x128xf32, #tpu.memory_space<vmem>> -> memref<8x128xf32, #tpu.memory_space<vmem>>
      %dma_start3A_466 = arith.constant 0 : i32
      %dma_start3A_467 = tpu.memref_slice %arg4[%multiple_of3A_462, %dma_start3A_466] : memref<524288x128xf32, #tpu.memory_space<hbm>> -> memref<8x128xf32, #tpu.memory_space<hbm>>
      %dma_start3A_468 = arith.constant 0 : i32
      %dma_start3A_469 = tpu.memref_slice %arg4[%multiple_of3A_462, %dma_start3A_468] : memref<524288x128xf32, #tpu.memory_space<hbm>> -> memref<8x128xf32, #tpu.memory_space<hbm>>
      %dma_start3A_470 = arith.constant 240 : i32
      %dma_start3A_471 = arith.constant 0 : i32
      %dma_start3A_472 = tpu.memref_slice %arg7[%dma_start3A_470, %dma_start3A_471] : memref<256x128xf32, #tpu.memory_space<vmem>> -> memref<8x128xf32, #tpu.memory_space<vmem>>
      tpu.enqueue_dma source(%dma_start3A_472 : memref<8x128xf32, #tpu.memory_space<vmem>>) target(%dma_start3A_469 : memref<8x128xf32, #tpu.memory_space<hbm>>) target_semaphore(%arg13 : memref<!tpu.dma_semaphore, #tpu.memory_space<semaphore_mem>>)
      %add3A_473 = arith.constant 63488 : i32
      %add3A_474 = arith.addi %add3A_36, %add3A_473 : i32
      %multiple_of3A_475 = tpu.assume_multiple %add3A_474, 8 : i32
      %dma_start3A_476 = arith.constant 248 : i32
      %dma_start3A_477 = arith.constant 0 : i32
      %dma_start3A_478 = tpu.memref_slice %arg7[%dma_start3A_476, %dma_start3A_477] : memref<256x128xf32, #tpu.memory_space<vmem>> -> memref<8x128xf32, #tpu.memory_space<vmem>>
      %dma_start3A_479 = arith.constant 0 : i32
      %dma_start3A_480 = tpu.memref_slice %arg4[%multiple_of3A_475, %dma_start3A_479] : memref<524288x128xf32, #tpu.memory_space<hbm>> -> memref<8x128xf32, #tpu.memory_space<hbm>>
      %dma_start3A_481 = arith.constant 0 : i32
      %dma_start3A_482 = tpu.memref_slice %arg4[%multiple_of3A_475, %dma_start3A_481] : memref<524288x128xf32, #tpu.memory_space<hbm>> -> memref<8x128xf32, #tpu.memory_space<hbm>>
      %dma_start3A_483 = arith.constant 248 : i32
      %dma_start3A_484 = arith.constant 0 : i32
      %dma_start3A_485 = tpu.memref_slice %arg7[%dma_start3A_483, %dma_start3A_484] : memref<256x128xf32, #tpu.memory_space<vmem>> -> memref<8x128xf32, #tpu.memory_space<vmem>>
      tpu.enqueue_dma source(%dma_start3A_485 : memref<8x128xf32, #tpu.memory_space<vmem>>) target(%dma_start3A_482 : memref<8x128xf32, #tpu.memory_space<hbm>>) target_semaphore(%arg13 : memref<!tpu.dma_semaphore, #tpu.memory_space<semaphore_mem>>)
      %add3A_486 = arith.constant 0 : i32
      %add3A_487 = arith.addi %add3A_36, %add3A_486 : i32
      %multiple_of3A_488 = tpu.assume_multiple %add3A_487, 8 : i32
      %dma_wait3A = arith.constant 0 : i32
      %dma_wait3A_489 = arith.constant 0 : i32
      %dma_wait3A_490 = tpu.memref_slice %arg7[%dma_wait3A, %dma_wait3A_489] : memref<256x128xf32, #tpu.memory_space<vmem>> -> memref<8x128xf32, #tpu.memory_space<vmem>>
      %dma_wait3A_491 = arith.constant 0 : i32
      %dma_wait3A_492 = tpu.memref_slice %arg4[%multiple_of3A_488, %dma_wait3A_491] : memref<524288x128xf32, #tpu.memory_space<hbm>> -> memref<8x128xf32, #tpu.memory_space<hbm>>
      %dma_wait3A_493 = arith.constant 0 : i32
      %dma_wait3A_494 = tpu.memref_slice %arg4[%multiple_of3A_488, %dma_wait3A_493] : memref<524288x128xf32, #tpu.memory_space<hbm>> -> memref<8x128xf32, #tpu.memory_space<hbm>>
      %dma_wait3A_495 = arith.constant 0 : i32
      %dma_wait3A_496 = arith.constant 0 : i32
      %dma_wait3A_497 = tpu.memref_slice %arg7[%dma_wait3A_495, %dma_wait3A_496] : memref<256x128xf32, #tpu.memory_space<vmem>> -> memref<8x128xf32, #tpu.memory_space<vmem>>
      tpu.wait_dma2 semaphore(%arg13 : memref<!tpu.dma_semaphore, #tpu.memory_space<semaphore_mem>>) src(%dma_wait3A_497 : memref<8x128xf32, #tpu.memory_space<vmem>>) dst(%dma_wait3A_494 : memref<8x128xf32, #tpu.memory_space<hbm>>)
      %add3A_498 = arith.constant 2048 : i32
      %add3A_499 = arith.addi %add3A_36, %add3A_498 : i32
      %multiple_of3A_500 = tpu.assume_multiple %add3A_499, 8 : i32
      %dma_wait3A_501 = arith.constant 8 : i32
      %dma_wait3A_502 = arith.constant 0 : i32
      %dma_wait3A_503 = tpu.memref_slice %arg7[%dma_wait3A_501, %dma_wait3A_502] : memref<256x128xf32, #tpu.memory_space<vmem>> -> memref<8x128xf32, #tpu.memory_space<vmem>>
      %dma_wait3A_504 = arith.constant 0 : i32
      %dma_wait3A_505 = tpu.memref_slice %arg4[%multiple_of3A_500, %dma_wait3A_504] : memref<524288x128xf32, #tpu.memory_space<hbm>> -> memref<8x128xf32, #tpu.memory_space<hbm>>
      %dma_wait3A_506 = arith.constant 0 : i32
      %dma_wait3A_507 = tpu.memref_slice %arg4[%multiple_of3A_500, %dma_wait3A_506] : memref<524288x128xf32, #tpu.memory_space<hbm>> -> memref<8x128xf32, #tpu.memory_space<hbm>>
      %dma_wait3A_508 = arith.constant 8 : i32
      %dma_wait3A_509 = arith.constant 0 : i32
      %dma_wait3A_510 = tpu.memref_slice %arg7[%dma_wait3A_508, %dma_wait3A_509] : memref<256x128xf32, #tpu.memory_space<vmem>> -> memref<8x128xf32, #tpu.memory_space<vmem>>
      tpu.wait_dma2 semaphore(%arg13 : memref<!tpu.dma_semaphore, #tpu.memory_space<semaphore_mem>>) src(%dma_wait3A_510 : memref<8x128xf32, #tpu.memory_space<vmem>>) dst(%dma_wait3A_507 : memref<8x128xf32, #tpu.memory_space<hbm>>)
      %add3A_511 = arith.constant 4096 : i32
      %add3A_512 = arith.addi %add3A_36, %add3A_511 : i32
      %multiple_of3A_513 = tpu.assume_multiple %add3A_512, 8 : i32
      %dma_wait3A_514 = arith.constant 16 : i32
      %dma_wait3A_515 = arith.constant 0 : i32
      %dma_wait3A_516 = tpu.memref_slice %arg7[%dma_wait3A_514, %dma_wait3A_515] : memref<256x128xf32, #tpu.memory_space<vmem>> -> memref<8x128xf32, #tpu.memory_space<vmem>>
      %dma_wait3A_517 = arith.constant 0 : i32
      %dma_wait3A_518 = tpu.memref_slice %arg4[%multiple_of3A_513, %dma_wait3A_517] : memref<524288x128xf32, #tpu.memory_space<hbm>> -> memref<8x128xf32, #tpu.memory_space<hbm>>
      %dma_wait3A_519 = arith.constant 0 : i32
      %dma_wait3A_520 = tpu.memref_slice %arg4[%multiple_of3A_513, %dma_wait3A_519] : memref<524288x128xf32, #tpu.memory_space<hbm>> -> memref<8x128xf32, #tpu.memory_space<hbm>>
      %dma_wait3A_521 = arith.constant 16 : i32
      %dma_wait3A_522 = arith.constant 0 : i32
      %dma_wait3A_523 = tpu.memref_slice %arg7[%dma_wait3A_521, %dma_wait3A_522] : memref<256x128xf32, #tpu.memory_space<vmem>> -> memref<8x128xf32, #tpu.memory_space<vmem>>
      tpu.wait_dma2 semaphore(%arg13 : memref<!tpu.dma_semaphore, #tpu.memory_space<semaphore_mem>>) src(%dma_wait3A_523 : memref<8x128xf32, #tpu.memory_space<vmem>>) dst(%dma_wait3A_520 : memref<8x128xf32, #tpu.memory_space<hbm>>)
      %add3A_524 = arith.constant 6144 : i32
      %add3A_525 = arith.addi %add3A_36, %add3A_524 : i32
      %multiple_of3A_526 = tpu.assume_multiple %add3A_525, 8 : i32
      %dma_wait3A_527 = arith.constant 24 : i32
      %dma_wait3A_528 = arith.constant 0 : i32
      %dma_wait3A_529 = tpu.memref_slice %arg7[%dma_wait3A_527, %dma_wait3A_528] : memref<256x128xf32, #tpu.memory_space<vmem>> -> memref<8x128xf32, #tpu.memory_space<vmem>>
      %dma_wait3A_530 = arith.constant 0 : i32
      %dma_wait3A_531 = tpu.memref_slice %arg4[%multiple_of3A_526, %dma_wait3A_530] : memref<524288x128xf32, #tpu.memory_space<hbm>> -> memref<8x128xf32, #tpu.memory_space<hbm>>
      %dma_wait3A_532 = arith.constant 0 : i32
      %dma_wait3A_533 = tpu.memref_slice %arg4[%multiple_of3A_526, %dma_wait3A_532] : memref<524288x128xf32, #tpu.memory_space<hbm>> -> memref<8x128xf32, #tpu.memory_space<hbm>>
      %dma_wait3A_534 = arith.constant 24 : i32
      %dma_wait3A_535 = arith.constant 0 : i32
      %dma_wait3A_536 = tpu.memref_slice %arg7[%dma_wait3A_534, %dma_wait3A_535] : memref<256x128xf32, #tpu.memory_space<vmem>> -> memref<8x128xf32, #tpu.memory_space<vmem>>
      tpu.wait_dma2 semaphore(%arg13 : memref<!tpu.dma_semaphore, #tpu.memory_space<semaphore_mem>>) src(%dma_wait3A_536 : memref<8x128xf32, #tpu.memory_space<vmem>>) dst(%dma_wait3A_533 : memref<8x128xf32, #tpu.memory_space<hbm>>)
      %add3A_537 = arith.constant 8192 : i32
      %add3A_538 = arith.addi %add3A_36, %add3A_537 : i32
      %multiple_of3A_539 = tpu.assume_multiple %add3A_538, 8 : i32
      %dma_wait3A_540 = arith.constant 32 : i32
      %dma_wait3A_541 = arith.constant 0 : i32
      %dma_wait3A_542 = tpu.memref_slice %arg7[%dma_wait3A_540, %dma_wait3A_541] : memref<256x128xf32, #tpu.memory_space<vmem>> -> memref<8x128xf32, #tpu.memory_space<vmem>>
      %dma_wait3A_543 = arith.constant 0 : i32
      %dma_wait3A_544 = tpu.memref_slice %arg4[%multiple_of3A_539, %dma_wait3A_543] : memref<524288x128xf32, #tpu.memory_space<hbm>> -> memref<8x128xf32, #tpu.memory_space<hbm>>
      %dma_wait3A_545 = arith.constant 0 : i32
      %dma_wait3A_546 = tpu.memref_slice %arg4[%multiple_of3A_539, %dma_wait3A_545] : memref<524288x128xf32, #tpu.memory_space<hbm>> -> memref<8x128xf32, #tpu.memory_space<hbm>>
      %dma_wait3A_547 = arith.constant 32 : i32
      %dma_wait3A_548 = arith.constant 0 : i32
      %dma_wait3A_549 = tpu.memref_slice %arg7[%dma_wait3A_547, %dma_wait3A_548] : memref<256x128xf32, #tpu.memory_space<vmem>> -> memref<8x128xf32, #tpu.memory_space<vmem>>
      tpu.wait_dma2 semaphore(%arg13 : memref<!tpu.dma_semaphore, #tpu.memory_space<semaphore_mem>>) src(%dma_wait3A_549 : memref<8x128xf32, #tpu.memory_space<vmem>>) dst(%dma_wait3A_546 : memref<8x128xf32, #tpu.memory_space<hbm>>)
      %add3A_550 = arith.constant 10240 : i32
      %add3A_551 = arith.addi %add3A_36, %add3A_550 : i32
      %multiple_of3A_552 = tpu.assume_multiple %add3A_551, 8 : i32
      %dma_wait3A_553 = arith.constant 40 : i32
      %dma_wait3A_554 = arith.constant 0 : i32
      %dma_wait3A_555 = tpu.memref_slice %arg7[%dma_wait3A_553, %dma_wait3A_554] : memref<256x128xf32, #tpu.memory_space<vmem>> -> memref<8x128xf32, #tpu.memory_space<vmem>>
      %dma_wait3A_556 = arith.constant 0 : i32
      %dma_wait3A_557 = tpu.memref_slice %arg4[%multiple_of3A_552, %dma_wait3A_556] : memref<524288x128xf32, #tpu.memory_space<hbm>> -> memref<8x128xf32, #tpu.memory_space<hbm>>
      %dma_wait3A_558 = arith.constant 0 : i32
      %dma_wait3A_559 = tpu.memref_slice %arg4[%multiple_of3A_552, %dma_wait3A_558] : memref<524288x128xf32, #tpu.memory_space<hbm>> -> memref<8x128xf32, #tpu.memory_space<hbm>>
      %dma_wait3A_560 = arith.constant 40 : i32
      %dma_wait3A_561 = arith.constant 0 : i32
      %dma_wait3A_562 = tpu.memref_slice %arg7[%dma_wait3A_560, %dma_wait3A_561] : memref<256x128xf32, #tpu.memory_space<vmem>> -> memref<8x128xf32, #tpu.memory_space<vmem>>
      tpu.wait_dma2 semaphore(%arg13 : memref<!tpu.dma_semaphore, #tpu.memory_space<semaphore_mem>>) src(%dma_wait3A_562 : memref<8x128xf32, #tpu.memory_space<vmem>>) dst(%dma_wait3A_559 : memref<8x128xf32, #tpu.memory_space<hbm>>)
      %add3A_563 = arith.constant 12288 : i32
      %add3A_564 = arith.addi %add3A_36, %add3A_563 : i32
      %multiple_of3A_565 = tpu.assume_multiple %add3A_564, 8 : i32
      %dma_wait3A_566 = arith.constant 48 : i32
      %dma_wait3A_567 = arith.constant 0 : i32
      %dma_wait3A_568 = tpu.memref_slice %arg7[%dma_wait3A_566, %dma_wait3A_567] : memref<256x128xf32, #tpu.memory_space<vmem>> -> memref<8x128xf32, #tpu.memory_space<vmem>>
      %dma_wait3A_569 = arith.constant 0 : i32
      %dma_wait3A_570 = tpu.memref_slice %arg4[%multiple_of3A_565, %dma_wait3A_569] : memref<524288x128xf32, #tpu.memory_space<hbm>> -> memref<8x128xf32, #tpu.memory_space<hbm>>
      %dma_wait3A_571 = arith.constant 0 : i32
      %dma_wait3A_572 = tpu.memref_slice %arg4[%multiple_of3A_565, %dma_wait3A_571] : memref<524288x128xf32, #tpu.memory_space<hbm>> -> memref<8x128xf32, #tpu.memory_space<hbm>>
      %dma_wait3A_573 = arith.constant 48 : i32
      %dma_wait3A_574 = arith.constant 0 : i32
      %dma_wait3A_575 = tpu.memref_slice %arg7[%dma_wait3A_573, %dma_wait3A_574] : memref<256x128xf32, #tpu.memory_space<vmem>> -> memref<8x128xf32, #tpu.memory_space<vmem>>
      tpu.wait_dma2 semaphore(%arg13 : memref<!tpu.dma_semaphore, #tpu.memory_space<semaphore_mem>>) src(%dma_wait3A_575 : memref<8x128xf32, #tpu.memory_space<vmem>>) dst(%dma_wait3A_572 : memref<8x128xf32, #tpu.memory_space<hbm>>)
      %add3A_576 = arith.constant 14336 : i32
      %add3A_577 = arith.addi %add3A_36, %add3A_576 : i32
      %multiple_of3A_578 = tpu.assume_multiple %add3A_577, 8 : i32
      %dma_wait3A_579 = arith.constant 56 : i32
      %dma_wait3A_580 = arith.constant 0 : i32
      %dma_wait3A_581 = tpu.memref_slice %arg7[%dma_wait3A_579, %dma_wait3A_580] : memref<256x128xf32, #tpu.memory_space<vmem>> -> memref<8x128xf32, #tpu.memory_space<vmem>>
      %dma_wait3A_582 = arith.constant 0 : i32
      %dma_wait3A_583 = tpu.memref_slice %arg4[%multiple_of3A_578, %dma_wait3A_582] : memref<524288x128xf32, #tpu.memory_space<hbm>> -> memref<8x128xf32, #tpu.memory_space<hbm>>
      %dma_wait3A_584 = arith.constant 0 : i32
      %dma_wait3A_585 = tpu.memref_slice %arg4[%multiple_of3A_578, %dma_wait3A_584] : memref<524288x128xf32, #tpu.memory_space<hbm>> -> memref<8x128xf32, #tpu.memory_space<hbm>>
      %dma_wait3A_586 = arith.constant 56 : i32
      %dma_wait3A_587 = arith.constant 0 : i32
      %dma_wait3A_588 = tpu.memref_slice %arg7[%dma_wait3A_586, %dma_wait3A_587] : memref<256x128xf32, #tpu.memory_space<vmem>> -> memref<8x128xf32, #tpu.memory_space<vmem>>
      tpu.wait_dma2 semaphore(%arg13 : memref<!tpu.dma_semaphore, #tpu.memory_space<semaphore_mem>>) src(%dma_wait3A_588 : memref<8x128xf32, #tpu.memory_space<vmem>>) dst(%dma_wait3A_585 : memref<8x128xf32, #tpu.memory_space<hbm>>)
      %add3A_589 = arith.constant 16384 : i32
      %add3A_590 = arith.addi %add3A_36, %add3A_589 : i32
      %multiple_of3A_591 = tpu.assume_multiple %add3A_590, 8 : i32
      %dma_wait3A_592 = arith.constant 64 : i32
      %dma_wait3A_593 = arith.constant 0 : i32
      %dma_wait3A_594 = tpu.memref_slice %arg7[%dma_wait3A_592, %dma_wait3A_593] : memref<256x128xf32, #tpu.memory_space<vmem>> -> memref<8x128xf32, #tpu.memory_space<vmem>>
      %dma_wait3A_595 = arith.constant 0 : i32
      %dma_wait3A_596 = tpu.memref_slice %arg4[%multiple_of3A_591, %dma_wait3A_595] : memref<524288x128xf32, #tpu.memory_space<hbm>> -> memref<8x128xf32, #tpu.memory_space<hbm>>
      %dma_wait3A_597 = arith.constant 0 : i32
      %dma_wait3A_598 = tpu.memref_slice %arg4[%multiple_of3A_591, %dma_wait3A_597] : memref<524288x128xf32, #tpu.memory_space<hbm>> -> memref<8x128xf32, #tpu.memory_space<hbm>>
      %dma_wait3A_599 = arith.constant 64 : i32
      %dma_wait3A_600 = arith.constant 0 : i32
      %dma_wait3A_601 = tpu.memref_slice %arg7[%dma_wait3A_599, %dma_wait3A_600] : memref<256x128xf32, #tpu.memory_space<vmem>> -> memref<8x128xf32, #tpu.memory_space<vmem>>
      tpu.wait_dma2 semaphore(%arg13 : memref<!tpu.dma_semaphore, #tpu.memory_space<semaphore_mem>>) src(%dma_wait3A_601 : memref<8x128xf32, #tpu.memory_space<vmem>>) dst(%dma_wait3A_598 : memref<8x128xf32, #tpu.memory_space<hbm>>)
      %add3A_602 = arith.constant 18432 : i32
      %add3A_603 = arith.addi %add3A_36, %add3A_602 : i32
      %multiple_of3A_604 = tpu.assume_multiple %add3A_603, 8 : i32
      %dma_wait3A_605 = arith.constant 72 : i32
      %dma_wait3A_606 = arith.constant 0 : i32
      %dma_wait3A_607 = tpu.memref_slice %arg7[%dma_wait3A_605, %dma_wait3A_606] : memref<256x128xf32, #tpu.memory_space<vmem>> -> memref<8x128xf32, #tpu.memory_space<vmem>>
      %dma_wait3A_608 = arith.constant 0 : i32
      %dma_wait3A_609 = tpu.memref_slice %arg4[%multiple_of3A_604, %dma_wait3A_608] : memref<524288x128xf32, #tpu.memory_space<hbm>> -> memref<8x128xf32, #tpu.memory_space<hbm>>
      %dma_wait3A_610 = arith.constant 0 : i32
      %dma_wait3A_611 = tpu.memref_slice %arg4[%multiple_of3A_604, %dma_wait3A_610] : memref<524288x128xf32, #tpu.memory_space<hbm>> -> memref<8x128xf32, #tpu.memory_space<hbm>>
      %dma_wait3A_612 = arith.constant 72 : i32
      %dma_wait3A_613 = arith.constant 0 : i32
      %dma_wait3A_614 = tpu.memref_slice %arg7[%dma_wait3A_612, %dma_wait3A_613] : memref<256x128xf32, #tpu.memory_space<vmem>> -> memref<8x128xf32, #tpu.memory_space<vmem>>
      tpu.wait_dma2 semaphore(%arg13 : memref<!tpu.dma_semaphore, #tpu.memory_space<semaphore_mem>>) src(%dma_wait3A_614 : memref<8x128xf32, #tpu.memory_space<vmem>>) dst(%dma_wait3A_611 : memref<8x128xf32, #tpu.memory_space<hbm>>)
      %add3A_615 = arith.constant 20480 : i32
      %add3A_616 = arith.addi %add3A_36, %add3A_615 : i32
      %multiple_of3A_617 = tpu.assume_multiple %add3A_616, 8 : i32
      %dma_wait3A_618 = arith.constant 80 : i32
      %dma_wait3A_619 = arith.constant 0 : i32
      %dma_wait3A_620 = tpu.memref_slice %arg7[%dma_wait3A_618, %dma_wait3A_619] : memref<256x128xf32, #tpu.memory_space<vmem>> -> memref<8x128xf32, #tpu.memory_space<vmem>>
      %dma_wait3A_621 = arith.constant 0 : i32
      %dma_wait3A_622 = tpu.memref_slice %arg4[%multiple_of3A_617, %dma_wait3A_621] : memref<524288x128xf32, #tpu.memory_space<hbm>> -> memref<8x128xf32, #tpu.memory_space<hbm>>
      %dma_wait3A_623 = arith.constant 0 : i32
      %dma_wait3A_624 = tpu.memref_slice %arg4[%multiple_of3A_617, %dma_wait3A_623] : memref<524288x128xf32, #tpu.memory_space<hbm>> -> memref<8x128xf32, #tpu.memory_space<hbm>>
      %dma_wait3A_625 = arith.constant 80 : i32
      %dma_wait3A_626 = arith.constant 0 : i32
      %dma_wait3A_627 = tpu.memref_slice %arg7[%dma_wait3A_625, %dma_wait3A_626] : memref<256x128xf32, #tpu.memory_space<vmem>> -> memref<8x128xf32, #tpu.memory_space<vmem>>
      tpu.wait_dma2 semaphore(%arg13 : memref<!tpu.dma_semaphore, #tpu.memory_space<semaphore_mem>>) src(%dma_wait3A_627 : memref<8x128xf32, #tpu.memory_space<vmem>>) dst(%dma_wait3A_624 : memref<8x128xf32, #tpu.memory_space<hbm>>)
      %add3A_628 = arith.constant 22528 : i32
      %add3A_629 = arith.addi %add3A_36, %add3A_628 : i32
      %multiple_of3A_630 = tpu.assume_multiple %add3A_629, 8 : i32
      %dma_wait3A_631 = arith.constant 88 : i32
      %dma_wait3A_632 = arith.constant 0 : i32
      %dma_wait3A_633 = tpu.memref_slice %arg7[%dma_wait3A_631, %dma_wait3A_632] : memref<256x128xf32, #tpu.memory_space<vmem>> -> memref<8x128xf32, #tpu.memory_space<vmem>>
      %dma_wait3A_634 = arith.constant 0 : i32
      %dma_wait3A_635 = tpu.memref_slice %arg4[%multiple_of3A_630, %dma_wait3A_634] : memref<524288x128xf32, #tpu.memory_space<hbm>> -> memref<8x128xf32, #tpu.memory_space<hbm>>
      %dma_wait3A_636 = arith.constant 0 : i32
      %dma_wait3A_637 = tpu.memref_slice %arg4[%multiple_of3A_630, %dma_wait3A_636] : memref<524288x128xf32, #tpu.memory_space<hbm>> -> memref<8x128xf32, #tpu.memory_space<hbm>>
      %dma_wait3A_638 = arith.constant 88 : i32
      %dma_wait3A_639 = arith.constant 0 : i32
      %dma_wait3A_640 = tpu.memref_slice %arg7[%dma_wait3A_638, %dma_wait3A_639] : memref<256x128xf32, #tpu.memory_space<vmem>> -> memref<8x128xf32, #tpu.memory_space<vmem>>
      tpu.wait_dma2 semaphore(%arg13 : memref<!tpu.dma_semaphore, #tpu.memory_space<semaphore_mem>>) src(%dma_wait3A_640 : memref<8x128xf32, #tpu.memory_space<vmem>>) dst(%dma_wait3A_637 : memref<8x128xf32, #tpu.memory_space<hbm>>)
      %add3A_641 = arith.constant 24576 : i32
      %add3A_642 = arith.addi %add3A_36, %add3A_641 : i32
      %multiple_of3A_643 = tpu.assume_multiple %add3A_642, 8 : i32
      %dma_wait3A_644 = arith.constant 96 : i32
      %dma_wait3A_645 = arith.constant 0 : i32
      %dma_wait3A_646 = tpu.memref_slice %arg7[%dma_wait3A_644, %dma_wait3A_645] : memref<256x128xf32, #tpu.memory_space<vmem>> -> memref<8x128xf32, #tpu.memory_space<vmem>>
      %dma_wait3A_647 = arith.constant 0 : i32
      %dma_wait3A_648 = tpu.memref_slice %arg4[%multiple_of3A_643, %dma_wait3A_647] : memref<524288x128xf32, #tpu.memory_space<hbm>> -> memref<8x128xf32, #tpu.memory_space<hbm>>
      %dma_wait3A_649 = arith.constant 0 : i32
      %dma_wait3A_650 = tpu.memref_slice %arg4[%multiple_of3A_643, %dma_wait3A_649] : memref<524288x128xf32, #tpu.memory_space<hbm>> -> memref<8x128xf32, #tpu.memory_space<hbm>>
      %dma_wait3A_651 = arith.constant 96 : i32
      %dma_wait3A_652 = arith.constant 0 : i32
      %dma_wait3A_653 = tpu.memref_slice %arg7[%dma_wait3A_651, %dma_wait3A_652] : memref<256x128xf32, #tpu.memory_space<vmem>> -> memref<8x128xf32, #tpu.memory_space<vmem>>
      tpu.wait_dma2 semaphore(%arg13 : memref<!tpu.dma_semaphore, #tpu.memory_space<semaphore_mem>>) src(%dma_wait3A_653 : memref<8x128xf32, #tpu.memory_space<vmem>>) dst(%dma_wait3A_650 : memref<8x128xf32, #tpu.memory_space<hbm>>)
      %add3A_654 = arith.constant 26624 : i32
      %add3A_655 = arith.addi %add3A_36, %add3A_654 : i32
      %multiple_of3A_656 = tpu.assume_multiple %add3A_655, 8 : i32
      %dma_wait3A_657 = arith.constant 104 : i32
      %dma_wait3A_658 = arith.constant 0 : i32
      %dma_wait3A_659 = tpu.memref_slice %arg7[%dma_wait3A_657, %dma_wait3A_658] : memref<256x128xf32, #tpu.memory_space<vmem>> -> memref<8x128xf32, #tpu.memory_space<vmem>>
      %dma_wait3A_660 = arith.constant 0 : i32
      %dma_wait3A_661 = tpu.memref_slice %arg4[%multiple_of3A_656, %dma_wait3A_660] : memref<524288x128xf32, #tpu.memory_space<hbm>> -> memref<8x128xf32, #tpu.memory_space<hbm>>
      %dma_wait3A_662 = arith.constant 0 : i32
      %dma_wait3A_663 = tpu.memref_slice %arg4[%multiple_of3A_656, %dma_wait3A_662] : memref<524288x128xf32, #tpu.memory_space<hbm>> -> memref<8x128xf32, #tpu.memory_space<hbm>>
      %dma_wait3A_664 = arith.constant 104 : i32
      %dma_wait3A_665 = arith.constant 0 : i32
      %dma_wait3A_666 = tpu.memref_slice %arg7[%dma_wait3A_664, %dma_wait3A_665] : memref<256x128xf32, #tpu.memory_space<vmem>> -> memref<8x128xf32, #tpu.memory_space<vmem>>
      tpu.wait_dma2 semaphore(%arg13 : memref<!tpu.dma_semaphore, #tpu.memory_space<semaphore_mem>>) src(%dma_wait3A_666 : memref<8x128xf32, #tpu.memory_space<vmem>>) dst(%dma_wait3A_663 : memref<8x128xf32, #tpu.memory_space<hbm>>)
      %add3A_667 = arith.constant 28672 : i32
      %add3A_668 = arith.addi %add3A_36, %add3A_667 : i32
      %multiple_of3A_669 = tpu.assume_multiple %add3A_668, 8 : i32
      %dma_wait3A_670 = arith.constant 112 : i32
      %dma_wait3A_671 = arith.constant 0 : i32
      %dma_wait3A_672 = tpu.memref_slice %arg7[%dma_wait3A_670, %dma_wait3A_671] : memref<256x128xf32, #tpu.memory_space<vmem>> -> memref<8x128xf32, #tpu.memory_space<vmem>>
      %dma_wait3A_673 = arith.constant 0 : i32
      %dma_wait3A_674 = tpu.memref_slice %arg4[%multiple_of3A_669, %dma_wait3A_673] : memref<524288x128xf32, #tpu.memory_space<hbm>> -> memref<8x128xf32, #tpu.memory_space<hbm>>
      %dma_wait3A_675 = arith.constant 0 : i32
      %dma_wait3A_676 = tpu.memref_slice %arg4[%multiple_of3A_669, %dma_wait3A_675] : memref<524288x128xf32, #tpu.memory_space<hbm>> -> memref<8x128xf32, #tpu.memory_space<hbm>>
      %dma_wait3A_677 = arith.constant 112 : i32
      %dma_wait3A_678 = arith.constant 0 : i32
      %dma_wait3A_679 = tpu.memref_slice %arg7[%dma_wait3A_677, %dma_wait3A_678] : memref<256x128xf32, #tpu.memory_space<vmem>> -> memref<8x128xf32, #tpu.memory_space<vmem>>
      tpu.wait_dma2 semaphore(%arg13 : memref<!tpu.dma_semaphore, #tpu.memory_space<semaphore_mem>>) src(%dma_wait3A_679 : memref<8x128xf32, #tpu.memory_space<vmem>>) dst(%dma_wait3A_676 : memref<8x128xf32, #tpu.memory_space<hbm>>)
      %add3A_680 = arith.constant 30720 : i32
      %add3A_681 = arith.addi %add3A_36, %add3A_680 : i32
      %multiple_of3A_682 = tpu.assume_multiple %add3A_681, 8 : i32
      %dma_wait3A_683 = arith.constant 120 : i32
      %dma_wait3A_684 = arith.constant 0 : i32
      %dma_wait3A_685 = tpu.memref_slice %arg7[%dma_wait3A_683, %dma_wait3A_684] : memref<256x128xf32, #tpu.memory_space<vmem>> -> memref<8x128xf32, #tpu.memory_space<vmem>>
      %dma_wait3A_686 = arith.constant 0 : i32
      %dma_wait3A_687 = tpu.memref_slice %arg4[%multiple_of3A_682, %dma_wait3A_686] : memref<524288x128xf32, #tpu.memory_space<hbm>> -> memref<8x128xf32, #tpu.memory_space<hbm>>
      %dma_wait3A_688 = arith.constant 0 : i32
      %dma_wait3A_689 = tpu.memref_slice %arg4[%multiple_of3A_682, %dma_wait3A_688] : memref<524288x128xf32, #tpu.memory_space<hbm>> -> memref<8x128xf32, #tpu.memory_space<hbm>>
      %dma_wait3A_690 = arith.constant 120 : i32
      %dma_wait3A_691 = arith.constant 0 : i32
      %dma_wait3A_692 = tpu.memref_slice %arg7[%dma_wait3A_690, %dma_wait3A_691] : memref<256x128xf32, #tpu.memory_space<vmem>> -> memref<8x128xf32, #tpu.memory_space<vmem>>
      tpu.wait_dma2 semaphore(%arg13 : memref<!tpu.dma_semaphore, #tpu.memory_space<semaphore_mem>>) src(%dma_wait3A_692 : memref<8x128xf32, #tpu.memory_space<vmem>>) dst(%dma_wait3A_689 : memref<8x128xf32, #tpu.memory_space<hbm>>)
      %add3A_693 = arith.constant 32768 : i32
      %add3A_694 = arith.addi %add3A_36, %add3A_693 : i32
      %multiple_of3A_695 = tpu.assume_multiple %add3A_694, 8 : i32
      %dma_wait3A_696 = arith.constant 128 : i32
      %dma_wait3A_697 = arith.constant 0 : i32
      %dma_wait3A_698 = tpu.memref_slice %arg7[%dma_wait3A_696, %dma_wait3A_697] : memref<256x128xf32, #tpu.memory_space<vmem>> -> memref<8x128xf32, #tpu.memory_space<vmem>>
      %dma_wait3A_699 = arith.constant 0 : i32
      %dma_wait3A_700 = tpu.memref_slice %arg4[%multiple_of3A_695, %dma_wait3A_699] : memref<524288x128xf32, #tpu.memory_space<hbm>> -> memref<8x128xf32, #tpu.memory_space<hbm>>
      %dma_wait3A_701 = arith.constant 0 : i32
      %dma_wait3A_702 = tpu.memref_slice %arg4[%multiple_of3A_695, %dma_wait3A_701] : memref<524288x128xf32, #tpu.memory_space<hbm>> -> memref<8x128xf32, #tpu.memory_space<hbm>>
      %dma_wait3A_703 = arith.constant 128 : i32
      %dma_wait3A_704 = arith.constant 0 : i32
      %dma_wait3A_705 = tpu.memref_slice %arg7[%dma_wait3A_703, %dma_wait3A_704] : memref<256x128xf32, #tpu.memory_space<vmem>> -> memref<8x128xf32, #tpu.memory_space<vmem>>
      tpu.wait_dma2 semaphore(%arg13 : memref<!tpu.dma_semaphore, #tpu.memory_space<semaphore_mem>>) src(%dma_wait3A_705 : memref<8x128xf32, #tpu.memory_space<vmem>>) dst(%dma_wait3A_702 : memref<8x128xf32, #tpu.memory_space<hbm>>)
      %add3A_706 = arith.constant 34816 : i32
      %add3A_707 = arith.addi %add3A_36, %add3A_706 : i32
      %multiple_of3A_708 = tpu.assume_multiple %add3A_707, 8 : i32
      %dma_wait3A_709 = arith.constant 136 : i32
      %dma_wait3A_710 = arith.constant 0 : i32
      %dma_wait3A_711 = tpu.memref_slice %arg7[%dma_wait3A_709, %dma_wait3A_710] : memref<256x128xf32, #tpu.memory_space<vmem>> -> memref<8x128xf32, #tpu.memory_space<vmem>>
      %dma_wait3A_712 = arith.constant 0 : i32
      %dma_wait3A_713 = tpu.memref_slice %arg4[%multiple_of3A_708, %dma_wait3A_712] : memref<524288x128xf32, #tpu.memory_space<hbm>> -> memref<8x128xf32, #tpu.memory_space<hbm>>
      %dma_wait3A_714 = arith.constant 0 : i32
      %dma_wait3A_715 = tpu.memref_slice %arg4[%multiple_of3A_708, %dma_wait3A_714] : memref<524288x128xf32, #tpu.memory_space<hbm>> -> memref<8x128xf32, #tpu.memory_space<hbm>>
      %dma_wait3A_716 = arith.constant 136 : i32
      %dma_wait3A_717 = arith.constant 0 : i32
      %dma_wait3A_718 = tpu.memref_slice %arg7[%dma_wait3A_716, %dma_wait3A_717] : memref<256x128xf32, #tpu.memory_space<vmem>> -> memref<8x128xf32, #tpu.memory_space<vmem>>
      tpu.wait_dma2 semaphore(%arg13 : memref<!tpu.dma_semaphore, #tpu.memory_space<semaphore_mem>>) src(%dma_wait3A_718 : memref<8x128xf32, #tpu.memory_space<vmem>>) dst(%dma_wait3A_715 : memref<8x128xf32, #tpu.memory_space<hbm>>)
      %add3A_719 = arith.constant 36864 : i32
      %add3A_720 = arith.addi %add3A_36, %add3A_719 : i32
      %multiple_of3A_721 = tpu.assume_multiple %add3A_720, 8 : i32
      %dma_wait3A_722 = arith.constant 144 : i32
      %dma_wait3A_723 = arith.constant 0 : i32
      %dma_wait3A_724 = tpu.memref_slice %arg7[%dma_wait3A_722, %dma_wait3A_723] : memref<256x128xf32, #tpu.memory_space<vmem>> -> memref<8x128xf32, #tpu.memory_space<vmem>>
      %dma_wait3A_725 = arith.constant 0 : i32
      %dma_wait3A_726 = tpu.memref_slice %arg4[%multiple_of3A_721, %dma_wait3A_725] : memref<524288x128xf32, #tpu.memory_space<hbm>> -> memref<8x128xf32, #tpu.memory_space<hbm>>
      %dma_wait3A_727 = arith.constant 0 : i32
      %dma_wait3A_728 = tpu.memref_slice %arg4[%multiple_of3A_721, %dma_wait3A_727] : memref<524288x128xf32, #tpu.memory_space<hbm>> -> memref<8x128xf32, #tpu.memory_space<hbm>>
      %dma_wait3A_729 = arith.constant 144 : i32
      %dma_wait3A_730 = arith.constant 0 : i32
      %dma_wait3A_731 = tpu.memref_slice %arg7[%dma_wait3A_729, %dma_wait3A_730] : memref<256x128xf32, #tpu.memory_space<vmem>> -> memref<8x128xf32, #tpu.memory_space<vmem>>
      tpu.wait_dma2 semaphore(%arg13 : memref<!tpu.dma_semaphore, #tpu.memory_space<semaphore_mem>>) src(%dma_wait3A_731 : memref<8x128xf32, #tpu.memory_space<vmem>>) dst(%dma_wait3A_728 : memref<8x128xf32, #tpu.memory_space<hbm>>)
      %add3A_732 = arith.constant 38912 : i32
      %add3A_733 = arith.addi %add3A_36, %add3A_732 : i32
      %multiple_of3A_734 = tpu.assume_multiple %add3A_733, 8 : i32
      %dma_wait3A_735 = arith.constant 152 : i32
      %dma_wait3A_736 = arith.constant 0 : i32
      %dma_wait3A_737 = tpu.memref_slice %arg7[%dma_wait3A_735, %dma_wait3A_736] : memref<256x128xf32, #tpu.memory_space<vmem>> -> memref<8x128xf32, #tpu.memory_space<vmem>>
      %dma_wait3A_738 = arith.constant 0 : i32
      %dma_wait3A_739 = tpu.memref_slice %arg4[%multiple_of3A_734, %dma_wait3A_738] : memref<524288x128xf32, #tpu.memory_space<hbm>> -> memref<8x128xf32, #tpu.memory_space<hbm>>
      %dma_wait3A_740 = arith.constant 0 : i32
      %dma_wait3A_741 = tpu.memref_slice %arg4[%multiple_of3A_734, %dma_wait3A_740] : memref<524288x128xf32, #tpu.memory_space<hbm>> -> memref<8x128xf32, #tpu.memory_space<hbm>>
      %dma_wait3A_742 = arith.constant 152 : i32
      %dma_wait3A_743 = arith.constant 0 : i32
      %dma_wait3A_744 = tpu.memref_slice %arg7[%dma_wait3A_742, %dma_wait3A_743] : memref<256x128xf32, #tpu.memory_space<vmem>> -> memref<8x128xf32, #tpu.memory_space<vmem>>
      tpu.wait_dma2 semaphore(%arg13 : memref<!tpu.dma_semaphore, #tpu.memory_space<semaphore_mem>>) src(%dma_wait3A_744 : memref<8x128xf32, #tpu.memory_space<vmem>>) dst(%dma_wait3A_741 : memref<8x128xf32, #tpu.memory_space<hbm>>)
      %add3A_745 = arith.constant 40960 : i32
      %add3A_746 = arith.addi %add3A_36, %add3A_745 : i32
      %multiple_of3A_747 = tpu.assume_multiple %add3A_746, 8 : i32
      %dma_wait3A_748 = arith.constant 160 : i32
      %dma_wait3A_749 = arith.constant 0 : i32
      %dma_wait3A_750 = tpu.memref_slice %arg7[%dma_wait3A_748, %dma_wait3A_749] : memref<256x128xf32, #tpu.memory_space<vmem>> -> memref<8x128xf32, #tpu.memory_space<vmem>>
      %dma_wait3A_751 = arith.constant 0 : i32
      %dma_wait3A_752 = tpu.memref_slice %arg4[%multiple_of3A_747, %dma_wait3A_751] : memref<524288x128xf32, #tpu.memory_space<hbm>> -> memref<8x128xf32, #tpu.memory_space<hbm>>
      %dma_wait3A_753 = arith.constant 0 : i32
      %dma_wait3A_754 = tpu.memref_slice %arg4[%multiple_of3A_747, %dma_wait3A_753] : memref<524288x128xf32, #tpu.memory_space<hbm>> -> memref<8x128xf32, #tpu.memory_space<hbm>>
      %dma_wait3A_755 = arith.constant 160 : i32
      %dma_wait3A_756 = arith.constant 0 : i32
      %dma_wait3A_757 = tpu.memref_slice %arg7[%dma_wait3A_755, %dma_wait3A_756] : memref<256x128xf32, #tpu.memory_space<vmem>> -> memref<8x128xf32, #tpu.memory_space<vmem>>
      tpu.wait_dma2 semaphore(%arg13 : memref<!tpu.dma_semaphore, #tpu.memory_space<semaphore_mem>>) src(%dma_wait3A_757 : memref<8x128xf32, #tpu.memory_space<vmem>>) dst(%dma_wait3A_754 : memref<8x128xf32, #tpu.memory_space<hbm>>)
      %add3A_758 = arith.constant 43008 : i32
      %add3A_759 = arith.addi %add3A_36, %add3A_758 : i32
      %multiple_of3A_760 = tpu.assume_multiple %add3A_759, 8 : i32
      %dma_wait3A_761 = arith.constant 168 : i32
      %dma_wait3A_762 = arith.constant 0 : i32
      %dma_wait3A_763 = tpu.memref_slice %arg7[%dma_wait3A_761, %dma_wait3A_762] : memref<256x128xf32, #tpu.memory_space<vmem>> -> memref<8x128xf32, #tpu.memory_space<vmem>>
      %dma_wait3A_764 = arith.constant 0 : i32
      %dma_wait3A_765 = tpu.memref_slice %arg4[%multiple_of3A_760, %dma_wait3A_764] : memref<524288x128xf32, #tpu.memory_space<hbm>> -> memref<8x128xf32, #tpu.memory_space<hbm>>
      %dma_wait3A_766 = arith.constant 0 : i32
      %dma_wait3A_767 = tpu.memref_slice %arg4[%multiple_of3A_760, %dma_wait3A_766] : memref<524288x128xf32, #tpu.memory_space<hbm>> -> memref<8x128xf32, #tpu.memory_space<hbm>>
      %dma_wait3A_768 = arith.constant 168 : i32
      %dma_wait3A_769 = arith.constant 0 : i32
      %dma_wait3A_770 = tpu.memref_slice %arg7[%dma_wait3A_768, %dma_wait3A_769] : memref<256x128xf32, #tpu.memory_space<vmem>> -> memref<8x128xf32, #tpu.memory_space<vmem>>
      tpu.wait_dma2 semaphore(%arg13 : memref<!tpu.dma_semaphore, #tpu.memory_space<semaphore_mem>>) src(%dma_wait3A_770 : memref<8x128xf32, #tpu.memory_space<vmem>>) dst(%dma_wait3A_767 : memref<8x128xf32, #tpu.memory_space<hbm>>)
      %add3A_771 = arith.constant 45056 : i32
      %add3A_772 = arith.addi %add3A_36, %add3A_771 : i32
      %multiple_of3A_773 = tpu.assume_multiple %add3A_772, 8 : i32
      %dma_wait3A_774 = arith.constant 176 : i32
      %dma_wait3A_775 = arith.constant 0 : i32
      %dma_wait3A_776 = tpu.memref_slice %arg7[%dma_wait3A_774, %dma_wait3A_775] : memref<256x128xf32, #tpu.memory_space<vmem>> -> memref<8x128xf32, #tpu.memory_space<vmem>>
      %dma_wait3A_777 = arith.constant 0 : i32
      %dma_wait3A_778 = tpu.memref_slice %arg4[%multiple_of3A_773, %dma_wait3A_777] : memref<524288x128xf32, #tpu.memory_space<hbm>> -> memref<8x128xf32, #tpu.memory_space<hbm>>
      %dma_wait3A_779 = arith.constant 0 : i32
      %dma_wait3A_780 = tpu.memref_slice %arg4[%multiple_of3A_773, %dma_wait3A_779] : memref<524288x128xf32, #tpu.memory_space<hbm>> -> memref<8x128xf32, #tpu.memory_space<hbm>>
      %dma_wait3A_781 = arith.constant 176 : i32
      %dma_wait3A_782 = arith.constant 0 : i32
      %dma_wait3A_783 = tpu.memref_slice %arg7[%dma_wait3A_781, %dma_wait3A_782] : memref<256x128xf32, #tpu.memory_space<vmem>> -> memref<8x128xf32, #tpu.memory_space<vmem>>
      tpu.wait_dma2 semaphore(%arg13 : memref<!tpu.dma_semaphore, #tpu.memory_space<semaphore_mem>>) src(%dma_wait3A_783 : memref<8x128xf32, #tpu.memory_space<vmem>>) dst(%dma_wait3A_780 : memref<8x128xf32, #tpu.memory_space<hbm>>)
      %add3A_784 = arith.constant 47104 : i32
      %add3A_785 = arith.addi %add3A_36, %add3A_784 : i32
      %multiple_of3A_786 = tpu.assume_multiple %add3A_785, 8 : i32
      %dma_wait3A_787 = arith.constant 184 : i32
      %dma_wait3A_788 = arith.constant 0 : i32
      %dma_wait3A_789 = tpu.memref_slice %arg7[%dma_wait3A_787, %dma_wait3A_788] : memref<256x128xf32, #tpu.memory_space<vmem>> -> memref<8x128xf32, #tpu.memory_space<vmem>>
      %dma_wait3A_790 = arith.constant 0 : i32
      %dma_wait3A_791 = tpu.memref_slice %arg4[%multiple_of3A_786, %dma_wait3A_790] : memref<524288x128xf32, #tpu.memory_space<hbm>> -> memref<8x128xf32, #tpu.memory_space<hbm>>
      %dma_wait3A_792 = arith.constant 0 : i32
      %dma_wait3A_793 = tpu.memref_slice %arg4[%multiple_of3A_786, %dma_wait3A_792] : memref<524288x128xf32, #tpu.memory_space<hbm>> -> memref<8x128xf32, #tpu.memory_space<hbm>>
      %dma_wait3A_794 = arith.constant 184 : i32
      %dma_wait3A_795 = arith.constant 0 : i32
      %dma_wait3A_796 = tpu.memref_slice %arg7[%dma_wait3A_794, %dma_wait3A_795] : memref<256x128xf32, #tpu.memory_space<vmem>> -> memref<8x128xf32, #tpu.memory_space<vmem>>
      tpu.wait_dma2 semaphore(%arg13 : memref<!tpu.dma_semaphore, #tpu.memory_space<semaphore_mem>>) src(%dma_wait3A_796 : memref<8x128xf32, #tpu.memory_space<vmem>>) dst(%dma_wait3A_793 : memref<8x128xf32, #tpu.memory_space<hbm>>)
      %add3A_797 = arith.constant 49152 : i32
      %add3A_798 = arith.addi %add3A_36, %add3A_797 : i32
      %multiple_of3A_799 = tpu.assume_multiple %add3A_798, 8 : i32
      %dma_wait3A_800 = arith.constant 192 : i32
      %dma_wait3A_801 = arith.constant 0 : i32
      %dma_wait3A_802 = tpu.memref_slice %arg7[%dma_wait3A_800, %dma_wait3A_801] : memref<256x128xf32, #tpu.memory_space<vmem>> -> memref<8x128xf32, #tpu.memory_space<vmem>>
      %dma_wait3A_803 = arith.constant 0 : i32
      %dma_wait3A_804 = tpu.memref_slice %arg4[%multiple_of3A_799, %dma_wait3A_803] : memref<524288x128xf32, #tpu.memory_space<hbm>> -> memref<8x128xf32, #tpu.memory_space<hbm>>
      %dma_wait3A_805 = arith.constant 0 : i32
      %dma_wait3A_806 = tpu.memref_slice %arg4[%multiple_of3A_799, %dma_wait3A_805] : memref<524288x128xf32, #tpu.memory_space<hbm>> -> memref<8x128xf32, #tpu.memory_space<hbm>>
      %dma_wait3A_807 = arith.constant 192 : i32
      %dma_wait3A_808 = arith.constant 0 : i32
      %dma_wait3A_809 = tpu.memref_slice %arg7[%dma_wait3A_807, %dma_wait3A_808] : memref<256x128xf32, #tpu.memory_space<vmem>> -> memref<8x128xf32, #tpu.memory_space<vmem>>
      tpu.wait_dma2 semaphore(%arg13 : memref<!tpu.dma_semaphore, #tpu.memory_space<semaphore_mem>>) src(%dma_wait3A_809 : memref<8x128xf32, #tpu.memory_space<vmem>>) dst(%dma_wait3A_806 : memref<8x128xf32, #tpu.memory_space<hbm>>)
      %add3A_810 = arith.constant 51200 : i32
      %add3A_811 = arith.addi %add3A_36, %add3A_810 : i32
      %multiple_of3A_812 = tpu.assume_multiple %add3A_811, 8 : i32
      %dma_wait3A_813 = arith.constant 200 : i32
      %dma_wait3A_814 = arith.constant 0 : i32
      %dma_wait3A_815 = tpu.memref_slice %arg7[%dma_wait3A_813, %dma_wait3A_814] : memref<256x128xf32, #tpu.memory_space<vmem>> -> memref<8x128xf32, #tpu.memory_space<vmem>>
      %dma_wait3A_816 = arith.constant 0 : i32
      %dma_wait3A_817 = tpu.memref_slice %arg4[%multiple_of3A_812, %dma_wait3A_816] : memref<524288x128xf32, #tpu.memory_space<hbm>> -> memref<8x128xf32, #tpu.memory_space<hbm>>
      %dma_wait3A_818 = arith.constant 0 : i32
      %dma_wait3A_819 = tpu.memref_slice %arg4[%multiple_of3A_812, %dma_wait3A_818] : memref<524288x128xf32, #tpu.memory_space<hbm>> -> memref<8x128xf32, #tpu.memory_space<hbm>>
      %dma_wait3A_820 = arith.constant 200 : i32
      %dma_wait3A_821 = arith.constant 0 : i32
      %dma_wait3A_822 = tpu.memref_slice %arg7[%dma_wait3A_820, %dma_wait3A_821] : memref<256x128xf32, #tpu.memory_space<vmem>> -> memref<8x128xf32, #tpu.memory_space<vmem>>
      tpu.wait_dma2 semaphore(%arg13 : memref<!tpu.dma_semaphore, #tpu.memory_space<semaphore_mem>>) src(%dma_wait3A_822 : memref<8x128xf32, #tpu.memory_space<vmem>>) dst(%dma_wait3A_819 : memref<8x128xf32, #tpu.memory_space<hbm>>)
      %add3A_823 = arith.constant 53248 : i32
      %add3A_824 = arith.addi %add3A_36, %add3A_823 : i32
      %multiple_of3A_825 = tpu.assume_multiple %add3A_824, 8 : i32
      %dma_wait3A_826 = arith.constant 208 : i32
      %dma_wait3A_827 = arith.constant 0 : i32
      %dma_wait3A_828 = tpu.memref_slice %arg7[%dma_wait3A_826, %dma_wait3A_827] : memref<256x128xf32, #tpu.memory_space<vmem>> -> memref<8x128xf32, #tpu.memory_space<vmem>>
      %dma_wait3A_829 = arith.constant 0 : i32
      %dma_wait3A_830 = tpu.memref_slice %arg4[%multiple_of3A_825, %dma_wait3A_829] : memref<524288x128xf32, #tpu.memory_space<hbm>> -> memref<8x128xf32, #tpu.memory_space<hbm>>
      %dma_wait3A_831 = arith.constant 0 : i32
      %dma_wait3A_832 = tpu.memref_slice %arg4[%multiple_of3A_825, %dma_wait3A_831] : memref<524288x128xf32, #tpu.memory_space<hbm>> -> memref<8x128xf32, #tpu.memory_space<hbm>>
      %dma_wait3A_833 = arith.constant 208 : i32
      %dma_wait3A_834 = arith.constant 0 : i32
      %dma_wait3A_835 = tpu.memref_slice %arg7[%dma_wait3A_833, %dma_wait3A_834] : memref<256x128xf32, #tpu.memory_space<vmem>> -> memref<8x128xf32, #tpu.memory_space<vmem>>
      tpu.wait_dma2 semaphore(%arg13 : memref<!tpu.dma_semaphore, #tpu.memory_space<semaphore_mem>>) src(%dma_wait3A_835 : memref<8x128xf32, #tpu.memory_space<vmem>>) dst(%dma_wait3A_832 : memref<8x128xf32, #tpu.memory_space<hbm>>)
      %add3A_836 = arith.constant 55296 : i32
      %add3A_837 = arith.addi %add3A_36, %add3A_836 : i32
      %multiple_of3A_838 = tpu.assume_multiple %add3A_837, 8 : i32
      %dma_wait3A_839 = arith.constant 216 : i32
      %dma_wait3A_840 = arith.constant 0 : i32
      %dma_wait3A_841 = tpu.memref_slice %arg7[%dma_wait3A_839, %dma_wait3A_840] : memref<256x128xf32, #tpu.memory_space<vmem>> -> memref<8x128xf32, #tpu.memory_space<vmem>>
      %dma_wait3A_842 = arith.constant 0 : i32
      %dma_wait3A_843 = tpu.memref_slice %arg4[%multiple_of3A_838, %dma_wait3A_842] : memref<524288x128xf32, #tpu.memory_space<hbm>> -> memref<8x128xf32, #tpu.memory_space<hbm>>
      %dma_wait3A_844 = arith.constant 0 : i32
      %dma_wait3A_845 = tpu.memref_slice %arg4[%multiple_of3A_838, %dma_wait3A_844] : memref<524288x128xf32, #tpu.memory_space<hbm>> -> memref<8x128xf32, #tpu.memory_space<hbm>>
      %dma_wait3A_846 = arith.constant 216 : i32
      %dma_wait3A_847 = arith.constant 0 : i32
      %dma_wait3A_848 = tpu.memref_slice %arg7[%dma_wait3A_846, %dma_wait3A_847] : memref<256x128xf32, #tpu.memory_space<vmem>> -> memref<8x128xf32, #tpu.memory_space<vmem>>
      tpu.wait_dma2 semaphore(%arg13 : memref<!tpu.dma_semaphore, #tpu.memory_space<semaphore_mem>>) src(%dma_wait3A_848 : memref<8x128xf32, #tpu.memory_space<vmem>>) dst(%dma_wait3A_845 : memref<8x128xf32, #tpu.memory_space<hbm>>)
      %add3A_849 = arith.constant 57344 : i32
      %add3A_850 = arith.addi %add3A_36, %add3A_849 : i32
      %multiple_of3A_851 = tpu.assume_multiple %add3A_850, 8 : i32
      %dma_wait3A_852 = arith.constant 224 : i32
      %dma_wait3A_853 = arith.constant 0 : i32
      %dma_wait3A_854 = tpu.memref_slice %arg7[%dma_wait3A_852, %dma_wait3A_853] : memref<256x128xf32, #tpu.memory_space<vmem>> -> memref<8x128xf32, #tpu.memory_space<vmem>>
      %dma_wait3A_855 = arith.constant 0 : i32
      %dma_wait3A_856 = tpu.memref_slice %arg4[%multiple_of3A_851, %dma_wait3A_855] : memref<524288x128xf32, #tpu.memory_space<hbm>> -> memref<8x128xf32, #tpu.memory_space<hbm>>
      %dma_wait3A_857 = arith.constant 0 : i32
      %dma_wait3A_858 = tpu.memref_slice %arg4[%multiple_of3A_851, %dma_wait3A_857] : memref<524288x128xf32, #tpu.memory_space<hbm>> -> memref<8x128xf32, #tpu.memory_space<hbm>>
      %dma_wait3A_859 = arith.constant 224 : i32
      %dma_wait3A_860 = arith.constant 0 : i32
      %dma_wait3A_861 = tpu.memref_slice %arg7[%dma_wait3A_859, %dma_wait3A_860] : memref<256x128xf32, #tpu.memory_space<vmem>> -> memref<8x128xf32, #tpu.memory_space<vmem>>
      tpu.wait_dma2 semaphore(%arg13 : memref<!tpu.dma_semaphore, #tpu.memory_space<semaphore_mem>>) src(%dma_wait3A_861 : memref<8x128xf32, #tpu.memory_space<vmem>>) dst(%dma_wait3A_858 : memref<8x128xf32, #tpu.memory_space<hbm>>)
      %add3A_862 = arith.constant 59392 : i32
      %add3A_863 = arith.addi %add3A_36, %add3A_862 : i32
      %multiple_of3A_864 = tpu.assume_multiple %add3A_863, 8 : i32
      %dma_wait3A_865 = arith.constant 232 : i32
      %dma_wait3A_866 = arith.constant 0 : i32
      %dma_wait3A_867 = tpu.memref_slice %arg7[%dma_wait3A_865, %dma_wait3A_866] : memref<256x128xf32, #tpu.memory_space<vmem>> -> memref<8x128xf32, #tpu.memory_space<vmem>>
      %dma_wait3A_868 = arith.constant 0 : i32
      %dma_wait3A_869 = tpu.memref_slice %arg4[%multiple_of3A_864, %dma_wait3A_868] : memref<524288x128xf32, #tpu.memory_space<hbm>> -> memref<8x128xf32, #tpu.memory_space<hbm>>
      %dma_wait3A_870 = arith.constant 0 : i32
      %dma_wait3A_871 = tpu.memref_slice %arg4[%multiple_of3A_864, %dma_wait3A_870] : memref<524288x128xf32, #tpu.memory_space<hbm>> -> memref<8x128xf32, #tpu.memory_space<hbm>>
      %dma_wait3A_872 = arith.constant 232 : i32
      %dma_wait3A_873 = arith.constant 0 : i32
      %dma_wait3A_874 = tpu.memref_slice %arg7[%dma_wait3A_872, %dma_wait3A_873] : memref<256x128xf32, #tpu.memory_space<vmem>> -> memref<8x128xf32, #tpu.memory_space<vmem>>
      tpu.wait_dma2 semaphore(%arg13 : memref<!tpu.dma_semaphore, #tpu.memory_space<semaphore_mem>>) src(%dma_wait3A_874 : memref<8x128xf32, #tpu.memory_space<vmem>>) dst(%dma_wait3A_871 : memref<8x128xf32, #tpu.memory_space<hbm>>)
      %add3A_875 = arith.constant 61440 : i32
      %add3A_876 = arith.addi %add3A_36, %add3A_875 : i32
      %multiple_of3A_877 = tpu.assume_multiple %add3A_876, 8 : i32
      %dma_wait3A_878 = arith.constant 240 : i32
      %dma_wait3A_879 = arith.constant 0 : i32
      %dma_wait3A_880 = tpu.memref_slice %arg7[%dma_wait3A_878, %dma_wait3A_879] : memref<256x128xf32, #tpu.memory_space<vmem>> -> memref<8x128xf32, #tpu.memory_space<vmem>>
      %dma_wait3A_881 = arith.constant 0 : i32
      %dma_wait3A_882 = tpu.memref_slice %arg4[%multiple_of3A_877, %dma_wait3A_881] : memref<524288x128xf32, #tpu.memory_space<hbm>> -> memref<8x128xf32, #tpu.memory_space<hbm>>
      %dma_wait3A_883 = arith.constant 0 : i32
      %dma_wait3A_884 = tpu.memref_slice %arg4[%multiple_of3A_877, %dma_wait3A_883] : memref<524288x128xf32, #tpu.memory_space<hbm>> -> memref<8x128xf32, #tpu.memory_space<hbm>>
      %dma_wait3A_885 = arith.constant 240 : i32
      %dma_wait3A_886 = arith.constant 0 : i32
      %dma_wait3A_887 = tpu.memref_slice %arg7[%dma_wait3A_885, %dma_wait3A_886] : memref<256x128xf32, #tpu.memory_space<vmem>> -> memref<8x128xf32, #tpu.memory_space<vmem>>
      tpu.wait_dma2 semaphore(%arg13 : memref<!tpu.dma_semaphore, #tpu.memory_space<semaphore_mem>>) src(%dma_wait3A_887 : memref<8x128xf32, #tpu.memory_space<vmem>>) dst(%dma_wait3A_884 : memref<8x128xf32, #tpu.memory_space<hbm>>)
      %add3A_888 = arith.constant 63488 : i32
      %add3A_889 = arith.addi %add3A_36, %add3A_888 : i32
      %multiple_of3A_890 = tpu.assume_multiple %add3A_889, 8 : i32
      %dma_wait3A_891 = arith.constant 248 : i32
      %dma_wait3A_892 = arith.constant 0 : i32
      %dma_wait3A_893 = tpu.memref_slice %arg7[%dma_wait3A_891, %dma_wait3A_892] : memref<256x128xf32, #tpu.memory_space<vmem>> -> memref<8x128xf32, #tpu.memory_space<vmem>>
      %dma_wait3A_894 = arith.constant 0 : i32
      %dma_wait3A_895 = tpu.memref_slice %arg4[%multiple_of3A_890, %dma_wait3A_894] : memref<524288x128xf32, #tpu.memory_space<hbm>> -> memref<8x128xf32, #tpu.memory_space<hbm>>
      %dma_wait3A_896 = arith.constant 0 : i32
      %dma_wait3A_897 = tpu.memref_slice %arg4[%multiple_of3A_890, %dma_wait3A_896] : memref<524288x128xf32, #tpu.memory_space<hbm>> -> memref<8x128xf32, #tpu.memory_space<hbm>>
      %dma_wait3A_898 = arith.constant 248 : i32
      %dma_wait3A_899 = arith.constant 0 : i32
      %dma_wait3A_900 = tpu.memref_slice %arg7[%dma_wait3A_898, %dma_wait3A_899] : memref<256x128xf32, #tpu.memory_space<vmem>> -> memref<8x128xf32, #tpu.memory_space<vmem>>
      tpu.wait_dma2 semaphore(%arg13 : memref<!tpu.dma_semaphore, #tpu.memory_space<semaphore_mem>>) src(%dma_wait3A_900 : memref<8x128xf32, #tpu.memory_space<vmem>>) dst(%dma_wait3A_897 : memref<8x128xf32, #tpu.memory_space<hbm>>)
      %add3A_901 = arith.constant 127 : i32
      %add3A_902 = arith.addi %scan3A_42, %add3A_901 : i32
      %jit3A_903 = arith.constant 128 : i32
      %div3A_904 = arith.divsi %add3A_902, %jit3A_903 : i32
      %sign3A_905 = arith.constant 0 : i32
      %sign3A_906 = arith.cmpi sgt, %add3A_902, %sign3A_905 : i32
      %sign3A_907 = arith.extui %sign3A_906 : i1 to i32
      %sign3A_908 = arith.constant 0 : i32
      %sign3A_909 = arith.cmpi slt, %add3A_902, %sign3A_908 : i32
      %sign3A_910 = arith.extui %sign3A_909 : i1 to i32
      %sign3A_911 = arith.subi %sign3A_907, %sign3A_910 : i32
      %sign3A_912 = arith.constant 0 : i32
      %sign3A_913 = arith.cmpi sgt, %jit3A_903, %sign3A_912 : i32
      %sign3A_914 = arith.extui %sign3A_913 : i1 to i32
      %sign3A_915 = arith.constant 0 : i32
      %sign3A_916 = arith.cmpi slt, %jit3A_903, %sign3A_915 : i32
      %sign3A_917 = arith.extui %sign3A_916 : i1 to i32
      %sign3A_918 = arith.subi %sign3A_914, %sign3A_917 : i32
      %ne3A_919 = arith.cmpi ne, %sign3A_911, %sign3A_918 : i32
      %rem3A_920 = arith.remsi %add3A_902, %jit3A_903 : i32
      %ne3A_921 = arith.constant 0 : i32
      %ne3A_922 = arith.cmpi ne, %rem3A_920, %ne3A_921 : i32
      %and3A_923 = arith.andi %ne3A_919, %ne3A_922 : i1
      %sub3A_924 = arith.constant 1 : i32
      %sub3A_925 = arith.subi %div3A_904, %sub3A_924 : i32
      %select_n3A_926 = arith.select %and3A_923, %sub3A_925, %div3A_904 : i32
      %while3A_927 = arith.constant 0 : i32
      %while3A_928 = arith.constant 0 : i32
      %while3A_929 = arith.subi %select_n3A_926, %while3A_928 : i32
      %while3A_930 = arith.addi %while3A_928, %while3A_929 : i32
      %while3A_931 = arith.constant 1 : i32
      %while3A_932 = arith.divsi %while3A_929, %while3A_931 : i32
      %while3A_933 = arith.muli %while3A_932, %while3A_931 : i32
      %while3A_934 = arith.addi %while3A_928, %while3A_933 : i32
      %while3A_935 = arith.constant 1 : i32
      scf.for %while3A_1841 = %while3A_928 to %while3A_934 step %while3A_935  : i32 {
        %mul3A_1842 = arith.constant 128 : i32
        %mul3A_1843 = arith.muli %while3A_1841, %mul3A_1842 : i32
        %sub3A_1844 = arith.subi %scan3A_42, %mul3A_1843 : i32
        %min3A = arith.constant 128 : i32
        %min3A_1845 = arith.minsi %sub3A_1844, %min3A : i32
        %add3A_1846 = arith.constant 16 : i32
        %add3A_1847 = arith.addi %min3A_1845, %add3A_1846 : i32
        %sub3A_1848 = arith.constant 1 : i32
        %sub3A_1849 = arith.subi %add3A_1847, %sub3A_1848 : i32
        %jit3A_1850 = arith.constant 16 : i32
        %div3A_1851 = arith.divsi %sub3A_1849, %jit3A_1850 : i32
        %sign3A_1852 = arith.constant 0 : i32
        %sign3A_1853 = arith.cmpi sgt, %sub3A_1849, %sign3A_1852 : i32
        %sign3A_1854 = arith.extui %sign3A_1853 : i1 to i32
        %sign3A_1855 = arith.constant 0 : i32
        %sign3A_1856 = arith.cmpi slt, %sub3A_1849, %sign3A_1855 : i32
        %sign3A_1857 = arith.extui %sign3A_1856 : i1 to i32
        %sign3A_1858 = arith.subi %sign3A_1854, %sign3A_1857 : i32
        %sign3A_1859 = arith.constant 0 : i32
        %sign3A_1860 = arith.cmpi sgt, %jit3A_1850, %sign3A_1859 : i32
        %sign3A_1861 = arith.extui %sign3A_1860 : i1 to i32
        %sign3A_1862 = arith.constant 0 : i32
        %sign3A_1863 = arith.cmpi slt, %jit3A_1850, %sign3A_1862 : i32
        %sign3A_1864 = arith.extui %sign3A_1863 : i1 to i32
        %sign3A_1865 = arith.subi %sign3A_1861, %sign3A_1864 : i32
        %ne3A_1866 = arith.cmpi ne, %sign3A_1858, %sign3A_1865 : i32
        %rem3A_1867 = arith.remsi %sub3A_1849, %jit3A_1850 : i32
        %ne3A_1868 = arith.constant 0 : i32
        %ne3A_1869 = arith.cmpi ne, %rem3A_1867, %ne3A_1868 : i32
        %and3A_1870 = arith.andi %ne3A_1866, %ne3A_1869 : i1
        %sub3A_1871 = arith.constant 1 : i32
        %sub3A_1872 = arith.subi %div3A_1851, %sub3A_1871 : i32
        %select_n3A_1873 = arith.select %and3A_1870, %sub3A_1872, %div3A_1851 : i32
        %while3A_1874 = arith.constant 0 : i32
        %while3A_1875 = arith.constant 0 : i32
        %while3A_1876 = arith.subi %select_n3A_1873, %while3A_1875 : i32
        %while3A_1877 = arith.addi %while3A_1875, %while3A_1876 : i32
        %while3A_1878 = arith.constant 1 : i32
        %while3A_1879 = arith.divsi %while3A_1876, %while3A_1878 : i32
        %while3A_1880 = arith.muli %while3A_1879, %while3A_1878 : i32
        %while3A_1881 = arith.addi %while3A_1875, %while3A_1880 : i32
        %while3A_1882 = arith.constant 1 : i32
        scf.for %while3A_1884 = %while3A_1875 to %while3A_1881 step %while3A_1882  : i32 {
          %mul3A_1885 = arith.constant 16 : i32
          %mul3A_1886 = arith.muli %while3A_1884, %mul3A_1885 : i32
          %add3A_1887 = arith.addi %mul3A_1843, %mul3A_1886 : i32
          %add3A_1888 = vector.broadcast %add3A_1887 : i32 to vector<16xi32>
          %add3A_1889 = arith.addi %add3A_1888, %iota3A : vector<16xi32>
          %lt3A = vector.broadcast %scan3A_42 : i32 to vector<16xi32>
          %lt3A_1890 = arith.cmpi slt, %add3A_1889, %lt3A : vector<16xi32>
          %mul3A_1891 = arith.constant 16 : i32
          %mul3A_1892 = arith.muli %while3A_1884, %mul3A_1891 : i32
          %add3A_1893 = arith.addi %mul3A_1843, %mul3A_1892 : i32
          %get3A = arith.index_cast %add3A_1893 : i32 to index
          %get3A_1894 = tpu.vector_load %arg9[%get3A] {strides = array<i32>} : memref<1024xi32, #tpu.memory_space<vmem>>, vector<16xi32>,
          %jit3A_1895 = arith.constant 0 : i32
          %jit3A_1896 = arith.constant 1023 : i32
          %max3A = vector.broadcast %jit3A_1895 : i32 to vector<16xi32>
          %max3A_1897 = arith.maxsi %max3A, %get3A_1894 : vector<16xi32>
          %min3A_1898 = vector.broadcast %jit3A_1896 : i32 to vector<16xi32>
          %min3A_1899 = arith.minsi %min3A_1898, %max3A_1897 : vector<16xi32>
          %shift_right_logical3A_1900 = arith.constant 7 : i32
          %shift_right_logical3A_1901 = vector.broadcast %shift_right_logical3A_1900 : i32 to vector<16xi32>
          %shift_right_logical3A_1902 = arith.shrui %min3A_1899, %shift_right_logical3A_1901 : vector<16xi32>
          %and3A_1903 = arith.constant 127 : i32
          %and3A_1904 = vector.broadcast %and3A_1903 : i32 to vector<16xi32>
          %and3A_1905 = arith.andi %min3A_1899, %and3A_1904 : vector<16xi32>
          %broadcast_in_dim3A = arith.constant 0.000000e+00 : f32
          %broadcast_in_dim3A_1906 = vector.broadcast %broadcast_in_dim3A : f32 to vector<16xf32>
          %scan3A_1907 = arith.constant 0 : i32
          %scan3A_1908 = arith.constant 0 : i32
          %scan3A_1909 = arith.constant 32 : i32
          %scan3A_1910 = arith.addi %scan3A_1908, %scan3A_1909 : i32
          %scan3A_1911 = arith.constant 4 : i32
          scf.for %scan3A_1913 = %scan3A_1908 to %scan3A_1910 step %scan3A_1911  : i32 {
            %mul3A_1914 = arith.constant 8 : i32
            %mul3A_1915 = arith.muli %scan3A_1913, %mul3A_1914 : i32
            %add3A_1916 = vector.broadcast %mul3A_1915 : i32 to vector<16xi32>
            %add3A_1917 = arith.addi %add3A_1916, %shift_right_logical3A_1902 : vector<16xi32>
            tpu.vector_store_idx %arg7[%add3A_1917, %and3A_1905], %broadcast_in_dim3A_1906 masked %lt3A_1890 : memref<256x128xf32, #tpu.memory_space<vmem>>[vector<16xi32>, vector<16xi32>], vector<16xf32>, vector<16xi1>
            %scan3A_1918 = arith.constant 1 : i32
            %scan3A_1919 = arith.addi %scan3A_1913, %scan3A_1918 : i32
            %mul3A_1920 = arith.constant 8 : i32
            %mul3A_1921 = arith.muli %scan3A_1919, %mul3A_1920 : i32
            %add3A_1922 = vector.broadcast %mul3A_1921 : i32 to vector<16xi32>
            %add3A_1923 = arith.addi %add3A_1922, %shift_right_logical3A_1902 : vector<16xi32>
            tpu.vector_store_idx %arg7[%add3A_1923, %and3A_1905], %broadcast_in_dim3A_1906 masked %lt3A_1890 : memref<256x128xf32, #tpu.memory_space<vmem>>[vector<16xi32>, vector<16xi32>], vector<16xf32>, vector<16xi1>
            %scan3A_1924 = arith.constant 2 : i32
            %scan3A_1925 = arith.addi %scan3A_1913, %scan3A_1924 : i32
            %mul3A_1926 = arith.constant 8 : i32
            %mul3A_1927 = arith.muli %scan3A_1925, %mul3A_1926 : i32
            %add3A_1928 = vector.broadcast %mul3A_1927 : i32 to vector<16xi32>
            %add3A_1929 = arith.addi %add3A_1928, %shift_right_logical3A_1902 : vector<16xi32>
            tpu.vector_store_idx %arg7[%add3A_1929, %and3A_1905], %broadcast_in_dim3A_1906 masked %lt3A_1890 : memref<256x128xf32, #tpu.memory_space<vmem>>[vector<16xi32>, vector<16xi32>], vector<16xf32>, vector<16xi1>
            %scan3A_1930 = arith.constant 3 : i32
            %scan3A_1931 = arith.addi %scan3A_1913, %scan3A_1930 : i32
            %mul3A_1932 = arith.constant 8 : i32
            %mul3A_1933 = arith.muli %scan3A_1931, %mul3A_1932 : i32
            %add3A_1934 = vector.broadcast %mul3A_1933 : i32 to vector<16xi32>
            %add3A_1935 = arith.addi %add3A_1934, %shift_right_logical3A_1902 : vector<16xi32>
            tpu.vector_store_idx %arg7[%add3A_1935, %and3A_1905], %broadcast_in_dim3A_1906 masked %lt3A_1890 : memref<256x128xf32, #tpu.memory_space<vmem>>[vector<16xi32>, vector<16xi32>], vector<16xf32>, vector<16xi1>
          }
          %scan3A_1912 = arith.constant 32 : i32
        }
        %while3A_1883 = arith.constant 1 : i32
        scf.for %while3A_1884 = %while3A_1881 to %while3A_1877 step %while3A_1883  : i32 {
          %mul3A_1885 = arith.constant 16 : i32
          %mul3A_1886 = arith.muli %while3A_1884, %mul3A_1885 : i32
          %add3A_1887 = arith.addi %mul3A_1843, %mul3A_1886 : i32
          %add3A_1888 = vector.broadcast %add3A_1887 : i32 to vector<16xi32>
          %add3A_1889 = arith.addi %add3A_1888, %iota3A : vector<16xi32>
          %lt3A = vector.broadcast %scan3A_42 : i32 to vector<16xi32>
          %lt3A_1890 = arith.cmpi slt, %add3A_1889, %lt3A : vector<16xi32>
          %mul3A_1891 = arith.constant 16 : i32
          %mul3A_1892 = arith.muli %while3A_1884, %mul3A_1891 : i32
          %add3A_1893 = arith.addi %mul3A_1843, %mul3A_1892 : i32
          %get3A = arith.index_cast %add3A_1893 : i32 to index
          %get3A_1894 = tpu.vector_load %arg9[%get3A] {strides = array<i32>} : memref<1024xi32, #tpu.memory_space<vmem>>, vector<16xi32>,
          %jit3A_1895 = arith.constant 0 : i32
          %jit3A_1896 = arith.constant 1023 : i32
          %max3A = vector.broadcast %jit3A_1895 : i32 to vector<16xi32>
          %max3A_1897 = arith.maxsi %max3A, %get3A_1894 : vector<16xi32>
          %min3A_1898 = vector.broadcast %jit3A_1896 : i32 to vector<16xi32>
          %min3A_1899 = arith.minsi %min3A_1898, %max3A_1897 : vector<16xi32>
          %shift_right_logical3A_1900 = arith.constant 7 : i32
          %shift_right_logical3A_1901 = vector.broadcast %shift_right_logical3A_1900 : i32 to vector<16xi32>
          %shift_right_logical3A_1902 = arith.shrui %min3A_1899, %shift_right_logical3A_1901 : vector<16xi32>
          %and3A_1903 = arith.constant 127 : i32
          %and3A_1904 = vector.broadcast %and3A_1903 : i32 to vector<16xi32>
          %and3A_1905 = arith.andi %min3A_1899, %and3A_1904 : vector<16xi32>
          %broadcast_in_dim3A = arith.constant 0.000000e+00 : f32
          %broadcast_in_dim3A_1906 = vector.broadcast %broadcast_in_dim3A : f32 to vector<16xf32>
          %scan3A_1907 = arith.constant 0 : i32
          %scan3A_1908 = arith.constant 0 : i32
          %scan3A_1909 = arith.constant 32 : i32
          %scan3A_1910 = arith.addi %scan3A_1908, %scan3A_1909 : i32
          %scan3A_1911 = arith.constant 4 : i32
          scf.for %scan3A_1913 = %scan3A_1908 to %scan3A_1910 step %scan3A_1911  : i32 {
            %mul3A_1914 = arith.constant 8 : i32
            %mul3A_1915 = arith.muli %scan3A_1913, %mul3A_1914 : i32
            %add3A_1916 = vector.broadcast %mul3A_1915 : i32 to vector<16xi32>
            %add3A_1917 = arith.addi %add3A_1916, %shift_right_logical3A_1902 : vector<16xi32>
            tpu.vector_store_idx %arg7[%add3A_1917, %and3A_1905], %broadcast_in_dim3A_1906 masked %lt3A_1890 : memref<256x128xf32, #tpu.memory_space<vmem>>[vector<16xi32>, vector<16xi32>], vector<16xf32>, vector<16xi1>
            %scan3A_1918 = arith.constant 1 : i32
            %scan3A_1919 = arith.addi %scan3A_1913, %scan3A_1918 : i32
            %mul3A_1920 = arith.constant 8 : i32
            %mul3A_1921 = arith.muli %scan3A_1919, %mul3A_1920 : i32
            %add3A_1922 = vector.broadcast %mul3A_1921 : i32 to vector<16xi32>
            %add3A_1923 = arith.addi %add3A_1922, %shift_right_logical3A_1902 : vector<16xi32>
            tpu.vector_store_idx %arg7[%add3A_1923, %and3A_1905], %broadcast_in_dim3A_1906 masked %lt3A_1890 : memref<256x128xf32, #tpu.memory_space<vmem>>[vector<16xi32>, vector<16xi32>], vector<16xf32>, vector<16xi1>
            %scan3A_1924 = arith.constant 2 : i32
            %scan3A_1925 = arith.addi %scan3A_1913, %scan3A_1924 : i32
            %mul3A_1926 = arith.constant 8 : i32
            %mul3A_1927 = arith.muli %scan3A_1925, %mul3A_1926 : i32
            %add3A_1928 = vector.broadcast %mul3A_1927 : i32 to vector<16xi32>
            %add3A_1929 = arith.addi %add3A_1928, %shift_right_logical3A_1902 : vector<16xi32>
            tpu.vector_store_idx %arg7[%add3A_1929, %and3A_1905], %broadcast_in_dim3A_1906 masked %lt3A_1890 : memref<256x128xf32, #tpu.memory_space<vmem>>[vector<16xi32>, vector<16xi32>], vector<16xf32>, vector<16xi1>
            %scan3A_1930 = arith.constant 3 : i32
            %scan3A_1931 = arith.addi %scan3A_1913, %scan3A_1930 : i32
            %mul3A_1932 = arith.constant 8 : i32
            %mul3A_1933 = arith.muli %scan3A_1931, %mul3A_1932 : i32
            %add3A_1934 = vector.broadcast %mul3A_1933 : i32 to vector<16xi32>
            %add3A_1935 = arith.addi %add3A_1934, %shift_right_logical3A_1902 : vector<16xi32>
            tpu.vector_store_idx %arg7[%add3A_1935, %and3A_1905], %broadcast_in_dim3A_1906 masked %lt3A_1890 : memref<256x128xf32, #tpu.memory_space<vmem>>[vector<16xi32>, vector<16xi32>], vector<16xf32>, vector<16xi1>
          }
          %scan3A_1912 = arith.constant 32 : i32
        }
      }
      %while3A_936 = arith.constant 1 : i32
      scf.for %while3A_1841 = %while3A_934 to %while3A_930 step %while3A_936  : i32 {
        %mul3A_1842 = arith.constant 128 : i32
        %mul3A_1843 = arith.muli %while3A_1841, %mul3A_1842 : i32
        %sub3A_1844 = arith.subi %scan3A_42, %mul3A_1843 : i32
        %min3A = arith.constant 128 : i32
        %min3A_1845 = arith.minsi %sub3A_1844, %min3A : i32
        %add3A_1846 = arith.constant 16 : i32
        %add3A_1847 = arith.addi %min3A_1845, %add3A_1846 : i32
        %sub3A_1848 = arith.constant 1 : i32
        %sub3A_1849 = arith.subi %add3A_1847, %sub3A_1848 : i32
        %jit3A_1850 = arith.constant 16 : i32
        %div3A_1851 = arith.divsi %sub3A_1849, %jit3A_1850 : i32
        %sign3A_1852 = arith.constant 0 : i32
        %sign3A_1853 = arith.cmpi sgt, %sub3A_1849, %sign3A_1852 : i32
        %sign3A_1854 = arith.extui %sign3A_1853 : i1 to i32
        %sign3A_1855 = arith.constant 0 : i32
        %sign3A_1856 = arith.cmpi slt, %sub3A_1849, %sign3A_1855 : i32
        %sign3A_1857 = arith.extui %sign3A_1856 : i1 to i32
        %sign3A_1858 = arith.subi %sign3A_1854, %sign3A_1857 : i32
        %sign3A_1859 = arith.constant 0 : i32
        %sign3A_1860 = arith.cmpi sgt, %jit3A_1850, %sign3A_1859 : i32
        %sign3A_1861 = arith.extui %sign3A_1860 : i1 to i32
        %sign3A_1862 = arith.constant 0 : i32
        %sign3A_1863 = arith.cmpi slt, %jit3A_1850, %sign3A_1862 : i32
        %sign3A_1864 = arith.extui %sign3A_1863 : i1 to i32
        %sign3A_1865 = arith.subi %sign3A_1861, %sign3A_1864 : i32
        %ne3A_1866 = arith.cmpi ne, %sign3A_1858, %sign3A_1865 : i32
        %rem3A_1867 = arith.remsi %sub3A_1849, %jit3A_1850 : i32
        %ne3A_1868 = arith.constant 0 : i32
        %ne3A_1869 = arith.cmpi ne, %rem3A_1867, %ne3A_1868 : i32
        %and3A_1870 = arith.andi %ne3A_1866, %ne3A_1869 : i1
        %sub3A_1871 = arith.constant 1 : i32
        %sub3A_1872 = arith.subi %div3A_1851, %sub3A_1871 : i32
        %select_n3A_1873 = arith.select %and3A_1870, %sub3A_1872, %div3A_1851 : i32
        %while3A_1874 = arith.constant 0 : i32
        %while3A_1875 = arith.constant 0 : i32
        %while3A_1876 = arith.subi %select_n3A_1873, %while3A_1875 : i32
        %while3A_1877 = arith.addi %while3A_1875, %while3A_1876 : i32
        %while3A_1878 = arith.constant 1 : i32
        %while3A_1879 = arith.divsi %while3A_1876, %while3A_1878 : i32
        %while3A_1880 = arith.muli %while3A_1879, %while3A_1878 : i32
        %while3A_1881 = arith.addi %while3A_1875, %while3A_1880 : i32
        %while3A_1882 = arith.constant 1 : i32
        scf.for %while3A_1884 = %while3A_1875 to %while3A_1881 step %while3A_1882  : i32 {
          %mul3A_1885 = arith.constant 16 : i32
          %mul3A_1886 = arith.muli %while3A_1884, %mul3A_1885 : i32
          %add3A_1887 = arith.addi %mul3A_1843, %mul3A_1886 : i32
          %add3A_1888 = vector.broadcast %add3A_1887 : i32 to vector<16xi32>
          %add3A_1889 = arith.addi %add3A_1888, %iota3A : vector<16xi32>
          %lt3A = vector.broadcast %scan3A_42 : i32 to vector<16xi32>
          %lt3A_1890 = arith.cmpi slt, %add3A_1889, %lt3A : vector<16xi32>
          %mul3A_1891 = arith.constant 16 : i32
          %mul3A_1892 = arith.muli %while3A_1884, %mul3A_1891 : i32
          %add3A_1893 = arith.addi %mul3A_1843, %mul3A_1892 : i32
          %get3A = arith.index_cast %add3A_1893 : i32 to index
          %get3A_1894 = tpu.vector_load %arg9[%get3A] {strides = array<i32>} : memref<1024xi32, #tpu.memory_space<vmem>>, vector<16xi32>,
          %jit3A_1895 = arith.constant 0 : i32
          %jit3A_1896 = arith.constant 1023 : i32
          %max3A = vector.broadcast %jit3A_1895 : i32 to vector<16xi32>
          %max3A_1897 = arith.maxsi %max3A, %get3A_1894 : vector<16xi32>
          %min3A_1898 = vector.broadcast %jit3A_1896 : i32 to vector<16xi32>
          %min3A_1899 = arith.minsi %min3A_1898, %max3A_1897 : vector<16xi32>
          %shift_right_logical3A_1900 = arith.constant 7 : i32
          %shift_right_logical3A_1901 = vector.broadcast %shift_right_logical3A_1900 : i32 to vector<16xi32>
          %shift_right_logical3A_1902 = arith.shrui %min3A_1899, %shift_right_logical3A_1901 : vector<16xi32>
          %and3A_1903 = arith.constant 127 : i32
          %and3A_1904 = vector.broadcast %and3A_1903 : i32 to vector<16xi32>
          %and3A_1905 = arith.andi %min3A_1899, %and3A_1904 : vector<16xi32>
          %broadcast_in_dim3A = arith.constant 0.000000e+00 : f32
          %broadcast_in_dim3A_1906 = vector.broadcast %broadcast_in_dim3A : f32 to vector<16xf32>
          %scan3A_1907 = arith.constant 0 : i32
          %scan3A_1908 = arith.constant 0 : i32
          %scan3A_1909 = arith.constant 32 : i32
          %scan3A_1910 = arith.addi %scan3A_1908, %scan3A_1909 : i32
          %scan3A_1911 = arith.constant 4 : i32
          scf.for %scan3A_1913 = %scan3A_1908 to %scan3A_1910 step %scan3A_1911  : i32 {
            %mul3A_1914 = arith.constant 8 : i32
            %mul3A_1915 = arith.muli %scan3A_1913, %mul3A_1914 : i32
            %add3A_1916 = vector.broadcast %mul3A_1915 : i32 to vector<16xi32>
            %add3A_1917 = arith.addi %add3A_1916, %shift_right_logical3A_1902 : vector<16xi32>
            tpu.vector_store_idx %arg7[%add3A_1917, %and3A_1905], %broadcast_in_dim3A_1906 masked %lt3A_1890 : memref<256x128xf32, #tpu.memory_space<vmem>>[vector<16xi32>, vector<16xi32>], vector<16xf32>, vector<16xi1>
            %scan3A_1918 = arith.constant 1 : i32
            %scan3A_1919 = arith.addi %scan3A_1913, %scan3A_1918 : i32
            %mul3A_1920 = arith.constant 8 : i32
            %mul3A_1921 = arith.muli %scan3A_1919, %mul3A_1920 : i32
            %add3A_1922 = vector.broadcast %mul3A_1921 : i32 to vector<16xi32>
            %add3A_1923 = arith.addi %add3A_1922, %shift_right_logical3A_1902 : vector<16xi32>
            tpu.vector_store_idx %arg7[%add3A_1923, %and3A_1905], %broadcast_in_dim3A_1906 masked %lt3A_1890 : memref<256x128xf32, #tpu.memory_space<vmem>>[vector<16xi32>, vector<16xi32>], vector<16xf32>, vector<16xi1>
            %scan3A_1924 = arith.constant 2 : i32
            %scan3A_1925 = arith.addi %scan3A_1913, %scan3A_1924 : i32
            %mul3A_1926 = arith.constant 8 : i32
            %mul3A_1927 = arith.muli %scan3A_1925, %mul3A_1926 : i32
            %add3A_1928 = vector.broadcast %mul3A_1927 : i32 to vector<16xi32>
            %add3A_1929 = arith.addi %add3A_1928, %shift_right_logical3A_1902 : vector<16xi32>
            tpu.vector_store_idx %arg7[%add3A_1929, %and3A_1905], %broadcast_in_dim3A_1906 masked %lt3A_1890 : memref<256x128xf32, #tpu.memory_space<vmem>>[vector<16xi32>, vector<16xi32>], vector<16xf32>, vector<16xi1>
            %scan3A_1930 = arith.constant 3 : i32
            %scan3A_1931 = arith.addi %scan3A_1913, %scan3A_1930 : i32
            %mul3A_1932 = arith.constant 8 : i32
            %mul3A_1933 = arith.muli %scan3A_1931, %mul3A_1932 : i32
            %add3A_1934 = vector.broadcast %mul3A_1933 : i32 to vector<16xi32>
            %add3A_1935 = arith.addi %add3A_1934, %shift_right_logical3A_1902 : vector<16xi32>
            tpu.vector_store_idx %arg7[%add3A_1935, %and3A_1905], %broadcast_in_dim3A_1906 masked %lt3A_1890 : memref<256x128xf32, #tpu.memory_space<vmem>>[vector<16xi32>, vector<16xi32>], vector<16xf32>, vector<16xi1>
          }
          %scan3A_1912 = arith.constant 32 : i32
        }
        %while3A_1883 = arith.constant 1 : i32
        scf.for %while3A_1884 = %while3A_1881 to %while3A_1877 step %while3A_1883  : i32 {
          %mul3A_1885 = arith.constant 16 : i32
          %mul3A_1886 = arith.muli %while3A_1884, %mul3A_1885 : i32
          %add3A_1887 = arith.addi %mul3A_1843, %mul3A_1886 : i32
          %add3A_1888 = vector.broadcast %add3A_1887 : i32 to vector<16xi32>
          %add3A_1889 = arith.addi %add3A_1888, %iota3A : vector<16xi32>
          %lt3A = vector.broadcast %scan3A_42 : i32 to vector<16xi32>
          %lt3A_1890 = arith.cmpi slt, %add3A_1889, %lt3A : vector<16xi32>
          %mul3A_1891 = arith.constant 16 : i32
          %mul3A_1892 = arith.muli %while3A_1884, %mul3A_1891 : i32
          %add3A_1893 = arith.addi %mul3A_1843, %mul3A_1892 : i32
          %get3A = arith.index_cast %add3A_1893 : i32 to index
          %get3A_1894 = tpu.vector_load %arg9[%get3A] {strides = array<i32>} : memref<1024xi32, #tpu.memory_space<vmem>>, vector<16xi32>,
          %jit3A_1895 = arith.constant 0 : i32
          %jit3A_1896 = arith.constant 1023 : i32
          %max3A = vector.broadcast %jit3A_1895 : i32 to vector<16xi32>
          %max3A_1897 = arith.maxsi %max3A, %get3A_1894 : vector<16xi32>
          %min3A_1898 = vector.broadcast %jit3A_1896 : i32 to vector<16xi32>
          %min3A_1899 = arith.minsi %min3A_1898, %max3A_1897 : vector<16xi32>
          %shift_right_logical3A_1900 = arith.constant 7 : i32
          %shift_right_logical3A_1901 = vector.broadcast %shift_right_logical3A_1900 : i32 to vector<16xi32>
          %shift_right_logical3A_1902 = arith.shrui %min3A_1899, %shift_right_logical3A_1901 : vector<16xi32>
          %and3A_1903 = arith.constant 127 : i32
          %and3A_1904 = vector.broadcast %and3A_1903 : i32 to vector<16xi32>
          %and3A_1905 = arith.andi %min3A_1899, %and3A_1904 : vector<16xi32>
          %broadcast_in_dim3A = arith.constant 0.000000e+00 : f32
          %broadcast_in_dim3A_1906 = vector.broadcast %broadcast_in_dim3A : f32 to vector<16xf32>
          %scan3A_1907 = arith.constant 0 : i32
          %scan3A_1908 = arith.constant 0 : i32
          %scan3A_1909 = arith.constant 32 : i32
          %scan3A_1910 = arith.addi %scan3A_1908, %scan3A_1909 : i32
          %scan3A_1911 = arith.constant 4 : i32
          scf.for %scan3A_1913 = %scan3A_1908 to %scan3A_1910 step %scan3A_1911  : i32 {
            %mul3A_1914 = arith.constant 8 : i32
            %mul3A_1915 = arith.muli %scan3A_1913, %mul3A_1914 : i32
            %add3A_1916 = vector.broadcast %mul3A_1915 : i32 to vector<16xi32>
            %add3A_1917 = arith.addi %add3A_1916, %shift_right_logical3A_1902 : vector<16xi32>
            tpu.vector_store_idx %arg7[%add3A_1917, %and3A_1905], %broadcast_in_dim3A_1906 masked %lt3A_1890 : memref<256x128xf32, #tpu.memory_space<vmem>>[vector<16xi32>, vector<16xi32>], vector<16xf32>, vector<16xi1>
            %scan3A_1918 = arith.constant 1 : i32
            %scan3A_1919 = arith.addi %scan3A_1913, %scan3A_1918 : i32
            %mul3A_1920 = arith.constant 8 : i32
            %mul3A_1921 = arith.muli %scan3A_1919, %mul3A_1920 : i32
            %add3A_1922 = vector.broadcast %mul3A_1921 : i32 to vector<16xi32>
            %add3A_1923 = arith.addi %add3A_1922, %shift_right_logical3A_1902 : vector<16xi32>
            tpu.vector_store_idx %arg7[%add3A_1923, %and3A_1905], %broadcast_in_dim3A_1906 masked %lt3A_1890 : memref<256x128xf32, #tpu.memory_space<vmem>>[vector<16xi32>, vector<16xi32>], vector<16xf32>, vector<16xi1>
            %scan3A_1924 = arith.constant 2 : i32
            %scan3A_1925 = arith.addi %scan3A_1913, %scan3A_1924 : i32
            %mul3A_1926 = arith.constant 8 : i32
            %mul3A_1927 = arith.muli %scan3A_1925, %mul3A_1926 : i32
            %add3A_1928 = vector.broadcast %mul3A_1927 : i32 to vector<16xi32>
            %add3A_1929 = arith.addi %add3A_1928, %shift_right_logical3A_1902 : vector<16xi32>
            tpu.vector_store_idx %arg7[%add3A_1929, %and3A_1905], %broadcast_in_dim3A_1906 masked %lt3A_1890 : memref<256x128xf32, #tpu.memory_space<vmem>>[vector<16xi32>, vector<16xi32>], vector<16xf32>, vector<16xi1>
            %scan3A_1930 = arith.constant 3 : i32
            %scan3A_1931 = arith.addi %scan3A_1913, %scan3A_1930 : i32
            %mul3A_1932 = arith.constant 8 : i32
            %mul3A_1933 = arith.muli %scan3A_1931, %mul3A_1932 : i32
            %add3A_1934 = vector.broadcast %mul3A_1933 : i32 to vector<16xi32>
            %add3A_1935 = arith.addi %add3A_1934, %shift_right_logical3A_1902 : vector<16xi32>
            tpu.vector_store_idx %arg7[%add3A_1935, %and3A_1905], %broadcast_in_dim3A_1906 masked %lt3A_1890 : memref<256x128xf32, #tpu.memory_space<vmem>>[vector<16xi32>, vector<16xi32>], vector<16xf32>, vector<16xi1>
          }
          %scan3A_1912 = arith.constant 32 : i32
        }
      }
      %add3A_937 = arith.constant 127 : i32
      %add3A_938 = arith.addi %scan3A_42, %add3A_937 : i32
      %jit3A_939 = arith.constant 128 : i32
      %div3A_940 = arith.divsi %add3A_938, %jit3A_939 : i32
      %sign3A_941 = arith.constant 0 : i32
      %sign3A_942 = arith.cmpi sgt, %add3A_938, %sign3A_941 : i32
      %sign3A_943 = arith.extui %sign3A_942 : i1 to i32
      %sign3A_944 = arith.constant 0 : i32
      %sign3A_945 = arith.cmpi slt, %add3A_938, %sign3A_944 : i32
      %sign3A_946 = arith.extui %sign3A_945 : i1 to i32
      %sign3A_947 = arith.subi %sign3A_943, %sign3A_946 : i32
      %sign3A_948 = arith.constant 0 : i32
      %sign3A_949 = arith.cmpi sgt, %jit3A_939, %sign3A_948 : i32
      %sign3A_950 = arith.extui %sign3A_949 : i1 to i32
      %sign3A_951 = arith.constant 0 : i32
      %sign3A_952 = arith.cmpi slt, %jit3A_939, %sign3A_951 : i32
      %sign3A_953 = arith.extui %sign3A_952 : i1 to i32
      %sign3A_954 = arith.subi %sign3A_950, %sign3A_953 : i32
      %ne3A_955 = arith.cmpi ne, %sign3A_947, %sign3A_954 : i32
      %rem3A_956 = arith.remsi %add3A_938, %jit3A_939 : i32
      %ne3A_957 = arith.constant 0 : i32
      %ne3A_958 = arith.cmpi ne, %rem3A_956, %ne3A_957 : i32
      %and3A_959 = arith.andi %ne3A_955, %ne3A_958 : i1
      %sub3A_960 = arith.constant 1 : i32
      %sub3A_961 = arith.subi %div3A_940, %sub3A_960 : i32
      %select_n3A_962 = arith.select %and3A_959, %sub3A_961, %div3A_940 : i32
      %while3A_963 = arith.constant 0 : i32
      %while3A_964 = arith.constant 0 : i32
      %while3A_965 = arith.subi %select_n3A_962, %while3A_964 : i32
      %while3A_966 = arith.addi %while3A_964, %while3A_965 : i32
      %while3A_967 = arith.constant 1 : i32
      %while3A_968 = arith.divsi %while3A_965, %while3A_967 : i32
      %while3A_969 = arith.muli %while3A_968, %while3A_967 : i32
      %while3A_970 = arith.addi %while3A_964, %while3A_969 : i32
      %while3A_971 = arith.constant 1 : i32
      scf.for %while3A_1841 = %while3A_964 to %while3A_970 step %while3A_971  : i32 {
        %mul3A_1842 = arith.constant 128 : i32
        %mul3A_1843 = arith.muli %while3A_1841, %mul3A_1842 : i32
        %gt3A = arith.constant 128 : i32
        %gt3A_1844 = arith.cmpi sgt, %scan3A_42, %gt3A : i32
        %convert_element_type3A = arith.extui %gt3A_1844 : i1 to i32
        %cond3A = arith.constant 0 : i32
        %cond3A_1845 = arith.cmpi ne, %convert_element_type3A, %cond3A : i32
        scf.if %cond3A_1845 {
          %scan3A_1886 = arith.constant 0 : i32
          %scan3A_1887 = arith.constant 0 : i32
          %mul3A_1888 = arith.constant 16 : i32
          %mul3A_1889 = arith.muli %scan3A_1887, %mul3A_1888 : i32
          %add3A_1890 = arith.addi %mul3A_1843, %mul3A_1889 : i32
          %get3A = arith.index_cast %add3A_1890 : i32 to index
          %get3A_1891 = tpu.vector_load %arg10[%get3A] {strides = array<i32>} : memref<1024xi32, #tpu.memory_space<vmem>>, vector<16xi32>,
          %jit3A_1892 = arith.constant 0 : i32
          %jit3A_1893 = arith.constant 31999 : i32
          %max3A = vector.broadcast %jit3A_1892 : i32 to vector<16xi32>
          %max3A_1894 = arith.maxsi %max3A, %get3A_1891 : vector<16xi32>
          %min3A_1895 = vector.broadcast %jit3A_1893 : i32 to vector<16xi32>
          %min3A_1896 = arith.minsi %min3A_1895, %max3A_1894 : vector<16xi32>
          %mul3A_1897 = arith.constant 16 : i32
          %mul3A_1898 = arith.muli %scan3A_1887, %mul3A_1897 : i32
          %swap3A = arith.index_cast %mul3A_1898 : i32 to index
          %swap3A_1899 = tpu.vector_load %arg11[%swap3A] {strides = array<i32>} : memref<128xi32, #tpu.memory_space<vmem>>, vector<16xi32>,
          tpu.vector_store %arg11[%swap3A], %min3A_1896 {strides = array<i32>} : memref<128xi32, #tpu.memory_space<vmem>>, vector<16xi32>,
          %scan3A_1900 = arith.constant 1 : i32
          %mul3A_1901 = arith.constant 16 : i32
          %mul3A_1902 = arith.muli %scan3A_1900, %mul3A_1901 : i32
          %add3A_1903 = arith.addi %mul3A_1843, %mul3A_1902 : i32
          %get3A_1904 = arith.index_cast %add3A_1903 : i32 to index
          %get3A_1905 = tpu.vector_load %arg10[%get3A_1904] {strides = array<i32>} : memref<1024xi32, #tpu.memory_space<vmem>>, vector<16xi32>,
          %jit3A_1906 = arith.constant 0 : i32
          %jit3A_1907 = arith.constant 31999 : i32
          %max3A_1908 = vector.broadcast %jit3A_1906 : i32 to vector<16xi32>
          %max3A_1909 = arith.maxsi %max3A_1908, %get3A_1905 : vector<16xi32>
          %min3A_1910 = vector.broadcast %jit3A_1907 : i32 to vector<16xi32>
          %min3A_1911 = arith.minsi %min3A_1910, %max3A_1909 : vector<16xi32>
          %mul3A_1912 = arith.constant 16 : i32
          %mul3A_1913 = arith.muli %scan3A_1900, %mul3A_1912 : i32
          %swap3A_1914 = arith.index_cast %mul3A_1913 : i32 to index
          %swap3A_1915 = tpu.vector_load %arg11[%swap3A_1914] {strides = array<i32>} : memref<128xi32, #tpu.memory_space<vmem>>, vector<16xi32>,
          tpu.vector_store %arg11[%swap3A_1914], %min3A_1911 {strides = array<i32>} : memref<128xi32, #tpu.memory_space<vmem>>, vector<16xi32>,
          %scan3A_1916 = arith.constant 2 : i32
          %mul3A_1917 = arith.constant 16 : i32
          %mul3A_1918 = arith.muli %scan3A_1916, %mul3A_1917 : i32
          %add3A_1919 = arith.addi %mul3A_1843, %mul3A_1918 : i32
          %get3A_1920 = arith.index_cast %add3A_1919 : i32 to index
          %get3A_1921 = tpu.vector_load %arg10[%get3A_1920] {strides = array<i32>} : memref<1024xi32, #tpu.memory_space<vmem>>, vector<16xi32>,
          %jit3A_1922 = arith.constant 0 : i32
          %jit3A_1923 = arith.constant 31999 : i32
          %max3A_1924 = vector.broadcast %jit3A_1922 : i32 to vector<16xi32>
          %max3A_1925 = arith.maxsi %max3A_1924, %get3A_1921 : vector<16xi32>
          %min3A_1926 = vector.broadcast %jit3A_1923 : i32 to vector<16xi32>
          %min3A_1927 = arith.minsi %min3A_1926, %max3A_1925 : vector<16xi32>
          %mul3A_1928 = arith.constant 16 : i32
          %mul3A_1929 = arith.muli %scan3A_1916, %mul3A_1928 : i32
          %swap3A_1930 = arith.index_cast %mul3A_1929 : i32 to index
          %swap3A_1931 = tpu.vector_load %arg11[%swap3A_1930] {strides = array<i32>} : memref<128xi32, #tpu.memory_space<vmem>>, vector<16xi32>,
          tpu.vector_store %arg11[%swap3A_1930], %min3A_1927 {strides = array<i32>} : memref<128xi32, #tpu.memory_space<vmem>>, vector<16xi32>,
          %scan3A_1932 = arith.constant 3 : i32
          %mul3A_1933 = arith.constant 16 : i32
          %mul3A_1934 = arith.muli %scan3A_1932, %mul3A_1933 : i32
          %add3A_1935 = arith.addi %mul3A_1843, %mul3A_1934 : i32
          %get3A_1936 = arith.index_cast %add3A_1935 : i32 to index
          %get3A_1937 = tpu.vector_load %arg10[%get3A_1936] {strides = array<i32>} : memref<1024xi32, #tpu.memory_space<vmem>>, vector<16xi32>,
          %jit3A_1938 = arith.constant 0 : i32
          %jit3A_1939 = arith.constant 31999 : i32
          %max3A_1940 = vector.broadcast %jit3A_1938 : i32 to vector<16xi32>
          %max3A_1941 = arith.maxsi %max3A_1940, %get3A_1937 : vector<16xi32>
          %min3A_1942 = vector.broadcast %jit3A_1939 : i32 to vector<16xi32>
          %min3A_1943 = arith.minsi %min3A_1942, %max3A_1941 : vector<16xi32>
          %mul3A_1944 = arith.constant 16 : i32
          %mul3A_1945 = arith.muli %scan3A_1932, %mul3A_1944 : i32
          %swap3A_1946 = arith.index_cast %mul3A_1945 : i32 to index
          %swap3A_1947 = tpu.vector_load %arg11[%swap3A_1946] {strides = array<i32>} : memref<128xi32, #tpu.memory_space<vmem>>, vector<16xi32>,
          tpu.vector_store %arg11[%swap3A_1946], %min3A_1943 {strides = array<i32>} : memref<128xi32, #tpu.memory_space<vmem>>, vector<16xi32>,
          %scan3A_1948 = arith.constant 4 : i32
          %mul3A_1949 = arith.constant 16 : i32
          %mul3A_1950 = arith.muli %scan3A_1948, %mul3A_1949 : i32
          %add3A_1951 = arith.addi %mul3A_1843, %mul3A_1950 : i32
          %get3A_1952 = arith.index_cast %add3A_1951 : i32 to index
          %get3A_1953 = tpu.vector_load %arg10[%get3A_1952] {strides = array<i32>} : memref<1024xi32, #tpu.memory_space<vmem>>, vector<16xi32>,
          %jit3A_1954 = arith.constant 0 : i32
          %jit3A_1955 = arith.constant 31999 : i32
          %max3A_1956 = vector.broadcast %jit3A_1954 : i32 to vector<16xi32>
          %max3A_1957 = arith.maxsi %max3A_1956, %get3A_1953 : vector<16xi32>
          %min3A_1958 = vector.broadcast %jit3A_1955 : i32 to vector<16xi32>
          %min3A_1959 = arith.minsi %min3A_1958, %max3A_1957 : vector<16xi32>
          %mul3A_1960 = arith.constant 16 : i32
          %mul3A_1961 = arith.muli %scan3A_1948, %mul3A_1960 : i32
          %swap3A_1962 = arith.index_cast %mul3A_1961 : i32 to index
          %swap3A_1963 = tpu.vector_load %arg11[%swap3A_1962] {strides = array<i32>} : memref<128xi32, #tpu.memory_space<vmem>>, vector<16xi32>,
          tpu.vector_store %arg11[%swap3A_1962], %min3A_1959 {strides = array<i32>} : memref<128xi32, #tpu.memory_space<vmem>>, vector<16xi32>,
          %scan3A_1964 = arith.constant 5 : i32
          %mul3A_1965 = arith.constant 16 : i32
          %mul3A_1966 = arith.muli %scan3A_1964, %mul3A_1965 : i32
          %add3A_1967 = arith.addi %mul3A_1843, %mul3A_1966 : i32
          %get3A_1968 = arith.index_cast %add3A_1967 : i32 to index
          %get3A_1969 = tpu.vector_load %arg10[%get3A_1968] {strides = array<i32>} : memref<1024xi32, #tpu.memory_space<vmem>>, vector<16xi32>,
          %jit3A_1970 = arith.constant 0 : i32
          %jit3A_1971 = arith.constant 31999 : i32
          %max3A_1972 = vector.broadcast %jit3A_1970 : i32 to vector<16xi32>
          %max3A_1973 = arith.maxsi %max3A_1972, %get3A_1969 : vector<16xi32>
          %min3A_1974 = vector.broadcast %jit3A_1971 : i32 to vector<16xi32>
          %min3A_1975 = arith.minsi %min3A_1974, %max3A_1973 : vector<16xi32>
          %mul3A_1976 = arith.constant 16 : i32
          %mul3A_1977 = arith.muli %scan3A_1964, %mul3A_1976 : i32
          %swap3A_1978 = arith.index_cast %mul3A_1977 : i32 to index
          %swap3A_1979 = tpu.vector_load %arg11[%swap3A_1978] {strides = array<i32>} : memref<128xi32, #tpu.memory_space<vmem>>, vector<16xi32>,
          tpu.vector_store %arg11[%swap3A_1978], %min3A_1975 {strides = array<i32>} : memref<128xi32, #tpu.memory_space<vmem>>, vector<16xi32>,
          %scan3A_1980 = arith.constant 6 : i32
          %mul3A_1981 = arith.constant 16 : i32
          %mul3A_1982 = arith.muli %scan3A_1980, %mul3A_1981 : i32
          %add3A_1983 = arith.addi %mul3A_1843, %mul3A_1982 : i32
          %get3A_1984 = arith.index_cast %add3A_1983 : i32 to index
          %get3A_1985 = tpu.vector_load %arg10[%get3A_1984] {strides = array<i32>} : memref<1024xi32, #tpu.memory_space<vmem>>, vector<16xi32>,
          %jit3A_1986 = arith.constant 0 : i32
          %jit3A_1987 = arith.constant 31999 : i32
          %max3A_1988 = vector.broadcast %jit3A_1986 : i32 to vector<16xi32>
          %max3A_1989 = arith.maxsi %max3A_1988, %get3A_1985 : vector<16xi32>
          %min3A_1990 = vector.broadcast %jit3A_1987 : i32 to vector<16xi32>
          %min3A_1991 = arith.minsi %min3A_1990, %max3A_1989 : vector<16xi32>
          %mul3A_1992 = arith.constant 16 : i32
          %mul3A_1993 = arith.muli %scan3A_1980, %mul3A_1992 : i32
          %swap3A_1994 = arith.index_cast %mul3A_1993 : i32 to index
          %swap3A_1995 = tpu.vector_load %arg11[%swap3A_1994] {strides = array<i32>} : memref<128xi32, #tpu.memory_space<vmem>>, vector<16xi32>,
          tpu.vector_store %arg11[%swap3A_1994], %min3A_1991 {strides = array<i32>} : memref<128xi32, #tpu.memory_space<vmem>>, vector<16xi32>,
          %scan3A_1996 = arith.constant 7 : i32
          %mul3A_1997 = arith.constant 16 : i32
          %mul3A_1998 = arith.muli %scan3A_1996, %mul3A_1997 : i32
          %add3A_1999 = arith.addi %mul3A_1843, %mul3A_1998 : i32
          %get3A_2000 = arith.index_cast %add3A_1999 : i32 to index
          %get3A_2001 = tpu.vector_load %arg10[%get3A_2000] {strides = array<i32>} : memref<1024xi32, #tpu.memory_space<vmem>>, vector<16xi32>,
          %jit3A_2002 = arith.constant 0 : i32
          %jit3A_2003 = arith.constant 31999 : i32
          %max3A_2004 = vector.broadcast %jit3A_2002 : i32 to vector<16xi32>
          %max3A_2005 = arith.maxsi %max3A_2004, %get3A_2001 : vector<16xi32>
          %min3A_2006 = vector.broadcast %jit3A_2003 : i32 to vector<16xi32>
          %min3A_2007 = arith.minsi %min3A_2006, %max3A_2005 : vector<16xi32>
          %mul3A_2008 = arith.constant 16 : i32
          %mul3A_2009 = arith.muli %scan3A_1996, %mul3A_2008 : i32
          %swap3A_2010 = arith.index_cast %mul3A_2009 : i32 to index
          %swap3A_2011 = tpu.vector_load %arg11[%swap3A_2010] {strides = array<i32>} : memref<128xi32, #tpu.memory_space<vmem>>, vector<16xi32>,
          tpu.vector_store %arg11[%swap3A_2010], %min3A_2007 {strides = array<i32>} : memref<128xi32, #tpu.memory_space<vmem>>, vector<16xi32>,
          %scan3A_2012 = arith.constant 8 : i32
          %dma_start3A_2013 = arith.constant 0 : i32
          %dma_start3A_2014 = arith.constant 0 : i32
          %dma_start3A_2015 = tpu.memref_slice %arg3[%dma_start3A_2013, %dma_start3A_2014] : memref<32000x64xf32, #tpu.memory_space<hbm>> -> memref<32000x64xf32, #tpu.memory_space<hbm>>
          tpu.enqueue_indirect_dma source(%dma_start3A_2015 : memref<32000x64xf32, #tpu.memory_space<hbm>>) target(%arg8 : memref<128x64xf32, #tpu.memory_space<vmem>>) offsets(%arg11 : memref<128xi32, #tpu.memory_space<vmem>>) semaphore(%arg12 : memref<!tpu.dma_semaphore, #tpu.memory_space<semaphore_mem>>)
          %dma_wait3A_2016 = arith.constant 0 : i32
          %dma_wait3A_2017 = arith.constant 0 : i32
          %dma_wait3A_2018 = tpu.memref_slice %arg3[%dma_wait3A_2016, %dma_wait3A_2017] : memref<32000x64xf32, #tpu.memory_space<hbm>> -> memref<32000x64xf32, #tpu.memory_space<hbm>>
          tpu.wait_indirect_dma semaphore(%arg12 : memref<!tpu.dma_semaphore, #tpu.memory_space<semaphore_mem>>) src(%dma_wait3A_2018 : memref<32000x64xf32, #tpu.memory_space<hbm>>) dst(%arg8 : memref<128x64xf32, #tpu.memory_space<vmem>>)
        } else {
        }
        %sub3A_1846 = arith.subi %scan3A_42, %mul3A_1843 : i32
        %min3A = arith.constant 128 : i32
        %min3A_1847 = arith.minsi %sub3A_1846, %min3A : i32
        %add3A_1848 = arith.constant 16 : i32
        %add3A_1849 = arith.addi %min3A_1847, %add3A_1848 : i32
        %sub3A_1850 = arith.constant 1 : i32
        %sub3A_1851 = arith.subi %add3A_1849, %sub3A_1850 : i32
        %jit3A_1852 = arith.constant 16 : i32
        %div3A_1853 = arith.divsi %sub3A_1851, %jit3A_1852 : i32
        %sign3A_1854 = arith.constant 0 : i32
        %sign3A_1855 = arith.cmpi sgt, %sub3A_1851, %sign3A_1854 : i32
        %sign3A_1856 = arith.extui %sign3A_1855 : i1 to i32
        %sign3A_1857 = arith.constant 0 : i32
        %sign3A_1858 = arith.cmpi slt, %sub3A_1851, %sign3A_1857 : i32
        %sign3A_1859 = arith.extui %sign3A_1858 : i1 to i32
        %sign3A_1860 = arith.subi %sign3A_1856, %sign3A_1859 : i32
        %sign3A_1861 = arith.constant 0 : i32
        %sign3A_1862 = arith.cmpi sgt, %jit3A_1852, %sign3A_1861 : i32
        %sign3A_1863 = arith.extui %sign3A_1862 : i1 to i32
        %sign3A_1864 = arith.constant 0 : i32
        %sign3A_1865 = arith.cmpi slt, %jit3A_1852, %sign3A_1864 : i32
        %sign3A_1866 = arith.extui %sign3A_1865 : i1 to i32
        %sign3A_1867 = arith.subi %sign3A_1863, %sign3A_1866 : i32
        %ne3A_1868 = arith.cmpi ne, %sign3A_1860, %sign3A_1867 : i32
        %rem3A_1869 = arith.remsi %sub3A_1851, %jit3A_1852 : i32
        %ne3A_1870 = arith.constant 0 : i32
        %ne3A_1871 = arith.cmpi ne, %rem3A_1869, %ne3A_1870 : i32
        %and3A_1872 = arith.andi %ne3A_1868, %ne3A_1871 : i1
        %sub3A_1873 = arith.constant 1 : i32
        %sub3A_1874 = arith.subi %div3A_1853, %sub3A_1873 : i32
        %select_n3A_1875 = arith.select %and3A_1872, %sub3A_1874, %div3A_1853 : i32
        %while3A_1876 = arith.constant 0 : i32
        %while3A_1877 = arith.constant 0 : i32
        %while3A_1878 = arith.subi %select_n3A_1875, %while3A_1877 : i32
        %while3A_1879 = arith.addi %while3A_1877, %while3A_1878 : i32
        %while3A_1880 = arith.constant 1 : i32
        %while3A_1881 = arith.divsi %while3A_1878, %while3A_1880 : i32
        %while3A_1882 = arith.muli %while3A_1881, %while3A_1880 : i32
        %while3A_1883 = arith.addi %while3A_1877, %while3A_1882 : i32
        %while3A_1884 = arith.constant 1 : i32
        scf.for %while3A_1886 = %while3A_1877 to %while3A_1883 step %while3A_1884  : i32 {
          %mul3A_1887 = arith.constant 16 : i32
          %mul3A_1888 = arith.muli %while3A_1886, %mul3A_1887 : i32
          %add3A_1889 = arith.addi %mul3A_1843, %mul3A_1888 : i32
          %add3A_1890 = vector.broadcast %add3A_1889 : i32 to vector<16xi32>
          %add3A_1891 = arith.addi %add3A_1890, %iota3A : vector<16xi32>
          %lt3A = vector.broadcast %scan3A_42 : i32 to vector<16xi32>
          %lt3A_1892 = arith.cmpi slt, %add3A_1891, %lt3A : vector<16xi32>
          %mul3A_1893 = arith.constant 16 : i32
          %mul3A_1894 = arith.muli %while3A_1886, %mul3A_1893 : i32
          %add3A_1895 = arith.addi %mul3A_1843, %mul3A_1894 : i32
          %get3A = arith.index_cast %add3A_1895 : i32 to index
          %get3A_1896 = tpu.vector_load %arg9[%get3A] {strides = array<i32>} : memref<1024xi32, #tpu.memory_space<vmem>>, vector<16xi32>,
          %jit3A_1897 = arith.constant 0 : i32
          %jit3A_1898 = arith.constant 1023 : i32
          %max3A = vector.broadcast %jit3A_1897 : i32 to vector<16xi32>
          %max3A_1899 = arith.maxsi %max3A, %get3A_1896 : vector<16xi32>
          %min3A_1900 = vector.broadcast %jit3A_1898 : i32 to vector<16xi32>
          %min3A_1901 = arith.minsi %min3A_1900, %max3A_1899 : vector<16xi32>
          %shift_right_logical3A_1902 = arith.constant 7 : i32
          %shift_right_logical3A_1903 = vector.broadcast %shift_right_logical3A_1902 : i32 to vector<16xi32>
          %shift_right_logical3A_1904 = arith.shrui %min3A_1901, %shift_right_logical3A_1903 : vector<16xi32>
          %and3A_1905 = arith.constant 127 : i32
          %and3A_1906 = vector.broadcast %and3A_1905 : i32 to vector<16xi32>
          %and3A_1907 = arith.andi %min3A_1901, %and3A_1906 : vector<16xi32>
          %scan3A_1908 = arith.constant 0 : i32
          %scan3A_1909 = arith.constant 0 : i32
          %scan3A_1910 = arith.constant 32 : i32
          %scan3A_1911 = arith.addi %scan3A_1909, %scan3A_1910 : i32
          %scan3A_1912 = arith.constant 4 : i32
          scf.for %scan3A_1914 = %scan3A_1909 to %scan3A_1911 step %scan3A_1912  : i32 {
            %mul3A_1915 = arith.constant 16 : i32
            %mul3A_1916 = arith.muli %while3A_1886, %mul3A_1915 : i32
            %add3A_1917 = vector.broadcast %mul3A_1916 : i32 to vector<16xi32>
            %add3A_1918 = arith.addi %add3A_1917, %iota3A : vector<16xi32>
            %broadcast_in_dim3A = arith.constant 32 : i32
            %broadcast_in_dim3A_1919 = vector.broadcast %broadcast_in_dim3A : i32 to vector<16xi32>
            %add3A_1920 = vector.broadcast %scan3A_1914 : i32 to vector<16xi32>
            %add3A_1921 = arith.addi %broadcast_in_dim3A_1919, %add3A_1920 : vector<16xi32>
            %gather3A = tpu.vector_load_idx %arg8[%add3A_1918, %add3A_1921] : memref<128x64xf32, #tpu.memory_space<vmem>>[vector<16xi32>, vector<16xi32>], vector<16xf32>,
            %mul3A_1922 = arith.constant 8 : i32
            %mul3A_1923 = arith.muli %scan3A_1914, %mul3A_1922 : i32
            %add3A_1924 = vector.broadcast %mul3A_1923 : i32 to vector<16xi32>
            %add3A_1925 = arith.addi %add3A_1924, %shift_right_logical3A_1904 : vector<16xi32>
            tpu.vector_store_idx %arg7[%add3A_1925, %and3A_1907], %gather3A masked %lt3A_1892 : memref<256x128xf32, #tpu.memory_space<vmem>>[vector<16xi32>, vector<16xi32>], vector<16xf32>, vector<16xi1>
            %scan3A_1926 = arith.constant 1 : i32
            %scan3A_1927 = arith.addi %scan3A_1914, %scan3A_1926 : i32
            %mul3A_1928 = arith.constant 16 : i32
            %mul3A_1929 = arith.muli %while3A_1886, %mul3A_1928 : i32
            %add3A_1930 = vector.broadcast %mul3A_1929 : i32 to vector<16xi32>
            %add3A_1931 = arith.addi %add3A_1930, %iota3A : vector<16xi32>
            %broadcast_in_dim3A_1932 = arith.constant 32 : i32
            %broadcast_in_dim3A_1933 = vector.broadcast %broadcast_in_dim3A_1932 : i32 to vector<16xi32>
            %add3A_1934 = vector.broadcast %scan3A_1927 : i32 to vector<16xi32>
            %add3A_1935 = arith.addi %broadcast_in_dim3A_1933, %add3A_1934 : vector<16xi32>
            %gather3A_1936 = tpu.vector_load_idx %arg8[%add3A_1931, %add3A_1935] : memref<128x64xf32, #tpu.memory_space<vmem>>[vector<16xi32>, vector<16xi32>], vector<16xf32>,
            %mul3A_1937 = arith.constant 8 : i32
            %mul3A_1938 = arith.muli %scan3A_1927, %mul3A_1937 : i32
            %add3A_1939 = vector.broadcast %mul3A_1938 : i32 to vector<16xi32>
            %add3A_1940 = arith.addi %add3A_1939, %shift_right_logical3A_1904 : vector<16xi32>
            tpu.vector_store_idx %arg7[%add3A_1940, %and3A_1907], %gather3A_1936 masked %lt3A_1892 : memref<256x128xf32, #tpu.memory_space<vmem>>[vector<16xi32>, vector<16xi32>], vector<16xf32>, vector<16xi1>
            %scan3A_1941 = arith.constant 2 : i32
            %scan3A_1942 = arith.addi %scan3A_1914, %scan3A_1941 : i32
            %mul3A_1943 = arith.constant 16 : i32
            %mul3A_1944 = arith.muli %while3A_1886, %mul3A_1943 : i32
            %add3A_1945 = vector.broadcast %mul3A_1944 : i32 to vector<16xi32>
            %add3A_1946 = arith.addi %add3A_1945, %iota3A : vector<16xi32>
            %broadcast_in_dim3A_1947 = arith.constant 32 : i32
            %broadcast_in_dim3A_1948 = vector.broadcast %broadcast_in_dim3A_1947 : i32 to vector<16xi32>
            %add3A_1949 = vector.broadcast %scan3A_1942 : i32 to vector<16xi32>
            %add3A_1950 = arith.addi %broadcast_in_dim3A_1948, %add3A_1949 : vector<16xi32>
            %gather3A_1951 = tpu.vector_load_idx %arg8[%add3A_1946, %add3A_1950] : memref<128x64xf32, #tpu.memory_space<vmem>>[vector<16xi32>, vector<16xi32>], vector<16xf32>,
            %mul3A_1952 = arith.constant 8 : i32
            %mul3A_1953 = arith.muli %scan3A_1942, %mul3A_1952 : i32
            %add3A_1954 = vector.broadcast %mul3A_1953 : i32 to vector<16xi32>
            %add3A_1955 = arith.addi %add3A_1954, %shift_right_logical3A_1904 : vector<16xi32>
            tpu.vector_store_idx %arg7[%add3A_1955, %and3A_1907], %gather3A_1951 masked %lt3A_1892 : memref<256x128xf32, #tpu.memory_space<vmem>>[vector<16xi32>, vector<16xi32>], vector<16xf32>, vector<16xi1>
            %scan3A_1956 = arith.constant 3 : i32
            %scan3A_1957 = arith.addi %scan3A_1914, %scan3A_1956 : i32
            %mul3A_1958 = arith.constant 16 : i32
            %mul3A_1959 = arith.muli %while3A_1886, %mul3A_1958 : i32
            %add3A_1960 = vector.broadcast %mul3A_1959 : i32 to vector<16xi32>
            %add3A_1961 = arith.addi %add3A_1960, %iota3A : vector<16xi32>
            %broadcast_in_dim3A_1962 = arith.constant 32 : i32
            %broadcast_in_dim3A_1963 = vector.broadcast %broadcast_in_dim3A_1962 : i32 to vector<16xi32>
            %add3A_1964 = vector.broadcast %scan3A_1957 : i32 to vector<16xi32>
            %add3A_1965 = arith.addi %broadcast_in_dim3A_1963, %add3A_1964 : vector<16xi32>
            %gather3A_1966 = tpu.vector_load_idx %arg8[%add3A_1961, %add3A_1965] : memref<128x64xf32, #tpu.memory_space<vmem>>[vector<16xi32>, vector<16xi32>], vector<16xf32>,
            %mul3A_1967 = arith.constant 8 : i32
            %mul3A_1968 = arith.muli %scan3A_1957, %mul3A_1967 : i32
            %add3A_1969 = vector.broadcast %mul3A_1968 : i32 to vector<16xi32>
            %add3A_1970 = arith.addi %add3A_1969, %shift_right_logical3A_1904 : vector<16xi32>
            tpu.vector_store_idx %arg7[%add3A_1970, %and3A_1907], %gather3A_1966 masked %lt3A_1892 : memref<256x128xf32, #tpu.memory_space<vmem>>[vector<16xi32>, vector<16xi32>], vector<16xf32>, vector<16xi1>
          }
          %scan3A_1913 = arith.constant 32 : i32
        }
        %while3A_1885 = arith.constant 1 : i32
        scf.for %while3A_1886 = %while3A_1883 to %while3A_1879 step %while3A_1885  : i32 {
          %mul3A_1887 = arith.constant 16 : i32
          %mul3A_1888 = arith.muli %while3A_1886, %mul3A_1887 : i32
          %add3A_1889 = arith.addi %mul3A_1843, %mul3A_1888 : i32
          %add3A_1890 = vector.broadcast %add3A_1889 : i32 to vector<16xi32>
          %add3A_1891 = arith.addi %add3A_1890, %iota3A : vector<16xi32>
          %lt3A = vector.broadcast %scan3A_42 : i32 to vector<16xi32>
          %lt3A_1892 = arith.cmpi slt, %add3A_1891, %lt3A : vector<16xi32>
          %mul3A_1893 = arith.constant 16 : i32
          %mul3A_1894 = arith.muli %while3A_1886, %mul3A_1893 : i32
          %add3A_1895 = arith.addi %mul3A_1843, %mul3A_1894 : i32
          %get3A = arith.index_cast %add3A_1895 : i32 to index
          %get3A_1896 = tpu.vector_load %arg9[%get3A] {strides = array<i32>} : memref<1024xi32, #tpu.memory_space<vmem>>, vector<16xi32>,
          %jit3A_1897 = arith.constant 0 : i32
          %jit3A_1898 = arith.constant 1023 : i32
          %max3A = vector.broadcast %jit3A_1897 : i32 to vector<16xi32>
          %max3A_1899 = arith.maxsi %max3A, %get3A_1896 : vector<16xi32>
          %min3A_1900 = vector.broadcast %jit3A_1898 : i32 to vector<16xi32>
          %min3A_1901 = arith.minsi %min3A_1900, %max3A_1899 : vector<16xi32>
          %shift_right_logical3A_1902 = arith.constant 7 : i32
          %shift_right_logical3A_1903 = vector.broadcast %shift_right_logical3A_1902 : i32 to vector<16xi32>
          %shift_right_logical3A_1904 = arith.shrui %min3A_1901, %shift_right_logical3A_1903 : vector<16xi32>
          %and3A_1905 = arith.constant 127 : i32
          %and3A_1906 = vector.broadcast %and3A_1905 : i32 to vector<16xi32>
          %and3A_1907 = arith.andi %min3A_1901, %and3A_1906 : vector<16xi32>
          %scan3A_1908 = arith.constant 0 : i32
          %scan3A_1909 = arith.constant 0 : i32
          %scan3A_1910 = arith.constant 32 : i32
          %scan3A_1911 = arith.addi %scan3A_1909, %scan3A_1910 : i32
          %scan3A_1912 = arith.constant 4 : i32
          scf.for %scan3A_1914 = %scan3A_1909 to %scan3A_1911 step %scan3A_1912  : i32 {
            %mul3A_1915 = arith.constant 16 : i32
            %mul3A_1916 = arith.muli %while3A_1886, %mul3A_1915 : i32
            %add3A_1917 = vector.broadcast %mul3A_1916 : i32 to vector<16xi32>
            %add3A_1918 = arith.addi %add3A_1917, %iota3A : vector<16xi32>
            %broadcast_in_dim3A = arith.constant 32 : i32
            %broadcast_in_dim3A_1919 = vector.broadcast %broadcast_in_dim3A : i32 to vector<16xi32>
            %add3A_1920 = vector.broadcast %scan3A_1914 : i32 to vector<16xi32>
            %add3A_1921 = arith.addi %broadcast_in_dim3A_1919, %add3A_1920 : vector<16xi32>
            %gather3A = tpu.vector_load_idx %arg8[%add3A_1918, %add3A_1921] : memref<128x64xf32, #tpu.memory_space<vmem>>[vector<16xi32>, vector<16xi32>], vector<16xf32>,
            %mul3A_1922 = arith.constant 8 : i32
            %mul3A_1923 = arith.muli %scan3A_1914, %mul3A_1922 : i32
            %add3A_1924 = vector.broadcast %mul3A_1923 : i32 to vector<16xi32>
            %add3A_1925 = arith.addi %add3A_1924, %shift_right_logical3A_1904 : vector<16xi32>
            tpu.vector_store_idx %arg7[%add3A_1925, %and3A_1907], %gather3A masked %lt3A_1892 : memref<256x128xf32, #tpu.memory_space<vmem>>[vector<16xi32>, vector<16xi32>], vector<16xf32>, vector<16xi1>
            %scan3A_1926 = arith.constant 1 : i32
            %scan3A_1927 = arith.addi %scan3A_1914, %scan3A_1926 : i32
            %mul3A_1928 = arith.constant 16 : i32
            %mul3A_1929 = arith.muli %while3A_1886, %mul3A_1928 : i32
            %add3A_1930 = vector.broadcast %mul3A_1929 : i32 to vector<16xi32>
            %add3A_1931 = arith.addi %add3A_1930, %iota3A : vector<16xi32>
            %broadcast_in_dim3A_1932 = arith.constant 32 : i32
            %broadcast_in_dim3A_1933 = vector.broadcast %broadcast_in_dim3A_1932 : i32 to vector<16xi32>
            %add3A_1934 = vector.broadcast %scan3A_1927 : i32 to vector<16xi32>
            %add3A_1935 = arith.addi %broadcast_in_dim3A_1933, %add3A_1934 : vector<16xi32>
            %gather3A_1936 = tpu.vector_load_idx %arg8[%add3A_1931, %add3A_1935] : memref<128x64xf32, #tpu.memory_space<vmem>>[vector<16xi32>, vector<16xi32>], vector<16xf32>,
            %mul3A_1937 = arith.constant 8 : i32
            %mul3A_1938 = arith.muli %scan3A_1927, %mul3A_1937 : i32
            %add3A_1939 = vector.broadcast %mul3A_1938 : i32 to vector<16xi32>
            %add3A_1940 = arith.addi %add3A_1939, %shift_right_logical3A_1904 : vector<16xi32>
            tpu.vector_store_idx %arg7[%add3A_1940, %and3A_1907], %gather3A_1936 masked %lt3A_1892 : memref<256x128xf32, #tpu.memory_space<vmem>>[vector<16xi32>, vector<16xi32>], vector<16xf32>, vector<16xi1>
            %scan3A_1941 = arith.constant 2 : i32
            %scan3A_1942 = arith.addi %scan3A_1914, %scan3A_1941 : i32
            %mul3A_1943 = arith.constant 16 : i32
            %mul3A_1944 = arith.muli %while3A_1886, %mul3A_1943 : i32
            %add3A_1945 = vector.broadcast %mul3A_1944 : i32 to vector<16xi32>
            %add3A_1946 = arith.addi %add3A_1945, %iota3A : vector<16xi32>
            %broadcast_in_dim3A_1947 = arith.constant 32 : i32
            %broadcast_in_dim3A_1948 = vector.broadcast %broadcast_in_dim3A_1947 : i32 to vector<16xi32>
            %add3A_1949 = vector.broadcast %scan3A_1942 : i32 to vector<16xi32>
            %add3A_1950 = arith.addi %broadcast_in_dim3A_1948, %add3A_1949 : vector<16xi32>
            %gather3A_1951 = tpu.vector_load_idx %arg8[%add3A_1946, %add3A_1950] : memref<128x64xf32, #tpu.memory_space<vmem>>[vector<16xi32>, vector<16xi32>], vector<16xf32>,
            %mul3A_1952 = arith.constant 8 : i32
            %mul3A_1953 = arith.muli %scan3A_1942, %mul3A_1952 : i32
            %add3A_1954 = vector.broadcast %mul3A_1953 : i32 to vector<16xi32>
            %add3A_1955 = arith.addi %add3A_1954, %shift_right_logical3A_1904 : vector<16xi32>
            tpu.vector_store_idx %arg7[%add3A_1955, %and3A_1907], %gather3A_1951 masked %lt3A_1892 : memref<256x128xf32, #tpu.memory_space<vmem>>[vector<16xi32>, vector<16xi32>], vector<16xf32>, vector<16xi1>
            %scan3A_1956 = arith.constant 3 : i32
            %scan3A_1957 = arith.addi %scan3A_1914, %scan3A_1956 : i32
            %mul3A_1958 = arith.constant 16 : i32
            %mul3A_1959 = arith.muli %while3A_1886, %mul3A_1958 : i32
            %add3A_1960 = vector.broadcast %mul3A_1959 : i32 to vector<16xi32>
            %add3A_1961 = arith.addi %add3A_1960, %iota3A : vector<16xi32>
            %broadcast_in_dim3A_1962 = arith.constant 32 : i32
            %broadcast_in_dim3A_1963 = vector.broadcast %broadcast_in_dim3A_1962 : i32 to vector<16xi32>
            %add3A_1964 = vector.broadcast %scan3A_1957 : i32 to vector<16xi32>
            %add3A_1965 = arith.addi %broadcast_in_dim3A_1963, %add3A_1964 : vector<16xi32>
            %gather3A_1966 = tpu.vector_load_idx %arg8[%add3A_1961, %add3A_1965] : memref<128x64xf32, #tpu.memory_space<vmem>>[vector<16xi32>, vector<16xi32>], vector<16xf32>,
            %mul3A_1967 = arith.constant 8 : i32
            %mul3A_1968 = arith.muli %scan3A_1957, %mul3A_1967 : i32
            %add3A_1969 = vector.broadcast %mul3A_1968 : i32 to vector<16xi32>
            %add3A_1970 = arith.addi %add3A_1969, %shift_right_logical3A_1904 : vector<16xi32>
            tpu.vector_store_idx %arg7[%add3A_1970, %and3A_1907], %gather3A_1966 masked %lt3A_1892 : memref<256x128xf32, #tpu.memory_space<vmem>>[vector<16xi32>, vector<16xi32>], vector<16xf32>, vector<16xi1>
          }
          %scan3A_1913 = arith.constant 32 : i32
        }
      }
      %while3A_972 = arith.constant 1 : i32
      scf.for %while3A_1841 = %while3A_970 to %while3A_966 step %while3A_972  : i32 {
        %mul3A_1842 = arith.constant 128 : i32
        %mul3A_1843 = arith.muli %while3A_1841, %mul3A_1842 : i32
        %gt3A = arith.constant 128 : i32
        %gt3A_1844 = arith.cmpi sgt, %scan3A_42, %gt3A : i32
        %convert_element_type3A = arith.extui %gt3A_1844 : i1 to i32
        %cond3A = arith.constant 0 : i32
        %cond3A_1845 = arith.cmpi ne, %convert_element_type3A, %cond3A : i32
        scf.if %cond3A_1845 {
          %scan3A_1886 = arith.constant 0 : i32
          %scan3A_1887 = arith.constant 0 : i32
          %mul3A_1888 = arith.constant 16 : i32
          %mul3A_1889 = arith.muli %scan3A_1887, %mul3A_1888 : i32
          %add3A_1890 = arith.addi %mul3A_1843, %mul3A_1889 : i32
          %get3A = arith.index_cast %add3A_1890 : i32 to index
          %get3A_1891 = tpu.vector_load %arg10[%get3A] {strides = array<i32>} : memref<1024xi32, #tpu.memory_space<vmem>>, vector<16xi32>,
          %jit3A_1892 = arith.constant 0 : i32
          %jit3A_1893 = arith.constant 31999 : i32
          %max3A = vector.broadcast %jit3A_1892 : i32 to vector<16xi32>
          %max3A_1894 = arith.maxsi %max3A, %get3A_1891 : vector<16xi32>
          %min3A_1895 = vector.broadcast %jit3A_1893 : i32 to vector<16xi32>
          %min3A_1896 = arith.minsi %min3A_1895, %max3A_1894 : vector<16xi32>
          %mul3A_1897 = arith.constant 16 : i32
          %mul3A_1898 = arith.muli %scan3A_1887, %mul3A_1897 : i32
          %swap3A = arith.index_cast %mul3A_1898 : i32 to index
          %swap3A_1899 = tpu.vector_load %arg11[%swap3A] {strides = array<i32>} : memref<128xi32, #tpu.memory_space<vmem>>, vector<16xi32>,
          tpu.vector_store %arg11[%swap3A], %min3A_1896 {strides = array<i32>} : memref<128xi32, #tpu.memory_space<vmem>>, vector<16xi32>,
          %scan3A_1900 = arith.constant 1 : i32
          %mul3A_1901 = arith.constant 16 : i32
          %mul3A_1902 = arith.muli %scan3A_1900, %mul3A_1901 : i32
          %add3A_1903 = arith.addi %mul3A_1843, %mul3A_1902 : i32
          %get3A_1904 = arith.index_cast %add3A_1903 : i32 to index
          %get3A_1905 = tpu.vector_load %arg10[%get3A_1904] {strides = array<i32>} : memref<1024xi32, #tpu.memory_space<vmem>>, vector<16xi32>,
          %jit3A_1906 = arith.constant 0 : i32
          %jit3A_1907 = arith.constant 31999 : i32
          %max3A_1908 = vector.broadcast %jit3A_1906 : i32 to vector<16xi32>
          %max3A_1909 = arith.maxsi %max3A_1908, %get3A_1905 : vector<16xi32>
          %min3A_1910 = vector.broadcast %jit3A_1907 : i32 to vector<16xi32>
          %min3A_1911 = arith.minsi %min3A_1910, %max3A_1909 : vector<16xi32>
          %mul3A_1912 = arith.constant 16 : i32
          %mul3A_1913 = arith.muli %scan3A_1900, %mul3A_1912 : i32
          %swap3A_1914 = arith.index_cast %mul3A_1913 : i32 to index
          %swap3A_1915 = tpu.vector_load %arg11[%swap3A_1914] {strides = array<i32>} : memref<128xi32, #tpu.memory_space<vmem>>, vector<16xi32>,
          tpu.vector_store %arg11[%swap3A_1914], %min3A_1911 {strides = array<i32>} : memref<128xi32, #tpu.memory_space<vmem>>, vector<16xi32>,
          %scan3A_1916 = arith.constant 2 : i32
          %mul3A_1917 = arith.constant 16 : i32
          %mul3A_1918 = arith.muli %scan3A_1916, %mul3A_1917 : i32
          %add3A_1919 = arith.addi %mul3A_1843, %mul3A_1918 : i32
          %get3A_1920 = arith.index_cast %add3A_1919 : i32 to index
          %get3A_1921 = tpu.vector_load %arg10[%get3A_1920] {strides = array<i32>} : memref<1024xi32, #tpu.memory_space<vmem>>, vector<16xi32>,
          %jit3A_1922 = arith.constant 0 : i32
          %jit3A_1923 = arith.constant 31999 : i32
          %max3A_1924 = vector.broadcast %jit3A_1922 : i32 to vector<16xi32>
          %max3A_1925 = arith.maxsi %max3A_1924, %get3A_1921 : vector<16xi32>
          %min3A_1926 = vector.broadcast %jit3A_1923 : i32 to vector<16xi32>
          %min3A_1927 = arith.minsi %min3A_1926, %max3A_1925 : vector<16xi32>
          %mul3A_1928 = arith.constant 16 : i32
          %mul3A_1929 = arith.muli %scan3A_1916, %mul3A_1928 : i32
          %swap3A_1930 = arith.index_cast %mul3A_1929 : i32 to index
          %swap3A_1931 = tpu.vector_load %arg11[%swap3A_1930] {strides = array<i32>} : memref<128xi32, #tpu.memory_space<vmem>>, vector<16xi32>,
          tpu.vector_store %arg11[%swap3A_1930], %min3A_1927 {strides = array<i32>} : memref<128xi32, #tpu.memory_space<vmem>>, vector<16xi32>,
          %scan3A_1932 = arith.constant 3 : i32
          %mul3A_1933 = arith.constant 16 : i32
          %mul3A_1934 = arith.muli %scan3A_1932, %mul3A_1933 : i32
          %add3A_1935 = arith.addi %mul3A_1843, %mul3A_1934 : i32
          %get3A_1936 = arith.index_cast %add3A_1935 : i32 to index
          %get3A_1937 = tpu.vector_load %arg10[%get3A_1936] {strides = array<i32>} : memref<1024xi32, #tpu.memory_space<vmem>>, vector<16xi32>,
          %jit3A_1938 = arith.constant 0 : i32
          %jit3A_1939 = arith.constant 31999 : i32
          %max3A_1940 = vector.broadcast %jit3A_1938 : i32 to vector<16xi32>
          %max3A_1941 = arith.maxsi %max3A_1940, %get3A_1937 : vector<16xi32>
          %min3A_1942 = vector.broadcast %jit3A_1939 : i32 to vector<16xi32>
          %min3A_1943 = arith.minsi %min3A_1942, %max3A_1941 : vector<16xi32>
          %mul3A_1944 = arith.constant 16 : i32
          %mul3A_1945 = arith.muli %scan3A_1932, %mul3A_1944 : i32
          %swap3A_1946 = arith.index_cast %mul3A_1945 : i32 to index
          %swap3A_1947 = tpu.vector_load %arg11[%swap3A_1946] {strides = array<i32>} : memref<128xi32, #tpu.memory_space<vmem>>, vector<16xi32>,
          tpu.vector_store %arg11[%swap3A_1946], %min3A_1943 {strides = array<i32>} : memref<128xi32, #tpu.memory_space<vmem>>, vector<16xi32>,
          %scan3A_1948 = arith.constant 4 : i32
          %mul3A_1949 = arith.constant 16 : i32
          %mul3A_1950 = arith.muli %scan3A_1948, %mul3A_1949 : i32
          %add3A_1951 = arith.addi %mul3A_1843, %mul3A_1950 : i32
          %get3A_1952 = arith.index_cast %add3A_1951 : i32 to index
          %get3A_1953 = tpu.vector_load %arg10[%get3A_1952] {strides = array<i32>} : memref<1024xi32, #tpu.memory_space<vmem>>, vector<16xi32>,
          %jit3A_1954 = arith.constant 0 : i32
          %jit3A_1955 = arith.constant 31999 : i32
          %max3A_1956 = vector.broadcast %jit3A_1954 : i32 to vector<16xi32>
          %max3A_1957 = arith.maxsi %max3A_1956, %get3A_1953 : vector<16xi32>
          %min3A_1958 = vector.broadcast %jit3A_1955 : i32 to vector<16xi32>
          %min3A_1959 = arith.minsi %min3A_1958, %max3A_1957 : vector<16xi32>
          %mul3A_1960 = arith.constant 16 : i32
          %mul3A_1961 = arith.muli %scan3A_1948, %mul3A_1960 : i32
          %swap3A_1962 = arith.index_cast %mul3A_1961 : i32 to index
          %swap3A_1963 = tpu.vector_load %arg11[%swap3A_1962] {strides = array<i32>} : memref<128xi32, #tpu.memory_space<vmem>>, vector<16xi32>,
          tpu.vector_store %arg11[%swap3A_1962], %min3A_1959 {strides = array<i32>} : memref<128xi32, #tpu.memory_space<vmem>>, vector<16xi32>,
          %scan3A_1964 = arith.constant 5 : i32
          %mul3A_1965 = arith.constant 16 : i32
          %mul3A_1966 = arith.muli %scan3A_1964, %mul3A_1965 : i32
          %add3A_1967 = arith.addi %mul3A_1843, %mul3A_1966 : i32
          %get3A_1968 = arith.index_cast %add3A_1967 : i32 to index
          %get3A_1969 = tpu.vector_load %arg10[%get3A_1968] {strides = array<i32>} : memref<1024xi32, #tpu.memory_space<vmem>>, vector<16xi32>,
          %jit3A_1970 = arith.constant 0 : i32
          %jit3A_1971 = arith.constant 31999 : i32
          %max3A_1972 = vector.broadcast %jit3A_1970 : i32 to vector<16xi32>
          %max3A_1973 = arith.maxsi %max3A_1972, %get3A_1969 : vector<16xi32>
          %min3A_1974 = vector.broadcast %jit3A_1971 : i32 to vector<16xi32>
          %min3A_1975 = arith.minsi %min3A_1974, %max3A_1973 : vector<16xi32>
          %mul3A_1976 = arith.constant 16 : i32
          %mul3A_1977 = arith.muli %scan3A_1964, %mul3A_1976 : i32
          %swap3A_1978 = arith.index_cast %mul3A_1977 : i32 to index
          %swap3A_1979 = tpu.vector_load %arg11[%swap3A_1978] {strides = array<i32>} : memref<128xi32, #tpu.memory_space<vmem>>, vector<16xi32>,
          tpu.vector_store %arg11[%swap3A_1978], %min3A_1975 {strides = array<i32>} : memref<128xi32, #tpu.memory_space<vmem>>, vector<16xi32>,
          %scan3A_1980 = arith.constant 6 : i32
          %mul3A_1981 = arith.constant 16 : i32
          %mul3A_1982 = arith.muli %scan3A_1980, %mul3A_1981 : i32
          %add3A_1983 = arith.addi %mul3A_1843, %mul3A_1982 : i32
          %get3A_1984 = arith.index_cast %add3A_1983 : i32 to index
          %get3A_1985 = tpu.vector_load %arg10[%get3A_1984] {strides = array<i32>} : memref<1024xi32, #tpu.memory_space<vmem>>, vector<16xi32>,
          %jit3A_1986 = arith.constant 0 : i32
          %jit3A_1987 = arith.constant 31999 : i32
          %max3A_1988 = vector.broadcast %jit3A_1986 : i32 to vector<16xi32>
          %max3A_1989 = arith.maxsi %max3A_1988, %get3A_1985 : vector<16xi32>
          %min3A_1990 = vector.broadcast %jit3A_1987 : i32 to vector<16xi32>
          %min3A_1991 = arith.minsi %min3A_1990, %max3A_1989 : vector<16xi32>
          %mul3A_1992 = arith.constant 16 : i32
          %mul3A_1993 = arith.muli %scan3A_1980, %mul3A_1992 : i32
          %swap3A_1994 = arith.index_cast %mul3A_1993 : i32 to index
          %swap3A_1995 = tpu.vector_load %arg11[%swap3A_1994] {strides = array<i32>} : memref<128xi32, #tpu.memory_space<vmem>>, vector<16xi32>,
          tpu.vector_store %arg11[%swap3A_1994], %min3A_1991 {strides = array<i32>} : memref<128xi32, #tpu.memory_space<vmem>>, vector<16xi32>,
          %scan3A_1996 = arith.constant 7 : i32
          %mul3A_1997 = arith.constant 16 : i32
          %mul3A_1998 = arith.muli %scan3A_1996, %mul3A_1997 : i32
          %add3A_1999 = arith.addi %mul3A_1843, %mul3A_1998 : i32
          %get3A_2000 = arith.index_cast %add3A_1999 : i32 to index
          %get3A_2001 = tpu.vector_load %arg10[%get3A_2000] {strides = array<i32>} : memref<1024xi32, #tpu.memory_space<vmem>>, vector<16xi32>,
          %jit3A_2002 = arith.constant 0 : i32
          %jit3A_2003 = arith.constant 31999 : i32
          %max3A_2004 = vector.broadcast %jit3A_2002 : i32 to vector<16xi32>
          %max3A_2005 = arith.maxsi %max3A_2004, %get3A_2001 : vector<16xi32>
          %min3A_2006 = vector.broadcast %jit3A_2003 : i32 to vector<16xi32>
          %min3A_2007 = arith.minsi %min3A_2006, %max3A_2005 : vector<16xi32>
          %mul3A_2008 = arith.constant 16 : i32
          %mul3A_2009 = arith.muli %scan3A_1996, %mul3A_2008 : i32
          %swap3A_2010 = arith.index_cast %mul3A_2009 : i32 to index
          %swap3A_2011 = tpu.vector_load %arg11[%swap3A_2010] {strides = array<i32>} : memref<128xi32, #tpu.memory_space<vmem>>, vector<16xi32>,
          tpu.vector_store %arg11[%swap3A_2010], %min3A_2007 {strides = array<i32>} : memref<128xi32, #tpu.memory_space<vmem>>, vector<16xi32>,
          %scan3A_2012 = arith.constant 8 : i32
          %dma_start3A_2013 = arith.constant 0 : i32
          %dma_start3A_2014 = arith.constant 0 : i32
          %dma_start3A_2015 = tpu.memref_slice %arg3[%dma_start3A_2013, %dma_start3A_2014] : memref<32000x64xf32, #tpu.memory_space<hbm>> -> memref<32000x64xf32, #tpu.memory_space<hbm>>
          tpu.enqueue_indirect_dma source(%dma_start3A_2015 : memref<32000x64xf32, #tpu.memory_space<hbm>>) target(%arg8 : memref<128x64xf32, #tpu.memory_space<vmem>>) offsets(%arg11 : memref<128xi32, #tpu.memory_space<vmem>>) semaphore(%arg12 : memref<!tpu.dma_semaphore, #tpu.memory_space<semaphore_mem>>)
          %dma_wait3A_2016 = arith.constant 0 : i32
          %dma_wait3A_2017 = arith.constant 0 : i32
          %dma_wait3A_2018 = tpu.memref_slice %arg3[%dma_wait3A_2016, %dma_wait3A_2017] : memref<32000x64xf32, #tpu.memory_space<hbm>> -> memref<32000x64xf32, #tpu.memory_space<hbm>>
          tpu.wait_indirect_dma semaphore(%arg12 : memref<!tpu.dma_semaphore, #tpu.memory_space<semaphore_mem>>) src(%dma_wait3A_2018 : memref<32000x64xf32, #tpu.memory_space<hbm>>) dst(%arg8 : memref<128x64xf32, #tpu.memory_space<vmem>>)
        } else {
        }
        %sub3A_1846 = arith.subi %scan3A_42, %mul3A_1843 : i32
        %min3A = arith.constant 128 : i32
        %min3A_1847 = arith.minsi %sub3A_1846, %min3A : i32
        %add3A_1848 = arith.constant 16 : i32
        %add3A_1849 = arith.addi %min3A_1847, %add3A_1848 : i32
        %sub3A_1850 = arith.constant 1 : i32
        %sub3A_1851 = arith.subi %add3A_1849, %sub3A_1850 : i32
        %jit3A_1852 = arith.constant 16 : i32
        %div3A_1853 = arith.divsi %sub3A_1851, %jit3A_1852 : i32
        %sign3A_1854 = arith.constant 0 : i32
        %sign3A_1855 = arith.cmpi sgt, %sub3A_1851, %sign3A_1854 : i32
        %sign3A_1856 = arith.extui %sign3A_1855 : i1 to i32
        %sign3A_1857 = arith.constant 0 : i32
        %sign3A_1858 = arith.cmpi slt, %sub3A_1851, %sign3A_1857 : i32
        %sign3A_1859 = arith.extui %sign3A_1858 : i1 to i32
        %sign3A_1860 = arith.subi %sign3A_1856, %sign3A_1859 : i32
        %sign3A_1861 = arith.constant 0 : i32
        %sign3A_1862 = arith.cmpi sgt, %jit3A_1852, %sign3A_1861 : i32
        %sign3A_1863 = arith.extui %sign3A_1862 : i1 to i32
        %sign3A_1864 = arith.constant 0 : i32
        %sign3A_1865 = arith.cmpi slt, %jit3A_1852, %sign3A_1864 : i32
        %sign3A_1866 = arith.extui %sign3A_1865 : i1 to i32
        %sign3A_1867 = arith.subi %sign3A_1863, %sign3A_1866 : i32
        %ne3A_1868 = arith.cmpi ne, %sign3A_1860, %sign3A_1867 : i32
        %rem3A_1869 = arith.remsi %sub3A_1851, %jit3A_1852 : i32
        %ne3A_1870 = arith.constant 0 : i32
        %ne3A_1871 = arith.cmpi ne, %rem3A_1869, %ne3A_1870 : i32
        %and3A_1872 = arith.andi %ne3A_1868, %ne3A_1871 : i1
        %sub3A_1873 = arith.constant 1 : i32
        %sub3A_1874 = arith.subi %div3A_1853, %sub3A_1873 : i32
        %select_n3A_1875 = arith.select %and3A_1872, %sub3A_1874, %div3A_1853 : i32
        %while3A_1876 = arith.constant 0 : i32
        %while3A_1877 = arith.constant 0 : i32
        %while3A_1878 = arith.subi %select_n3A_1875, %while3A_1877 : i32
        %while3A_1879 = arith.addi %while3A_1877, %while3A_1878 : i32
        %while3A_1880 = arith.constant 1 : i32
        %while3A_1881 = arith.divsi %while3A_1878, %while3A_1880 : i32
        %while3A_1882 = arith.muli %while3A_1881, %while3A_1880 : i32
        %while3A_1883 = arith.addi %while3A_1877, %while3A_1882 : i32
        %while3A_1884 = arith.constant 1 : i32
        scf.for %while3A_1886 = %while3A_1877 to %while3A_1883 step %while3A_1884  : i32 {
          %mul3A_1887 = arith.constant 16 : i32
          %mul3A_1888 = arith.muli %while3A_1886, %mul3A_1887 : i32
          %add3A_1889 = arith.addi %mul3A_1843, %mul3A_1888 : i32
          %add3A_1890 = vector.broadcast %add3A_1889 : i32 to vector<16xi32>
          %add3A_1891 = arith.addi %add3A_1890, %iota3A : vector<16xi32>
          %lt3A = vector.broadcast %scan3A_42 : i32 to vector<16xi32>
          %lt3A_1892 = arith.cmpi slt, %add3A_1891, %lt3A : vector<16xi32>
          %mul3A_1893 = arith.constant 16 : i32
          %mul3A_1894 = arith.muli %while3A_1886, %mul3A_1893 : i32
          %add3A_1895 = arith.addi %mul3A_1843, %mul3A_1894 : i32
          %get3A = arith.index_cast %add3A_1895 : i32 to index
          %get3A_1896 = tpu.vector_load %arg9[%get3A] {strides = array<i32>} : memref<1024xi32, #tpu.memory_space<vmem>>, vector<16xi32>,
          %jit3A_1897 = arith.constant 0 : i32
          %jit3A_1898 = arith.constant 1023 : i32
          %max3A = vector.broadcast %jit3A_1897 : i32 to vector<16xi32>
          %max3A_1899 = arith.maxsi %max3A, %get3A_1896 : vector<16xi32>
          %min3A_1900 = vector.broadcast %jit3A_1898 : i32 to vector<16xi32>
          %min3A_1901 = arith.minsi %min3A_1900, %max3A_1899 : vector<16xi32>
          %shift_right_logical3A_1902 = arith.constant 7 : i32
          %shift_right_logical3A_1903 = vector.broadcast %shift_right_logical3A_1902 : i32 to vector<16xi32>
          %shift_right_logical3A_1904 = arith.shrui %min3A_1901, %shift_right_logical3A_1903 : vector<16xi32>
          %and3A_1905 = arith.constant 127 : i32
          %and3A_1906 = vector.broadcast %and3A_1905 : i32 to vector<16xi32>
          %and3A_1907 = arith.andi %min3A_1901, %and3A_1906 : vector<16xi32>
          %scan3A_1908 = arith.constant 0 : i32
          %scan3A_1909 = arith.constant 0 : i32
          %scan3A_1910 = arith.constant 32 : i32
          %scan3A_1911 = arith.addi %scan3A_1909, %scan3A_1910 : i32
          %scan3A_1912 = arith.constant 4 : i32
          scf.for %scan3A_1914 = %scan3A_1909 to %scan3A_1911 step %scan3A_1912  : i32 {
            %mul3A_1915 = arith.constant 16 : i32
            %mul3A_1916 = arith.muli %while3A_1886, %mul3A_1915 : i32
            %add3A_1917 = vector.broadcast %mul3A_1916 : i32 to vector<16xi32>
            %add3A_1918 = arith.addi %add3A_1917, %iota3A : vector<16xi32>
            %broadcast_in_dim3A = arith.constant 32 : i32
            %broadcast_in_dim3A_1919 = vector.broadcast %broadcast_in_dim3A : i32 to vector<16xi32>
            %add3A_1920 = vector.broadcast %scan3A_1914 : i32 to vector<16xi32>
            %add3A_1921 = arith.addi %broadcast_in_dim3A_1919, %add3A_1920 : vector<16xi32>
            %gather3A = tpu.vector_load_idx %arg8[%add3A_1918, %add3A_1921] : memref<128x64xf32, #tpu.memory_space<vmem>>[vector<16xi32>, vector<16xi32>], vector<16xf32>,
            %mul3A_1922 = arith.constant 8 : i32
            %mul3A_1923 = arith.muli %scan3A_1914, %mul3A_1922 : i32
            %add3A_1924 = vector.broadcast %mul3A_1923 : i32 to vector<16xi32>
            %add3A_1925 = arith.addi %add3A_1924, %shift_right_logical3A_1904 : vector<16xi32>
            tpu.vector_store_idx %arg7[%add3A_1925, %and3A_1907], %gather3A masked %lt3A_1892 : memref<256x128xf32, #tpu.memory_space<vmem>>[vector<16xi32>, vector<16xi32>], vector<16xf32>, vector<16xi1>
            %scan3A_1926 = arith.constant 1 : i32
            %scan3A_1927 = arith.addi %scan3A_1914, %scan3A_1926 : i32
            %mul3A_1928 = arith.constant 16 : i32
            %mul3A_1929 = arith.muli %while3A_1886, %mul3A_1928 : i32
            %add3A_1930 = vector.broadcast %mul3A_1929 : i32 to vector<16xi32>
            %add3A_1931 = arith.addi %add3A_1930, %iota3A : vector<16xi32>
            %broadcast_in_dim3A_1932 = arith.constant 32 : i32
            %broadcast_in_dim3A_1933 = vector.broadcast %broadcast_in_dim3A_1932 : i32 to vector<16xi32>
            %add3A_1934 = vector.broadcast %scan3A_1927 : i32 to vector<16xi32>
            %add3A_1935 = arith.addi %broadcast_in_dim3A_1933, %add3A_1934 : vector<16xi32>
            %gather3A_1936 = tpu.vector_load_idx %arg8[%add3A_1931, %add3A_1935] : memref<128x64xf32, #tpu.memory_space<vmem>>[vector<16xi32>, vector<16xi32>], vector<16xf32>,
            %mul3A_1937 = arith.constant 8 : i32
            %mul3A_1938 = arith.muli %scan3A_1927, %mul3A_1937 : i32
            %add3A_1939 = vector.broadcast %mul3A_1938 : i32 to vector<16xi32>
            %add3A_1940 = arith.addi %add3A_1939, %shift_right_logical3A_1904 : vector<16xi32>
            tpu.vector_store_idx %arg7[%add3A_1940, %and3A_1907], %gather3A_1936 masked %lt3A_1892 : memref<256x128xf32, #tpu.memory_space<vmem>>[vector<16xi32>, vector<16xi32>], vector<16xf32>, vector<16xi1>
            %scan3A_1941 = arith.constant 2 : i32
            %scan3A_1942 = arith.addi %scan3A_1914, %scan3A_1941 : i32
            %mul3A_1943 = arith.constant 16 : i32
            %mul3A_1944 = arith.muli %while3A_1886, %mul3A_1943 : i32
            %add3A_1945 = vector.broadcast %mul3A_1944 : i32 to vector<16xi32>
            %add3A_1946 = arith.addi %add3A_1945, %iota3A : vector<16xi32>
            %broadcast_in_dim3A_1947 = arith.constant 32 : i32
            %broadcast_in_dim3A_1948 = vector.broadcast %broadcast_in_dim3A_1947 : i32 to vector<16xi32>
            %add3A_1949 = vector.broadcast %scan3A_1942 : i32 to vector<16xi32>
            %add3A_1950 = arith.addi %broadcast_in_dim3A_1948, %add3A_1949 : vector<16xi32>
            %gather3A_1951 = tpu.vector_load_idx %arg8[%add3A_1946, %add3A_1950] : memref<128x64xf32, #tpu.memory_space<vmem>>[vector<16xi32>, vector<16xi32>], vector<16xf32>,
            %mul3A_1952 = arith.constant 8 : i32
            %mul3A_1953 = arith.muli %scan3A_1942, %mul3A_1952 : i32
            %add3A_1954 = vector.broadcast %mul3A_1953 : i32 to vector<16xi32>
            %add3A_1955 = arith.addi %add3A_1954, %shift_right_logical3A_1904 : vector<16xi32>
            tpu.vector_store_idx %arg7[%add3A_1955, %and3A_1907], %gather3A_1951 masked %lt3A_1892 : memref<256x128xf32, #tpu.memory_space<vmem>>[vector<16xi32>, vector<16xi32>], vector<16xf32>, vector<16xi1>
            %scan3A_1956 = arith.constant 3 : i32
            %scan3A_1957 = arith.addi %scan3A_1914, %scan3A_1956 : i32
            %mul3A_1958 = arith.constant 16 : i32
            %mul3A_1959 = arith.muli %while3A_1886, %mul3A_1958 : i32
            %add3A_1960 = vector.broadcast %mul3A_1959 : i32 to vector<16xi32>
            %add3A_1961 = arith.addi %add3A_1960, %iota3A : vector<16xi32>
            %broadcast_in_dim3A_1962 = arith.constant 32 : i32
            %broadcast_in_dim3A_1963 = vector.broadcast %broadcast_in_dim3A_1962 : i32 to vector<16xi32>
            %add3A_1964 = vector.broadcast %scan3A_1957 : i32 to vector<16xi32>
            %add3A_1965 = arith.addi %broadcast_in_dim3A_1963, %add3A_1964 : vector<16xi32>
            %gather3A_1966 = tpu.vector_load_idx %arg8[%add3A_1961, %add3A_1965] : memref<128x64xf32, #tpu.memory_space<vmem>>[vector<16xi32>, vector<16xi32>], vector<16xf32>,
            %mul3A_1967 = arith.constant 8 : i32
            %mul3A_1968 = arith.muli %scan3A_1957, %mul3A_1967 : i32
            %add3A_1969 = vector.broadcast %mul3A_1968 : i32 to vector<16xi32>
            %add3A_1970 = arith.addi %add3A_1969, %shift_right_logical3A_1904 : vector<16xi32>
            tpu.vector_store_idx %arg7[%add3A_1970, %and3A_1907], %gather3A_1966 masked %lt3A_1892 : memref<256x128xf32, #tpu.memory_space<vmem>>[vector<16xi32>, vector<16xi32>], vector<16xf32>, vector<16xi1>
          }
          %scan3A_1913 = arith.constant 32 : i32
        }
        %while3A_1885 = arith.constant 1 : i32
        scf.for %while3A_1886 = %while3A_1883 to %while3A_1879 step %while3A_1885  : i32 {
          %mul3A_1887 = arith.constant 16 : i32
          %mul3A_1888 = arith.muli %while3A_1886, %mul3A_1887 : i32
          %add3A_1889 = arith.addi %mul3A_1843, %mul3A_1888 : i32
          %add3A_1890 = vector.broadcast %add3A_1889 : i32 to vector<16xi32>
          %add3A_1891 = arith.addi %add3A_1890, %iota3A : vector<16xi32>
          %lt3A = vector.broadcast %scan3A_42 : i32 to vector<16xi32>
          %lt3A_1892 = arith.cmpi slt, %add3A_1891, %lt3A : vector<16xi32>
          %mul3A_1893 = arith.constant 16 : i32
          %mul3A_1894 = arith.muli %while3A_1886, %mul3A_1893 : i32
          %add3A_1895 = arith.addi %mul3A_1843, %mul3A_1894 : i32
          %get3A = arith.index_cast %add3A_1895 : i32 to index
          %get3A_1896 = tpu.vector_load %arg9[%get3A] {strides = array<i32>} : memref<1024xi32, #tpu.memory_space<vmem>>, vector<16xi32>,
          %jit3A_1897 = arith.constant 0 : i32
          %jit3A_1898 = arith.constant 1023 : i32
          %max3A = vector.broadcast %jit3A_1897 : i32 to vector<16xi32>
          %max3A_1899 = arith.maxsi %max3A, %get3A_1896 : vector<16xi32>
          %min3A_1900 = vector.broadcast %jit3A_1898 : i32 to vector<16xi32>
          %min3A_1901 = arith.minsi %min3A_1900, %max3A_1899 : vector<16xi32>
          %shift_right_logical3A_1902 = arith.constant 7 : i32
          %shift_right_logical3A_1903 = vector.broadcast %shift_right_logical3A_1902 : i32 to vector<16xi32>
          %shift_right_logical3A_1904 = arith.shrui %min3A_1901, %shift_right_logical3A_1903 : vector<16xi32>
          %and3A_1905 = arith.constant 127 : i32
          %and3A_1906 = vector.broadcast %and3A_1905 : i32 to vector<16xi32>
          %and3A_1907 = arith.andi %min3A_1901, %and3A_1906 : vector<16xi32>
          %scan3A_1908 = arith.constant 0 : i32
          %scan3A_1909 = arith.constant 0 : i32
          %scan3A_1910 = arith.constant 32 : i32
          %scan3A_1911 = arith.addi %scan3A_1909, %scan3A_1910 : i32
          %scan3A_1912 = arith.constant 4 : i32
          scf.for %scan3A_1914 = %scan3A_1909 to %scan3A_1911 step %scan3A_1912  : i32 {
            %mul3A_1915 = arith.constant 16 : i32
            %mul3A_1916 = arith.muli %while3A_1886, %mul3A_1915 : i32
            %add3A_1917 = vector.broadcast %mul3A_1916 : i32 to vector<16xi32>
            %add3A_1918 = arith.addi %add3A_1917, %iota3A : vector<16xi32>
            %broadcast_in_dim3A = arith.constant 32 : i32
            %broadcast_in_dim3A_1919 = vector.broadcast %broadcast_in_dim3A : i32 to vector<16xi32>
            %add3A_1920 = vector.broadcast %scan3A_1914 : i32 to vector<16xi32>
            %add3A_1921 = arith.addi %broadcast_in_dim3A_1919, %add3A_1920 : vector<16xi32>
            %gather3A = tpu.vector_load_idx %arg8[%add3A_1918, %add3A_1921] : memref<128x64xf32, #tpu.memory_space<vmem>>[vector<16xi32>, vector<16xi32>], vector<16xf32>,
            %mul3A_1922 = arith.constant 8 : i32
            %mul3A_1923 = arith.muli %scan3A_1914, %mul3A_1922 : i32
            %add3A_1924 = vector.broadcast %mul3A_1923 : i32 to vector<16xi32>
            %add3A_1925 = arith.addi %add3A_1924, %shift_right_logical3A_1904 : vector<16xi32>
            tpu.vector_store_idx %arg7[%add3A_1925, %and3A_1907], %gather3A masked %lt3A_1892 : memref<256x128xf32, #tpu.memory_space<vmem>>[vector<16xi32>, vector<16xi32>], vector<16xf32>, vector<16xi1>
            %scan3A_1926 = arith.constant 1 : i32
            %scan3A_1927 = arith.addi %scan3A_1914, %scan3A_1926 : i32
            %mul3A_1928 = arith.constant 16 : i32
            %mul3A_1929 = arith.muli %while3A_1886, %mul3A_1928 : i32
            %add3A_1930 = vector.broadcast %mul3A_1929 : i32 to vector<16xi32>
            %add3A_1931 = arith.addi %add3A_1930, %iota3A : vector<16xi32>
            %broadcast_in_dim3A_1932 = arith.constant 32 : i32
            %broadcast_in_dim3A_1933 = vector.broadcast %broadcast_in_dim3A_1932 : i32 to vector<16xi32>
            %add3A_1934 = vector.broadcast %scan3A_1927 : i32 to vector<16xi32>
            %add3A_1935 = arith.addi %broadcast_in_dim3A_1933, %add3A_1934 : vector<16xi32>
            %gather3A_1936 = tpu.vector_load_idx %arg8[%add3A_1931, %add3A_1935] : memref<128x64xf32, #tpu.memory_space<vmem>>[vector<16xi32>, vector<16xi32>], vector<16xf32>,
            %mul3A_1937 = arith.constant 8 : i32
            %mul3A_1938 = arith.muli %scan3A_1927, %mul3A_1937 : i32
            %add3A_1939 = vector.broadcast %mul3A_1938 : i32 to vector<16xi32>
            %add3A_1940 = arith.addi %add3A_1939, %shift_right_logical3A_1904 : vector<16xi32>
            tpu.vector_store_idx %arg7[%add3A_1940, %and3A_1907], %gather3A_1936 masked %lt3A_1892 : memref<256x128xf32, #tpu.memory_space<vmem>>[vector<16xi32>, vector<16xi32>], vector<16xf32>, vector<16xi1>
            %scan3A_1941 = arith.constant 2 : i32
            %scan3A_1942 = arith.addi %scan3A_1914, %scan3A_1941 : i32
            %mul3A_1943 = arith.constant 16 : i32
            %mul3A_1944 = arith.muli %while3A_1886, %mul3A_1943 : i32
            %add3A_1945 = vector.broadcast %mul3A_1944 : i32 to vector<16xi32>
            %add3A_1946 = arith.addi %add3A_1945, %iota3A : vector<16xi32>
            %broadcast_in_dim3A_1947 = arith.constant 32 : i32
            %broadcast_in_dim3A_1948 = vector.broadcast %broadcast_in_dim3A_1947 : i32 to vector<16xi32>
            %add3A_1949 = vector.broadcast %scan3A_1942 : i32 to vector<16xi32>
            %add3A_1950 = arith.addi %broadcast_in_dim3A_1948, %add3A_1949 : vector<16xi32>
            %gather3A_1951 = tpu.vector_load_idx %arg8[%add3A_1946, %add3A_1950] : memref<128x64xf32, #tpu.memory_space<vmem>>[vector<16xi32>, vector<16xi32>], vector<16xf32>,
            %mul3A_1952 = arith.constant 8 : i32
            %mul3A_1953 = arith.muli %scan3A_1942, %mul3A_1952 : i32
            %add3A_1954 = vector.broadcast %mul3A_1953 : i32 to vector<16xi32>
            %add3A_1955 = arith.addi %add3A_1954, %shift_right_logical3A_1904 : vector<16xi32>
            tpu.vector_store_idx %arg7[%add3A_1955, %and3A_1907], %gather3A_1951 masked %lt3A_1892 : memref<256x128xf32, #tpu.memory_space<vmem>>[vector<16xi32>, vector<16xi32>], vector<16xf32>, vector<16xi1>
            %scan3A_1956 = arith.constant 3 : i32
            %scan3A_1957 = arith.addi %scan3A_1914, %scan3A_1956 : i32
            %mul3A_1958 = arith.constant 16 : i32
            %mul3A_1959 = arith.muli %while3A_1886, %mul3A_1958 : i32
            %add3A_1960 = vector.broadcast %mul3A_1959 : i32 to vector<16xi32>
            %add3A_1961 = arith.addi %add3A_1960, %iota3A : vector<16xi32>
            %broadcast_in_dim3A_1962 = arith.constant 32 : i32
            %broadcast_in_dim3A_1963 = vector.broadcast %broadcast_in_dim3A_1962 : i32 to vector<16xi32>
            %add3A_1964 = vector.broadcast %scan3A_1957 : i32 to vector<16xi32>
            %add3A_1965 = arith.addi %broadcast_in_dim3A_1963, %add3A_1964 : vector<16xi32>
            %gather3A_1966 = tpu.vector_load_idx %arg8[%add3A_1961, %add3A_1965] : memref<128x64xf32, #tpu.memory_space<vmem>>[vector<16xi32>, vector<16xi32>], vector<16xf32>,
            %mul3A_1967 = arith.constant 8 : i32
            %mul3A_1968 = arith.muli %scan3A_1957, %mul3A_1967 : i32
            %add3A_1969 = vector.broadcast %mul3A_1968 : i32 to vector<16xi32>
            %add3A_1970 = arith.addi %add3A_1969, %shift_right_logical3A_1904 : vector<16xi32>
            tpu.vector_store_idx %arg7[%add3A_1970, %and3A_1907], %gather3A_1966 masked %lt3A_1892 : memref<256x128xf32, #tpu.memory_space<vmem>>[vector<16xi32>, vector<16xi32>], vector<16xf32>, vector<16xi1>
          }
          %scan3A_1913 = arith.constant 32 : i32
        }
      }
      %add3A_973 = arith.constant 65536 : i32
      %add3A_974 = arith.addi %add3A_36, %add3A_973 : i32
      %multiple_of3A_975 = tpu.assume_multiple %add3A_974, 8 : i32
      %dma_start3A_976 = arith.constant 0 : i32
      %dma_start3A_977 = arith.constant 0 : i32
      %dma_start3A_978 = tpu.memref_slice %arg7[%dma_start3A_976, %dma_start3A_977] : memref<256x128xf32, #tpu.memory_space<vmem>> -> memref<8x128xf32, #tpu.memory_space<vmem>>
      %dma_start3A_979 = arith.constant 0 : i32
      %dma_start3A_980 = tpu.memref_slice %arg4[%multiple_of3A_975, %dma_start3A_979] : memref<524288x128xf32, #tpu.memory_space<hbm>> -> memref<8x128xf32, #tpu.memory_space<hbm>>
      %dma_start3A_981 = arith.constant 0 : i32
      %dma_start3A_982 = tpu.memref_slice %arg4[%multiple_of3A_975, %dma_start3A_981] : memref<524288x128xf32, #tpu.memory_space<hbm>> -> memref<8x128xf32, #tpu.memory_space<hbm>>
      %dma_start3A_983 = arith.constant 0 : i32
      %dma_start3A_984 = arith.constant 0 : i32
      %dma_start3A_985 = tpu.memref_slice %arg7[%dma_start3A_983, %dma_start3A_984] : memref<256x128xf32, #tpu.memory_space<vmem>> -> memref<8x128xf32, #tpu.memory_space<vmem>>
      tpu.enqueue_dma source(%dma_start3A_985 : memref<8x128xf32, #tpu.memory_space<vmem>>) target(%dma_start3A_982 : memref<8x128xf32, #tpu.memory_space<hbm>>) target_semaphore(%arg13 : memref<!tpu.dma_semaphore, #tpu.memory_space<semaphore_mem>>)
      %add3A_986 = arith.constant 67584 : i32
      %add3A_987 = arith.addi %add3A_36, %add3A_986 : i32
      %multiple_of3A_988 = tpu.assume_multiple %add3A_987, 8 : i32
      %dma_start3A_989 = arith.constant 8 : i32
      %dma_start3A_990 = arith.constant 0 : i32
      %dma_start3A_991 = tpu.memref_slice %arg7[%dma_start3A_989, %dma_start3A_990] : memref<256x128xf32, #tpu.memory_space<vmem>> -> memref<8x128xf32, #tpu.memory_space<vmem>>
      %dma_start3A_992 = arith.constant 0 : i32
      %dma_start3A_993 = tpu.memref_slice %arg4[%multiple_of3A_988, %dma_start3A_992] : memref<524288x128xf32, #tpu.memory_space<hbm>> -> memref<8x128xf32, #tpu.memory_space<hbm>>
      %dma_start3A_994 = arith.constant 0 : i32
      %dma_start3A_995 = tpu.memref_slice %arg4[%multiple_of3A_988, %dma_start3A_994] : memref<524288x128xf32, #tpu.memory_space<hbm>> -> memref<8x128xf32, #tpu.memory_space<hbm>>
      %dma_start3A_996 = arith.constant 8 : i32
      %dma_start3A_997 = arith.constant 0 : i32
      %dma_start3A_998 = tpu.memref_slice %arg7[%dma_start3A_996, %dma_start3A_997] : memref<256x128xf32, #tpu.memory_space<vmem>> -> memref<8x128xf32, #tpu.memory_space<vmem>>
      tpu.enqueue_dma source(%dma_start3A_998 : memref<8x128xf32, #tpu.memory_space<vmem>>) target(%dma_start3A_995 : memref<8x128xf32, #tpu.memory_space<hbm>>) target_semaphore(%arg13 : memref<!tpu.dma_semaphore, #tpu.memory_space<semaphore_mem>>)
      %add3A_999 = arith.constant 69632 : i32
      %add3A_1000 = arith.addi %add3A_36, %add3A_999 : i32
      %multiple_of3A_1001 = tpu.assume_multiple %add3A_1000, 8 : i32
      %dma_start3A_1002 = arith.constant 16 : i32
      %dma_start3A_1003 = arith.constant 0 : i32
      %dma_start3A_1004 = tpu.memref_slice %arg7[%dma_start3A_1002, %dma_start3A_1003] : memref<256x128xf32, #tpu.memory_space<vmem>> -> memref<8x128xf32, #tpu.memory_space<vmem>>
      %dma_start3A_1005 = arith.constant 0 : i32
      %dma_start3A_1006 = tpu.memref_slice %arg4[%multiple_of3A_1001, %dma_start3A_1005] : memref<524288x128xf32, #tpu.memory_space<hbm>> -> memref<8x128xf32, #tpu.memory_space<hbm>>
      %dma_start3A_1007 = arith.constant 0 : i32
      %dma_start3A_1008 = tpu.memref_slice %arg4[%multiple_of3A_1001, %dma_start3A_1007] : memref<524288x128xf32, #tpu.memory_space<hbm>> -> memref<8x128xf32, #tpu.memory_space<hbm>>
      %dma_start3A_1009 = arith.constant 16 : i32
      %dma_start3A_1010 = arith.constant 0 : i32
      %dma_start3A_1011 = tpu.memref_slice %arg7[%dma_start3A_1009, %dma_start3A_1010] : memref<256x128xf32, #tpu.memory_space<vmem>> -> memref<8x128xf32, #tpu.memory_space<vmem>>
      tpu.enqueue_dma source(%dma_start3A_1011 : memref<8x128xf32, #tpu.memory_space<vmem>>) target(%dma_start3A_1008 : memref<8x128xf32, #tpu.memory_space<hbm>>) target_semaphore(%arg13 : memref<!tpu.dma_semaphore, #tpu.memory_space<semaphore_mem>>)
      %add3A_1012 = arith.constant 71680 : i32
      %add3A_1013 = arith.addi %add3A_36, %add3A_1012 : i32
      %multiple_of3A_1014 = tpu.assume_multiple %add3A_1013, 8 : i32
      %dma_start3A_1015 = arith.constant 24 : i32
      %dma_start3A_1016 = arith.constant 0 : i32
      %dma_start3A_1017 = tpu.memref_slice %arg7[%dma_start3A_1015, %dma_start3A_1016] : memref<256x128xf32, #tpu.memory_space<vmem>> -> memref<8x128xf32, #tpu.memory_space<vmem>>
      %dma_start3A_1018 = arith.constant 0 : i32
      %dma_start3A_1019 = tpu.memref_slice %arg4[%multiple_of3A_1014, %dma_start3A_1018] : memref<524288x128xf32, #tpu.memory_space<hbm>> -> memref<8x128xf32, #tpu.memory_space<hbm>>
      %dma_start3A_1020 = arith.constant 0 : i32
      %dma_start3A_1021 = tpu.memref_slice %arg4[%multiple_of3A_1014, %dma_start3A_1020] : memref<524288x128xf32, #tpu.memory_space<hbm>> -> memref<8x128xf32, #tpu.memory_space<hbm>>
      %dma_start3A_1022 = arith.constant 24 : i32
      %dma_start3A_1023 = arith.constant 0 : i32
      %dma_start3A_1024 = tpu.memref_slice %arg7[%dma_start3A_1022, %dma_start3A_1023] : memref<256x128xf32, #tpu.memory_space<vmem>> -> memref<8x128xf32, #tpu.memory_space<vmem>>
      tpu.enqueue_dma source(%dma_start3A_1024 : memref<8x128xf32, #tpu.memory_space<vmem>>) target(%dma_start3A_1021 : memref<8x128xf32, #tpu.memory_space<hbm>>) target_semaphore(%arg13 : memref<!tpu.dma_semaphore, #tpu.memory_space<semaphore_mem>>)
      %add3A_1025 = arith.constant 73728 : i32
      %add3A_1026 = arith.addi %add3A_36, %add3A_1025 : i32
      %multiple_of3A_1027 = tpu.assume_multiple %add3A_1026, 8 : i32
      %dma_start3A_1028 = arith.constant 32 : i32
      %dma_start3A_1029 = arith.constant 0 : i32
      %dma_start3A_1030 = tpu.memref_slice %arg7[%dma_start3A_1028, %dma_start3A_1029] : memref<256x128xf32, #tpu.memory_space<vmem>> -> memref<8x128xf32, #tpu.memory_space<vmem>>
      %dma_start3A_1031 = arith.constant 0 : i32
      %dma_start3A_1032 = tpu.memref_slice %arg4[%multiple_of3A_1027, %dma_start3A_1031] : memref<524288x128xf32, #tpu.memory_space<hbm>> -> memref<8x128xf32, #tpu.memory_space<hbm>>
      %dma_start3A_1033 = arith.constant 0 : i32
      %dma_start3A_1034 = tpu.memref_slice %arg4[%multiple_of3A_1027, %dma_start3A_1033] : memref<524288x128xf32, #tpu.memory_space<hbm>> -> memref<8x128xf32, #tpu.memory_space<hbm>>
      %dma_start3A_1035 = arith.constant 32 : i32
      %dma_start3A_1036 = arith.constant 0 : i32
      %dma_start3A_1037 = tpu.memref_slice %arg7[%dma_start3A_1035, %dma_start3A_1036] : memref<256x128xf32, #tpu.memory_space<vmem>> -> memref<8x128xf32, #tpu.memory_space<vmem>>
      tpu.enqueue_dma source(%dma_start3A_1037 : memref<8x128xf32, #tpu.memory_space<vmem>>) target(%dma_start3A_1034 : memref<8x128xf32, #tpu.memory_space<hbm>>) target_semaphore(%arg13 : memref<!tpu.dma_semaphore, #tpu.memory_space<semaphore_mem>>)
      %add3A_1038 = arith.constant 75776 : i32
      %add3A_1039 = arith.addi %add3A_36, %add3A_1038 : i32
      %multiple_of3A_1040 = tpu.assume_multiple %add3A_1039, 8 : i32
      %dma_start3A_1041 = arith.constant 40 : i32
      %dma_start3A_1042 = arith.constant 0 : i32
      %dma_start3A_1043 = tpu.memref_slice %arg7[%dma_start3A_1041, %dma_start3A_1042] : memref<256x128xf32, #tpu.memory_space<vmem>> -> memref<8x128xf32, #tpu.memory_space<vmem>>
      %dma_start3A_1044 = arith.constant 0 : i32
      %dma_start3A_1045 = tpu.memref_slice %arg4[%multiple_of3A_1040, %dma_start3A_1044] : memref<524288x128xf32, #tpu.memory_space<hbm>> -> memref<8x128xf32, #tpu.memory_space<hbm>>
      %dma_start3A_1046 = arith.constant 0 : i32
      %dma_start3A_1047 = tpu.memref_slice %arg4[%multiple_of3A_1040, %dma_start3A_1046] : memref<524288x128xf32, #tpu.memory_space<hbm>> -> memref<8x128xf32, #tpu.memory_space<hbm>>
      %dma_start3A_1048 = arith.constant 40 : i32
      %dma_start3A_1049 = arith.constant 0 : i32
      %dma_start3A_1050 = tpu.memref_slice %arg7[%dma_start3A_1048, %dma_start3A_1049] : memref<256x128xf32, #tpu.memory_space<vmem>> -> memref<8x128xf32, #tpu.memory_space<vmem>>
      tpu.enqueue_dma source(%dma_start3A_1050 : memref<8x128xf32, #tpu.memory_space<vmem>>) target(%dma_start3A_1047 : memref<8x128xf32, #tpu.memory_space<hbm>>) target_semaphore(%arg13 : memref<!tpu.dma_semaphore, #tpu.memory_space<semaphore_mem>>)
      %add3A_1051 = arith.constant 77824 : i32
      %add3A_1052 = arith.addi %add3A_36, %add3A_1051 : i32
      %multiple_of3A_1053 = tpu.assume_multiple %add3A_1052, 8 : i32
      %dma_start3A_1054 = arith.constant 48 : i32
      %dma_start3A_1055 = arith.constant 0 : i32
      %dma_start3A_1056 = tpu.memref_slice %arg7[%dma_start3A_1054, %dma_start3A_1055] : memref<256x128xf32, #tpu.memory_space<vmem>> -> memref<8x128xf32, #tpu.memory_space<vmem>>
      %dma_start3A_1057 = arith.constant 0 : i32
      %dma_start3A_1058 = tpu.memref_slice %arg4[%multiple_of3A_1053, %dma_start3A_1057] : memref<524288x128xf32, #tpu.memory_space<hbm>> -> memref<8x128xf32, #tpu.memory_space<hbm>>
      %dma_start3A_1059 = arith.constant 0 : i32
      %dma_start3A_1060 = tpu.memref_slice %arg4[%multiple_of3A_1053, %dma_start3A_1059] : memref<524288x128xf32, #tpu.memory_space<hbm>> -> memref<8x128xf32, #tpu.memory_space<hbm>>
      %dma_start3A_1061 = arith.constant 48 : i32
      %dma_start3A_1062 = arith.constant 0 : i32
      %dma_start3A_1063 = tpu.memref_slice %arg7[%dma_start3A_1061, %dma_start3A_1062] : memref<256x128xf32, #tpu.memory_space<vmem>> -> memref<8x128xf32, #tpu.memory_space<vmem>>
      tpu.enqueue_dma source(%dma_start3A_1063 : memref<8x128xf32, #tpu.memory_space<vmem>>) target(%dma_start3A_1060 : memref<8x128xf32, #tpu.memory_space<hbm>>) target_semaphore(%arg13 : memref<!tpu.dma_semaphore, #tpu.memory_space<semaphore_mem>>)
      %add3A_1064 = arith.constant 79872 : i32
      %add3A_1065 = arith.addi %add3A_36, %add3A_1064 : i32
      %multiple_of3A_1066 = tpu.assume_multiple %add3A_1065, 8 : i32
      %dma_start3A_1067 = arith.constant 56 : i32
      %dma_start3A_1068 = arith.constant 0 : i32
      %dma_start3A_1069 = tpu.memref_slice %arg7[%dma_start3A_1067, %dma_start3A_1068] : memref<256x128xf32, #tpu.memory_space<vmem>> -> memref<8x128xf32, #tpu.memory_space<vmem>>
      %dma_start3A_1070 = arith.constant 0 : i32
      %dma_start3A_1071 = tpu.memref_slice %arg4[%multiple_of3A_1066, %dma_start3A_1070] : memref<524288x128xf32, #tpu.memory_space<hbm>> -> memref<8x128xf32, #tpu.memory_space<hbm>>
      %dma_start3A_1072 = arith.constant 0 : i32
      %dma_start3A_1073 = tpu.memref_slice %arg4[%multiple_of3A_1066, %dma_start3A_1072] : memref<524288x128xf32, #tpu.memory_space<hbm>> -> memref<8x128xf32, #tpu.memory_space<hbm>>
      %dma_start3A_1074 = arith.constant 56 : i32
      %dma_start3A_1075 = arith.constant 0 : i32
      %dma_start3A_1076 = tpu.memref_slice %arg7[%dma_start3A_1074, %dma_start3A_1075] : memref<256x128xf32, #tpu.memory_space<vmem>> -> memref<8x128xf32, #tpu.memory_space<vmem>>
      tpu.enqueue_dma source(%dma_start3A_1076 : memref<8x128xf32, #tpu.memory_space<vmem>>) target(%dma_start3A_1073 : memref<8x128xf32, #tpu.memory_space<hbm>>) target_semaphore(%arg13 : memref<!tpu.dma_semaphore, #tpu.memory_space<semaphore_mem>>)
      %add3A_1077 = arith.constant 81920 : i32
      %add3A_1078 = arith.addi %add3A_36, %add3A_1077 : i32
      %multiple_of3A_1079 = tpu.assume_multiple %add3A_1078, 8 : i32
      %dma_start3A_1080 = arith.constant 64 : i32
      %dma_start3A_1081 = arith.constant 0 : i32
      %dma_start3A_1082 = tpu.memref_slice %arg7[%dma_start3A_1080, %dma_start3A_1081] : memref<256x128xf32, #tpu.memory_space<vmem>> -> memref<8x128xf32, #tpu.memory_space<vmem>>
      %dma_start3A_1083 = arith.constant 0 : i32
      %dma_start3A_1084 = tpu.memref_slice %arg4[%multiple_of3A_1079, %dma_start3A_1083] : memref<524288x128xf32, #tpu.memory_space<hbm>> -> memref<8x128xf32, #tpu.memory_space<hbm>>
      %dma_start3A_1085 = arith.constant 0 : i32
      %dma_start3A_1086 = tpu.memref_slice %arg4[%multiple_of3A_1079, %dma_start3A_1085] : memref<524288x128xf32, #tpu.memory_space<hbm>> -> memref<8x128xf32, #tpu.memory_space<hbm>>
      %dma_start3A_1087 = arith.constant 64 : i32
      %dma_start3A_1088 = arith.constant 0 : i32
      %dma_start3A_1089 = tpu.memref_slice %arg7[%dma_start3A_1087, %dma_start3A_1088] : memref<256x128xf32, #tpu.memory_space<vmem>> -> memref<8x128xf32, #tpu.memory_space<vmem>>
      tpu.enqueue_dma source(%dma_start3A_1089 : memref<8x128xf32, #tpu.memory_space<vmem>>) target(%dma_start3A_1086 : memref<8x128xf32, #tpu.memory_space<hbm>>) target_semaphore(%arg13 : memref<!tpu.dma_semaphore, #tpu.memory_space<semaphore_mem>>)
      %add3A_1090 = arith.constant 83968 : i32
      %add3A_1091 = arith.addi %add3A_36, %add3A_1090 : i32
      %multiple_of3A_1092 = tpu.assume_multiple %add3A_1091, 8 : i32
      %dma_start3A_1093 = arith.constant 72 : i32
      %dma_start3A_1094 = arith.constant 0 : i32
      %dma_start3A_1095 = tpu.memref_slice %arg7[%dma_start3A_1093, %dma_start3A_1094] : memref<256x128xf32, #tpu.memory_space<vmem>> -> memref<8x128xf32, #tpu.memory_space<vmem>>
      %dma_start3A_1096 = arith.constant 0 : i32
      %dma_start3A_1097 = tpu.memref_slice %arg4[%multiple_of3A_1092, %dma_start3A_1096] : memref<524288x128xf32, #tpu.memory_space<hbm>> -> memref<8x128xf32, #tpu.memory_space<hbm>>
      %dma_start3A_1098 = arith.constant 0 : i32
      %dma_start3A_1099 = tpu.memref_slice %arg4[%multiple_of3A_1092, %dma_start3A_1098] : memref<524288x128xf32, #tpu.memory_space<hbm>> -> memref<8x128xf32, #tpu.memory_space<hbm>>
      %dma_start3A_1100 = arith.constant 72 : i32
      %dma_start3A_1101 = arith.constant 0 : i32
      %dma_start3A_1102 = tpu.memref_slice %arg7[%dma_start3A_1100, %dma_start3A_1101] : memref<256x128xf32, #tpu.memory_space<vmem>> -> memref<8x128xf32, #tpu.memory_space<vmem>>
      tpu.enqueue_dma source(%dma_start3A_1102 : memref<8x128xf32, #tpu.memory_space<vmem>>) target(%dma_start3A_1099 : memref<8x128xf32, #tpu.memory_space<hbm>>) target_semaphore(%arg13 : memref<!tpu.dma_semaphore, #tpu.memory_space<semaphore_mem>>)
      %add3A_1103 = arith.constant 86016 : i32
      %add3A_1104 = arith.addi %add3A_36, %add3A_1103 : i32
      %multiple_of3A_1105 = tpu.assume_multiple %add3A_1104, 8 : i32
      %dma_start3A_1106 = arith.constant 80 : i32
      %dma_start3A_1107 = arith.constant 0 : i32
      %dma_start3A_1108 = tpu.memref_slice %arg7[%dma_start3A_1106, %dma_start3A_1107] : memref<256x128xf32, #tpu.memory_space<vmem>> -> memref<8x128xf32, #tpu.memory_space<vmem>>
      %dma_start3A_1109 = arith.constant 0 : i32
      %dma_start3A_1110 = tpu.memref_slice %arg4[%multiple_of3A_1105, %dma_start3A_1109] : memref<524288x128xf32, #tpu.memory_space<hbm>> -> memref<8x128xf32, #tpu.memory_space<hbm>>
      %dma_start3A_1111 = arith.constant 0 : i32
      %dma_start3A_1112 = tpu.memref_slice %arg4[%multiple_of3A_1105, %dma_start3A_1111] : memref<524288x128xf32, #tpu.memory_space<hbm>> -> memref<8x128xf32, #tpu.memory_space<hbm>>
      %dma_start3A_1113 = arith.constant 80 : i32
      %dma_start3A_1114 = arith.constant 0 : i32
      %dma_start3A_1115 = tpu.memref_slice %arg7[%dma_start3A_1113, %dma_start3A_1114] : memref<256x128xf32, #tpu.memory_space<vmem>> -> memref<8x128xf32, #tpu.memory_space<vmem>>
      tpu.enqueue_dma source(%dma_start3A_1115 : memref<8x128xf32, #tpu.memory_space<vmem>>) target(%dma_start3A_1112 : memref<8x128xf32, #tpu.memory_space<hbm>>) target_semaphore(%arg13 : memref<!tpu.dma_semaphore, #tpu.memory_space<semaphore_mem>>)
      %add3A_1116 = arith.constant 88064 : i32
      %add3A_1117 = arith.addi %add3A_36, %add3A_1116 : i32
      %multiple_of3A_1118 = tpu.assume_multiple %add3A_1117, 8 : i32
      %dma_start3A_1119 = arith.constant 88 : i32
      %dma_start3A_1120 = arith.constant 0 : i32
      %dma_start3A_1121 = tpu.memref_slice %arg7[%dma_start3A_1119, %dma_start3A_1120] : memref<256x128xf32, #tpu.memory_space<vmem>> -> memref<8x128xf32, #tpu.memory_space<vmem>>
      %dma_start3A_1122 = arith.constant 0 : i32
      %dma_start3A_1123 = tpu.memref_slice %arg4[%multiple_of3A_1118, %dma_start3A_1122] : memref<524288x128xf32, #tpu.memory_space<hbm>> -> memref<8x128xf32, #tpu.memory_space<hbm>>
      %dma_start3A_1124 = arith.constant 0 : i32
      %dma_start3A_1125 = tpu.memref_slice %arg4[%multiple_of3A_1118, %dma_start3A_1124] : memref<524288x128xf32, #tpu.memory_space<hbm>> -> memref<8x128xf32, #tpu.memory_space<hbm>>
      %dma_start3A_1126 = arith.constant 88 : i32
      %dma_start3A_1127 = arith.constant 0 : i32
      %dma_start3A_1128 = tpu.memref_slice %arg7[%dma_start3A_1126, %dma_start3A_1127] : memref<256x128xf32, #tpu.memory_space<vmem>> -> memref<8x128xf32, #tpu.memory_space<vmem>>
      tpu.enqueue_dma source(%dma_start3A_1128 : memref<8x128xf32, #tpu.memory_space<vmem>>) target(%dma_start3A_1125 : memref<8x128xf32, #tpu.memory_space<hbm>>) target_semaphore(%arg13 : memref<!tpu.dma_semaphore, #tpu.memory_space<semaphore_mem>>)
      %add3A_1129 = arith.constant 90112 : i32
      %add3A_1130 = arith.addi %add3A_36, %add3A_1129 : i32
      %multiple_of3A_1131 = tpu.assume_multiple %add3A_1130, 8 : i32
      %dma_start3A_1132 = arith.constant 96 : i32
      %dma_start3A_1133 = arith.constant 0 : i32
      %dma_start3A_1134 = tpu.memref_slice %arg7[%dma_start3A_1132, %dma_start3A_1133] : memref<256x128xf32, #tpu.memory_space<vmem>> -> memref<8x128xf32, #tpu.memory_space<vmem>>
      %dma_start3A_1135 = arith.constant 0 : i32
      %dma_start3A_1136 = tpu.memref_slice %arg4[%multiple_of3A_1131, %dma_start3A_1135] : memref<524288x128xf32, #tpu.memory_space<hbm>> -> memref<8x128xf32, #tpu.memory_space<hbm>>
      %dma_start3A_1137 = arith.constant 0 : i32
      %dma_start3A_1138 = tpu.memref_slice %arg4[%multiple_of3A_1131, %dma_start3A_1137] : memref<524288x128xf32, #tpu.memory_space<hbm>> -> memref<8x128xf32, #tpu.memory_space<hbm>>
      %dma_start3A_1139 = arith.constant 96 : i32
      %dma_start3A_1140 = arith.constant 0 : i32
      %dma_start3A_1141 = tpu.memref_slice %arg7[%dma_start3A_1139, %dma_start3A_1140] : memref<256x128xf32, #tpu.memory_space<vmem>> -> memref<8x128xf32, #tpu.memory_space<vmem>>
      tpu.enqueue_dma source(%dma_start3A_1141 : memref<8x128xf32, #tpu.memory_space<vmem>>) target(%dma_start3A_1138 : memref<8x128xf32, #tpu.memory_space<hbm>>) target_semaphore(%arg13 : memref<!tpu.dma_semaphore, #tpu.memory_space<semaphore_mem>>)
      %add3A_1142 = arith.constant 92160 : i32
      %add3A_1143 = arith.addi %add3A_36, %add3A_1142 : i32
      %multiple_of3A_1144 = tpu.assume_multiple %add3A_1143, 8 : i32
      %dma_start3A_1145 = arith.constant 104 : i32
      %dma_start3A_1146 = arith.constant 0 : i32
      %dma_start3A_1147 = tpu.memref_slice %arg7[%dma_start3A_1145, %dma_start3A_1146] : memref<256x128xf32, #tpu.memory_space<vmem>> -> memref<8x128xf32, #tpu.memory_space<vmem>>
      %dma_start3A_1148 = arith.constant 0 : i32
      %dma_start3A_1149 = tpu.memref_slice %arg4[%multiple_of3A_1144, %dma_start3A_1148] : memref<524288x128xf32, #tpu.memory_space<hbm>> -> memref<8x128xf32, #tpu.memory_space<hbm>>
      %dma_start3A_1150 = arith.constant 0 : i32
      %dma_start3A_1151 = tpu.memref_slice %arg4[%multiple_of3A_1144, %dma_start3A_1150] : memref<524288x128xf32, #tpu.memory_space<hbm>> -> memref<8x128xf32, #tpu.memory_space<hbm>>
      %dma_start3A_1152 = arith.constant 104 : i32
      %dma_start3A_1153 = arith.constant 0 : i32
      %dma_start3A_1154 = tpu.memref_slice %arg7[%dma_start3A_1152, %dma_start3A_1153] : memref<256x128xf32, #tpu.memory_space<vmem>> -> memref<8x128xf32, #tpu.memory_space<vmem>>
      tpu.enqueue_dma source(%dma_start3A_1154 : memref<8x128xf32, #tpu.memory_space<vmem>>) target(%dma_start3A_1151 : memref<8x128xf32, #tpu.memory_space<hbm>>) target_semaphore(%arg13 : memref<!tpu.dma_semaphore, #tpu.memory_space<semaphore_mem>>)
      %add3A_1155 = arith.constant 94208 : i32
      %add3A_1156 = arith.addi %add3A_36, %add3A_1155 : i32
      %multiple_of3A_1157 = tpu.assume_multiple %add3A_1156, 8 : i32
      %dma_start3A_1158 = arith.constant 112 : i32
      %dma_start3A_1159 = arith.constant 0 : i32
      %dma_start3A_1160 = tpu.memref_slice %arg7[%dma_start3A_1158, %dma_start3A_1159] : memref<256x128xf32, #tpu.memory_space<vmem>> -> memref<8x128xf32, #tpu.memory_space<vmem>>
      %dma_start3A_1161 = arith.constant 0 : i32
      %dma_start3A_1162 = tpu.memref_slice %arg4[%multiple_of3A_1157, %dma_start3A_1161] : memref<524288x128xf32, #tpu.memory_space<hbm>> -> memref<8x128xf32, #tpu.memory_space<hbm>>
      %dma_start3A_1163 = arith.constant 0 : i32
      %dma_start3A_1164 = tpu.memref_slice %arg4[%multiple_of3A_1157, %dma_start3A_1163] : memref<524288x128xf32, #tpu.memory_space<hbm>> -> memref<8x128xf32, #tpu.memory_space<hbm>>
      %dma_start3A_1165 = arith.constant 112 : i32
      %dma_start3A_1166 = arith.constant 0 : i32
      %dma_start3A_1167 = tpu.memref_slice %arg7[%dma_start3A_1165, %dma_start3A_1166] : memref<256x128xf32, #tpu.memory_space<vmem>> -> memref<8x128xf32, #tpu.memory_space<vmem>>
      tpu.enqueue_dma source(%dma_start3A_1167 : memref<8x128xf32, #tpu.memory_space<vmem>>) target(%dma_start3A_1164 : memref<8x128xf32, #tpu.memory_space<hbm>>) target_semaphore(%arg13 : memref<!tpu.dma_semaphore, #tpu.memory_space<semaphore_mem>>)
      %add3A_1168 = arith.constant 96256 : i32
      %add3A_1169 = arith.addi %add3A_36, %add3A_1168 : i32
      %multiple_of3A_1170 = tpu.assume_multiple %add3A_1169, 8 : i32
      %dma_start3A_1171 = arith.constant 120 : i32
      %dma_start3A_1172 = arith.constant 0 : i32
      %dma_start3A_1173 = tpu.memref_slice %arg7[%dma_start3A_1171, %dma_start3A_1172] : memref<256x128xf32, #tpu.memory_space<vmem>> -> memref<8x128xf32, #tpu.memory_space<vmem>>
      %dma_start3A_1174 = arith.constant 0 : i32
      %dma_start3A_1175 = tpu.memref_slice %arg4[%multiple_of3A_1170, %dma_start3A_1174] : memref<524288x128xf32, #tpu.memory_space<hbm>> -> memref<8x128xf32, #tpu.memory_space<hbm>>
      %dma_start3A_1176 = arith.constant 0 : i32
      %dma_start3A_1177 = tpu.memref_slice %arg4[%multiple_of3A_1170, %dma_start3A_1176] : memref<524288x128xf32, #tpu.memory_space<hbm>> -> memref<8x128xf32, #tpu.memory_space<hbm>>
      %dma_start3A_1178 = arith.constant 120 : i32
      %dma_start3A_1179 = arith.constant 0 : i32
      %dma_start3A_1180 = tpu.memref_slice %arg7[%dma_start3A_1178, %dma_start3A_1179] : memref<256x128xf32, #tpu.memory_space<vmem>> -> memref<8x128xf32, #tpu.memory_space<vmem>>
      tpu.enqueue_dma source(%dma_start3A_1180 : memref<8x128xf32, #tpu.memory_space<vmem>>) target(%dma_start3A_1177 : memref<8x128xf32, #tpu.memory_space<hbm>>) target_semaphore(%arg13 : memref<!tpu.dma_semaphore, #tpu.memory_space<semaphore_mem>>)
      %add3A_1181 = arith.constant 98304 : i32
      %add3A_1182 = arith.addi %add3A_36, %add3A_1181 : i32
      %multiple_of3A_1183 = tpu.assume_multiple %add3A_1182, 8 : i32
      %dma_start3A_1184 = arith.constant 128 : i32
      %dma_start3A_1185 = arith.constant 0 : i32
      %dma_start3A_1186 = tpu.memref_slice %arg7[%dma_start3A_1184, %dma_start3A_1185] : memref<256x128xf32, #tpu.memory_space<vmem>> -> memref<8x128xf32, #tpu.memory_space<vmem>>
      %dma_start3A_1187 = arith.constant 0 : i32
      %dma_start3A_1188 = tpu.memref_slice %arg4[%multiple_of3A_1183, %dma_start3A_1187] : memref<524288x128xf32, #tpu.memory_space<hbm>> -> memref<8x128xf32, #tpu.memory_space<hbm>>
      %dma_start3A_1189 = arith.constant 0 : i32
      %dma_start3A_1190 = tpu.memref_slice %arg4[%multiple_of3A_1183, %dma_start3A_1189] : memref<524288x128xf32, #tpu.memory_space<hbm>> -> memref<8x128xf32, #tpu.memory_space<hbm>>
      %dma_start3A_1191 = arith.constant 128 : i32
      %dma_start3A_1192 = arith.constant 0 : i32
      %dma_start3A_1193 = tpu.memref_slice %arg7[%dma_start3A_1191, %dma_start3A_1192] : memref<256x128xf32, #tpu.memory_space<vmem>> -> memref<8x128xf32, #tpu.memory_space<vmem>>
      tpu.enqueue_dma source(%dma_start3A_1193 : memref<8x128xf32, #tpu.memory_space<vmem>>) target(%dma_start3A_1190 : memref<8x128xf32, #tpu.memory_space<hbm>>) target_semaphore(%arg13 : memref<!tpu.dma_semaphore, #tpu.memory_space<semaphore_mem>>)
      %add3A_1194 = arith.constant 100352 : i32
      %add3A_1195 = arith.addi %add3A_36, %add3A_1194 : i32
      %multiple_of3A_1196 = tpu.assume_multiple %add3A_1195, 8 : i32
      %dma_start3A_1197 = arith.constant 136 : i32
      %dma_start3A_1198 = arith.constant 0 : i32
      %dma_start3A_1199 = tpu.memref_slice %arg7[%dma_start3A_1197, %dma_start3A_1198] : memref<256x128xf32, #tpu.memory_space<vmem>> -> memref<8x128xf32, #tpu.memory_space<vmem>>
      %dma_start3A_1200 = arith.constant 0 : i32
      %dma_start3A_1201 = tpu.memref_slice %arg4[%multiple_of3A_1196, %dma_start3A_1200] : memref<524288x128xf32, #tpu.memory_space<hbm>> -> memref<8x128xf32, #tpu.memory_space<hbm>>
      %dma_start3A_1202 = arith.constant 0 : i32
      %dma_start3A_1203 = tpu.memref_slice %arg4[%multiple_of3A_1196, %dma_start3A_1202] : memref<524288x128xf32, #tpu.memory_space<hbm>> -> memref<8x128xf32, #tpu.memory_space<hbm>>
      %dma_start3A_1204 = arith.constant 136 : i32
      %dma_start3A_1205 = arith.constant 0 : i32
      %dma_start3A_1206 = tpu.memref_slice %arg7[%dma_start3A_1204, %dma_start3A_1205] : memref<256x128xf32, #tpu.memory_space<vmem>> -> memref<8x128xf32, #tpu.memory_space<vmem>>
      tpu.enqueue_dma source(%dma_start3A_1206 : memref<8x128xf32, #tpu.memory_space<vmem>>) target(%dma_start3A_1203 : memref<8x128xf32, #tpu.memory_space<hbm>>) target_semaphore(%arg13 : memref<!tpu.dma_semaphore, #tpu.memory_space<semaphore_mem>>)
      %add3A_1207 = arith.constant 102400 : i32
      %add3A_1208 = arith.addi %add3A_36, %add3A_1207 : i32
      %multiple_of3A_1209 = tpu.assume_multiple %add3A_1208, 8 : i32
      %dma_start3A_1210 = arith.constant 144 : i32
      %dma_start3A_1211 = arith.constant 0 : i32
      %dma_start3A_1212 = tpu.memref_slice %arg7[%dma_start3A_1210, %dma_start3A_1211] : memref<256x128xf32, #tpu.memory_space<vmem>> -> memref<8x128xf32, #tpu.memory_space<vmem>>
      %dma_start3A_1213 = arith.constant 0 : i32
      %dma_start3A_1214 = tpu.memref_slice %arg4[%multiple_of3A_1209, %dma_start3A_1213] : memref<524288x128xf32, #tpu.memory_space<hbm>> -> memref<8x128xf32, #tpu.memory_space<hbm>>
      %dma_start3A_1215 = arith.constant 0 : i32
      %dma_start3A_1216 = tpu.memref_slice %arg4[%multiple_of3A_1209, %dma_start3A_1215] : memref<524288x128xf32, #tpu.memory_space<hbm>> -> memref<8x128xf32, #tpu.memory_space<hbm>>
      %dma_start3A_1217 = arith.constant 144 : i32
      %dma_start3A_1218 = arith.constant 0 : i32
      %dma_start3A_1219 = tpu.memref_slice %arg7[%dma_start3A_1217, %dma_start3A_1218] : memref<256x128xf32, #tpu.memory_space<vmem>> -> memref<8x128xf32, #tpu.memory_space<vmem>>
      tpu.enqueue_dma source(%dma_start3A_1219 : memref<8x128xf32, #tpu.memory_space<vmem>>) target(%dma_start3A_1216 : memref<8x128xf32, #tpu.memory_space<hbm>>) target_semaphore(%arg13 : memref<!tpu.dma_semaphore, #tpu.memory_space<semaphore_mem>>)
      %add3A_1220 = arith.constant 104448 : i32
      %add3A_1221 = arith.addi %add3A_36, %add3A_1220 : i32
      %multiple_of3A_1222 = tpu.assume_multiple %add3A_1221, 8 : i32
      %dma_start3A_1223 = arith.constant 152 : i32
      %dma_start3A_1224 = arith.constant 0 : i32
      %dma_start3A_1225 = tpu.memref_slice %arg7[%dma_start3A_1223, %dma_start3A_1224] : memref<256x128xf32, #tpu.memory_space<vmem>> -> memref<8x128xf32, #tpu.memory_space<vmem>>
      %dma_start3A_1226 = arith.constant 0 : i32
      %dma_start3A_1227 = tpu.memref_slice %arg4[%multiple_of3A_1222, %dma_start3A_1226] : memref<524288x128xf32, #tpu.memory_space<hbm>> -> memref<8x128xf32, #tpu.memory_space<hbm>>
      %dma_start3A_1228 = arith.constant 0 : i32
      %dma_start3A_1229 = tpu.memref_slice %arg4[%multiple_of3A_1222, %dma_start3A_1228] : memref<524288x128xf32, #tpu.memory_space<hbm>> -> memref<8x128xf32, #tpu.memory_space<hbm>>
      %dma_start3A_1230 = arith.constant 152 : i32
      %dma_start3A_1231 = arith.constant 0 : i32
      %dma_start3A_1232 = tpu.memref_slice %arg7[%dma_start3A_1230, %dma_start3A_1231] : memref<256x128xf32, #tpu.memory_space<vmem>> -> memref<8x128xf32, #tpu.memory_space<vmem>>
      tpu.enqueue_dma source(%dma_start3A_1232 : memref<8x128xf32, #tpu.memory_space<vmem>>) target(%dma_start3A_1229 : memref<8x128xf32, #tpu.memory_space<hbm>>) target_semaphore(%arg13 : memref<!tpu.dma_semaphore, #tpu.memory_space<semaphore_mem>>)
      %add3A_1233 = arith.constant 106496 : i32
      %add3A_1234 = arith.addi %add3A_36, %add3A_1233 : i32
      %multiple_of3A_1235 = tpu.assume_multiple %add3A_1234, 8 : i32
      %dma_start3A_1236 = arith.constant 160 : i32
      %dma_start3A_1237 = arith.constant 0 : i32
      %dma_start3A_1238 = tpu.memref_slice %arg7[%dma_start3A_1236, %dma_start3A_1237] : memref<256x128xf32, #tpu.memory_space<vmem>> -> memref<8x128xf32, #tpu.memory_space<vmem>>
      %dma_start3A_1239 = arith.constant 0 : i32
      %dma_start3A_1240 = tpu.memref_slice %arg4[%multiple_of3A_1235, %dma_start3A_1239] : memref<524288x128xf32, #tpu.memory_space<hbm>> -> memref<8x128xf32, #tpu.memory_space<hbm>>
      %dma_start3A_1241 = arith.constant 0 : i32
      %dma_start3A_1242 = tpu.memref_slice %arg4[%multiple_of3A_1235, %dma_start3A_1241] : memref<524288x128xf32, #tpu.memory_space<hbm>> -> memref<8x128xf32, #tpu.memory_space<hbm>>
      %dma_start3A_1243 = arith.constant 160 : i32
      %dma_start3A_1244 = arith.constant 0 : i32
      %dma_start3A_1245 = tpu.memref_slice %arg7[%dma_start3A_1243, %dma_start3A_1244] : memref<256x128xf32, #tpu.memory_space<vmem>> -> memref<8x128xf32, #tpu.memory_space<vmem>>
      tpu.enqueue_dma source(%dma_start3A_1245 : memref<8x128xf32, #tpu.memory_space<vmem>>) target(%dma_start3A_1242 : memref<8x128xf32, #tpu.memory_space<hbm>>) target_semaphore(%arg13 : memref<!tpu.dma_semaphore, #tpu.memory_space<semaphore_mem>>)
      %add3A_1246 = arith.constant 108544 : i32
      %add3A_1247 = arith.addi %add3A_36, %add3A_1246 : i32
      %multiple_of3A_1248 = tpu.assume_multiple %add3A_1247, 8 : i32
      %dma_start3A_1249 = arith.constant 168 : i32
      %dma_start3A_1250 = arith.constant 0 : i32
      %dma_start3A_1251 = tpu.memref_slice %arg7[%dma_start3A_1249, %dma_start3A_1250] : memref<256x128xf32, #tpu.memory_space<vmem>> -> memref<8x128xf32, #tpu.memory_space<vmem>>
      %dma_start3A_1252 = arith.constant 0 : i32
      %dma_start3A_1253 = tpu.memref_slice %arg4[%multiple_of3A_1248, %dma_start3A_1252] : memref<524288x128xf32, #tpu.memory_space<hbm>> -> memref<8x128xf32, #tpu.memory_space<hbm>>
      %dma_start3A_1254 = arith.constant 0 : i32
      %dma_start3A_1255 = tpu.memref_slice %arg4[%multiple_of3A_1248, %dma_start3A_1254] : memref<524288x128xf32, #tpu.memory_space<hbm>> -> memref<8x128xf32, #tpu.memory_space<hbm>>
      %dma_start3A_1256 = arith.constant 168 : i32
      %dma_start3A_1257 = arith.constant 0 : i32
      %dma_start3A_1258 = tpu.memref_slice %arg7[%dma_start3A_1256, %dma_start3A_1257] : memref<256x128xf32, #tpu.memory_space<vmem>> -> memref<8x128xf32, #tpu.memory_space<vmem>>
      tpu.enqueue_dma source(%dma_start3A_1258 : memref<8x128xf32, #tpu.memory_space<vmem>>) target(%dma_start3A_1255 : memref<8x128xf32, #tpu.memory_space<hbm>>) target_semaphore(%arg13 : memref<!tpu.dma_semaphore, #tpu.memory_space<semaphore_mem>>)
      %add3A_1259 = arith.constant 110592 : i32
      %add3A_1260 = arith.addi %add3A_36, %add3A_1259 : i32
      %multiple_of3A_1261 = tpu.assume_multiple %add3A_1260, 8 : i32
      %dma_start3A_1262 = arith.constant 176 : i32
      %dma_start3A_1263 = arith.constant 0 : i32
      %dma_start3A_1264 = tpu.memref_slice %arg7[%dma_start3A_1262, %dma_start3A_1263] : memref<256x128xf32, #tpu.memory_space<vmem>> -> memref<8x128xf32, #tpu.memory_space<vmem>>
      %dma_start3A_1265 = arith.constant 0 : i32
      %dma_start3A_1266 = tpu.memref_slice %arg4[%multiple_of3A_1261, %dma_start3A_1265] : memref<524288x128xf32, #tpu.memory_space<hbm>> -> memref<8x128xf32, #tpu.memory_space<hbm>>
      %dma_start3A_1267 = arith.constant 0 : i32
      %dma_start3A_1268 = tpu.memref_slice %arg4[%multiple_of3A_1261, %dma_start3A_1267] : memref<524288x128xf32, #tpu.memory_space<hbm>> -> memref<8x128xf32, #tpu.memory_space<hbm>>
      %dma_start3A_1269 = arith.constant 176 : i32
      %dma_start3A_1270 = arith.constant 0 : i32
      %dma_start3A_1271 = tpu.memref_slice %arg7[%dma_start3A_1269, %dma_start3A_1270] : memref<256x128xf32, #tpu.memory_space<vmem>> -> memref<8x128xf32, #tpu.memory_space<vmem>>
      tpu.enqueue_dma source(%dma_start3A_1271 : memref<8x128xf32, #tpu.memory_space<vmem>>) target(%dma_start3A_1268 : memref<8x128xf32, #tpu.memory_space<hbm>>) target_semaphore(%arg13 : memref<!tpu.dma_semaphore, #tpu.memory_space<semaphore_mem>>)
      %add3A_1272 = arith.constant 112640 : i32
      %add3A_1273 = arith.addi %add3A_36, %add3A_1272 : i32
      %multiple_of3A_1274 = tpu.assume_multiple %add3A_1273, 8 : i32
      %dma_start3A_1275 = arith.constant 184 : i32
      %dma_start3A_1276 = arith.constant 0 : i32
      %dma_start3A_1277 = tpu.memref_slice %arg7[%dma_start3A_1275, %dma_start3A_1276] : memref<256x128xf32, #tpu.memory_space<vmem>> -> memref<8x128xf32, #tpu.memory_space<vmem>>
      %dma_start3A_1278 = arith.constant 0 : i32
      %dma_start3A_1279 = tpu.memref_slice %arg4[%multiple_of3A_1274, %dma_start3A_1278] : memref<524288x128xf32, #tpu.memory_space<hbm>> -> memref<8x128xf32, #tpu.memory_space<hbm>>
      %dma_start3A_1280 = arith.constant 0 : i32
      %dma_start3A_1281 = tpu.memref_slice %arg4[%multiple_of3A_1274, %dma_start3A_1280] : memref<524288x128xf32, #tpu.memory_space<hbm>> -> memref<8x128xf32, #tpu.memory_space<hbm>>
      %dma_start3A_1282 = arith.constant 184 : i32
      %dma_start3A_1283 = arith.constant 0 : i32
      %dma_start3A_1284 = tpu.memref_slice %arg7[%dma_start3A_1282, %dma_start3A_1283] : memref<256x128xf32, #tpu.memory_space<vmem>> -> memref<8x128xf32, #tpu.memory_space<vmem>>
      tpu.enqueue_dma source(%dma_start3A_1284 : memref<8x128xf32, #tpu.memory_space<vmem>>) target(%dma_start3A_1281 : memref<8x128xf32, #tpu.memory_space<hbm>>) target_semaphore(%arg13 : memref<!tpu.dma_semaphore, #tpu.memory_space<semaphore_mem>>)
      %add3A_1285 = arith.constant 114688 : i32
      %add3A_1286 = arith.addi %add3A_36, %add3A_1285 : i32
      %multiple_of3A_1287 = tpu.assume_multiple %add3A_1286, 8 : i32
      %dma_start3A_1288 = arith.constant 192 : i32
      %dma_start3A_1289 = arith.constant 0 : i32
      %dma_start3A_1290 = tpu.memref_slice %arg7[%dma_start3A_1288, %dma_start3A_1289] : memref<256x128xf32, #tpu.memory_space<vmem>> -> memref<8x128xf32, #tpu.memory_space<vmem>>
      %dma_start3A_1291 = arith.constant 0 : i32
      %dma_start3A_1292 = tpu.memref_slice %arg4[%multiple_of3A_1287, %dma_start3A_1291] : memref<524288x128xf32, #tpu.memory_space<hbm>> -> memref<8x128xf32, #tpu.memory_space<hbm>>
      %dma_start3A_1293 = arith.constant 0 : i32
      %dma_start3A_1294 = tpu.memref_slice %arg4[%multiple_of3A_1287, %dma_start3A_1293] : memref<524288x128xf32, #tpu.memory_space<hbm>> -> memref<8x128xf32, #tpu.memory_space<hbm>>
      %dma_start3A_1295 = arith.constant 192 : i32
      %dma_start3A_1296 = arith.constant 0 : i32
      %dma_start3A_1297 = tpu.memref_slice %arg7[%dma_start3A_1295, %dma_start3A_1296] : memref<256x128xf32, #tpu.memory_space<vmem>> -> memref<8x128xf32, #tpu.memory_space<vmem>>
      tpu.enqueue_dma source(%dma_start3A_1297 : memref<8x128xf32, #tpu.memory_space<vmem>>) target(%dma_start3A_1294 : memref<8x128xf32, #tpu.memory_space<hbm>>) target_semaphore(%arg13 : memref<!tpu.dma_semaphore, #tpu.memory_space<semaphore_mem>>)
      %add3A_1298 = arith.constant 116736 : i32
      %add3A_1299 = arith.addi %add3A_36, %add3A_1298 : i32
      %multiple_of3A_1300 = tpu.assume_multiple %add3A_1299, 8 : i32
      %dma_start3A_1301 = arith.constant 200 : i32
      %dma_start3A_1302 = arith.constant 0 : i32
      %dma_start3A_1303 = tpu.memref_slice %arg7[%dma_start3A_1301, %dma_start3A_1302] : memref<256x128xf32, #tpu.memory_space<vmem>> -> memref<8x128xf32, #tpu.memory_space<vmem>>
      %dma_start3A_1304 = arith.constant 0 : i32
      %dma_start3A_1305 = tpu.memref_slice %arg4[%multiple_of3A_1300, %dma_start3A_1304] : memref<524288x128xf32, #tpu.memory_space<hbm>> -> memref<8x128xf32, #tpu.memory_space<hbm>>
      %dma_start3A_1306 = arith.constant 0 : i32
      %dma_start3A_1307 = tpu.memref_slice %arg4[%multiple_of3A_1300, %dma_start3A_1306] : memref<524288x128xf32, #tpu.memory_space<hbm>> -> memref<8x128xf32, #tpu.memory_space<hbm>>
      %dma_start3A_1308 = arith.constant 200 : i32
      %dma_start3A_1309 = arith.constant 0 : i32
      %dma_start3A_1310 = tpu.memref_slice %arg7[%dma_start3A_1308, %dma_start3A_1309] : memref<256x128xf32, #tpu.memory_space<vmem>> -> memref<8x128xf32, #tpu.memory_space<vmem>>
      tpu.enqueue_dma source(%dma_start3A_1310 : memref<8x128xf32, #tpu.memory_space<vmem>>) target(%dma_start3A_1307 : memref<8x128xf32, #tpu.memory_space<hbm>>) target_semaphore(%arg13 : memref<!tpu.dma_semaphore, #tpu.memory_space<semaphore_mem>>)
      %add3A_1311 = arith.constant 118784 : i32
      %add3A_1312 = arith.addi %add3A_36, %add3A_1311 : i32
      %multiple_of3A_1313 = tpu.assume_multiple %add3A_1312, 8 : i32
      %dma_start3A_1314 = arith.constant 208 : i32
      %dma_start3A_1315 = arith.constant 0 : i32
      %dma_start3A_1316 = tpu.memref_slice %arg7[%dma_start3A_1314, %dma_start3A_1315] : memref<256x128xf32, #tpu.memory_space<vmem>> -> memref<8x128xf32, #tpu.memory_space<vmem>>
      %dma_start3A_1317 = arith.constant 0 : i32
      %dma_start3A_1318 = tpu.memref_slice %arg4[%multiple_of3A_1313, %dma_start3A_1317] : memref<524288x128xf32, #tpu.memory_space<hbm>> -> memref<8x128xf32, #tpu.memory_space<hbm>>
      %dma_start3A_1319 = arith.constant 0 : i32
      %dma_start3A_1320 = tpu.memref_slice %arg4[%multiple_of3A_1313, %dma_start3A_1319] : memref<524288x128xf32, #tpu.memory_space<hbm>> -> memref<8x128xf32, #tpu.memory_space<hbm>>
      %dma_start3A_1321 = arith.constant 208 : i32
      %dma_start3A_1322 = arith.constant 0 : i32
      %dma_start3A_1323 = tpu.memref_slice %arg7[%dma_start3A_1321, %dma_start3A_1322] : memref<256x128xf32, #tpu.memory_space<vmem>> -> memref<8x128xf32, #tpu.memory_space<vmem>>
      tpu.enqueue_dma source(%dma_start3A_1323 : memref<8x128xf32, #tpu.memory_space<vmem>>) target(%dma_start3A_1320 : memref<8x128xf32, #tpu.memory_space<hbm>>) target_semaphore(%arg13 : memref<!tpu.dma_semaphore, #tpu.memory_space<semaphore_mem>>)
      %add3A_1324 = arith.constant 120832 : i32
      %add3A_1325 = arith.addi %add3A_36, %add3A_1324 : i32
      %multiple_of3A_1326 = tpu.assume_multiple %add3A_1325, 8 : i32
      %dma_start3A_1327 = arith.constant 216 : i32
      %dma_start3A_1328 = arith.constant 0 : i32
      %dma_start3A_1329 = tpu.memref_slice %arg7[%dma_start3A_1327, %dma_start3A_1328] : memref<256x128xf32, #tpu.memory_space<vmem>> -> memref<8x128xf32, #tpu.memory_space<vmem>>
      %dma_start3A_1330 = arith.constant 0 : i32
      %dma_start3A_1331 = tpu.memref_slice %arg4[%multiple_of3A_1326, %dma_start3A_1330] : memref<524288x128xf32, #tpu.memory_space<hbm>> -> memref<8x128xf32, #tpu.memory_space<hbm>>
      %dma_start3A_1332 = arith.constant 0 : i32
      %dma_start3A_1333 = tpu.memref_slice %arg4[%multiple_of3A_1326, %dma_start3A_1332] : memref<524288x128xf32, #tpu.memory_space<hbm>> -> memref<8x128xf32, #tpu.memory_space<hbm>>
      %dma_start3A_1334 = arith.constant 216 : i32
      %dma_start3A_1335 = arith.constant 0 : i32
      %dma_start3A_1336 = tpu.memref_slice %arg7[%dma_start3A_1334, %dma_start3A_1335] : memref<256x128xf32, #tpu.memory_space<vmem>> -> memref<8x128xf32, #tpu.memory_space<vmem>>
      tpu.enqueue_dma source(%dma_start3A_1336 : memref<8x128xf32, #tpu.memory_space<vmem>>) target(%dma_start3A_1333 : memref<8x128xf32, #tpu.memory_space<hbm>>) target_semaphore(%arg13 : memref<!tpu.dma_semaphore, #tpu.memory_space<semaphore_mem>>)
      %add3A_1337 = arith.constant 122880 : i32
      %add3A_1338 = arith.addi %add3A_36, %add3A_1337 : i32
      %multiple_of3A_1339 = tpu.assume_multiple %add3A_1338, 8 : i32
      %dma_start3A_1340 = arith.constant 224 : i32
      %dma_start3A_1341 = arith.constant 0 : i32
      %dma_start3A_1342 = tpu.memref_slice %arg7[%dma_start3A_1340, %dma_start3A_1341] : memref<256x128xf32, #tpu.memory_space<vmem>> -> memref<8x128xf32, #tpu.memory_space<vmem>>
      %dma_start3A_1343 = arith.constant 0 : i32
      %dma_start3A_1344 = tpu.memref_slice %arg4[%multiple_of3A_1339, %dma_start3A_1343] : memref<524288x128xf32, #tpu.memory_space<hbm>> -> memref<8x128xf32, #tpu.memory_space<hbm>>
      %dma_start3A_1345 = arith.constant 0 : i32
      %dma_start3A_1346 = tpu.memref_slice %arg4[%multiple_of3A_1339, %dma_start3A_1345] : memref<524288x128xf32, #tpu.memory_space<hbm>> -> memref<8x128xf32, #tpu.memory_space<hbm>>
      %dma_start3A_1347 = arith.constant 224 : i32
      %dma_start3A_1348 = arith.constant 0 : i32
      %dma_start3A_1349 = tpu.memref_slice %arg7[%dma_start3A_1347, %dma_start3A_1348] : memref<256x128xf32, #tpu.memory_space<vmem>> -> memref<8x128xf32, #tpu.memory_space<vmem>>
      tpu.enqueue_dma source(%dma_start3A_1349 : memref<8x128xf32, #tpu.memory_space<vmem>>) target(%dma_start3A_1346 : memref<8x128xf32, #tpu.memory_space<hbm>>) target_semaphore(%arg13 : memref<!tpu.dma_semaphore, #tpu.memory_space<semaphore_mem>>)
      %add3A_1350 = arith.constant 124928 : i32
      %add3A_1351 = arith.addi %add3A_36, %add3A_1350 : i32
      %multiple_of3A_1352 = tpu.assume_multiple %add3A_1351, 8 : i32
      %dma_start3A_1353 = arith.constant 232 : i32
      %dma_start3A_1354 = arith.constant 0 : i32
      %dma_start3A_1355 = tpu.memref_slice %arg7[%dma_start3A_1353, %dma_start3A_1354] : memref<256x128xf32, #tpu.memory_space<vmem>> -> memref<8x128xf32, #tpu.memory_space<vmem>>
      %dma_start3A_1356 = arith.constant 0 : i32
      %dma_start3A_1357 = tpu.memref_slice %arg4[%multiple_of3A_1352, %dma_start3A_1356] : memref<524288x128xf32, #tpu.memory_space<hbm>> -> memref<8x128xf32, #tpu.memory_space<hbm>>
      %dma_start3A_1358 = arith.constant 0 : i32
      %dma_start3A_1359 = tpu.memref_slice %arg4[%multiple_of3A_1352, %dma_start3A_1358] : memref<524288x128xf32, #tpu.memory_space<hbm>> -> memref<8x128xf32, #tpu.memory_space<hbm>>
      %dma_start3A_1360 = arith.constant 232 : i32
      %dma_start3A_1361 = arith.constant 0 : i32
      %dma_start3A_1362 = tpu.memref_slice %arg7[%dma_start3A_1360, %dma_start3A_1361] : memref<256x128xf32, #tpu.memory_space<vmem>> -> memref<8x128xf32, #tpu.memory_space<vmem>>
      tpu.enqueue_dma source(%dma_start3A_1362 : memref<8x128xf32, #tpu.memory_space<vmem>>) target(%dma_start3A_1359 : memref<8x128xf32, #tpu.memory_space<hbm>>) target_semaphore(%arg13 : memref<!tpu.dma_semaphore, #tpu.memory_space<semaphore_mem>>)
      %add3A_1363 = arith.constant 126976 : i32
      %add3A_1364 = arith.addi %add3A_36, %add3A_1363 : i32
      %multiple_of3A_1365 = tpu.assume_multiple %add3A_1364, 8 : i32
      %dma_start3A_1366 = arith.constant 240 : i32
      %dma_start3A_1367 = arith.constant 0 : i32
      %dma_start3A_1368 = tpu.memref_slice %arg7[%dma_start3A_1366, %dma_start3A_1367] : memref<256x128xf32, #tpu.memory_space<vmem>> -> memref<8x128xf32, #tpu.memory_space<vmem>>
      %dma_start3A_1369 = arith.constant 0 : i32
      %dma_start3A_1370 = tpu.memref_slice %arg4[%multiple_of3A_1365, %dma_start3A_1369] : memref<524288x128xf32, #tpu.memory_space<hbm>> -> memref<8x128xf32, #tpu.memory_space<hbm>>
      %dma_start3A_1371 = arith.constant 0 : i32
      %dma_start3A_1372 = tpu.memref_slice %arg4[%multiple_of3A_1365, %dma_start3A_1371] : memref<524288x128xf32, #tpu.memory_space<hbm>> -> memref<8x128xf32, #tpu.memory_space<hbm>>
      %dma_start3A_1373 = arith.constant 240 : i32
      %dma_start3A_1374 = arith.constant 0 : i32
      %dma_start3A_1375 = tpu.memref_slice %arg7[%dma_start3A_1373, %dma_start3A_1374] : memref<256x128xf32, #tpu.memory_space<vmem>> -> memref<8x128xf32, #tpu.memory_space<vmem>>
      tpu.enqueue_dma source(%dma_start3A_1375 : memref<8x128xf32, #tpu.memory_space<vmem>>) target(%dma_start3A_1372 : memref<8x128xf32, #tpu.memory_space<hbm>>) target_semaphore(%arg13 : memref<!tpu.dma_semaphore, #tpu.memory_space<semaphore_mem>>)
      %add3A_1376 = arith.constant 129024 : i32
      %add3A_1377 = arith.addi %add3A_36, %add3A_1376 : i32
      %multiple_of3A_1378 = tpu.assume_multiple %add3A_1377, 8 : i32
      %dma_start3A_1379 = arith.constant 248 : i32
      %dma_start3A_1380 = arith.constant 0 : i32
      %dma_start3A_1381 = tpu.memref_slice %arg7[%dma_start3A_1379, %dma_start3A_1380] : memref<256x128xf32, #tpu.memory_space<vmem>> -> memref<8x128xf32, #tpu.memory_space<vmem>>
      %dma_start3A_1382 = arith.constant 0 : i32
      %dma_start3A_1383 = tpu.memref_slice %arg4[%multiple_of3A_1378, %dma_start3A_1382] : memref<524288x128xf32, #tpu.memory_space<hbm>> -> memref<8x128xf32, #tpu.memory_space<hbm>>
      %dma_start3A_1384 = arith.constant 0 : i32
      %dma_start3A_1385 = tpu.memref_slice %arg4[%multiple_of3A_1378, %dma_start3A_1384] : memref<524288x128xf32, #tpu.memory_space<hbm>> -> memref<8x128xf32, #tpu.memory_space<hbm>>
      %dma_start3A_1386 = arith.constant 248 : i32
      %dma_start3A_1387 = arith.constant 0 : i32
      %dma_start3A_1388 = tpu.memref_slice %arg7[%dma_start3A_1386, %dma_start3A_1387] : memref<256x128xf32, #tpu.memory_space<vmem>> -> memref<8x128xf32, #tpu.memory_space<vmem>>
      tpu.enqueue_dma source(%dma_start3A_1388 : memref<8x128xf32, #tpu.memory_space<vmem>>) target(%dma_start3A_1385 : memref<8x128xf32, #tpu.memory_space<hbm>>) target_semaphore(%arg13 : memref<!tpu.dma_semaphore, #tpu.memory_space<semaphore_mem>>)
      %add3A_1389 = arith.constant 65536 : i32
      %add3A_1390 = arith.addi %add3A_36, %add3A_1389 : i32
      %multiple_of3A_1391 = tpu.assume_multiple %add3A_1390, 8 : i32
      %dma_wait3A_1392 = arith.constant 0 : i32
      %dma_wait3A_1393 = arith.constant 0 : i32
      %dma_wait3A_1394 = tpu.memref_slice %arg7[%dma_wait3A_1392, %dma_wait3A_1393] : memref<256x128xf32, #tpu.memory_space<vmem>> -> memref<8x128xf32, #tpu.memory_space<vmem>>
      %dma_wait3A_1395 = arith.constant 0 : i32
      %dma_wait3A_1396 = tpu.memref_slice %arg4[%multiple_of3A_1391, %dma_wait3A_1395] : memref<524288x128xf32, #tpu.memory_space<hbm>> -> memref<8x128xf32, #tpu.memory_space<hbm>>
      %dma_wait3A_1397 = arith.constant 0 : i32
      %dma_wait3A_1398 = tpu.memref_slice %arg4[%multiple_of3A_1391, %dma_wait3A_1397] : memref<524288x128xf32, #tpu.memory_space<hbm>> -> memref<8x128xf32, #tpu.memory_space<hbm>>
      %dma_wait3A_1399 = arith.constant 0 : i32
      %dma_wait3A_1400 = arith.constant 0 : i32
      %dma_wait3A_1401 = tpu.memref_slice %arg7[%dma_wait3A_1399, %dma_wait3A_1400] : memref<256x128xf32, #tpu.memory_space<vmem>> -> memref<8x128xf32, #tpu.memory_space<vmem>>
      tpu.wait_dma2 semaphore(%arg13 : memref<!tpu.dma_semaphore, #tpu.memory_space<semaphore_mem>>) src(%dma_wait3A_1401 : memref<8x128xf32, #tpu.memory_space<vmem>>) dst(%dma_wait3A_1398 : memref<8x128xf32, #tpu.memory_space<hbm>>)
      %add3A_1402 = arith.constant 67584 : i32
      %add3A_1403 = arith.addi %add3A_36, %add3A_1402 : i32
      %multiple_of3A_1404 = tpu.assume_multiple %add3A_1403, 8 : i32
      %dma_wait3A_1405 = arith.constant 8 : i32
      %dma_wait3A_1406 = arith.constant 0 : i32
      %dma_wait3A_1407 = tpu.memref_slice %arg7[%dma_wait3A_1405, %dma_wait3A_1406] : memref<256x128xf32, #tpu.memory_space<vmem>> -> memref<8x128xf32, #tpu.memory_space<vmem>>
      %dma_wait3A_1408 = arith.constant 0 : i32
      %dma_wait3A_1409 = tpu.memref_slice %arg4[%multiple_of3A_1404, %dma_wait3A_1408] : memref<524288x128xf32, #tpu.memory_space<hbm>> -> memref<8x128xf32, #tpu.memory_space<hbm>>
      %dma_wait3A_1410 = arith.constant 0 : i32
      %dma_wait3A_1411 = tpu.memref_slice %arg4[%multiple_of3A_1404, %dma_wait3A_1410] : memref<524288x128xf32, #tpu.memory_space<hbm>> -> memref<8x128xf32, #tpu.memory_space<hbm>>
      %dma_wait3A_1412 = arith.constant 8 : i32
      %dma_wait3A_1413 = arith.constant 0 : i32
      %dma_wait3A_1414 = tpu.memref_slice %arg7[%dma_wait3A_1412, %dma_wait3A_1413] : memref<256x128xf32, #tpu.memory_space<vmem>> -> memref<8x128xf32, #tpu.memory_space<vmem>>
      tpu.wait_dma2 semaphore(%arg13 : memref<!tpu.dma_semaphore, #tpu.memory_space<semaphore_mem>>) src(%dma_wait3A_1414 : memref<8x128xf32, #tpu.memory_space<vmem>>) dst(%dma_wait3A_1411 : memref<8x128xf32, #tpu.memory_space<hbm>>)
      %add3A_1415 = arith.constant 69632 : i32
      %add3A_1416 = arith.addi %add3A_36, %add3A_1415 : i32
      %multiple_of3A_1417 = tpu.assume_multiple %add3A_1416, 8 : i32
      %dma_wait3A_1418 = arith.constant 16 : i32
      %dma_wait3A_1419 = arith.constant 0 : i32
      %dma_wait3A_1420 = tpu.memref_slice %arg7[%dma_wait3A_1418, %dma_wait3A_1419] : memref<256x128xf32, #tpu.memory_space<vmem>> -> memref<8x128xf32, #tpu.memory_space<vmem>>
      %dma_wait3A_1421 = arith.constant 0 : i32
      %dma_wait3A_1422 = tpu.memref_slice %arg4[%multiple_of3A_1417, %dma_wait3A_1421] : memref<524288x128xf32, #tpu.memory_space<hbm>> -> memref<8x128xf32, #tpu.memory_space<hbm>>
      %dma_wait3A_1423 = arith.constant 0 : i32
      %dma_wait3A_1424 = tpu.memref_slice %arg4[%multiple_of3A_1417, %dma_wait3A_1423] : memref<524288x128xf32, #tpu.memory_space<hbm>> -> memref<8x128xf32, #tpu.memory_space<hbm>>
      %dma_wait3A_1425 = arith.constant 16 : i32
      %dma_wait3A_1426 = arith.constant 0 : i32
      %dma_wait3A_1427 = tpu.memref_slice %arg7[%dma_wait3A_1425, %dma_wait3A_1426] : memref<256x128xf32, #tpu.memory_space<vmem>> -> memref<8x128xf32, #tpu.memory_space<vmem>>
      tpu.wait_dma2 semaphore(%arg13 : memref<!tpu.dma_semaphore, #tpu.memory_space<semaphore_mem>>) src(%dma_wait3A_1427 : memref<8x128xf32, #tpu.memory_space<vmem>>) dst(%dma_wait3A_1424 : memref<8x128xf32, #tpu.memory_space<hbm>>)
      %add3A_1428 = arith.constant 71680 : i32
      %add3A_1429 = arith.addi %add3A_36, %add3A_1428 : i32
      %multiple_of3A_1430 = tpu.assume_multiple %add3A_1429, 8 : i32
      %dma_wait3A_1431 = arith.constant 24 : i32
      %dma_wait3A_1432 = arith.constant 0 : i32
      %dma_wait3A_1433 = tpu.memref_slice %arg7[%dma_wait3A_1431, %dma_wait3A_1432] : memref<256x128xf32, #tpu.memory_space<vmem>> -> memref<8x128xf32, #tpu.memory_space<vmem>>
      %dma_wait3A_1434 = arith.constant 0 : i32
      %dma_wait3A_1435 = tpu.memref_slice %arg4[%multiple_of3A_1430, %dma_wait3A_1434] : memref<524288x128xf32, #tpu.memory_space<hbm>> -> memref<8x128xf32, #tpu.memory_space<hbm>>
      %dma_wait3A_1436 = arith.constant 0 : i32
      %dma_wait3A_1437 = tpu.memref_slice %arg4[%multiple_of3A_1430, %dma_wait3A_1436] : memref<524288x128xf32, #tpu.memory_space<hbm>> -> memref<8x128xf32, #tpu.memory_space<hbm>>
      %dma_wait3A_1438 = arith.constant 24 : i32
      %dma_wait3A_1439 = arith.constant 0 : i32
      %dma_wait3A_1440 = tpu.memref_slice %arg7[%dma_wait3A_1438, %dma_wait3A_1439] : memref<256x128xf32, #tpu.memory_space<vmem>> -> memref<8x128xf32, #tpu.memory_space<vmem>>
      tpu.wait_dma2 semaphore(%arg13 : memref<!tpu.dma_semaphore, #tpu.memory_space<semaphore_mem>>) src(%dma_wait3A_1440 : memref<8x128xf32, #tpu.memory_space<vmem>>) dst(%dma_wait3A_1437 : memref<8x128xf32, #tpu.memory_space<hbm>>)
      %add3A_1441 = arith.constant 73728 : i32
      %add3A_1442 = arith.addi %add3A_36, %add3A_1441 : i32
      %multiple_of3A_1443 = tpu.assume_multiple %add3A_1442, 8 : i32
      %dma_wait3A_1444 = arith.constant 32 : i32
      %dma_wait3A_1445 = arith.constant 0 : i32
      %dma_wait3A_1446 = tpu.memref_slice %arg7[%dma_wait3A_1444, %dma_wait3A_1445] : memref<256x128xf32, #tpu.memory_space<vmem>> -> memref<8x128xf32, #tpu.memory_space<vmem>>
      %dma_wait3A_1447 = arith.constant 0 : i32
      %dma_wait3A_1448 = tpu.memref_slice %arg4[%multiple_of3A_1443, %dma_wait3A_1447] : memref<524288x128xf32, #tpu.memory_space<hbm>> -> memref<8x128xf32, #tpu.memory_space<hbm>>
      %dma_wait3A_1449 = arith.constant 0 : i32
      %dma_wait3A_1450 = tpu.memref_slice %arg4[%multiple_of3A_1443, %dma_wait3A_1449] : memref<524288x128xf32, #tpu.memory_space<hbm>> -> memref<8x128xf32, #tpu.memory_space<hbm>>
      %dma_wait3A_1451 = arith.constant 32 : i32
      %dma_wait3A_1452 = arith.constant 0 : i32
      %dma_wait3A_1453 = tpu.memref_slice %arg7[%dma_wait3A_1451, %dma_wait3A_1452] : memref<256x128xf32, #tpu.memory_space<vmem>> -> memref<8x128xf32, #tpu.memory_space<vmem>>
      tpu.wait_dma2 semaphore(%arg13 : memref<!tpu.dma_semaphore, #tpu.memory_space<semaphore_mem>>) src(%dma_wait3A_1453 : memref<8x128xf32, #tpu.memory_space<vmem>>) dst(%dma_wait3A_1450 : memref<8x128xf32, #tpu.memory_space<hbm>>)
      %add3A_1454 = arith.constant 75776 : i32
      %add3A_1455 = arith.addi %add3A_36, %add3A_1454 : i32
      %multiple_of3A_1456 = tpu.assume_multiple %add3A_1455, 8 : i32
      %dma_wait3A_1457 = arith.constant 40 : i32
      %dma_wait3A_1458 = arith.constant 0 : i32
      %dma_wait3A_1459 = tpu.memref_slice %arg7[%dma_wait3A_1457, %dma_wait3A_1458] : memref<256x128xf32, #tpu.memory_space<vmem>> -> memref<8x128xf32, #tpu.memory_space<vmem>>
      %dma_wait3A_1460 = arith.constant 0 : i32
      %dma_wait3A_1461 = tpu.memref_slice %arg4[%multiple_of3A_1456, %dma_wait3A_1460] : memref<524288x128xf32, #tpu.memory_space<hbm>> -> memref<8x128xf32, #tpu.memory_space<hbm>>
      %dma_wait3A_1462 = arith.constant 0 : i32
      %dma_wait3A_1463 = tpu.memref_slice %arg4[%multiple_of3A_1456, %dma_wait3A_1462] : memref<524288x128xf32, #tpu.memory_space<hbm>> -> memref<8x128xf32, #tpu.memory_space<hbm>>
      %dma_wait3A_1464 = arith.constant 40 : i32
      %dma_wait3A_1465 = arith.constant 0 : i32
      %dma_wait3A_1466 = tpu.memref_slice %arg7[%dma_wait3A_1464, %dma_wait3A_1465] : memref<256x128xf32, #tpu.memory_space<vmem>> -> memref<8x128xf32, #tpu.memory_space<vmem>>
      tpu.wait_dma2 semaphore(%arg13 : memref<!tpu.dma_semaphore, #tpu.memory_space<semaphore_mem>>) src(%dma_wait3A_1466 : memref<8x128xf32, #tpu.memory_space<vmem>>) dst(%dma_wait3A_1463 : memref<8x128xf32, #tpu.memory_space<hbm>>)
      %add3A_1467 = arith.constant 77824 : i32
      %add3A_1468 = arith.addi %add3A_36, %add3A_1467 : i32
      %multiple_of3A_1469 = tpu.assume_multiple %add3A_1468, 8 : i32
      %dma_wait3A_1470 = arith.constant 48 : i32
      %dma_wait3A_1471 = arith.constant 0 : i32
      %dma_wait3A_1472 = tpu.memref_slice %arg7[%dma_wait3A_1470, %dma_wait3A_1471] : memref<256x128xf32, #tpu.memory_space<vmem>> -> memref<8x128xf32, #tpu.memory_space<vmem>>
      %dma_wait3A_1473 = arith.constant 0 : i32
      %dma_wait3A_1474 = tpu.memref_slice %arg4[%multiple_of3A_1469, %dma_wait3A_1473] : memref<524288x128xf32, #tpu.memory_space<hbm>> -> memref<8x128xf32, #tpu.memory_space<hbm>>
      %dma_wait3A_1475 = arith.constant 0 : i32
      %dma_wait3A_1476 = tpu.memref_slice %arg4[%multiple_of3A_1469, %dma_wait3A_1475] : memref<524288x128xf32, #tpu.memory_space<hbm>> -> memref<8x128xf32, #tpu.memory_space<hbm>>
      %dma_wait3A_1477 = arith.constant 48 : i32
      %dma_wait3A_1478 = arith.constant 0 : i32
      %dma_wait3A_1479 = tpu.memref_slice %arg7[%dma_wait3A_1477, %dma_wait3A_1478] : memref<256x128xf32, #tpu.memory_space<vmem>> -> memref<8x128xf32, #tpu.memory_space<vmem>>
      tpu.wait_dma2 semaphore(%arg13 : memref<!tpu.dma_semaphore, #tpu.memory_space<semaphore_mem>>) src(%dma_wait3A_1479 : memref<8x128xf32, #tpu.memory_space<vmem>>) dst(%dma_wait3A_1476 : memref<8x128xf32, #tpu.memory_space<hbm>>)
      %add3A_1480 = arith.constant 79872 : i32
      %add3A_1481 = arith.addi %add3A_36, %add3A_1480 : i32
      %multiple_of3A_1482 = tpu.assume_multiple %add3A_1481, 8 : i32
      %dma_wait3A_1483 = arith.constant 56 : i32
      %dma_wait3A_1484 = arith.constant 0 : i32
      %dma_wait3A_1485 = tpu.memref_slice %arg7[%dma_wait3A_1483, %dma_wait3A_1484] : memref<256x128xf32, #tpu.memory_space<vmem>> -> memref<8x128xf32, #tpu.memory_space<vmem>>
      %dma_wait3A_1486 = arith.constant 0 : i32
      %dma_wait3A_1487 = tpu.memref_slice %arg4[%multiple_of3A_1482, %dma_wait3A_1486] : memref<524288x128xf32, #tpu.memory_space<hbm>> -> memref<8x128xf32, #tpu.memory_space<hbm>>
      %dma_wait3A_1488 = arith.constant 0 : i32
      %dma_wait3A_1489 = tpu.memref_slice %arg4[%multiple_of3A_1482, %dma_wait3A_1488] : memref<524288x128xf32, #tpu.memory_space<hbm>> -> memref<8x128xf32, #tpu.memory_space<hbm>>
      %dma_wait3A_1490 = arith.constant 56 : i32
      %dma_wait3A_1491 = arith.constant 0 : i32
      %dma_wait3A_1492 = tpu.memref_slice %arg7[%dma_wait3A_1490, %dma_wait3A_1491] : memref<256x128xf32, #tpu.memory_space<vmem>> -> memref<8x128xf32, #tpu.memory_space<vmem>>
      tpu.wait_dma2 semaphore(%arg13 : memref<!tpu.dma_semaphore, #tpu.memory_space<semaphore_mem>>) src(%dma_wait3A_1492 : memref<8x128xf32, #tpu.memory_space<vmem>>) dst(%dma_wait3A_1489 : memref<8x128xf32, #tpu.memory_space<hbm>>)
      %add3A_1493 = arith.constant 81920 : i32
      %add3A_1494 = arith.addi %add3A_36, %add3A_1493 : i32
      %multiple_of3A_1495 = tpu.assume_multiple %add3A_1494, 8 : i32
      %dma_wait3A_1496 = arith.constant 64 : i32
      %dma_wait3A_1497 = arith.constant 0 : i32
      %dma_wait3A_1498 = tpu.memref_slice %arg7[%dma_wait3A_1496, %dma_wait3A_1497] : memref<256x128xf32, #tpu.memory_space<vmem>> -> memref<8x128xf32, #tpu.memory_space<vmem>>
      %dma_wait3A_1499 = arith.constant 0 : i32
      %dma_wait3A_1500 = tpu.memref_slice %arg4[%multiple_of3A_1495, %dma_wait3A_1499] : memref<524288x128xf32, #tpu.memory_space<hbm>> -> memref<8x128xf32, #tpu.memory_space<hbm>>
      %dma_wait3A_1501 = arith.constant 0 : i32
      %dma_wait3A_1502 = tpu.memref_slice %arg4[%multiple_of3A_1495, %dma_wait3A_1501] : memref<524288x128xf32, #tpu.memory_space<hbm>> -> memref<8x128xf32, #tpu.memory_space<hbm>>
      %dma_wait3A_1503 = arith.constant 64 : i32
      %dma_wait3A_1504 = arith.constant 0 : i32
      %dma_wait3A_1505 = tpu.memref_slice %arg7[%dma_wait3A_1503, %dma_wait3A_1504] : memref<256x128xf32, #tpu.memory_space<vmem>> -> memref<8x128xf32, #tpu.memory_space<vmem>>
      tpu.wait_dma2 semaphore(%arg13 : memref<!tpu.dma_semaphore, #tpu.memory_space<semaphore_mem>>) src(%dma_wait3A_1505 : memref<8x128xf32, #tpu.memory_space<vmem>>) dst(%dma_wait3A_1502 : memref<8x128xf32, #tpu.memory_space<hbm>>)
      %add3A_1506 = arith.constant 83968 : i32
      %add3A_1507 = arith.addi %add3A_36, %add3A_1506 : i32
      %multiple_of3A_1508 = tpu.assume_multiple %add3A_1507, 8 : i32
      %dma_wait3A_1509 = arith.constant 72 : i32
      %dma_wait3A_1510 = arith.constant 0 : i32
      %dma_wait3A_1511 = tpu.memref_slice %arg7[%dma_wait3A_1509, %dma_wait3A_1510] : memref<256x128xf32, #tpu.memory_space<vmem>> -> memref<8x128xf32, #tpu.memory_space<vmem>>
      %dma_wait3A_1512 = arith.constant 0 : i32
      %dma_wait3A_1513 = tpu.memref_slice %arg4[%multiple_of3A_1508, %dma_wait3A_1512] : memref<524288x128xf32, #tpu.memory_space<hbm>> -> memref<8x128xf32, #tpu.memory_space<hbm>>
      %dma_wait3A_1514 = arith.constant 0 : i32
      %dma_wait3A_1515 = tpu.memref_slice %arg4[%multiple_of3A_1508, %dma_wait3A_1514] : memref<524288x128xf32, #tpu.memory_space<hbm>> -> memref<8x128xf32, #tpu.memory_space<hbm>>
      %dma_wait3A_1516 = arith.constant 72 : i32
      %dma_wait3A_1517 = arith.constant 0 : i32
      %dma_wait3A_1518 = tpu.memref_slice %arg7[%dma_wait3A_1516, %dma_wait3A_1517] : memref<256x128xf32, #tpu.memory_space<vmem>> -> memref<8x128xf32, #tpu.memory_space<vmem>>
      tpu.wait_dma2 semaphore(%arg13 : memref<!tpu.dma_semaphore, #tpu.memory_space<semaphore_mem>>) src(%dma_wait3A_1518 : memref<8x128xf32, #tpu.memory_space<vmem>>) dst(%dma_wait3A_1515 : memref<8x128xf32, #tpu.memory_space<hbm>>)
      %add3A_1519 = arith.constant 86016 : i32
      %add3A_1520 = arith.addi %add3A_36, %add3A_1519 : i32
      %multiple_of3A_1521 = tpu.assume_multiple %add3A_1520, 8 : i32
      %dma_wait3A_1522 = arith.constant 80 : i32
      %dma_wait3A_1523 = arith.constant 0 : i32
      %dma_wait3A_1524 = tpu.memref_slice %arg7[%dma_wait3A_1522, %dma_wait3A_1523] : memref<256x128xf32, #tpu.memory_space<vmem>> -> memref<8x128xf32, #tpu.memory_space<vmem>>
      %dma_wait3A_1525 = arith.constant 0 : i32
      %dma_wait3A_1526 = tpu.memref_slice %arg4[%multiple_of3A_1521, %dma_wait3A_1525] : memref<524288x128xf32, #tpu.memory_space<hbm>> -> memref<8x128xf32, #tpu.memory_space<hbm>>
      %dma_wait3A_1527 = arith.constant 0 : i32
      %dma_wait3A_1528 = tpu.memref_slice %arg4[%multiple_of3A_1521, %dma_wait3A_1527] : memref<524288x128xf32, #tpu.memory_space<hbm>> -> memref<8x128xf32, #tpu.memory_space<hbm>>
      %dma_wait3A_1529 = arith.constant 80 : i32
      %dma_wait3A_1530 = arith.constant 0 : i32
      %dma_wait3A_1531 = tpu.memref_slice %arg7[%dma_wait3A_1529, %dma_wait3A_1530] : memref<256x128xf32, #tpu.memory_space<vmem>> -> memref<8x128xf32, #tpu.memory_space<vmem>>
      tpu.wait_dma2 semaphore(%arg13 : memref<!tpu.dma_semaphore, #tpu.memory_space<semaphore_mem>>) src(%dma_wait3A_1531 : memref<8x128xf32, #tpu.memory_space<vmem>>) dst(%dma_wait3A_1528 : memref<8x128xf32, #tpu.memory_space<hbm>>)
      %add3A_1532 = arith.constant 88064 : i32
      %add3A_1533 = arith.addi %add3A_36, %add3A_1532 : i32
      %multiple_of3A_1534 = tpu.assume_multiple %add3A_1533, 8 : i32
      %dma_wait3A_1535 = arith.constant 88 : i32
      %dma_wait3A_1536 = arith.constant 0 : i32
      %dma_wait3A_1537 = tpu.memref_slice %arg7[%dma_wait3A_1535, %dma_wait3A_1536] : memref<256x128xf32, #tpu.memory_space<vmem>> -> memref<8x128xf32, #tpu.memory_space<vmem>>
      %dma_wait3A_1538 = arith.constant 0 : i32
      %dma_wait3A_1539 = tpu.memref_slice %arg4[%multiple_of3A_1534, %dma_wait3A_1538] : memref<524288x128xf32, #tpu.memory_space<hbm>> -> memref<8x128xf32, #tpu.memory_space<hbm>>
      %dma_wait3A_1540 = arith.constant 0 : i32
      %dma_wait3A_1541 = tpu.memref_slice %arg4[%multiple_of3A_1534, %dma_wait3A_1540] : memref<524288x128xf32, #tpu.memory_space<hbm>> -> memref<8x128xf32, #tpu.memory_space<hbm>>
      %dma_wait3A_1542 = arith.constant 88 : i32
      %dma_wait3A_1543 = arith.constant 0 : i32
      %dma_wait3A_1544 = tpu.memref_slice %arg7[%dma_wait3A_1542, %dma_wait3A_1543] : memref<256x128xf32, #tpu.memory_space<vmem>> -> memref<8x128xf32, #tpu.memory_space<vmem>>
      tpu.wait_dma2 semaphore(%arg13 : memref<!tpu.dma_semaphore, #tpu.memory_space<semaphore_mem>>) src(%dma_wait3A_1544 : memref<8x128xf32, #tpu.memory_space<vmem>>) dst(%dma_wait3A_1541 : memref<8x128xf32, #tpu.memory_space<hbm>>)
      %add3A_1545 = arith.constant 90112 : i32
      %add3A_1546 = arith.addi %add3A_36, %add3A_1545 : i32
      %multiple_of3A_1547 = tpu.assume_multiple %add3A_1546, 8 : i32
      %dma_wait3A_1548 = arith.constant 96 : i32
      %dma_wait3A_1549 = arith.constant 0 : i32
      %dma_wait3A_1550 = tpu.memref_slice %arg7[%dma_wait3A_1548, %dma_wait3A_1549] : memref<256x128xf32, #tpu.memory_space<vmem>> -> memref<8x128xf32, #tpu.memory_space<vmem>>
      %dma_wait3A_1551 = arith.constant 0 : i32
      %dma_wait3A_1552 = tpu.memref_slice %arg4[%multiple_of3A_1547, %dma_wait3A_1551] : memref<524288x128xf32, #tpu.memory_space<hbm>> -> memref<8x128xf32, #tpu.memory_space<hbm>>
      %dma_wait3A_1553 = arith.constant 0 : i32
      %dma_wait3A_1554 = tpu.memref_slice %arg4[%multiple_of3A_1547, %dma_wait3A_1553] : memref<524288x128xf32, #tpu.memory_space<hbm>> -> memref<8x128xf32, #tpu.memory_space<hbm>>
      %dma_wait3A_1555 = arith.constant 96 : i32
      %dma_wait3A_1556 = arith.constant 0 : i32
      %dma_wait3A_1557 = tpu.memref_slice %arg7[%dma_wait3A_1555, %dma_wait3A_1556] : memref<256x128xf32, #tpu.memory_space<vmem>> -> memref<8x128xf32, #tpu.memory_space<vmem>>
      tpu.wait_dma2 semaphore(%arg13 : memref<!tpu.dma_semaphore, #tpu.memory_space<semaphore_mem>>) src(%dma_wait3A_1557 : memref<8x128xf32, #tpu.memory_space<vmem>>) dst(%dma_wait3A_1554 : memref<8x128xf32, #tpu.memory_space<hbm>>)
      %add3A_1558 = arith.constant 92160 : i32
      %add3A_1559 = arith.addi %add3A_36, %add3A_1558 : i32
      %multiple_of3A_1560 = tpu.assume_multiple %add3A_1559, 8 : i32
      %dma_wait3A_1561 = arith.constant 104 : i32
      %dma_wait3A_1562 = arith.constant 0 : i32
      %dma_wait3A_1563 = tpu.memref_slice %arg7[%dma_wait3A_1561, %dma_wait3A_1562] : memref<256x128xf32, #tpu.memory_space<vmem>> -> memref<8x128xf32, #tpu.memory_space<vmem>>
      %dma_wait3A_1564 = arith.constant 0 : i32
      %dma_wait3A_1565 = tpu.memref_slice %arg4[%multiple_of3A_1560, %dma_wait3A_1564] : memref<524288x128xf32, #tpu.memory_space<hbm>> -> memref<8x128xf32, #tpu.memory_space<hbm>>
      %dma_wait3A_1566 = arith.constant 0 : i32
      %dma_wait3A_1567 = tpu.memref_slice %arg4[%multiple_of3A_1560, %dma_wait3A_1566] : memref<524288x128xf32, #tpu.memory_space<hbm>> -> memref<8x128xf32, #tpu.memory_space<hbm>>
      %dma_wait3A_1568 = arith.constant 104 : i32
      %dma_wait3A_1569 = arith.constant 0 : i32
      %dma_wait3A_1570 = tpu.memref_slice %arg7[%dma_wait3A_1568, %dma_wait3A_1569] : memref<256x128xf32, #tpu.memory_space<vmem>> -> memref<8x128xf32, #tpu.memory_space<vmem>>
      tpu.wait_dma2 semaphore(%arg13 : memref<!tpu.dma_semaphore, #tpu.memory_space<semaphore_mem>>) src(%dma_wait3A_1570 : memref<8x128xf32, #tpu.memory_space<vmem>>) dst(%dma_wait3A_1567 : memref<8x128xf32, #tpu.memory_space<hbm>>)
      %add3A_1571 = arith.constant 94208 : i32
      %add3A_1572 = arith.addi %add3A_36, %add3A_1571 : i32
      %multiple_of3A_1573 = tpu.assume_multiple %add3A_1572, 8 : i32
      %dma_wait3A_1574 = arith.constant 112 : i32
      %dma_wait3A_1575 = arith.constant 0 : i32
      %dma_wait3A_1576 = tpu.memref_slice %arg7[%dma_wait3A_1574, %dma_wait3A_1575] : memref<256x128xf32, #tpu.memory_space<vmem>> -> memref<8x128xf32, #tpu.memory_space<vmem>>
      %dma_wait3A_1577 = arith.constant 0 : i32
      %dma_wait3A_1578 = tpu.memref_slice %arg4[%multiple_of3A_1573, %dma_wait3A_1577] : memref<524288x128xf32, #tpu.memory_space<hbm>> -> memref<8x128xf32, #tpu.memory_space<hbm>>
      %dma_wait3A_1579 = arith.constant 0 : i32
      %dma_wait3A_1580 = tpu.memref_slice %arg4[%multiple_of3A_1573, %dma_wait3A_1579] : memref<524288x128xf32, #tpu.memory_space<hbm>> -> memref<8x128xf32, #tpu.memory_space<hbm>>
      %dma_wait3A_1581 = arith.constant 112 : i32
      %dma_wait3A_1582 = arith.constant 0 : i32
      %dma_wait3A_1583 = tpu.memref_slice %arg7[%dma_wait3A_1581, %dma_wait3A_1582] : memref<256x128xf32, #tpu.memory_space<vmem>> -> memref<8x128xf32, #tpu.memory_space<vmem>>
      tpu.wait_dma2 semaphore(%arg13 : memref<!tpu.dma_semaphore, #tpu.memory_space<semaphore_mem>>) src(%dma_wait3A_1583 : memref<8x128xf32, #tpu.memory_space<vmem>>) dst(%dma_wait3A_1580 : memref<8x128xf32, #tpu.memory_space<hbm>>)
      %add3A_1584 = arith.constant 96256 : i32
      %add3A_1585 = arith.addi %add3A_36, %add3A_1584 : i32
      %multiple_of3A_1586 = tpu.assume_multiple %add3A_1585, 8 : i32
      %dma_wait3A_1587 = arith.constant 120 : i32
      %dma_wait3A_1588 = arith.constant 0 : i32
      %dma_wait3A_1589 = tpu.memref_slice %arg7[%dma_wait3A_1587, %dma_wait3A_1588] : memref<256x128xf32, #tpu.memory_space<vmem>> -> memref<8x128xf32, #tpu.memory_space<vmem>>
      %dma_wait3A_1590 = arith.constant 0 : i32
      %dma_wait3A_1591 = tpu.memref_slice %arg4[%multiple_of3A_1586, %dma_wait3A_1590] : memref<524288x128xf32, #tpu.memory_space<hbm>> -> memref<8x128xf32, #tpu.memory_space<hbm>>
      %dma_wait3A_1592 = arith.constant 0 : i32
      %dma_wait3A_1593 = tpu.memref_slice %arg4[%multiple_of3A_1586, %dma_wait3A_1592] : memref<524288x128xf32, #tpu.memory_space<hbm>> -> memref<8x128xf32, #tpu.memory_space<hbm>>
      %dma_wait3A_1594 = arith.constant 120 : i32
      %dma_wait3A_1595 = arith.constant 0 : i32
      %dma_wait3A_1596 = tpu.memref_slice %arg7[%dma_wait3A_1594, %dma_wait3A_1595] : memref<256x128xf32, #tpu.memory_space<vmem>> -> memref<8x128xf32, #tpu.memory_space<vmem>>
      tpu.wait_dma2 semaphore(%arg13 : memref<!tpu.dma_semaphore, #tpu.memory_space<semaphore_mem>>) src(%dma_wait3A_1596 : memref<8x128xf32, #tpu.memory_space<vmem>>) dst(%dma_wait3A_1593 : memref<8x128xf32, #tpu.memory_space<hbm>>)
      %add3A_1597 = arith.constant 98304 : i32
      %add3A_1598 = arith.addi %add3A_36, %add3A_1597 : i32
      %multiple_of3A_1599 = tpu.assume_multiple %add3A_1598, 8 : i32
      %dma_wait3A_1600 = arith.constant 128 : i32
      %dma_wait3A_1601 = arith.constant 0 : i32
      %dma_wait3A_1602 = tpu.memref_slice %arg7[%dma_wait3A_1600, %dma_wait3A_1601] : memref<256x128xf32, #tpu.memory_space<vmem>> -> memref<8x128xf32, #tpu.memory_space<vmem>>
      %dma_wait3A_1603 = arith.constant 0 : i32
      %dma_wait3A_1604 = tpu.memref_slice %arg4[%multiple_of3A_1599, %dma_wait3A_1603] : memref<524288x128xf32, #tpu.memory_space<hbm>> -> memref<8x128xf32, #tpu.memory_space<hbm>>
      %dma_wait3A_1605 = arith.constant 0 : i32
      %dma_wait3A_1606 = tpu.memref_slice %arg4[%multiple_of3A_1599, %dma_wait3A_1605] : memref<524288x128xf32, #tpu.memory_space<hbm>> -> memref<8x128xf32, #tpu.memory_space<hbm>>
      %dma_wait3A_1607 = arith.constant 128 : i32
      %dma_wait3A_1608 = arith.constant 0 : i32
      %dma_wait3A_1609 = tpu.memref_slice %arg7[%dma_wait3A_1607, %dma_wait3A_1608] : memref<256x128xf32, #tpu.memory_space<vmem>> -> memref<8x128xf32, #tpu.memory_space<vmem>>
      tpu.wait_dma2 semaphore(%arg13 : memref<!tpu.dma_semaphore, #tpu.memory_space<semaphore_mem>>) src(%dma_wait3A_1609 : memref<8x128xf32, #tpu.memory_space<vmem>>) dst(%dma_wait3A_1606 : memref<8x128xf32, #tpu.memory_space<hbm>>)
      %add3A_1610 = arith.constant 100352 : i32
      %add3A_1611 = arith.addi %add3A_36, %add3A_1610 : i32
      %multiple_of3A_1612 = tpu.assume_multiple %add3A_1611, 8 : i32
      %dma_wait3A_1613 = arith.constant 136 : i32
      %dma_wait3A_1614 = arith.constant 0 : i32
      %dma_wait3A_1615 = tpu.memref_slice %arg7[%dma_wait3A_1613, %dma_wait3A_1614] : memref<256x128xf32, #tpu.memory_space<vmem>> -> memref<8x128xf32, #tpu.memory_space<vmem>>
      %dma_wait3A_1616 = arith.constant 0 : i32
      %dma_wait3A_1617 = tpu.memref_slice %arg4[%multiple_of3A_1612, %dma_wait3A_1616] : memref<524288x128xf32, #tpu.memory_space<hbm>> -> memref<8x128xf32, #tpu.memory_space<hbm>>
      %dma_wait3A_1618 = arith.constant 0 : i32
      %dma_wait3A_1619 = tpu.memref_slice %arg4[%multiple_of3A_1612, %dma_wait3A_1618] : memref<524288x128xf32, #tpu.memory_space<hbm>> -> memref<8x128xf32, #tpu.memory_space<hbm>>
      %dma_wait3A_1620 = arith.constant 136 : i32
      %dma_wait3A_1621 = arith.constant 0 : i32
      %dma_wait3A_1622 = tpu.memref_slice %arg7[%dma_wait3A_1620, %dma_wait3A_1621] : memref<256x128xf32, #tpu.memory_space<vmem>> -> memref<8x128xf32, #tpu.memory_space<vmem>>
      tpu.wait_dma2 semaphore(%arg13 : memref<!tpu.dma_semaphore, #tpu.memory_space<semaphore_mem>>) src(%dma_wait3A_1622 : memref<8x128xf32, #tpu.memory_space<vmem>>) dst(%dma_wait3A_1619 : memref<8x128xf32, #tpu.memory_space<hbm>>)
      %add3A_1623 = arith.constant 102400 : i32
      %add3A_1624 = arith.addi %add3A_36, %add3A_1623 : i32
      %multiple_of3A_1625 = tpu.assume_multiple %add3A_1624, 8 : i32
      %dma_wait3A_1626 = arith.constant 144 : i32
      %dma_wait3A_1627 = arith.constant 0 : i32
      %dma_wait3A_1628 = tpu.memref_slice %arg7[%dma_wait3A_1626, %dma_wait3A_1627] : memref<256x128xf32, #tpu.memory_space<vmem>> -> memref<8x128xf32, #tpu.memory_space<vmem>>
      %dma_wait3A_1629 = arith.constant 0 : i32
      %dma_wait3A_1630 = tpu.memref_slice %arg4[%multiple_of3A_1625, %dma_wait3A_1629] : memref<524288x128xf32, #tpu.memory_space<hbm>> -> memref<8x128xf32, #tpu.memory_space<hbm>>
      %dma_wait3A_1631 = arith.constant 0 : i32
      %dma_wait3A_1632 = tpu.memref_slice %arg4[%multiple_of3A_1625, %dma_wait3A_1631] : memref<524288x128xf32, #tpu.memory_space<hbm>> -> memref<8x128xf32, #tpu.memory_space<hbm>>
      %dma_wait3A_1633 = arith.constant 144 : i32
      %dma_wait3A_1634 = arith.constant 0 : i32
      %dma_wait3A_1635 = tpu.memref_slice %arg7[%dma_wait3A_1633, %dma_wait3A_1634] : memref<256x128xf32, #tpu.memory_space<vmem>> -> memref<8x128xf32, #tpu.memory_space<vmem>>
      tpu.wait_dma2 semaphore(%arg13 : memref<!tpu.dma_semaphore, #tpu.memory_space<semaphore_mem>>) src(%dma_wait3A_1635 : memref<8x128xf32, #tpu.memory_space<vmem>>) dst(%dma_wait3A_1632 : memref<8x128xf32, #tpu.memory_space<hbm>>)
      %add3A_1636 = arith.constant 104448 : i32
      %add3A_1637 = arith.addi %add3A_36, %add3A_1636 : i32
      %multiple_of3A_1638 = tpu.assume_multiple %add3A_1637, 8 : i32
      %dma_wait3A_1639 = arith.constant 152 : i32
      %dma_wait3A_1640 = arith.constant 0 : i32
      %dma_wait3A_1641 = tpu.memref_slice %arg7[%dma_wait3A_1639, %dma_wait3A_1640] : memref<256x128xf32, #tpu.memory_space<vmem>> -> memref<8x128xf32, #tpu.memory_space<vmem>>
      %dma_wait3A_1642 = arith.constant 0 : i32
      %dma_wait3A_1643 = tpu.memref_slice %arg4[%multiple_of3A_1638, %dma_wait3A_1642] : memref<524288x128xf32, #tpu.memory_space<hbm>> -> memref<8x128xf32, #tpu.memory_space<hbm>>
      %dma_wait3A_1644 = arith.constant 0 : i32
      %dma_wait3A_1645 = tpu.memref_slice %arg4[%multiple_of3A_1638, %dma_wait3A_1644] : memref<524288x128xf32, #tpu.memory_space<hbm>> -> memref<8x128xf32, #tpu.memory_space<hbm>>
      %dma_wait3A_1646 = arith.constant 152 : i32
      %dma_wait3A_1647 = arith.constant 0 : i32
      %dma_wait3A_1648 = tpu.memref_slice %arg7[%dma_wait3A_1646, %dma_wait3A_1647] : memref<256x128xf32, #tpu.memory_space<vmem>> -> memref<8x128xf32, #tpu.memory_space<vmem>>
      tpu.wait_dma2 semaphore(%arg13 : memref<!tpu.dma_semaphore, #tpu.memory_space<semaphore_mem>>) src(%dma_wait3A_1648 : memref<8x128xf32, #tpu.memory_space<vmem>>) dst(%dma_wait3A_1645 : memref<8x128xf32, #tpu.memory_space<hbm>>)
      %add3A_1649 = arith.constant 106496 : i32
      %add3A_1650 = arith.addi %add3A_36, %add3A_1649 : i32
      %multiple_of3A_1651 = tpu.assume_multiple %add3A_1650, 8 : i32
      %dma_wait3A_1652 = arith.constant 160 : i32
      %dma_wait3A_1653 = arith.constant 0 : i32
      %dma_wait3A_1654 = tpu.memref_slice %arg7[%dma_wait3A_1652, %dma_wait3A_1653] : memref<256x128xf32, #tpu.memory_space<vmem>> -> memref<8x128xf32, #tpu.memory_space<vmem>>
      %dma_wait3A_1655 = arith.constant 0 : i32
      %dma_wait3A_1656 = tpu.memref_slice %arg4[%multiple_of3A_1651, %dma_wait3A_1655] : memref<524288x128xf32, #tpu.memory_space<hbm>> -> memref<8x128xf32, #tpu.memory_space<hbm>>
      %dma_wait3A_1657 = arith.constant 0 : i32
      %dma_wait3A_1658 = tpu.memref_slice %arg4[%multiple_of3A_1651, %dma_wait3A_1657] : memref<524288x128xf32, #tpu.memory_space<hbm>> -> memref<8x128xf32, #tpu.memory_space<hbm>>
      %dma_wait3A_1659 = arith.constant 160 : i32
      %dma_wait3A_1660 = arith.constant 0 : i32
      %dma_wait3A_1661 = tpu.memref_slice %arg7[%dma_wait3A_1659, %dma_wait3A_1660] : memref<256x128xf32, #tpu.memory_space<vmem>> -> memref<8x128xf32, #tpu.memory_space<vmem>>
      tpu.wait_dma2 semaphore(%arg13 : memref<!tpu.dma_semaphore, #tpu.memory_space<semaphore_mem>>) src(%dma_wait3A_1661 : memref<8x128xf32, #tpu.memory_space<vmem>>) dst(%dma_wait3A_1658 : memref<8x128xf32, #tpu.memory_space<hbm>>)
      %add3A_1662 = arith.constant 108544 : i32
      %add3A_1663 = arith.addi %add3A_36, %add3A_1662 : i32
      %multiple_of3A_1664 = tpu.assume_multiple %add3A_1663, 8 : i32
      %dma_wait3A_1665 = arith.constant 168 : i32
      %dma_wait3A_1666 = arith.constant 0 : i32
      %dma_wait3A_1667 = tpu.memref_slice %arg7[%dma_wait3A_1665, %dma_wait3A_1666] : memref<256x128xf32, #tpu.memory_space<vmem>> -> memref<8x128xf32, #tpu.memory_space<vmem>>
      %dma_wait3A_1668 = arith.constant 0 : i32
      %dma_wait3A_1669 = tpu.memref_slice %arg4[%multiple_of3A_1664, %dma_wait3A_1668] : memref<524288x128xf32, #tpu.memory_space<hbm>> -> memref<8x128xf32, #tpu.memory_space<hbm>>
      %dma_wait3A_1670 = arith.constant 0 : i32
      %dma_wait3A_1671 = tpu.memref_slice %arg4[%multiple_of3A_1664, %dma_wait3A_1670] : memref<524288x128xf32, #tpu.memory_space<hbm>> -> memref<8x128xf32, #tpu.memory_space<hbm>>
      %dma_wait3A_1672 = arith.constant 168 : i32
      %dma_wait3A_1673 = arith.constant 0 : i32
      %dma_wait3A_1674 = tpu.memref_slice %arg7[%dma_wait3A_1672, %dma_wait3A_1673] : memref<256x128xf32, #tpu.memory_space<vmem>> -> memref<8x128xf32, #tpu.memory_space<vmem>>
      tpu.wait_dma2 semaphore(%arg13 : memref<!tpu.dma_semaphore, #tpu.memory_space<semaphore_mem>>) src(%dma_wait3A_1674 : memref<8x128xf32, #tpu.memory_space<vmem>>) dst(%dma_wait3A_1671 : memref<8x128xf32, #tpu.memory_space<hbm>>)
      %add3A_1675 = arith.constant 110592 : i32
      %add3A_1676 = arith.addi %add3A_36, %add3A_1675 : i32
      %multiple_of3A_1677 = tpu.assume_multiple %add3A_1676, 8 : i32
      %dma_wait3A_1678 = arith.constant 176 : i32
      %dma_wait3A_1679 = arith.constant 0 : i32
      %dma_wait3A_1680 = tpu.memref_slice %arg7[%dma_wait3A_1678, %dma_wait3A_1679] : memref<256x128xf32, #tpu.memory_space<vmem>> -> memref<8x128xf32, #tpu.memory_space<vmem>>
      %dma_wait3A_1681 = arith.constant 0 : i32
      %dma_wait3A_1682 = tpu.memref_slice %arg4[%multiple_of3A_1677, %dma_wait3A_1681] : memref<524288x128xf32, #tpu.memory_space<hbm>> -> memref<8x128xf32, #tpu.memory_space<hbm>>
      %dma_wait3A_1683 = arith.constant 0 : i32
      %dma_wait3A_1684 = tpu.memref_slice %arg4[%multiple_of3A_1677, %dma_wait3A_1683] : memref<524288x128xf32, #tpu.memory_space<hbm>> -> memref<8x128xf32, #tpu.memory_space<hbm>>
      %dma_wait3A_1685 = arith.constant 176 : i32
      %dma_wait3A_1686 = arith.constant 0 : i32
      %dma_wait3A_1687 = tpu.memref_slice %arg7[%dma_wait3A_1685, %dma_wait3A_1686] : memref<256x128xf32, #tpu.memory_space<vmem>> -> memref<8x128xf32, #tpu.memory_space<vmem>>
      tpu.wait_dma2 semaphore(%arg13 : memref<!tpu.dma_semaphore, #tpu.memory_space<semaphore_mem>>) src(%dma_wait3A_1687 : memref<8x128xf32, #tpu.memory_space<vmem>>) dst(%dma_wait3A_1684 : memref<8x128xf32, #tpu.memory_space<hbm>>)
      %add3A_1688 = arith.constant 112640 : i32
      %add3A_1689 = arith.addi %add3A_36, %add3A_1688 : i32
      %multiple_of3A_1690 = tpu.assume_multiple %add3A_1689, 8 : i32
      %dma_wait3A_1691 = arith.constant 184 : i32
      %dma_wait3A_1692 = arith.constant 0 : i32
      %dma_wait3A_1693 = tpu.memref_slice %arg7[%dma_wait3A_1691, %dma_wait3A_1692] : memref<256x128xf32, #tpu.memory_space<vmem>> -> memref<8x128xf32, #tpu.memory_space<vmem>>
      %dma_wait3A_1694 = arith.constant 0 : i32
      %dma_wait3A_1695 = tpu.memref_slice %arg4[%multiple_of3A_1690, %dma_wait3A_1694] : memref<524288x128xf32, #tpu.memory_space<hbm>> -> memref<8x128xf32, #tpu.memory_space<hbm>>
      %dma_wait3A_1696 = arith.constant 0 : i32
      %dma_wait3A_1697 = tpu.memref_slice %arg4[%multiple_of3A_1690, %dma_wait3A_1696] : memref<524288x128xf32, #tpu.memory_space<hbm>> -> memref<8x128xf32, #tpu.memory_space<hbm>>
      %dma_wait3A_1698 = arith.constant 184 : i32
      %dma_wait3A_1699 = arith.constant 0 : i32
      %dma_wait3A_1700 = tpu.memref_slice %arg7[%dma_wait3A_1698, %dma_wait3A_1699] : memref<256x128xf32, #tpu.memory_space<vmem>> -> memref<8x128xf32, #tpu.memory_space<vmem>>
      tpu.wait_dma2 semaphore(%arg13 : memref<!tpu.dma_semaphore, #tpu.memory_space<semaphore_mem>>) src(%dma_wait3A_1700 : memref<8x128xf32, #tpu.memory_space<vmem>>) dst(%dma_wait3A_1697 : memref<8x128xf32, #tpu.memory_space<hbm>>)
      %add3A_1701 = arith.constant 114688 : i32
      %add3A_1702 = arith.addi %add3A_36, %add3A_1701 : i32
      %multiple_of3A_1703 = tpu.assume_multiple %add3A_1702, 8 : i32
      %dma_wait3A_1704 = arith.constant 192 : i32
      %dma_wait3A_1705 = arith.constant 0 : i32
      %dma_wait3A_1706 = tpu.memref_slice %arg7[%dma_wait3A_1704, %dma_wait3A_1705] : memref<256x128xf32, #tpu.memory_space<vmem>> -> memref<8x128xf32, #tpu.memory_space<vmem>>
      %dma_wait3A_1707 = arith.constant 0 : i32
      %dma_wait3A_1708 = tpu.memref_slice %arg4[%multiple_of3A_1703, %dma_wait3A_1707] : memref<524288x128xf32, #tpu.memory_space<hbm>> -> memref<8x128xf32, #tpu.memory_space<hbm>>
      %dma_wait3A_1709 = arith.constant 0 : i32
      %dma_wait3A_1710 = tpu.memref_slice %arg4[%multiple_of3A_1703, %dma_wait3A_1709] : memref<524288x128xf32, #tpu.memory_space<hbm>> -> memref<8x128xf32, #tpu.memory_space<hbm>>
      %dma_wait3A_1711 = arith.constant 192 : i32
      %dma_wait3A_1712 = arith.constant 0 : i32
      %dma_wait3A_1713 = tpu.memref_slice %arg7[%dma_wait3A_1711, %dma_wait3A_1712] : memref<256x128xf32, #tpu.memory_space<vmem>> -> memref<8x128xf32, #tpu.memory_space<vmem>>
      tpu.wait_dma2 semaphore(%arg13 : memref<!tpu.dma_semaphore, #tpu.memory_space<semaphore_mem>>) src(%dma_wait3A_1713 : memref<8x128xf32, #tpu.memory_space<vmem>>) dst(%dma_wait3A_1710 : memref<8x128xf32, #tpu.memory_space<hbm>>)
      %add3A_1714 = arith.constant 116736 : i32
      %add3A_1715 = arith.addi %add3A_36, %add3A_1714 : i32
      %multiple_of3A_1716 = tpu.assume_multiple %add3A_1715, 8 : i32
      %dma_wait3A_1717 = arith.constant 200 : i32
      %dma_wait3A_1718 = arith.constant 0 : i32
      %dma_wait3A_1719 = tpu.memref_slice %arg7[%dma_wait3A_1717, %dma_wait3A_1718] : memref<256x128xf32, #tpu.memory_space<vmem>> -> memref<8x128xf32, #tpu.memory_space<vmem>>
      %dma_wait3A_1720 = arith.constant 0 : i32
      %dma_wait3A_1721 = tpu.memref_slice %arg4[%multiple_of3A_1716, %dma_wait3A_1720] : memref<524288x128xf32, #tpu.memory_space<hbm>> -> memref<8x128xf32, #tpu.memory_space<hbm>>
      %dma_wait3A_1722 = arith.constant 0 : i32
      %dma_wait3A_1723 = tpu.memref_slice %arg4[%multiple_of3A_1716, %dma_wait3A_1722] : memref<524288x128xf32, #tpu.memory_space<hbm>> -> memref<8x128xf32, #tpu.memory_space<hbm>>
      %dma_wait3A_1724 = arith.constant 200 : i32
      %dma_wait3A_1725 = arith.constant 0 : i32
      %dma_wait3A_1726 = tpu.memref_slice %arg7[%dma_wait3A_1724, %dma_wait3A_1725] : memref<256x128xf32, #tpu.memory_space<vmem>> -> memref<8x128xf32, #tpu.memory_space<vmem>>
      tpu.wait_dma2 semaphore(%arg13 : memref<!tpu.dma_semaphore, #tpu.memory_space<semaphore_mem>>) src(%dma_wait3A_1726 : memref<8x128xf32, #tpu.memory_space<vmem>>) dst(%dma_wait3A_1723 : memref<8x128xf32, #tpu.memory_space<hbm>>)
      %add3A_1727 = arith.constant 118784 : i32
      %add3A_1728 = arith.addi %add3A_36, %add3A_1727 : i32
      %multiple_of3A_1729 = tpu.assume_multiple %add3A_1728, 8 : i32
      %dma_wait3A_1730 = arith.constant 208 : i32
      %dma_wait3A_1731 = arith.constant 0 : i32
      %dma_wait3A_1732 = tpu.memref_slice %arg7[%dma_wait3A_1730, %dma_wait3A_1731] : memref<256x128xf32, #tpu.memory_space<vmem>> -> memref<8x128xf32, #tpu.memory_space<vmem>>
      %dma_wait3A_1733 = arith.constant 0 : i32
      %dma_wait3A_1734 = tpu.memref_slice %arg4[%multiple_of3A_1729, %dma_wait3A_1733] : memref<524288x128xf32, #tpu.memory_space<hbm>> -> memref<8x128xf32, #tpu.memory_space<hbm>>
      %dma_wait3A_1735 = arith.constant 0 : i32
      %dma_wait3A_1736 = tpu.memref_slice %arg4[%multiple_of3A_1729, %dma_wait3A_1735] : memref<524288x128xf32, #tpu.memory_space<hbm>> -> memref<8x128xf32, #tpu.memory_space<hbm>>
      %dma_wait3A_1737 = arith.constant 208 : i32
      %dma_wait3A_1738 = arith.constant 0 : i32
      %dma_wait3A_1739 = tpu.memref_slice %arg7[%dma_wait3A_1737, %dma_wait3A_1738] : memref<256x128xf32, #tpu.memory_space<vmem>> -> memref<8x128xf32, #tpu.memory_space<vmem>>
      tpu.wait_dma2 semaphore(%arg13 : memref<!tpu.dma_semaphore, #tpu.memory_space<semaphore_mem>>) src(%dma_wait3A_1739 : memref<8x128xf32, #tpu.memory_space<vmem>>) dst(%dma_wait3A_1736 : memref<8x128xf32, #tpu.memory_space<hbm>>)
      %add3A_1740 = arith.constant 120832 : i32
      %add3A_1741 = arith.addi %add3A_36, %add3A_1740 : i32
      %multiple_of3A_1742 = tpu.assume_multiple %add3A_1741, 8 : i32
      %dma_wait3A_1743 = arith.constant 216 : i32
      %dma_wait3A_1744 = arith.constant 0 : i32
      %dma_wait3A_1745 = tpu.memref_slice %arg7[%dma_wait3A_1743, %dma_wait3A_1744] : memref<256x128xf32, #tpu.memory_space<vmem>> -> memref<8x128xf32, #tpu.memory_space<vmem>>
      %dma_wait3A_1746 = arith.constant 0 : i32
      %dma_wait3A_1747 = tpu.memref_slice %arg4[%multiple_of3A_1742, %dma_wait3A_1746] : memref<524288x128xf32, #tpu.memory_space<hbm>> -> memref<8x128xf32, #tpu.memory_space<hbm>>
      %dma_wait3A_1748 = arith.constant 0 : i32
      %dma_wait3A_1749 = tpu.memref_slice %arg4[%multiple_of3A_1742, %dma_wait3A_1748] : memref<524288x128xf32, #tpu.memory_space<hbm>> -> memref<8x128xf32, #tpu.memory_space<hbm>>
      %dma_wait3A_1750 = arith.constant 216 : i32
      %dma_wait3A_1751 = arith.constant 0 : i32
      %dma_wait3A_1752 = tpu.memref_slice %arg7[%dma_wait3A_1750, %dma_wait3A_1751] : memref<256x128xf32, #tpu.memory_space<vmem>> -> memref<8x128xf32, #tpu.memory_space<vmem>>
      tpu.wait_dma2 semaphore(%arg13 : memref<!tpu.dma_semaphore, #tpu.memory_space<semaphore_mem>>) src(%dma_wait3A_1752 : memref<8x128xf32, #tpu.memory_space<vmem>>) dst(%dma_wait3A_1749 : memref<8x128xf32, #tpu.memory_space<hbm>>)
      %add3A_1753 = arith.constant 122880 : i32
      %add3A_1754 = arith.addi %add3A_36, %add3A_1753 : i32
      %multiple_of3A_1755 = tpu.assume_multiple %add3A_1754, 8 : i32
      %dma_wait3A_1756 = arith.constant 224 : i32
      %dma_wait3A_1757 = arith.constant 0 : i32
      %dma_wait3A_1758 = tpu.memref_slice %arg7[%dma_wait3A_1756, %dma_wait3A_1757] : memref<256x128xf32, #tpu.memory_space<vmem>> -> memref<8x128xf32, #tpu.memory_space<vmem>>
      %dma_wait3A_1759 = arith.constant 0 : i32
      %dma_wait3A_1760 = tpu.memref_slice %arg4[%multiple_of3A_1755, %dma_wait3A_1759] : memref<524288x128xf32, #tpu.memory_space<hbm>> -> memref<8x128xf32, #tpu.memory_space<hbm>>
      %dma_wait3A_1761 = arith.constant 0 : i32
      %dma_wait3A_1762 = tpu.memref_slice %arg4[%multiple_of3A_1755, %dma_wait3A_1761] : memref<524288x128xf32, #tpu.memory_space<hbm>> -> memref<8x128xf32, #tpu.memory_space<hbm>>
      %dma_wait3A_1763 = arith.constant 224 : i32
      %dma_wait3A_1764 = arith.constant 0 : i32
      %dma_wait3A_1765 = tpu.memref_slice %arg7[%dma_wait3A_1763, %dma_wait3A_1764] : memref<256x128xf32, #tpu.memory_space<vmem>> -> memref<8x128xf32, #tpu.memory_space<vmem>>
      tpu.wait_dma2 semaphore(%arg13 : memref<!tpu.dma_semaphore, #tpu.memory_space<semaphore_mem>>) src(%dma_wait3A_1765 : memref<8x128xf32, #tpu.memory_space<vmem>>) dst(%dma_wait3A_1762 : memref<8x128xf32, #tpu.memory_space<hbm>>)
      %add3A_1766 = arith.constant 124928 : i32
      %add3A_1767 = arith.addi %add3A_36, %add3A_1766 : i32
      %multiple_of3A_1768 = tpu.assume_multiple %add3A_1767, 8 : i32
      %dma_wait3A_1769 = arith.constant 232 : i32
      %dma_wait3A_1770 = arith.constant 0 : i32
      %dma_wait3A_1771 = tpu.memref_slice %arg7[%dma_wait3A_1769, %dma_wait3A_1770] : memref<256x128xf32, #tpu.memory_space<vmem>> -> memref<8x128xf32, #tpu.memory_space<vmem>>
      %dma_wait3A_1772 = arith.constant 0 : i32
      %dma_wait3A_1773 = tpu.memref_slice %arg4[%multiple_of3A_1768, %dma_wait3A_1772] : memref<524288x128xf32, #tpu.memory_space<hbm>> -> memref<8x128xf32, #tpu.memory_space<hbm>>
      %dma_wait3A_1774 = arith.constant 0 : i32
      %dma_wait3A_1775 = tpu.memref_slice %arg4[%multiple_of3A_1768, %dma_wait3A_1774] : memref<524288x128xf32, #tpu.memory_space<hbm>> -> memref<8x128xf32, #tpu.memory_space<hbm>>
      %dma_wait3A_1776 = arith.constant 232 : i32
      %dma_wait3A_1777 = arith.constant 0 : i32
      %dma_wait3A_1778 = tpu.memref_slice %arg7[%dma_wait3A_1776, %dma_wait3A_1777] : memref<256x128xf32, #tpu.memory_space<vmem>> -> memref<8x128xf32, #tpu.memory_space<vmem>>
      tpu.wait_dma2 semaphore(%arg13 : memref<!tpu.dma_semaphore, #tpu.memory_space<semaphore_mem>>) src(%dma_wait3A_1778 : memref<8x128xf32, #tpu.memory_space<vmem>>) dst(%dma_wait3A_1775 : memref<8x128xf32, #tpu.memory_space<hbm>>)
      %add3A_1779 = arith.constant 126976 : i32
      %add3A_1780 = arith.addi %add3A_36, %add3A_1779 : i32
      %multiple_of3A_1781 = tpu.assume_multiple %add3A_1780, 8 : i32
      %dma_wait3A_1782 = arith.constant 240 : i32
      %dma_wait3A_1783 = arith.constant 0 : i32
      %dma_wait3A_1784 = tpu.memref_slice %arg7[%dma_wait3A_1782, %dma_wait3A_1783] : memref<256x128xf32, #tpu.memory_space<vmem>> -> memref<8x128xf32, #tpu.memory_space<vmem>>
      %dma_wait3A_1785 = arith.constant 0 : i32
      %dma_wait3A_1786 = tpu.memref_slice %arg4[%multiple_of3A_1781, %dma_wait3A_1785] : memref<524288x128xf32, #tpu.memory_space<hbm>> -> memref<8x128xf32, #tpu.memory_space<hbm>>
      %dma_wait3A_1787 = arith.constant 0 : i32
      %dma_wait3A_1788 = tpu.memref_slice %arg4[%multiple_of3A_1781, %dma_wait3A_1787] : memref<524288x128xf32, #tpu.memory_space<hbm>> -> memref<8x128xf32, #tpu.memory_space<hbm>>
      %dma_wait3A_1789 = arith.constant 240 : i32
      %dma_wait3A_1790 = arith.constant 0 : i32
      %dma_wait3A_1791 = tpu.memref_slice %arg7[%dma_wait3A_1789, %dma_wait3A_1790] : memref<256x128xf32, #tpu.memory_space<vmem>> -> memref<8x128xf32, #tpu.memory_space<vmem>>
      tpu.wait_dma2 semaphore(%arg13 : memref<!tpu.dma_semaphore, #tpu.memory_space<semaphore_mem>>) src(%dma_wait3A_1791 : memref<8x128xf32, #tpu.memory_space<vmem>>) dst(%dma_wait3A_1788 : memref<8x128xf32, #tpu.memory_space<hbm>>)
      %add3A_1792 = arith.constant 129024 : i32
      %add3A_1793 = arith.addi %add3A_36, %add3A_1792 : i32
      %multiple_of3A_1794 = tpu.assume_multiple %add3A_1793, 8 : i32
      %dma_wait3A_1795 = arith.constant 248 : i32
      %dma_wait3A_1796 = arith.constant 0 : i32
      %dma_wait3A_1797 = tpu.memref_slice %arg7[%dma_wait3A_1795, %dma_wait3A_1796] : memref<256x128xf32, #tpu.memory_space<vmem>> -> memref<8x128xf32, #tpu.memory_space<vmem>>
      %dma_wait3A_1798 = arith.constant 0 : i32
      %dma_wait3A_1799 = tpu.memref_slice %arg4[%multiple_of3A_1794, %dma_wait3A_1798] : memref<524288x128xf32, #tpu.memory_space<hbm>> -> memref<8x128xf32, #tpu.memory_space<hbm>>
      %dma_wait3A_1800 = arith.constant 0 : i32
      %dma_wait3A_1801 = tpu.memref_slice %arg4[%multiple_of3A_1794, %dma_wait3A_1800] : memref<524288x128xf32, #tpu.memory_space<hbm>> -> memref<8x128xf32, #tpu.memory_space<hbm>>
      %dma_wait3A_1802 = arith.constant 248 : i32
      %dma_wait3A_1803 = arith.constant 0 : i32
      %dma_wait3A_1804 = tpu.memref_slice %arg7[%dma_wait3A_1802, %dma_wait3A_1803] : memref<256x128xf32, #tpu.memory_space<vmem>> -> memref<8x128xf32, #tpu.memory_space<vmem>>
      tpu.wait_dma2 semaphore(%arg13 : memref<!tpu.dma_semaphore, #tpu.memory_space<semaphore_mem>>) src(%dma_wait3A_1804 : memref<8x128xf32, #tpu.memory_space<vmem>>) dst(%dma_wait3A_1801 : memref<8x128xf32, #tpu.memory_space<hbm>>)
      %add3A_1805 = arith.constant 127 : i32
      %add3A_1806 = arith.addi %scan3A_42, %add3A_1805 : i32
      %jit3A_1807 = arith.constant 128 : i32
      %div3A_1808 = arith.divsi %add3A_1806, %jit3A_1807 : i32
      %sign3A_1809 = arith.constant 0 : i32
      %sign3A_1810 = arith.cmpi sgt, %add3A_1806, %sign3A_1809 : i32
      %sign3A_1811 = arith.extui %sign3A_1810 : i1 to i32
      %sign3A_1812 = arith.constant 0 : i32
      %sign3A_1813 = arith.cmpi slt, %add3A_1806, %sign3A_1812 : i32
      %sign3A_1814 = arith.extui %sign3A_1813 : i1 to i32
      %sign3A_1815 = arith.subi %sign3A_1811, %sign3A_1814 : i32
      %sign3A_1816 = arith.constant 0 : i32
      %sign3A_1817 = arith.cmpi sgt, %jit3A_1807, %sign3A_1816 : i32
      %sign3A_1818 = arith.extui %sign3A_1817 : i1 to i32
      %sign3A_1819 = arith.constant 0 : i32
      %sign3A_1820 = arith.cmpi slt, %jit3A_1807, %sign3A_1819 : i32
      %sign3A_1821 = arith.extui %sign3A_1820 : i1 to i32
      %sign3A_1822 = arith.subi %sign3A_1818, %sign3A_1821 : i32
      %ne3A_1823 = arith.cmpi ne, %sign3A_1815, %sign3A_1822 : i32
      %rem3A_1824 = arith.remsi %add3A_1806, %jit3A_1807 : i32
      %ne3A_1825 = arith.constant 0 : i32
      %ne3A_1826 = arith.cmpi ne, %rem3A_1824, %ne3A_1825 : i32
      %and3A_1827 = arith.andi %ne3A_1823, %ne3A_1826 : i1
      %sub3A_1828 = arith.constant 1 : i32
      %sub3A_1829 = arith.subi %div3A_1808, %sub3A_1828 : i32
      %select_n3A_1830 = arith.select %and3A_1827, %sub3A_1829, %div3A_1808 : i32
      %while3A_1831 = arith.constant 0 : i32
      %while3A_1832 = arith.constant 0 : i32
      %while3A_1833 = arith.subi %select_n3A_1830, %while3A_1832 : i32
      %while3A_1834 = arith.addi %while3A_1832, %while3A_1833 : i32
      %while3A_1835 = arith.constant 1 : i32
      %while3A_1836 = arith.divsi %while3A_1833, %while3A_1835 : i32
      %while3A_1837 = arith.muli %while3A_1836, %while3A_1835 : i32
      %while3A_1838 = arith.addi %while3A_1832, %while3A_1837 : i32
      %while3A_1839 = arith.constant 1 : i32
      scf.for %while3A_1841 = %while3A_1832 to %while3A_1838 step %while3A_1839  : i32 {
        %mul3A_1842 = arith.constant 128 : i32
        %mul3A_1843 = arith.muli %while3A_1841, %mul3A_1842 : i32
        %sub3A_1844 = arith.subi %scan3A_42, %mul3A_1843 : i32
        %min3A = arith.constant 128 : i32
        %min3A_1845 = arith.minsi %sub3A_1844, %min3A : i32
        %add3A_1846 = arith.constant 16 : i32
        %add3A_1847 = arith.addi %min3A_1845, %add3A_1846 : i32
        %sub3A_1848 = arith.constant 1 : i32
        %sub3A_1849 = arith.subi %add3A_1847, %sub3A_1848 : i32
        %jit3A_1850 = arith.constant 16 : i32
        %div3A_1851 = arith.divsi %sub3A_1849, %jit3A_1850 : i32
        %sign3A_1852 = arith.constant 0 : i32
        %sign3A_1853 = arith.cmpi sgt, %sub3A_1849, %sign3A_1852 : i32
        %sign3A_1854 = arith.extui %sign3A_1853 : i1 to i32
        %sign3A_1855 = arith.constant 0 : i32
        %sign3A_1856 = arith.cmpi slt, %sub3A_1849, %sign3A_1855 : i32
        %sign3A_1857 = arith.extui %sign3A_1856 : i1 to i32
        %sign3A_1858 = arith.subi %sign3A_1854, %sign3A_1857 : i32
        %sign3A_1859 = arith.constant 0 : i32
        %sign3A_1860 = arith.cmpi sgt, %jit3A_1850, %sign3A_1859 : i32
        %sign3A_1861 = arith.extui %sign3A_1860 : i1 to i32
        %sign3A_1862 = arith.constant 0 : i32
        %sign3A_1863 = arith.cmpi slt, %jit3A_1850, %sign3A_1862 : i32
        %sign3A_1864 = arith.extui %sign3A_1863 : i1 to i32
        %sign3A_1865 = arith.subi %sign3A_1861, %sign3A_1864 : i32
        %ne3A_1866 = arith.cmpi ne, %sign3A_1858, %sign3A_1865 : i32
        %rem3A_1867 = arith.remsi %sub3A_1849, %jit3A_1850 : i32
        %ne3A_1868 = arith.constant 0 : i32
        %ne3A_1869 = arith.cmpi ne, %rem3A_1867, %ne3A_1868 : i32
        %and3A_1870 = arith.andi %ne3A_1866, %ne3A_1869 : i1
        %sub3A_1871 = arith.constant 1 : i32
        %sub3A_1872 = arith.subi %div3A_1851, %sub3A_1871 : i32
        %select_n3A_1873 = arith.select %and3A_1870, %sub3A_1872, %div3A_1851 : i32
        %while3A_1874 = arith.constant 0 : i32
        %while3A_1875 = arith.constant 0 : i32
        %while3A_1876 = arith.subi %select_n3A_1873, %while3A_1875 : i32
        %while3A_1877 = arith.addi %while3A_1875, %while3A_1876 : i32
        %while3A_1878 = arith.constant 1 : i32
        %while3A_1879 = arith.divsi %while3A_1876, %while3A_1878 : i32
        %while3A_1880 = arith.muli %while3A_1879, %while3A_1878 : i32
        %while3A_1881 = arith.addi %while3A_1875, %while3A_1880 : i32
        %while3A_1882 = arith.constant 1 : i32
        scf.for %while3A_1884 = %while3A_1875 to %while3A_1881 step %while3A_1882  : i32 {
          %mul3A_1885 = arith.constant 16 : i32
          %mul3A_1886 = arith.muli %while3A_1884, %mul3A_1885 : i32
          %add3A_1887 = arith.addi %mul3A_1843, %mul3A_1886 : i32
          %add3A_1888 = vector.broadcast %add3A_1887 : i32 to vector<16xi32>
          %add3A_1889 = arith.addi %add3A_1888, %iota3A : vector<16xi32>
          %lt3A = vector.broadcast %scan3A_42 : i32 to vector<16xi32>
          %lt3A_1890 = arith.cmpi slt, %add3A_1889, %lt3A : vector<16xi32>
          %mul3A_1891 = arith.constant 16 : i32
          %mul3A_1892 = arith.muli %while3A_1884, %mul3A_1891 : i32
          %add3A_1893 = arith.addi %mul3A_1843, %mul3A_1892 : i32
          %get3A = arith.index_cast %add3A_1893 : i32 to index
          %get3A_1894 = tpu.vector_load %arg9[%get3A] {strides = array<i32>} : memref<1024xi32, #tpu.memory_space<vmem>>, vector<16xi32>,
          %jit3A_1895 = arith.constant 0 : i32
          %jit3A_1896 = arith.constant 1023 : i32
          %max3A = vector.broadcast %jit3A_1895 : i32 to vector<16xi32>
          %max3A_1897 = arith.maxsi %max3A, %get3A_1894 : vector<16xi32>
          %min3A_1898 = vector.broadcast %jit3A_1896 : i32 to vector<16xi32>
          %min3A_1899 = arith.minsi %min3A_1898, %max3A_1897 : vector<16xi32>
          %shift_right_logical3A_1900 = arith.constant 7 : i32
          %shift_right_logical3A_1901 = vector.broadcast %shift_right_logical3A_1900 : i32 to vector<16xi32>
          %shift_right_logical3A_1902 = arith.shrui %min3A_1899, %shift_right_logical3A_1901 : vector<16xi32>
          %and3A_1903 = arith.constant 127 : i32
          %and3A_1904 = vector.broadcast %and3A_1903 : i32 to vector<16xi32>
          %and3A_1905 = arith.andi %min3A_1899, %and3A_1904 : vector<16xi32>
          %broadcast_in_dim3A = arith.constant 0.000000e+00 : f32
          %broadcast_in_dim3A_1906 = vector.broadcast %broadcast_in_dim3A : f32 to vector<16xf32>
          %scan3A_1907 = arith.constant 0 : i32
          %scan3A_1908 = arith.constant 0 : i32
          %scan3A_1909 = arith.constant 32 : i32
          %scan3A_1910 = arith.addi %scan3A_1908, %scan3A_1909 : i32
          %scan3A_1911 = arith.constant 4 : i32
          scf.for %scan3A_1913 = %scan3A_1908 to %scan3A_1910 step %scan3A_1911  : i32 {
            %mul3A_1914 = arith.constant 8 : i32
            %mul3A_1915 = arith.muli %scan3A_1913, %mul3A_1914 : i32
            %add3A_1916 = vector.broadcast %mul3A_1915 : i32 to vector<16xi32>
            %add3A_1917 = arith.addi %add3A_1916, %shift_right_logical3A_1902 : vector<16xi32>
            tpu.vector_store_idx %arg7[%add3A_1917, %and3A_1905], %broadcast_in_dim3A_1906 masked %lt3A_1890 : memref<256x128xf32, #tpu.memory_space<vmem>>[vector<16xi32>, vector<16xi32>], vector<16xf32>, vector<16xi1>
            %scan3A_1918 = arith.constant 1 : i32
            %scan3A_1919 = arith.addi %scan3A_1913, %scan3A_1918 : i32
            %mul3A_1920 = arith.constant 8 : i32
            %mul3A_1921 = arith.muli %scan3A_1919, %mul3A_1920 : i32
            %add3A_1922 = vector.broadcast %mul3A_1921 : i32 to vector<16xi32>
            %add3A_1923 = arith.addi %add3A_1922, %shift_right_logical3A_1902 : vector<16xi32>
            tpu.vector_store_idx %arg7[%add3A_1923, %and3A_1905], %broadcast_in_dim3A_1906 masked %lt3A_1890 : memref<256x128xf32, #tpu.memory_space<vmem>>[vector<16xi32>, vector<16xi32>], vector<16xf32>, vector<16xi1>
            %scan3A_1924 = arith.constant 2 : i32
            %scan3A_1925 = arith.addi %scan3A_1913, %scan3A_1924 : i32
            %mul3A_1926 = arith.constant 8 : i32
            %mul3A_1927 = arith.muli %scan3A_1925, %mul3A_1926 : i32
            %add3A_1928 = vector.broadcast %mul3A_1927 : i32 to vector<16xi32>
            %add3A_1929 = arith.addi %add3A_1928, %shift_right_logical3A_1902 : vector<16xi32>
            tpu.vector_store_idx %arg7[%add3A_1929, %and3A_1905], %broadcast_in_dim3A_1906 masked %lt3A_1890 : memref<256x128xf32, #tpu.memory_space<vmem>>[vector<16xi32>, vector<16xi32>], vector<16xf32>, vector<16xi1>
            %scan3A_1930 = arith.constant 3 : i32
            %scan3A_1931 = arith.addi %scan3A_1913, %scan3A_1930 : i32
            %mul3A_1932 = arith.constant 8 : i32
            %mul3A_1933 = arith.muli %scan3A_1931, %mul3A_1932 : i32
            %add3A_1934 = vector.broadcast %mul3A_1933 : i32 to vector<16xi32>
            %add3A_1935 = arith.addi %add3A_1934, %shift_right_logical3A_1902 : vector<16xi32>
            tpu.vector_store_idx %arg7[%add3A_1935, %and3A_1905], %broadcast_in_dim3A_1906 masked %lt3A_1890 : memref<256x128xf32, #tpu.memory_space<vmem>>[vector<16xi32>, vector<16xi32>], vector<16xf32>, vector<16xi1>
          }
          %scan3A_1912 = arith.constant 32 : i32
        }
        %while3A_1883 = arith.constant 1 : i32
        scf.for %while3A_1884 = %while3A_1881 to %while3A_1877 step %while3A_1883  : i32 {
          %mul3A_1885 = arith.constant 16 : i32
          %mul3A_1886 = arith.muli %while3A_1884, %mul3A_1885 : i32
          %add3A_1887 = arith.addi %mul3A_1843, %mul3A_1886 : i32
          %add3A_1888 = vector.broadcast %add3A_1887 : i32 to vector<16xi32>
          %add3A_1889 = arith.addi %add3A_1888, %iota3A : vector<16xi32>
          %lt3A = vector.broadcast %scan3A_42 : i32 to vector<16xi32>
          %lt3A_1890 = arith.cmpi slt, %add3A_1889, %lt3A : vector<16xi32>
          %mul3A_1891 = arith.constant 16 : i32
          %mul3A_1892 = arith.muli %while3A_1884, %mul3A_1891 : i32
          %add3A_1893 = arith.addi %mul3A_1843, %mul3A_1892 : i32
          %get3A = arith.index_cast %add3A_1893 : i32 to index
          %get3A_1894 = tpu.vector_load %arg9[%get3A] {strides = array<i32>} : memref<1024xi32, #tpu.memory_space<vmem>>, vector<16xi32>,
          %jit3A_1895 = arith.constant 0 : i32
          %jit3A_1896 = arith.constant 1023 : i32
          %max3A = vector.broadcast %jit3A_1895 : i32 to vector<16xi32>
          %max3A_1897 = arith.maxsi %max3A, %get3A_1894 : vector<16xi32>
          %min3A_1898 = vector.broadcast %jit3A_1896 : i32 to vector<16xi32>
          %min3A_1899 = arith.minsi %min3A_1898, %max3A_1897 : vector<16xi32>
          %shift_right_logical3A_1900 = arith.constant 7 : i32
          %shift_right_logical3A_1901 = vector.broadcast %shift_right_logical3A_1900 : i32 to vector<16xi32>
          %shift_right_logical3A_1902 = arith.shrui %min3A_1899, %shift_right_logical3A_1901 : vector<16xi32>
          %and3A_1903 = arith.constant 127 : i32
          %and3A_1904 = vector.broadcast %and3A_1903 : i32 to vector<16xi32>
          %and3A_1905 = arith.andi %min3A_1899, %and3A_1904 : vector<16xi32>
          %broadcast_in_dim3A = arith.constant 0.000000e+00 : f32
          %broadcast_in_dim3A_1906 = vector.broadcast %broadcast_in_dim3A : f32 to vector<16xf32>
          %scan3A_1907 = arith.constant 0 : i32
          %scan3A_1908 = arith.constant 0 : i32
          %scan3A_1909 = arith.constant 32 : i32
          %scan3A_1910 = arith.addi %scan3A_1908, %scan3A_1909 : i32
          %scan3A_1911 = arith.constant 4 : i32
          scf.for %scan3A_1913 = %scan3A_1908 to %scan3A_1910 step %scan3A_1911  : i32 {
            %mul3A_1914 = arith.constant 8 : i32
            %mul3A_1915 = arith.muli %scan3A_1913, %mul3A_1914 : i32
            %add3A_1916 = vector.broadcast %mul3A_1915 : i32 to vector<16xi32>
            %add3A_1917 = arith.addi %add3A_1916, %shift_right_logical3A_1902 : vector<16xi32>
            tpu.vector_store_idx %arg7[%add3A_1917, %and3A_1905], %broadcast_in_dim3A_1906 masked %lt3A_1890 : memref<256x128xf32, #tpu.memory_space<vmem>>[vector<16xi32>, vector<16xi32>], vector<16xf32>, vector<16xi1>
            %scan3A_1918 = arith.constant 1 : i32
            %scan3A_1919 = arith.addi %scan3A_1913, %scan3A_1918 : i32
            %mul3A_1920 = arith.constant 8 : i32
            %mul3A_1921 = arith.muli %scan3A_1919, %mul3A_1920 : i32
            %add3A_1922 = vector.broadcast %mul3A_1921 : i32 to vector<16xi32>
            %add3A_1923 = arith.addi %add3A_1922, %shift_right_logical3A_1902 : vector<16xi32>
            tpu.vector_store_idx %arg7[%add3A_1923, %and3A_1905], %broadcast_in_dim3A_1906 masked %lt3A_1890 : memref<256x128xf32, #tpu.memory_space<vmem>>[vector<16xi32>, vector<16xi32>], vector<16xf32>, vector<16xi1>
            %scan3A_1924 = arith.constant 2 : i32
            %scan3A_1925 = arith.addi %scan3A_1913, %scan3A_1924 : i32
            %mul3A_1926 = arith.constant 8 : i32
            %mul3A_1927 = arith.muli %scan3A_1925, %mul3A_1926 : i32
            %add3A_1928 = vector.broadcast %mul3A_1927 : i32 to vector<16xi32>
            %add3A_1929 = arith.addi %add3A_1928, %shift_right_logical3A_1902 : vector<16xi32>
            tpu.vector_store_idx %arg7[%add3A_1929, %and3A_1905], %broadcast_in_dim3A_1906 masked %lt3A_1890 : memref<256x128xf32, #tpu.memory_space<vmem>>[vector<16xi32>, vector<16xi32>], vector<16xf32>, vector<16xi1>
            %scan3A_1930 = arith.constant 3 : i32
            %scan3A_1931 = arith.addi %scan3A_1913, %scan3A_1930 : i32
            %mul3A_1932 = arith.constant 8 : i32
            %mul3A_1933 = arith.muli %scan3A_1931, %mul3A_1932 : i32
            %add3A_1934 = vector.broadcast %mul3A_1933 : i32 to vector<16xi32>
            %add3A_1935 = arith.addi %add3A_1934, %shift_right_logical3A_1902 : vector<16xi32>
            tpu.vector_store_idx %arg7[%add3A_1935, %and3A_1905], %broadcast_in_dim3A_1906 masked %lt3A_1890 : memref<256x128xf32, #tpu.memory_space<vmem>>[vector<16xi32>, vector<16xi32>], vector<16xf32>, vector<16xi1>
          }
          %scan3A_1912 = arith.constant 32 : i32
        }
      }
      %while3A_1840 = arith.constant 1 : i32
      scf.for %while3A_1841 = %while3A_1838 to %while3A_1834 step %while3A_1840  : i32 {
        %mul3A_1842 = arith.constant 128 : i32
        %mul3A_1843 = arith.muli %while3A_1841, %mul3A_1842 : i32
        %sub3A_1844 = arith.subi %scan3A_42, %mul3A_1843 : i32
        %min3A = arith.constant 128 : i32
        %min3A_1845 = arith.minsi %sub3A_1844, %min3A : i32
        %add3A_1846 = arith.constant 16 : i32
        %add3A_1847 = arith.addi %min3A_1845, %add3A_1846 : i32
        %sub3A_1848 = arith.constant 1 : i32
        %sub3A_1849 = arith.subi %add3A_1847, %sub3A_1848 : i32
        %jit3A_1850 = arith.constant 16 : i32
        %div3A_1851 = arith.divsi %sub3A_1849, %jit3A_1850 : i32
        %sign3A_1852 = arith.constant 0 : i32
        %sign3A_1853 = arith.cmpi sgt, %sub3A_1849, %sign3A_1852 : i32
        %sign3A_1854 = arith.extui %sign3A_1853 : i1 to i32
        %sign3A_1855 = arith.constant 0 : i32
        %sign3A_1856 = arith.cmpi slt, %sub3A_1849, %sign3A_1855 : i32
        %sign3A_1857 = arith.extui %sign3A_1856 : i1 to i32
        %sign3A_1858 = arith.subi %sign3A_1854, %sign3A_1857 : i32
        %sign3A_1859 = arith.constant 0 : i32
        %sign3A_1860 = arith.cmpi sgt, %jit3A_1850, %sign3A_1859 : i32
        %sign3A_1861 = arith.extui %sign3A_1860 : i1 to i32
        %sign3A_1862 = arith.constant 0 : i32
        %sign3A_1863 = arith.cmpi slt, %jit3A_1850, %sign3A_1862 : i32
        %sign3A_1864 = arith.extui %sign3A_1863 : i1 to i32
        %sign3A_1865 = arith.subi %sign3A_1861, %sign3A_1864 : i32
        %ne3A_1866 = arith.cmpi ne, %sign3A_1858, %sign3A_1865 : i32
        %rem3A_1867 = arith.remsi %sub3A_1849, %jit3A_1850 : i32
        %ne3A_1868 = arith.constant 0 : i32
        %ne3A_1869 = arith.cmpi ne, %rem3A_1867, %ne3A_1868 : i32
        %and3A_1870 = arith.andi %ne3A_1866, %ne3A_1869 : i1
        %sub3A_1871 = arith.constant 1 : i32
        %sub3A_1872 = arith.subi %div3A_1851, %sub3A_1871 : i32
        %select_n3A_1873 = arith.select %and3A_1870, %sub3A_1872, %div3A_1851 : i32
        %while3A_1874 = arith.constant 0 : i32
        %while3A_1875 = arith.constant 0 : i32
        %while3A_1876 = arith.subi %select_n3A_1873, %while3A_1875 : i32
        %while3A_1877 = arith.addi %while3A_1875, %while3A_1876 : i32
        %while3A_1878 = arith.constant 1 : i32
        %while3A_1879 = arith.divsi %while3A_1876, %while3A_1878 : i32
        %while3A_1880 = arith.muli %while3A_1879, %while3A_1878 : i32
        %while3A_1881 = arith.addi %while3A_1875, %while3A_1880 : i32
        %while3A_1882 = arith.constant 1 : i32
        scf.for %while3A_1884 = %while3A_1875 to %while3A_1881 step %while3A_1882  : i32 {
          %mul3A_1885 = arith.constant 16 : i32
          %mul3A_1886 = arith.muli %while3A_1884, %mul3A_1885 : i32
          %add3A_1887 = arith.addi %mul3A_1843, %mul3A_1886 : i32
          %add3A_1888 = vector.broadcast %add3A_1887 : i32 to vector<16xi32>
          %add3A_1889 = arith.addi %add3A_1888, %iota3A : vector<16xi32>
          %lt3A = vector.broadcast %scan3A_42 : i32 to vector<16xi32>
          %lt3A_1890 = arith.cmpi slt, %add3A_1889, %lt3A : vector<16xi32>
          %mul3A_1891 = arith.constant 16 : i32
          %mul3A_1892 = arith.muli %while3A_1884, %mul3A_1891 : i32
          %add3A_1893 = arith.addi %mul3A_1843, %mul3A_1892 : i32
          %get3A = arith.index_cast %add3A_1893 : i32 to index
          %get3A_1894 = tpu.vector_load %arg9[%get3A] {strides = array<i32>} : memref<1024xi32, #tpu.memory_space<vmem>>, vector<16xi32>,
          %jit3A_1895 = arith.constant 0 : i32
          %jit3A_1896 = arith.constant 1023 : i32
          %max3A = vector.broadcast %jit3A_1895 : i32 to vector<16xi32>
          %max3A_1897 = arith.maxsi %max3A, %get3A_1894 : vector<16xi32>
          %min3A_1898 = vector.broadcast %jit3A_1896 : i32 to vector<16xi32>
          %min3A_1899 = arith.minsi %min3A_1898, %max3A_1897 : vector<16xi32>
          %shift_right_logical3A_1900 = arith.constant 7 : i32
          %shift_right_logical3A_1901 = vector.broadcast %shift_right_logical3A_1900 : i32 to vector<16xi32>
          %shift_right_logical3A_1902 = arith.shrui %min3A_1899, %shift_right_logical3A_1901 : vector<16xi32>
          %and3A_1903 = arith.constant 127 : i32
          %and3A_1904 = vector.broadcast %and3A_1903 : i32 to vector<16xi32>
          %and3A_1905 = arith.andi %min3A_1899, %and3A_1904 : vector<16xi32>
          %broadcast_in_dim3A = arith.constant 0.000000e+00 : f32
          %broadcast_in_dim3A_1906 = vector.broadcast %broadcast_in_dim3A : f32 to vector<16xf32>
          %scan3A_1907 = arith.constant 0 : i32
          %scan3A_1908 = arith.constant 0 : i32
          %scan3A_1909 = arith.constant 32 : i32
          %scan3A_1910 = arith.addi %scan3A_1908, %scan3A_1909 : i32
          %scan3A_1911 = arith.constant 4 : i32
          scf.for %scan3A_1913 = %scan3A_1908 to %scan3A_1910 step %scan3A_1911  : i32 {
            %mul3A_1914 = arith.constant 8 : i32
            %mul3A_1915 = arith.muli %scan3A_1913, %mul3A_1914 : i32
            %add3A_1916 = vector.broadcast %mul3A_1915 : i32 to vector<16xi32>
            %add3A_1917 = arith.addi %add3A_1916, %shift_right_logical3A_1902 : vector<16xi32>
            tpu.vector_store_idx %arg7[%add3A_1917, %and3A_1905], %broadcast_in_dim3A_1906 masked %lt3A_1890 : memref<256x128xf32, #tpu.memory_space<vmem>>[vector<16xi32>, vector<16xi32>], vector<16xf32>, vector<16xi1>
            %scan3A_1918 = arith.constant 1 : i32
            %scan3A_1919 = arith.addi %scan3A_1913, %scan3A_1918 : i32
            %mul3A_1920 = arith.constant 8 : i32
            %mul3A_1921 = arith.muli %scan3A_1919, %mul3A_1920 : i32
            %add3A_1922 = vector.broadcast %mul3A_1921 : i32 to vector<16xi32>
            %add3A_1923 = arith.addi %add3A_1922, %shift_right_logical3A_1902 : vector<16xi32>
            tpu.vector_store_idx %arg7[%add3A_1923, %and3A_1905], %broadcast_in_dim3A_1906 masked %lt3A_1890 : memref<256x128xf32, #tpu.memory_space<vmem>>[vector<16xi32>, vector<16xi32>], vector<16xf32>, vector<16xi1>
            %scan3A_1924 = arith.constant 2 : i32
            %scan3A_1925 = arith.addi %scan3A_1913, %scan3A_1924 : i32
            %mul3A_1926 = arith.constant 8 : i32
            %mul3A_1927 = arith.muli %scan3A_1925, %mul3A_1926 : i32
            %add3A_1928 = vector.broadcast %mul3A_1927 : i32 to vector<16xi32>
            %add3A_1929 = arith.addi %add3A_1928, %shift_right_logical3A_1902 : vector<16xi32>
            tpu.vector_store_idx %arg7[%add3A_1929, %and3A_1905], %broadcast_in_dim3A_1906 masked %lt3A_1890 : memref<256x128xf32, #tpu.memory_space<vmem>>[vector<16xi32>, vector<16xi32>], vector<16xf32>, vector<16xi1>
            %scan3A_1930 = arith.constant 3 : i32
            %scan3A_1931 = arith.addi %scan3A_1913, %scan3A_1930 : i32
            %mul3A_1932 = arith.constant 8 : i32
            %mul3A_1933 = arith.muli %scan3A_1931, %mul3A_1932 : i32
            %add3A_1934 = vector.broadcast %mul3A_1933 : i32 to vector<16xi32>
            %add3A_1935 = arith.addi %add3A_1934, %shift_right_logical3A_1902 : vector<16xi32>
            tpu.vector_store_idx %arg7[%add3A_1935, %and3A_1905], %broadcast_in_dim3A_1906 masked %lt3A_1890 : memref<256x128xf32, #tpu.memory_space<vmem>>[vector<16xi32>, vector<16xi32>], vector<16xf32>, vector<16xi1>
          }
          %scan3A_1912 = arith.constant 32 : i32
        }
        %while3A_1883 = arith.constant 1 : i32
        scf.for %while3A_1884 = %while3A_1881 to %while3A_1877 step %while3A_1883  : i32 {
          %mul3A_1885 = arith.constant 16 : i32
          %mul3A_1886 = arith.muli %while3A_1884, %mul3A_1885 : i32
          %add3A_1887 = arith.addi %mul3A_1843, %mul3A_1886 : i32
          %add3A_1888 = vector.broadcast %add3A_1887 : i32 to vector<16xi32>
          %add3A_1889 = arith.addi %add3A_1888, %iota3A : vector<16xi32>
          %lt3A = vector.broadcast %scan3A_42 : i32 to vector<16xi32>
          %lt3A_1890 = arith.cmpi slt, %add3A_1889, %lt3A : vector<16xi32>
          %mul3A_1891 = arith.constant 16 : i32
          %mul3A_1892 = arith.muli %while3A_1884, %mul3A_1891 : i32
          %add3A_1893 = arith.addi %mul3A_1843, %mul3A_1892 : i32
          %get3A = arith.index_cast %add3A_1893 : i32 to index
          %get3A_1894 = tpu.vector_load %arg9[%get3A] {strides = array<i32>} : memref<1024xi32, #tpu.memory_space<vmem>>, vector<16xi32>,
          %jit3A_1895 = arith.constant 0 : i32
          %jit3A_1896 = arith.constant 1023 : i32
          %max3A = vector.broadcast %jit3A_1895 : i32 to vector<16xi32>
          %max3A_1897 = arith.maxsi %max3A, %get3A_1894 : vector<16xi32>
          %min3A_1898 = vector.broadcast %jit3A_1896 : i32 to vector<16xi32>
          %min3A_1899 = arith.minsi %min3A_1898, %max3A_1897 : vector<16xi32>
          %shift_right_logical3A_1900 = arith.constant 7 : i32
          %shift_right_logical3A_1901 = vector.broadcast %shift_right_logical3A_1900 : i32 to vector<16xi32>
          %shift_right_logical3A_1902 = arith.shrui %min3A_1899, %shift_right_logical3A_1901 : vector<16xi32>
          %and3A_1903 = arith.constant 127 : i32
          %and3A_1904 = vector.broadcast %and3A_1903 : i32 to vector<16xi32>
          %and3A_1905 = arith.andi %min3A_1899, %and3A_1904 : vector<16xi32>
          %broadcast_in_dim3A = arith.constant 0.000000e+00 : f32
          %broadcast_in_dim3A_1906 = vector.broadcast %broadcast_in_dim3A : f32 to vector<16xf32>
          %scan3A_1907 = arith.constant 0 : i32
          %scan3A_1908 = arith.constant 0 : i32
          %scan3A_1909 = arith.constant 32 : i32
          %scan3A_1910 = arith.addi %scan3A_1908, %scan3A_1909 : i32
          %scan3A_1911 = arith.constant 4 : i32
          scf.for %scan3A_1913 = %scan3A_1908 to %scan3A_1910 step %scan3A_1911  : i32 {
            %mul3A_1914 = arith.constant 8 : i32
            %mul3A_1915 = arith.muli %scan3A_1913, %mul3A_1914 : i32
            %add3A_1916 = vector.broadcast %mul3A_1915 : i32 to vector<16xi32>
            %add3A_1917 = arith.addi %add3A_1916, %shift_right_logical3A_1902 : vector<16xi32>
            tpu.vector_store_idx %arg7[%add3A_1917, %and3A_1905], %broadcast_in_dim3A_1906 masked %lt3A_1890 : memref<256x128xf32, #tpu.memory_space<vmem>>[vector<16xi32>, vector<16xi32>], vector<16xf32>, vector<16xi1>
            %scan3A_1918 = arith.constant 1 : i32
            %scan3A_1919 = arith.addi %scan3A_1913, %scan3A_1918 : i32
            %mul3A_1920 = arith.constant 8 : i32
            %mul3A_1921 = arith.muli %scan3A_1919, %mul3A_1920 : i32
            %add3A_1922 = vector.broadcast %mul3A_1921 : i32 to vector<16xi32>
            %add3A_1923 = arith.addi %add3A_1922, %shift_right_logical3A_1902 : vector<16xi32>
            tpu.vector_store_idx %arg7[%add3A_1923, %and3A_1905], %broadcast_in_dim3A_1906 masked %lt3A_1890 : memref<256x128xf32, #tpu.memory_space<vmem>>[vector<16xi32>, vector<16xi32>], vector<16xf32>, vector<16xi1>
            %scan3A_1924 = arith.constant 2 : i32
            %scan3A_1925 = arith.addi %scan3A_1913, %scan3A_1924 : i32
            %mul3A_1926 = arith.constant 8 : i32
            %mul3A_1927 = arith.muli %scan3A_1925, %mul3A_1926 : i32
            %add3A_1928 = vector.broadcast %mul3A_1927 : i32 to vector<16xi32>
            %add3A_1929 = arith.addi %add3A_1928, %shift_right_logical3A_1902 : vector<16xi32>
            tpu.vector_store_idx %arg7[%add3A_1929, %and3A_1905], %broadcast_in_dim3A_1906 masked %lt3A_1890 : memref<256x128xf32, #tpu.memory_space<vmem>>[vector<16xi32>, vector<16xi32>], vector<16xf32>, vector<16xi1>
            %scan3A_1930 = arith.constant 3 : i32
            %scan3A_1931 = arith.addi %scan3A_1913, %scan3A_1930 : i32
            %mul3A_1932 = arith.constant 8 : i32
            %mul3A_1933 = arith.muli %scan3A_1931, %mul3A_1932 : i32
            %add3A_1934 = vector.broadcast %mul3A_1933 : i32 to vector<16xi32>
            %add3A_1935 = arith.addi %add3A_1934, %shift_right_logical3A_1902 : vector<16xi32>
            tpu.vector_store_idx %arg7[%add3A_1935, %and3A_1905], %broadcast_in_dim3A_1906 masked %lt3A_1890 : memref<256x128xf32, #tpu.memory_space<vmem>>[vector<16xi32>, vector<16xi32>], vector<16xf32>, vector<16xi1>
          }
          %scan3A_1912 = arith.constant 32 : i32
        }
      }
    }
    %scan3A_25 = arith.constant 16 : i32
    return
  }
}

module attributes {stable_mosaic.version = 14 : i64} {
  func.func @_idx_body(%arg0: memref<4x32000xi32, #tpu.memory_space<vmem>>, %arg1: memref<1x32000xi32, #tpu.memory_space<vmem>>) attributes {dimension_semantics = [], scalar_prefetch = 0 : i64, scratch_operands = 0 : i64, tpu.core_type = #tpu.core_type<tc>} {
    %get3A = arith.constant 0 : index
    %get3A_0 = arith.constant 0 : index
    %get3A_1 = vector.load %arg0[%get3A, %get3A_0] : memref<4x32000xi32, #tpu.memory_space<vmem>>, vector<4x32000xi32>
    %slice3A = vector.extract_strided_slice %get3A_1 {offsets = [0, 0], sizes = [1, 32000], strides = [1, 1]} : vector<4x32000xi32> to vector<1x32000xi32>
    %mul3A = arith.constant 262144 : i32
    %mul3A_2 = vector.broadcast %mul3A : i32 to vector<1x32000xi32>
    %mul3A_3 = arith.muli %slice3A, %mul3A_2 : vector<1x32000xi32>
    %slice3A_4 = vector.extract_strided_slice %get3A_1 {offsets = [1, 0], sizes = [1, 32000], strides = [1, 1]} : vector<4x32000xi32> to vector<1x32000xi32>
    %add3A = arith.addi %mul3A_3, %slice3A_4 : vector<1x32000xi32>
    %slice3A_5 = vector.extract_strided_slice %get3A_1 {offsets = [2, 0], sizes = [1, 32000], strides = [1, 1]} : vector<4x32000xi32> to vector<1x32000xi32>
    %mul3A_6 = arith.constant 512 : i32
    %mul3A_7 = vector.broadcast %mul3A_6 : i32 to vector<1x32000xi32>
    %mul3A_8 = arith.muli %slice3A_5, %mul3A_7 : vector<1x32000xi32>
    %add3A_9 = arith.addi %add3A, %mul3A_8 : vector<1x32000xi32>
    %slice3A_10 = vector.extract_strided_slice %get3A_1 {offsets = [3, 0], sizes = [1, 32000], strides = [1, 1]} : vector<4x32000xi32> to vector<1x32000xi32>
    %add3A_11 = arith.addi %add3A_9, %slice3A_10 : vector<1x32000xi32>
    %swap3A = arith.constant 0 : index
    %swap3A_12 = arith.constant 0 : index
    %swap3A_13 = vector.load %arg1[%swap3A, %swap3A_12] : memref<1x32000xi32, #tpu.memory_space<vmem>>, vector<1x32000xi32>
    tpu.vector_store %arg1[%swap3A, %swap3A_12], %add3A_11 {strides = array<i32>} : memref<1x32000xi32, #tpu.memory_space<vmem>>, vector<1x32000xi32>,
    return
  }
}

module attributes {stable_mosaic.version = 14 : i64} {
  func.func @_stats_body(%arg0: i32, %arg1: i32, %arg2: memref<1x520x514xf32, #tpu.memory_space<vmem>>, %arg3: memref<9x9xf32, #tpu.memory_space<vmem>>, %arg4: memref<9x1xf32, #tpu.memory_space<vmem>>) attributes {dimension_semantics = [#tpu.dimension_semantics<arbitrary>, #tpu.dimension_semantics<arbitrary>], iteration_bounds = array<i64: 2, 8>, scalar_prefetch = 0 : i64, scratch_operands = 0 : i64, tpu.core_type = #tpu.core_type<tc>, window_params = [{transform_indices = @transform_0, window_bounds = array<i64: 1, 520, 514>}, {pipeline_mode = #tpu.pipeline_mode<synchronous>, transform_indices = @transform_1, window_bounds = array<i64: 9, 9>}, {pipeline_mode = #tpu.pipeline_mode<synchronous>, transform_indices = @transform_2, window_bounds = array<i64: 9, 1>}]} {
    %mul3A = arith.constant 64 : i32
    %mul3A_0 = arith.muli %arg1, %mul3A : i32
    %get3A = arith.constant 0 : index
    %get3A_1 = arith.index_cast %mul3A_0 : i32 to index
    %get3A_2 = arith.constant 0 : index
    %get3A_3 = vector.load %arg2[%get3A, %get3A_1, %get3A_2] : memref<1x520x514xf32, #tpu.memory_space<vmem>>, vector<1x72x514xf32>
    %get3A_4 = vector.shape_cast %get3A_3 : vector<1x72x514xf32> to vector<72x514xf32>
    %slice3A = vector.extract_strided_slice %get3A_4 {offsets = [0, 0], sizes = [64, 512], strides = [1, 1]} : vector<72x514xf32> to vector<64x512xf32>
    %reshape3A = vector.shape_cast %slice3A : vector<64x512xf32> to vector<1x32768xf32>
    %slice3A_5 = vector.extract_strided_slice %get3A_4 {offsets = [0, 1], sizes = [64, 512], strides = [1, 1]} : vector<72x514xf32> to vector<64x512xf32>
    %reshape3A_6 = vector.shape_cast %slice3A_5 : vector<64x512xf32> to vector<1x32768xf32>
    %slice3A_7 = vector.extract_strided_slice %get3A_4 {offsets = [0, 2], sizes = [64, 512], strides = [1, 1]} : vector<72x514xf32> to vector<64x512xf32>
    %reshape3A_8 = vector.shape_cast %slice3A_7 : vector<64x512xf32> to vector<1x32768xf32>
    %slice3A_9 = vector.extract_strided_slice %get3A_4 {offsets = [1, 0], sizes = [64, 512], strides = [1, 1]} : vector<72x514xf32> to vector<64x512xf32>
    %reshape3A_10 = vector.shape_cast %slice3A_9 : vector<64x512xf32> to vector<1x32768xf32>
    %slice3A_11 = vector.extract_strided_slice %get3A_4 {offsets = [1, 1], sizes = [64, 512], strides = [1, 1]} : vector<72x514xf32> to vector<64x512xf32>
    %reshape3A_12 = vector.shape_cast %slice3A_11 : vector<64x512xf32> to vector<1x32768xf32>
    %slice3A_13 = vector.extract_strided_slice %get3A_4 {offsets = [1, 2], sizes = [64, 512], strides = [1, 1]} : vector<72x514xf32> to vector<64x512xf32>
    %reshape3A_14 = vector.shape_cast %slice3A_13 : vector<64x512xf32> to vector<1x32768xf32>
    %slice3A_15 = vector.extract_strided_slice %get3A_4 {offsets = [2, 0], sizes = [64, 512], strides = [1, 1]} : vector<72x514xf32> to vector<64x512xf32>
    %reshape3A_16 = vector.shape_cast %slice3A_15 : vector<64x512xf32> to vector<1x32768xf32>
    %slice3A_17 = vector.extract_strided_slice %get3A_4 {offsets = [2, 1], sizes = [64, 512], strides = [1, 1]} : vector<72x514xf32> to vector<64x512xf32>
    %reshape3A_18 = vector.shape_cast %slice3A_17 : vector<64x512xf32> to vector<1x32768xf32>
    %slice3A_19 = vector.extract_strided_slice %get3A_4 {offsets = [2, 2], sizes = [64, 512], strides = [1, 1]} : vector<72x514xf32> to vector<64x512xf32>
    %reshape3A_20 = vector.shape_cast %slice3A_19 : vector<64x512xf32> to vector<1x32768xf32>
    %concatenate3A = tpu.concatenate %reshape3A, %reshape3A_6, %reshape3A_8, %reshape3A_10, %reshape3A_12, %reshape3A_14, %reshape3A_16, %reshape3A_18, %reshape3A_20 in 0 : vector<1x32768xf32>, vector<1x32768xf32>, vector<1x32768xf32>, vector<1x32768xf32>, vector<1x32768xf32>, vector<1x32768xf32>, vector<1x32768xf32>, vector<1x32768xf32>, vector<1x32768xf32> -> vector<9x32768xf32>
    %dot_general3A = arith.constant dense<0.000000e+00> : vector<9x9xf32>
    %dot_general3A_21 = tpu.matmul %concatenate3A, %concatenate3A, %dot_general3A {dimension_numbers = #tpu.dot_dimension_numbers<[1], [1], [0], [0], [0, 0, 1, 0], [], []>, transpose_lhs_hint = false} : vector<9x32768xf32>, vector<9x32768xf32>, vector<9x9xf32> -> vector<9x9xf32>
    %reduce_sum3A = arith.constant dense<0.000000e+00> : vector<9xf32>
    %reduce_sum3A_22 = vector.multi_reduction <add>, %concatenate3A, %reduce_sum3A [1] : vector<9x32768xf32> to vector<9xf32>
    %broadcast_in_dim3A = vector.shape_cast %reduce_sum3A_22 : vector<9xf32> to vector<9x1xf32>
    %eq3A = arith.constant 0 : i32
    %eq3A_23 = arith.cmpi eq, %arg0, %eq3A : i32
    %eq3A_24 = arith.constant 0 : i32
    %eq3A_25 = arith.cmpi eq, %arg1, %eq3A_24 : i32
    %and3A = arith.andi %eq3A_23, %eq3A_25 : i1
    %convert_element_type3A = arith.extui %and3A : i1 to i32
    %cond3A = arith.constant 0 : i32
    %cond3A_26 = arith.cmpi ne, %convert_element_type3A, %cond3A : i32
    scf.if %cond3A_26 {
      %broadcast_in_dim3A_39 = arith.constant 0.000000e+00 : f32
      %broadcast_in_dim3A_40 = vector.broadcast %broadcast_in_dim3A_39 : f32 to vector<9x9xf32>
      %swap3A_41 = arith.constant 0 : index
      %swap3A_42 = arith.constant 0 : index
      %swap3A_43 = vector.load %arg3[%swap3A_41, %swap3A_42] : memref<9x9xf32, #tpu.memory_space<vmem>>, vector<9x9xf32>
      tpu.vector_store %arg3[%swap3A_41, %swap3A_42], %broadcast_in_dim3A_40 {strides = array<i32>} : memref<9x9xf32, #tpu.memory_space<vmem>>, vector<9x9xf32>,
      %broadcast_in_dim3A_44 = arith.constant 0.000000e+00 : f32
      %broadcast_in_dim3A_45 = vector.broadcast %broadcast_in_dim3A_44 : f32 to vector<9x1xf32>
      %swap3A_46 = arith.constant 0 : index
      %swap3A_47 = arith.constant 0 : index
      %swap3A_48 = vector.load %arg4[%swap3A_46, %swap3A_47] : memref<9x1xf32, #tpu.memory_space<vmem>>, vector<9x1xf32>
      tpu.vector_store %arg4[%swap3A_46, %swap3A_47], %broadcast_in_dim3A_45 {strides = array<i32>} : memref<9x1xf32, #tpu.memory_space<vmem>>, vector<9x1xf32>,
    } else {
    }
    %get3A_27 = arith.constant 0 : index
    %get3A_28 = arith.constant 0 : index
    %get3A_29 = vector.load %arg3[%get3A_27, %get3A_28] : memref<9x9xf32, #tpu.memory_space<vmem>>, vector<9x9xf32>
    %add3A = arith.addf %get3A_29, %dot_general3A_21 : vector<9x9xf32>
    %swap3A = arith.constant 0 : index
    %swap3A_30 = arith.constant 0 : index
    %swap3A_31 = vector.load %arg3[%swap3A, %swap3A_30] : memref<9x9xf32, #tpu.memory_space<vmem>>, vector<9x9xf32>
    tpu.vector_store %arg3[%swap3A, %swap3A_30], %add3A {strides = array<i32>} : memref<9x9xf32, #tpu.memory_space<vmem>>, vector<9x9xf32>,
    %get3A_32 = arith.constant 0 : index
    %get3A_33 = arith.constant 0 : index
    %get3A_34 = vector.load %arg4[%get3A_32, %get3A_33] : memref<9x1xf32, #tpu.memory_space<vmem>>, vector<9x1xf32>
    %add3A_35 = arith.addf %get3A_34, %broadcast_in_dim3A : vector<9x1xf32>
    %swap3A_36 = arith.constant 0 : index
    %swap3A_37 = arith.constant 0 : index
    %swap3A_38 = vector.load %arg4[%swap3A_36, %swap3A_37] : memref<9x1xf32, #tpu.memory_space<vmem>>, vector<9x1xf32>
    tpu.vector_store %arg4[%swap3A_36, %swap3A_37], %add3A_35 {strides = array<i32>} : memref<9x1xf32, #tpu.memory_space<vmem>>, vector<9x1xf32>,
    return
  }
  func.func @transform_0(%arg0: i32, %arg1: i32) -> (i32, i32, i32) {
    %c0_i32 = arith.constant 0 : i32
    %c0_i32_0 = arith.constant 0 : i32
    %c0_i32_1 = arith.constant 0 : i32
    return %arg0, %c0_i32, %c0_i32_0 : i32, i32, i32
  }
  func.func @transform_1(%arg0: i32, %arg1: i32) -> (i32, i32) {
    %c0_i32 = arith.constant 0 : i32
    %c0_i32_0 = arith.constant 0 : i32
    %c0_i32_1 = arith.constant 0 : i32
    return %c0_i32, %c0_i32_0 : i32, i32
  }
  func.func @transform_2(%arg0: i32, %arg1: i32) -> (i32, i32) {
    %c0_i32 = arith.constant 0 : i32
    %c0_i32_0 = arith.constant 0 : i32
    %c0_i32_1 = arith.constant 0 : i32
    return %c0_i32, %c0_i32_0 : i32, i32
  }
}

module attributes {stable_mosaic.version = 14 : i64} {
  func.func @_write_body(%arg0: i32, %arg1: i32, %arg2: memref<1x520x514xf32, #tpu.memory_space<vmem>>, %arg3: memref<64x9xf32, #tpu.memory_space<vmem>>, %arg4: memref<9x9xf32, #tpu.memory_space<vmem>>, %arg5: memref<9x1xf32, #tpu.memory_space<vmem>>, %arg6: memref<64xf32, #tpu.memory_space<vmem>>, %arg7: memref<64xf32, #tpu.memory_space<vmem>>, %arg8: memref<2x128x512x512xf32, #tpu.memory_space<any>>, %arg9: memref<1x64x16x512xf32, #tpu.memory_space<vmem>>) attributes {dimension_semantics = [#tpu.dimension_semantics<arbitrary>, #tpu.dimension_semantics<arbitrary>], iteration_bounds = array<i64: 2, 32>, scalar_prefetch = 0 : i64, scratch_operands = 0 : i64, tpu.core_type = #tpu.core_type<tc>, window_params = [{transform_indices = @transform_0, window_bounds = array<i64: 1, 520, 514>}, {pipeline_mode = #tpu.pipeline_mode<synchronous>, transform_indices = @transform_1, window_bounds = array<i64: 64, 9>}, {pipeline_mode = #tpu.pipeline_mode<synchronous>, transform_indices = @transform_2, window_bounds = array<i64: 9, 9>}, {pipeline_mode = #tpu.pipeline_mode<synchronous>, transform_indices = @transform_3, window_bounds = array<i64: 9, 1>}, {pipeline_mode = #tpu.pipeline_mode<synchronous>, transform_indices = @transform_4, window_bounds = array<i64: 64>}, {pipeline_mode = #tpu.pipeline_mode<synchronous>, transform_indices = @transform_5, window_bounds = array<i64: 64>}, {}, {transform_indices = @transform_7, window_bounds = array<i64: 1, 64, 16, 512>}]} {
    %mul3A = arith.constant 16 : i32
    %mul3A_0 = arith.muli %arg1, %mul3A : i32
    %get3A = arith.constant 0 : index
    %get3A_1 = arith.constant 0 : index
    %get3A_2 = vector.load %arg3[%get3A, %get3A_1] : memref<64x9xf32, #tpu.memory_space<vmem>>, vector<64x9xf32>
    %get3A_3 = arith.constant 0 : index
    %get3A_4 = arith.constant 0 : index
    %get3A_5 = vector.load %arg5[%get3A_3, %get3A_4] : memref<9x1xf32, #tpu.memory_space<vmem>>, vector<9x1xf32>
    %dot_general3A = arith.constant dense<0.000000e+00> : vector<64x1xf32>
    %dot_general3A_6 = tpu.matmul %get3A_2, %get3A_5, %dot_general3A {dimension_numbers = #tpu.dot_dimension_numbers<[1], [0], [0], [1], [0, 0, 1, 1], [], []>, transpose_lhs_hint = false} : vector<64x9xf32>, vector<9x1xf32>, vector<64x1xf32> -> vector<64x1xf32>
    %div3A = arith.constant 5.242880e+05 : f32
    %div3A_7 = vector.broadcast %div3A : f32 to vector<64x1xf32>
    %div3A_8 = arith.divf %dot_general3A_6, %div3A_7 : vector<64x1xf32>
    %get3A_9 = arith.constant 0 : index
    %get3A_10 = arith.constant 0 : index
    %get3A_11 = vector.load %arg4[%get3A_9, %get3A_10] : memref<9x9xf32, #tpu.memory_space<vmem>>, vector<9x9xf32>
    %dot_general3A_12 = arith.constant dense<0.000000e+00> : vector<64x9xf32>
    %dot_general3A_13 = tpu.matmul %get3A_2, %get3A_11, %dot_general3A_12 {dimension_numbers = #tpu.dot_dimension_numbers<[1], [0], [0], [1], [0, 0, 1, 1], [], []>, transpose_lhs_hint = false} : vector<64x9xf32>, vector<9x9xf32>, vector<64x9xf32> -> vector<64x9xf32>
    %mul3A_14 = arith.mulf %dot_general3A_13, %get3A_2 : vector<64x9xf32>
    %reduce_sum3A = arith.constant dense<0.000000e+00> : vector<64xf32>
    %reduce_sum3A_15 = vector.multi_reduction <add>, %mul3A_14, %reduce_sum3A [1] : vector<64x9xf32> to vector<64xf32>
    %broadcast_in_dim3A = vector.shape_cast %reduce_sum3A_15 : vector<64xf32> to vector<64x1xf32>
    %div3A_16 = arith.constant 5.242880e+05 : f32
    %div3A_17 = vector.broadcast %div3A_16 : f32 to vector<64x1xf32>
    %div3A_18 = arith.divf %broadcast_in_dim3A, %div3A_17 : vector<64x1xf32>
    %mul3A_19 = arith.mulf %div3A_8, %div3A_8 : vector<64x1xf32>
    %sub3A = arith.subf %div3A_18, %mul3A_19 : vector<64x1xf32>
    %add3A = arith.constant 1.000000e-03 : f32
    %add3A_20 = vector.broadcast %add3A : f32 to vector<64x1xf32>
    %add3A_21 = arith.addf %sub3A, %add3A_20 : vector<64x1xf32>
    %rsqrt3A = math.rsqrt %add3A_21 : vector<64x1xf32>
    %get3A_22 = arith.constant 0 : index
    %get3A_23 = vector.load %arg6[%get3A_22] : memref<64xf32, #tpu.memory_space<vmem>>, vector<64xf32>
    %broadcast_in_dim3A_24 = vector.shape_cast %get3A_23 : vector<64xf32> to vector<64x1xf32>
    %mul3A_25 = arith.mulf %broadcast_in_dim3A_24, %rsqrt3A : vector<64x1xf32>
    %get3A_26 = arith.constant 0 : index
    %get3A_27 = vector.load %arg7[%get3A_26] : memref<64xf32, #tpu.memory_space<vmem>>, vector<64xf32>
    %broadcast_in_dim3A_28 = vector.shape_cast %get3A_27 : vector<64xf32> to vector<64x1xf32>
    %mul3A_29 = arith.mulf %div3A_8, %mul3A_25 : vector<64x1xf32>
    %sub3A_30 = arith.subf %broadcast_in_dim3A_28, %mul3A_29 : vector<64x1xf32>
    %get3A_31 = arith.constant 0 : index
    %get3A_32 = arith.index_cast %mul3A_0 : i32 to index
    %get3A_33 = arith.constant 0 : index
    %get3A_34 = vector.load %arg2[%get3A_31, %get3A_32, %get3A_33] : memref<1x520x514xf32, #tpu.memory_space<vmem>>, vector<1x24x514xf32>
    %get3A_35 = vector.shape_cast %get3A_34 : vector<1x24x514xf32> to vector<24x514xf32>
    %slice3A = vector.extract_strided_slice %get3A_35 {offsets = [0, 0], sizes = [16, 512], strides = [1, 1]} : vector<24x514xf32> to vector<16x512xf32>
    %reshape3A = vector.shape_cast %slice3A : vector<16x512xf32> to vector<1x8192xf32>
    %slice3A_36 = vector.extract_strided_slice %get3A_35 {offsets = [0, 1], sizes = [16, 512], strides = [1, 1]} : vector<24x514xf32> to vector<16x512xf32>
    %reshape3A_37 = vector.shape_cast %slice3A_36 : vector<16x512xf32> to vector<1x8192xf32>
    %slice3A_38 = vector.extract_strided_slice %get3A_35 {offsets = [0, 2], sizes = [16, 512], strides = [1, 1]} : vector<24x514xf32> to vector<16x512xf32>
    %reshape3A_39 = vector.shape_cast %slice3A_38 : vector<16x512xf32> to vector<1x8192xf32>
    %slice3A_40 = vector.extract_strided_slice %get3A_35 {offsets = [1, 0], sizes = [16, 512], strides = [1, 1]} : vector<24x514xf32> to vector<16x512xf32>
    %reshape3A_41 = vector.shape_cast %slice3A_40 : vector<16x512xf32> to vector<1x8192xf32>
    %slice3A_42 = vector.extract_strided_slice %get3A_35 {offsets = [1, 1], sizes = [16, 512], strides = [1, 1]} : vector<24x514xf32> to vector<16x512xf32>
    %reshape3A_43 = vector.shape_cast %slice3A_42 : vector<16x512xf32> to vector<1x8192xf32>
    %slice3A_44 = vector.extract_strided_slice %get3A_35 {offsets = [1, 2], sizes = [16, 512], strides = [1, 1]} : vector<24x514xf32> to vector<16x512xf32>
    %reshape3A_45 = vector.shape_cast %slice3A_44 : vector<16x512xf32> to vector<1x8192xf32>
    %slice3A_46 = vector.extract_strided_slice %get3A_35 {offsets = [2, 0], sizes = [16, 512], strides = [1, 1]} : vector<24x514xf32> to vector<16x512xf32>
    %reshape3A_47 = vector.shape_cast %slice3A_46 : vector<16x512xf32> to vector<1x8192xf32>
    %slice3A_48 = vector.extract_strided_slice %get3A_35 {offsets = [2, 1], sizes = [16, 512], strides = [1, 1]} : vector<24x514xf32> to vector<16x512xf32>
    %reshape3A_49 = vector.shape_cast %slice3A_48 : vector<16x512xf32> to vector<1x8192xf32>
    %slice3A_50 = vector.extract_strided_slice %get3A_35 {offsets = [2, 2], sizes = [16, 512], strides = [1, 1]} : vector<24x514xf32> to vector<16x512xf32>
    %reshape3A_51 = vector.shape_cast %slice3A_50 : vector<16x512xf32> to vector<1x8192xf32>
    %concatenate3A = tpu.concatenate %reshape3A, %reshape3A_37, %reshape3A_39, %reshape3A_41, %reshape3A_43, %reshape3A_45, %reshape3A_47, %reshape3A_49, %reshape3A_51 in 0 : vector<1x8192xf32>, vector<1x8192xf32>, vector<1x8192xf32>, vector<1x8192xf32>, vector<1x8192xf32>, vector<1x8192xf32>, vector<1x8192xf32>, vector<1x8192xf32>, vector<1x8192xf32> -> vector<9x8192xf32>
    %dot_general3A_52 = arith.constant dense<0.000000e+00> : vector<64x8192xf32>
    %dot_general3A_53 = tpu.matmul %get3A_2, %concatenate3A, %dot_general3A_52 {dimension_numbers = #tpu.dot_dimension_numbers<[1], [0], [0], [1], [0, 0, 1, 1], [], []>, transpose_lhs_hint = false} : vector<64x9xf32>, vector<9x8192xf32>, vector<64x8192xf32> -> vector<64x8192xf32>
    %mul3A_54 = vector.broadcast %mul3A_25 : vector<64x1xf32> to vector<64x8192xf32>
    %mul3A_55 = arith.mulf %dot_general3A_53, %mul3A_54 : vector<64x8192xf32>
    %add3A_56 = vector.broadcast %sub3A_30 : vector<64x1xf32> to vector<64x8192xf32>
    %add3A_57 = arith.addf %mul3A_55, %add3A_56 : vector<64x8192xf32>
    %max3A = arith.constant 0.000000e+00 : f32
    %max3A_58 = vector.broadcast %max3A : f32 to vector<64x8192xf32>
    %max3A_59 = arith.maximumf %add3A_57, %max3A_58 : vector<64x8192xf32>
    %reshape3A_60 = vector.shape_cast %max3A_59 : vector<64x8192xf32> to vector<64x16x512xf32>
    %swap3A = arith.constant 0 : index
    %swap3A_61 = arith.constant 0 : index
    %swap3A_62 = arith.constant 0 : index
    %swap3A_63 = arith.constant 0 : index
    %swap3A_64 = vector.load %arg9[%swap3A, %swap3A_61, %swap3A_62, %swap3A_63] : memref<1x64x16x512xf32, #tpu.memory_space<vmem>>, vector<1x64x16x512xf32>
    %swap3A_65 = vector.shape_cast %swap3A_64 : vector<1x64x16x512xf32> to vector<64x16x512xf32>
    %swap3A_66 = vector.shape_cast %reshape3A_60 : vector<64x16x512xf32> to vector<1x64x16x512xf32>
    tpu.vector_store %arg9[%swap3A, %swap3A_61, %swap3A_62, %swap3A_63], %swap3A_66 {strides = array<i32>} : memref<1x64x16x512xf32, #tpu.memory_space<vmem>>, vector<1x64x16x512xf32>,
    return
  }
  func.func @transform_0(%arg0: i32, %arg1: i32) -> (i32, i32, i32) {
    %c0_i32 = arith.constant 0 : i32
    %c0_i32_0 = arith.constant 0 : i32
    %c0_i32_1 = arith.constant 0 : i32
    return %arg0, %c0_i32, %c0_i32_0 : i32, i32, i32
  }
  func.func @transform_1(%arg0: i32, %arg1: i32) -> (i32, i32) {
    %c0_i32 = arith.constant 0 : i32
    %c0_i32_0 = arith.constant 0 : i32
    %c0_i32_1 = arith.constant 0 : i32
    return %c0_i32, %c0_i32_0 : i32, i32
  }
  func.func @transform_2(%arg0: i32, %arg1: i32) -> (i32, i32) {
    %c0_i32 = arith.constant 0 : i32
    %c0_i32_0 = arith.constant 0 : i32
    %c0_i32_1 = arith.constant 0 : i32
    return %c0_i32, %c0_i32_0 : i32, i32
  }
  func.func @transform_3(%arg0: i32, %arg1: i32) -> (i32, i32) {
    %c0_i32 = arith.constant 0 : i32
    %c0_i32_0 = arith.constant 0 : i32
    %c0_i32_1 = arith.constant 0 : i32
    return %c0_i32, %c0_i32_0 : i32, i32
  }
  func.func @transform_4(%arg0: i32, %arg1: i32) -> i32 {
    %c0_i32 = arith.constant 0 : i32
    %c0_i32_0 = arith.constant 0 : i32
    return %c0_i32 : i32
  }
  func.func @transform_5(%arg0: i32, %arg1: i32) -> i32 {
    %c0_i32 = arith.constant 0 : i32
    %c0_i32_0 = arith.constant 0 : i32
    return %c0_i32 : i32
  }
  func.func @transform_7(%arg0: i32, %arg1: i32) -> (i32, i32, i32, i32) {
    %c1_i32 = arith.constant 1 : i32
    %c0_i32 = arith.constant 0 : i32
    %c0_i32_0 = arith.constant 0 : i32
    return %arg0, %c1_i32, %arg1, %c0_i32 : i32, i32, i32, i32
  }
}

</mosaic_0001>

<sc_bundles>
// kernel: kernel.6.cloned.1.call-start
scs
__scs_entry_jumppad:
0x0: {  	(pc) =	sbr.rel $0x88, $3  }
0x1: {  	(tag) =	ssettag $0x0;
	lr =	simm.s32 $0x1  }
0x2: {  	[smem:$0x3F9B] =	sst lr;
	_ =	strace $0xD0000000  }
0x3: {  	_ = 	snop  }
0x4: {  	_ = 	snop  }
0x5: {  	_ = 	snop  }
0x6: {  	_ = 	snop  }
0x7: {  	_ = 	snop  }
__scs_overlays_trampoline_lowered:
0x8: {  	[smem:$0x3FAA] =	sst s0  }
0x9: {  	[smem:$0x3FAB] =	sst s1  }
0xa: {  	[smem:$0x3FAC] =	sst s2  }
0xb: {  	[smem:$0x3FAD] =	sst s3  }
0xc: {  	[smem:$0x3FAE] =	sst s4  }
0xd: {  	[smem:$0x3FAF] =	sst s5  }
0xe: {  	[smem:$0x3FB0] =	sst s6  }
0xf: {  	[smem:$0x3FB1] =	sst s7  }
0x10: {  	[smem:$0x3FB2] =	sst s8  }
0x11: {  	[smem:$0x3FB3] =	sst s9;
	s0 =	simm.s32 @!p0 $0x0  }
0x12: {  	s1 =	sld [smem:$0x3F99];
	s0 =	simm.s32 @p0 $0x1  }
0x13: {  	[smem:$0x3FB4] =	sst s0;
	s0 =	simm.s32 @!p1 $0x0  }
0x14: {  	s2 =	sld [smem:$0x3F98];
	s0 =	simm.s32 @p1 $0x1  }
0x15: {  	[smem:$0x3FB5] =	sst s0;
	s0 =	simm.s32 @!p2 $0x0  }
0x16: {  	s3 =	sld [smem:$0x3FDB];
	s0 =	simm.s32 @p2 $0x1  }
0x17: {  	s4 =	simm.s32 $0x1BF5;
	[smem:$0x3FB7] =	sst s0  }
0x18: {  	s0 =	sld [smem:$0x3F9A];
	_ =	swait.ge [sflag:s4], $0x0  }
0x19: {  	s7 =	sld [smem:$0x3F9B]  }
0x1a: {  	s8 =	sadd.s32 $0xFFFFE003, lr  }
0x1b: {  	s9 =	sadd.s32 $0xFFFFFEF7, lr;
	s5 =	simm.s32 $0xFFFFFFFF;
	p2 =	slt.u32 s8, $0xFFFFF086  }
0x1c: {  	p1 =	slt.u32 s9, $0xF7A;
	s5 =	simm.s32 @!p2 $0x0  }
0x1d: {  	s5 =	simm.s32 @p1 $0x1;
	p0 =	seq.s32 s7, s2  }
0x1e: {  	s7 =	smul.u32 @!p0 $0xF7A, s2;
	p2 =	seq.s32 @!p0 s5, $0x0  }
0x1f: {  	s9 =	smul.u32 $0xF7A, s1;
	s8 =	simm.s32 @!p0 $0x1BF5;
	p2 =	por !p2, p0  }
0x20: {  	[sflag:s8] =	ssyncset.s32 @!p0 $0xFFFFF086;
	s6 =	sadd.s32 @!p0 s3, s7;
	s7 =	simm.s32 @!p0 $0x108  }
0x21: {  	s3 =	sadd.s32 s3, s9;
	s6 =	sadd.s32 @!p0 $0x88, s6;
	s7 =	simm.s32 @p2 $0x1082  }
0x22: {  	[simem:s7], [sflag:s8] =	dma.local @!p0 [hbm:s6], $0xF7A  }
0x23: {  	s9 =	sor.u32 $0xD0000000, s2;
	s6 =	simm.s32 $0x108;
	_ =	swait.ge @!p0 [sflag:s8], $0x0  }
0x24: {  	s3 =	sadd.s32 $0x88, s3;
	s6 =	simm.s32 @!p1 $0x1082;
	[sflag:s4] =	ssyncset.s32 $0xFFFFF086  }
0x25: {  	[simem:s6], [sflag:s4] =	dma.local [hbm:s3], $0xF7A  }
0x26: {  	[smem:$0x3F9B] =	sst s1;
	(tag) =	ssettag s2;
	_ =	strace s9  }
0x27: {  	s1 =	sld [smem:$0x3FAB]  }
0x28: {  	s2 =	sld [smem:$0x3FAC]  }
0x29: {  	s4 =	sld [smem:$0x3FAE]  }
0x2a: {  	p0 =	seq.s32 s5, $0x0;
	s5 =	sld [smem:$0x3FAF]  }
0x2b: {  	s6 =	sld [smem:$0x3FB0]  }
0x2c: {  	s7 =	sld [smem:$0x3FB1]  }
0x2d: {  	s3 =	simm.s32 $0x108;
	s8 =	sld [smem:$0x3FB2]  }
0x2e: {  	s3 =	simm.s32 @!p0 $0x1082;
	s9 =	sld [smem:$0x3FB3]  }
0x2f: {  	lr =	sadd.s32 s0, s3;
	s0 =	sld [smem:$0x3FAA]  }
0x30: {  	s3 =	sld [smem:$0x3FAD]  }
0x31: {  	[smem:$0x3FB6] =	sst s10  }
0x32: {  	s10 =	sld [smem:$0x3FB4];
	_ =	sdelay $0x3  }
0x33: {  	p0 =	seq.s32 s10, $0x1;
	s10 =	sld [smem:$0x3FB6];
	_ =	sdelay $0x3  }
0x34: {  	[smem:$0x3FB6] =	sst s10  }
0x35: {  	s10 =	sld [smem:$0x3FB5];
	_ =	sdelay $0x3  }
0x36: {  	p1 =	seq.s32 s10, $0x1;
	s10 =	sld [smem:$0x3FB6];
	_ =	sdelay $0x3  }
0x37: {  	[smem:$0x3FB6] =	sst s10  }
0x38: {  	s10 =	sld [smem:$0x3FB7]  }
0x39: {  	_ = 	snop;
	(pc) =	sbr.ind lr, $3  }
0x3a: {  	_ = 	snop  }
0x3b: {  	_ = 	snop  }
0x3c: {  	p2 =	seq.s32 s10, $0x1;
	s10 =	sld [smem:$0x3FB6]  }
0x3d: {  	_ =	shalt  }
0x3e: {  	_ =	shalt  }
0x3f: {  	_ =	shalt  }
0x40: {  	_ =	shalt  }
0x41: {  	_ =	shalt  }
0x42: {  	_ =	shalt  }
0x43: {  	_ =	shalt  }
0x44: {  	_ =	shalt  }
0x45: {  	_ =	shalt  }
0x46: {  	_ =	shalt  }
0x47: {  	_ =	shalt  }
0x48: {  	_ =	shalt  }
0x49: {  	_ =	shalt  }
0x4a: {  	_ =	shalt  }
0x4b: {  	_ =	shalt  }
0x4c: {  	_ =	shalt  }
0x4d: {  	_ =	shalt  }
0x4e: {  	_ =	shalt  }
0x4f: {  	_ =	shalt  }
0x50: {  	_ =	shalt  }
0x51: {  	_ =	shalt  }
0x52: {  	_ =	shalt  }
0x53: {  	_ =	shalt  }
0x54: {  	_ =	shalt  }
0x55: {  	_ =	shalt  }
0x56: {  	_ =	shalt  }
0x57: {  	_ =	shalt  }
0x58: {  	_ =	shalt  }
0x59: {  	_ =	shalt  }
0x5a: {  	_ =	shalt  }
0x5b: {  	_ =	shalt  }
0x5c: {  	_ =	shalt  }
0x5d: {  	_ =	shalt  }
0x5e: {  	_ =	shalt  }
0x5f: {  	_ =	shalt  }
0x60: {  	_ =	shalt  }
0x61: {  	_ =	shalt  }
0x62: {  	_ =	shalt  }
0x63: {  	_ =	shalt  }
0x64: {  	_ =	shalt  }
0x65: {  	_ =	shalt  }
0x66: {  	_ =	shalt  }
0x67: {  	_ =	shalt  }
0x68: {  	_ =	shalt  }
0x69: {  	_ =	shalt  }
0x6a: {  	_ =	shalt  }
0x6b: {  	_ =	shalt  }
0x6c: {  	_ =	shalt  }
0x6d: {  	_ =	shalt  }
0x6e: {  	_ =	shalt  }
0x6f: {  	_ =	shalt  }
0x70: {  	_ =	shalt  }
0x71: {  	_ =	shalt  }
0x72: {  	_ =	shalt  }
0x73: {  	_ =	shalt  }
0x74: {  	_ =	shalt  }
0x75: {  	_ =	shalt  }
0x76: {  	_ =	shalt  }
0x77: {  	_ =	shalt  }
0x78: {  	_ =	shalt  }
0x79: {  	_ =	shalt  }
0x7a: {  	_ =	shalt  }
0x7b: {  	_ =	shalt  }
0x7c: {  	_ =	shalt  }
0x7d: {  	_ =	shalt  }
0x7e: {  	_ =	shalt  }
0x7f: {  	_ =	shalt  }
0x80: {  	_ =	shalt  }
0x81: {  	_ =	shalt  }
0x82: {  	_ =	shalt  }
0x83: {  	_ =	shalt  }
0x84: {  	_ =	shalt  }
0x85: {  	_ =	shalt  }
0x86: {  	_ =	shalt  }
0x87: {  	_ =	shalt  }
.Lfunc_end0:
.L_simem_size_0:
called_computation_lowered:
.L_overlay_start_0:
0x88: {  	s2 =	sld [smem:$0x3FD9]  }
0x89: {  	s3 =	sld [smem:$0x3FFE];
	_ =	sdelay $0x1  }
0x8a: {  	s1 =	srdreg.scid  }
0x8b: {  	s0 =	sand.u32 $0x1, s1  }
0x8c: {  	s17 =	sshll.u32 s0, $0xA;
	s2 =	sadd.s32 s3, s2  }
0x8d: {  	s2 =	sadd.s32 s2, s17  }
0x8e: {  	[smem:$0x3FC2] =	sst s2  }
0x8f: {  	_ = 	snop  }
0x90: {  	s2 =	sld [smem:$0x3FD0];
	(tm) =	ssettm $0x1  }
0x91: {  	s18 =	sld [smem:$0x3FFB];
	_ =	sdelay $0x3  }
0x92: {  	_ =	strace s18  }
0x93: {  	s3 =	sld [smem:$0x3FFC];
	_ =	sdelay $0x3  }
0x94: {  	_ =	strace s3  }
0x95: {  	s3 =	sld [smem:$0x3FFD];
	_ =	sdelay $0x3  }
0x96: {  	_ =	strace s3  }
0x97: {  	_ =	strace $0x8FFFFFFF  }
0x98: {  	s19 =	sld [smem:$0x3FDB];
	_ =	sdelay $0x1  }
0x99: {  	s4 =	simm.s32 $_scs_section_size  }
0x9a: {  	s5 =	simm.s32 $_size__tile_overlayer_lowered;
	s6 =	simm.s32 $_tile_overlayer_lowered  }
0x9b: {  	s22 =	simm.s32 $0x1BFF;
	s21 =	sshll.u32 s6, $0x1;
	s3 =	sadd.s32 s4, s19  }
0x9c: {  	s7 =	simm.s32 $0x0;
	s20 =	sshll.u32 s5, $0x1;
	s5 =	sadd.s32 s21, s3  }
0x9d: {  	[timem:s7], [sflag:s22] =	dma.local [hbm:s5], s20  }
0x9e: {  	_ =	swait.ge [sflag:s22], s20  }
0x9f: {  	s4 =	ssub.s32 $0x0, s20;
	[sflag:s22] =	ssyncset.done $0x0  }
0xa0: {  	[sflag:s22] =	ssyncadd.s32 s4;
	_ =	sdelay $0x1  }
0xa1: {  	s23 =	simm.s32 $0x1B8B  }
0xa2: {  	_ =	swait.ge [sflag:s23], $0x1  }
0xa3: {  	[sflag:s23] =	ssyncset.done $0x0  }
0xa4: {  	s25 =	simm.s32 $0x1B8E;
	s24 =	sld [smem:$0x3FFE];
	[sflag:s23] =	ssyncadd.s32 $0xFFFFFFFF  }
0xa5: {  	s26 =	simm.s32 $execute0_lowered;
	[smem:$0x3FD2] =	sst s25  }
0xa6: {  	s5 =	sshll.u32 s26, $0x1;
	_ =	strace $0x80000046;
	[dreg:$0x1] =	wrdreg $0xFFFFFFFF  }
0xa7: {  	s28 =	simm.s32 $_size_execute0_lowered;
	s3 =	sadd.s32 s3, s5;
	[dreg:$0x0] =	wrdreg $0x0  }
0xa8: {  	s5 =	sshll.u32 s28, $0x1;
	[dreg:$0x2] =	wrdreg s3  }
0xa9: {  	[dreg:$0x3] =	wrdreg s5  }
0xaa: {  	[dreg:$0x4] =	wrdreg $0xC0  }
0xab: {  	_ =	task [dreg:s7], $0x5FFFF  }
0xac: {  	[dreg:$0x1] =	wrdreg $0xFFFFFFFF  }
0xad: {  	[dreg:$0x0] =	wrdreg $0x60  }
0xae: {  	[dreg:$0x2] =	wrdreg s24  }
0xaf: {  	[dreg:$0x3] =	wrdreg s2  }
0xb0: {  	[dreg:$0x4] =	wrdreg $0x9  }
0xb1: {  	_ =	task.clear_ibuf [dreg:s7], $0x5FFFF;
	_ =	strace $0x90000046  }
0xb2: {  	s29 =	simm.s32 $0x9;
	_ =	strace $0x80000048  }
0xb3: {  	_ =	swait.ge [sflag:s29], $0x1  }
0xb4: {  	[sflag:s29] =	ssyncadd.s32 $0xFFFFFFFF  }
0xb5: {  	_ =	strace $0x90000048  }
0xb6: {  	_ =	sfence  }
0xb7: {  	s30 =	sld [smem:$0x0];
	_ =	sdelay $0x2  }
0xb8: {  	s31 =	sshll.u32 s1, $0xD;
	s1 =	sshrl.u32 s1, $0x2  }
0xb9: {  	s3 =	sand.u32 $0x4000, s31;
	s1 =	sadd.s32 s1, s30  }
0xba: {  	s0 =	sor.u32 s3, s0;
	s1 =	sshll.u32 s1, $0x11  }
0xbb: {  	s0 =	sor.u32 s1, s0  }
0xbc: {  	s0 =	sadd.s32 $0x8F2B, s0  }
0xbd: {  	[sflag:s0] =	ssyncadd.remote.s32 $0x1  }
0xbe: {  	_ =	sfence.sel $0xFFFF  }
0xbf: {  	[dreg:$0x0] =	wrdreg $0xFFFFFFFF;
	(pc) =	sbr.abs _section_cstart, $3  }
0xc0: {  	[dreg:$0x1] =	wrdreg $0xFFFFFFFF  }
0xc1: {  	_ =	task.clear_ibuf [dreg:s7], $0x2FFFF;
	_ =	strace $0x9FFFFFFF  }
0xc2: {  	(tm) =	ssettm $0x7FFFFFFF  }
0xc3: {  	_ =	shalt  }
tec
execute0_lowered:
.L_overlay_start_1:
0x0: {  	(tag) =	ssettag $0x1  }
0x1: {  	s1 =	rddreg [dreg:$0x0]  }
0x2: {  	s2 =	rddreg [dreg:$0x1];
	s3 =	simm.s32 $0x0  }
0x3: {  	[smem:$0x7FF] =	sst s3;
	s26 =	sadd.s32 $0x12400, s1  }
0x4: {  	s31 =	sadd.s32 $0x1A400, s1;
	_ =	strace $0x80000047;
	[dreg:$0x5] =	wrdreg s26  }
0x5: {  	s7 =	sadd.s32 $0x2A400, s1;
	[dreg:$0x6] =	wrdreg s31  }
0x6: {  	s8 =	sadd.s32 $0x32400, s1;
	[dreg:$0x8] =	wrdreg s7  }
0x7: {  	s10 =	sadd.s32 $0x3A400, s1;
	[dreg:$0x9] =	wrdreg s8  }
0x8: {  	s11 =	sadd.s32 $0x42400, s1;
	[dreg:$0xa] =	wrdreg s10  }
0x9: {  	s12 =	sadd.s32 $0x4A400, s1;
	[dreg:$0xb] =	wrdreg s11  }
0xa: {  	s13 =	sadd.s32 $0x52400, s1;
	[dreg:$0xc] =	wrdreg s12  }
0xb: {  	s14 =	sadd.s32 $0x5A400, s1;
	[dreg:$0xd] =	wrdreg s13  }
0xc: {  	s15 =	sadd.s32 $0x62400, s1;
	[dreg:$0xe] =	wrdreg s14  }
0xd: {  	s16 =	sadd.s32 $0x6A400, s1;
	[dreg:$0xf] =	wrdreg s15  }
0xe: {  	s17 =	sadd.s32 $0x72400, s1;
	[dreg:$0x10] =	wrdreg s16  }
0xf: {  	s18 =	sadd.s32 $0x7A400, s1;
	[dreg:$0x11] =	wrdreg s17  }
0x10: {  	s19 =	sadd.s32 $0x82400, s1;
	[dreg:$0x12] =	wrdreg s18  }
0x11: {  	s20 =	sadd.s32 $0x8A400, s1;
	[dreg:$0x13] =	wrdreg s19  }
0x12: {  	s21 =	sadd.s32 $0x92400, s1;
	[dreg:$0x14] =	wrdreg s20  }
0x13: {  	s0 =	srdreg.scid;
	s22 =	sadd.s32 $0x9A400, s1;
	[dreg:$0x15] =	wrdreg s21  }
0x14: {  	s5 =	stileid.u32;
	s23 =	sadd.s32 $0xA2400, s1;
	[dreg:$0x16] =	wrdreg s22  }
0x15: {  	s4 =	sand.u32 $0x1, s0;
	s24 =	sadd.s32 $0xAA400, s1;
	[dreg:$0x17] =	wrdreg s23  }
0x16: {  	s25 =	sshll.u32 s5, $0x1;
	s9 =	sadd.s32 $0x1400, s1;
	[dreg:$0x18] =	wrdreg s24  }
0x17: {  	s0 =	sor.u32 s4, s25;
	s25 =	sadd.s32 $0xB2400, s1;
	[dreg:$0x3] =	wrdreg s9  }
0x18: {  	s26 =	sadd.s32 $0xBA400, s1;
	[dreg:$0x19] =	wrdreg s25  }
0x19: {  	s31 =	sadd.s32 $0xC2400, s1;
	[dreg:$0x1a] =	wrdreg s26  }
0x1a: {  	s7 =	sadd.s32 $0xD2400, s1;
	[dreg:$0x1b] =	wrdreg s31  }
0x1b: {  	s8 =	sadd.s32 $0xDA400, s1;
	[dreg:$0x1d] =	wrdreg s7  }
0x1c: {  	s10 =	sadd.s32 $0xE2400, s1;
	[dreg:$0x1e] =	wrdreg s8  }
0x1d: {  	s11 =	sadd.s32 $0xEA400, s1;
	[dreg:$0x1f] =	wrdreg s10  }
0x1e: {  	s12 =	sadd.s32 $0xF2400, s1;
	[smem:$0x7D8] =	sst s11  }
0x1f: {  	s13 =	sadd.s32 $0xFA400, s1;
	[smem:$0x7D9] =	sst s12  }
0x20: {  	s14 =	sadd.s32 $0x102400, s1;
	[smem:$0x7DA] =	sst s13  }
0x21: {  	s15 =	sadd.s32 $0x10A400, s1;
	[smem:$0x7DB] =	sst s14  }
0x22: {  	s16 =	sadd.s32 $0x112400, s1;
	[smem:$0x7DC] =	sst s15  }
0x23: {  	s17 =	sadd.s32 $0x11A400, s1;
	[smem:$0x7DD] =	sst s16  }
0x24: {  	s18 =	sadd.s32 $0x122400, s1;
	[smem:$0x7DE] =	sst s17  }
0x25: {  	s19 =	sadd.s32 $0x12A400, s1;
	[smem:$0x7DF] =	sst s18  }
0x26: {  	s20 =	sadd.s32 $0x132400, s1;
	[smem:$0x7E0] =	sst s19  }
0x27: {  	s21 =	sadd.s32 $0x13A400, s1;
	[smem:$0x7E1] =	sst s20  }
0x28: {  	s22 =	sadd.s32 $0x142400, s1;
	[smem:$0x7E2] =	sst s21  }
0x29: {  	s23 =	sadd.s32 $0x14A400, s1;
	[smem:$0x7E3] =	sst s22  }
0x2a: {  	s24 =	sadd.s32 $0x152400, s1;
	[smem:$0x7E4] =	sst s23  }
0x2b: {  	[smem:$0x7E5] =	sst s24;
	s25 =	sadd.s32 $0x15A400, s1  }
0x2c: {  	s26 =	sadd.s32 $0x162400, s1;
	[smem:$0x7E6] =	sst s25  }
0x2d: {  	s31 =	sadd.s32 $0x16A400, s1;
	[smem:$0x7E7] =	sst s26  }
0x2e: {  	s7 =	sadd.s32 $0x17A400, s1;
	[smem:$0x7E8] =	sst s31  }
0x2f: {  	s8 =	sadd.s32 $0x182400, s1;
	[smem:$0x7EA] =	sst s7  }
0x30: {  	s10 =	sadd.s32 $0x18A400, s1;
	[smem:$0x7EB] =	sst s8  }
0x31: {  	s11 =	sadd.s32 $0x192400, s1;
	[smem:$0x7EC] =	sst s10  }
0x32: {  	s12 =	sadd.s32 $0x19A400, s1;
	[smem:$0x7ED] =	sst s11  }
0x33: {  	s13 =	sadd.s32 $0x1A2400, s1;
	[smem:$0x7EE] =	sst s12  }
0x34: {  	s14 =	sadd.s32 $0x1AA400, s1;
	[smem:$0x7EF] =	sst s13  }
0x35: {  	s15 =	sadd.s32 $0x1B2400, s1;
	[smem:$0x7F0] =	sst s14  }
0x36: {  	s28 =	simm.s32 $0xCC00;
	s17 =	sadd.s32 $0x1BA400, s1;
	[smem:$0x7F1] =	sst s15  }
0x37: {  	s29 =	simm.s32 $0x2;
	s18 =	sadd.s32 $0x1C2400, s1;
	[smem:$0x7F2] =	sst s17  }
0x38: {  	s30 =	simm.s32 $0x0;
	s19 =	sadd.s32 $0x1CA400, s1;
	[smem:$0x7F3] =	sst s18  }
0x39: {  	s5 =	sshll.u32 s5, $0x13;
	s20 =	sadd.s32 $0x1D2400, s1;
	[smem:$0x7F4] =	sst s19  }
0x3a: {  	s4 =	ssub.s32 $0x2, s4;
	s21 =	sadd.s32 $0x2400, s1;
	[smem:$0x7F5] =	sst s20  }
0x3b: {  	s6 =	sshll.u32 s0, $0xB;
	s22 =	sadd.s32 $0x1DA400, s1;
	[smem:$0x7F6] =	sst s21  }
0x3c: {  	s0 =	sshll.u32 s0, $0xE;
	s23 =	sadd.s32 $0x1E2400, s1;
	[smem:$0x7F7] =	sst s22  }
0x3d: {  	s16 =	sshrl.u32 s4, $0x1;
	s24 =	sadd.s32 $0xA400, s1;
	[smem:$0x7F8] =	sst s23  }
0x3e: {  	s5 =	sor.u32 s5, s6;
	s6 =	sadd.s32 $0x22400, s1;
	[smem:$0x7F9] =	sst s24  }
0x3f: {  	s4 =	ssub.s32 s4, s16;
	s25 =	sadd.s32 $0x1EA400, s1;
	s26 =	sadd.s32 $0x1F2400, s1  }
0x40: {  	s12 =	simm.s32 $0x3;
	s13 =	simm.s32 $0x1000;
	s14 =	simm.s32 $0x1  }
0x41: {  	s15 =	simm.s32 $0x80;
	s16 =	simm.s32 $0xF800;
	[dreg:$0x7] =	wrdreg s6  }
0x42: {  	s17 =	simm.s32 $0xD000;
	s18 =	simm.s32 $0x5000;
	[smem:$0x7FA] =	sst s25  }
0x43: {  	s22 =	simm.s32 $0xB800;
	s5 =	sand.u32 $0x407800, s5;
	[smem:$0x7FB] =	sst s26  }
.Ltmp0:
0x44: {  	s6 =	sadd.s32 $0xCA400, s1;
	[dreg:$0x4] =	wrdreg s5;
	(pc) =	sbr.rel .LBB2_1-.Ltmp0, $4  }
0x45: {  	s23 =	simm.s32 $0xBC00;
	s31 =	smax.u32 s4, $0x1;
	[dreg:$0x1c] =	wrdreg s6  }
0x46: {  	s24 =	simm.s32 $0xC000;
	s6 =	sadd.s32 $0x172400, s1;
	[smem:$0x7FD] =	sst s31  }
0x47: {  	v1 =	vlaneseq.u32;
	v2 =	vimm.s32 $0xFFFFFFFF;
	s25 =	simm.s32 $0xC400;
	s1 =	sadd.s32 $0x1FA400, s1;
	[smem:$0x7E9] =	sst s6  }
0x48: {  	v3 =	vimm.f32 $0.0e+00;
	v4 =	vmul.u32 $0x40, v1;
	v0 =	vmov s0;
	s26 =	simm.s32 $0xC800;
	[smem:$0x7FC] =	sst s1;
	s1 =	simm.s32 $0x0  }
.LBB2_39:
0x49: {  	s1 =	sld [smem:$0x7D7]  }
0x4a: {  	s0 =	sld [smem:$0x7FD];
	_ =	sdelay $0x1  }
0x4b: {  	s1 =	sadd.s32 $0x1, s1  }
0x4c: {  	p0 =	sne.s32 s1, s0  }
.Ltmp1:
0x4d: {  	_ = 	snop;
	(pc) =	sbr.rel @!p0 .LBB2_40-.Ltmp1, $2  }
0x4e: {  	_ =	sdelay $0x2  }
0x4f: {  	s9 =	rddreg [dreg:$0x3]  }
.LBB2_1:
0x50: {  	[smem:$0x7D7] =	sst s1;
	s1 =	simm.s32 $0x1040  }
0x51: {  	[tilespmem:s1+$0xFFFFFFC0] =	vst v2  }
0x52: {  	[tilespmem:s1+$0x30] =	vst v2  }
0x53: {  	[tilespmem:s1+$0x20] =	vst v2  }
0x54: {  	[tilespmem:s1+$0x10] =	vst v2  }
0x55: {  	[tilespmem:s1+$0x0] =	vst v2  }
0x56: {  	[tilespmem:s1+$0xFFFFFFF0] =	vst v2  }
0x57: {  	s4 =	simm.s32 $0x0;
	[tilespmem:s1+$0xFFFFFFE0] =	vst v2  }
.LBB2_2:
0x58: {  	s4 =	sadd.s32 $0x8, s4;
	[tilespmem:s1+$0xFFFFFFD0] =	vst v2;
	s1 =	sadd.s32 $0x80, s1;
	s0 =	simm.s32 $0x5040  }
0x59: {  	[tilespmem:s1+$0xFFFFFFC0] =	vst v2;
	p0 =	slt.u32 s4, $0x3F8  }
0x5a: {  	[tilespmem:s1+$0x30] =	vst v2  }
.Ltmp2:
0x5b: {  	[tilespmem:s1+$0x20] =	vst v2;
	(pc) =	sbr.rel @p0 .LBB2_2-.Ltmp2, $4  }
0x5c: {  	[tilespmem:s1+$0x10] =	vst v2  }
0x5d: {  	[tilespmem:s1+$0x0] =	vst v2  }
0x5e: {  	[tilespmem:s1+$0xFFFFFFF0] =	vst v2  }
0x5f: {  	[tilespmem:s1+$0xFFFFFFE0] =	vst v2  }
0x60: {  	[tilespmem:s1+$0xFFFFFFD0] =	vst v2  }
0x61: {  	[tilespmem:s0+$0xFFFFFFC0] =	vst v3  }
0x62: {  	[tilespmem:s0+$0x30] =	vst v3  }
0x63: {  	[tilespmem:s0+$0x20] =	vst v3  }
0x64: {  	[tilespmem:s0+$0x10] =	vst v3  }
0x65: {  	[tilespmem:s0+$0x0] =	vst v3  }
0x66: {  	[tilespmem:s0+$0xFFFFFFF0] =	vst v3  }
0x67: {  	s1 =	simm.s32 $0x0;
	[tilespmem:s0+$0xFFFFFFE0] =	vst v3  }
.LBB2_4:
0x68: {  	s1 =	sadd.s32 $0x8, s1;
	[tilespmem:s0+$0xFFFFFFD0] =	vst v3;
	s0 =	sadd.s32 $0x80, s0  }
0x69: {  	[tilespmem:s0+$0xFFFFFFC0] =	vst v3;
	p0 =	slt.u32 s1, $0x7F8  }
0x6a: {  	[tilespmem:s0+$0x30] =	vst v3  }
.Ltmp3:
0x6b: {  	[tilespmem:s0+$0x20] =	vst v3;
	(pc) =	sbr.rel @p0 .LBB2_4-.Ltmp3, $4  }
0x6c: {  	[tilespmem:s0+$0x10] =	vst v3  }
0x6d: {  	[tilespmem:s0+$0x0] =	vst v3  }
0x6e: {  	[tilespmem:s0+$0xFFFFFFF0] =	vst v3  }
0x6f: {  	[tilespmem:s0+$0xFFFFFFE0] =	vst v3  }
0x70: {  	[tilespmem:s0+$0xFFFFFFD0] =	vst v3;
	s0 =	simm.s32 $0x0;
	s1 =	simm.s32 $0x0;
	s4 =	simm.s32 $0x0  }
.LBB2_6:
0x71: {  	s5 =	sshll.u32 s4, $0x9  }
0x72: {  	s5 =	sadd.s32 s9, s5  }
0x73: {  	[tilespmem:s0], [sflag:$0x3] =	stream.linear.gather [hbm4b:s5+s0], $0x1000, $0x38;
	[tilespmem:$0xF880] =	vst v63  }
0x74: {  	_ =	swait.ge [sflag:s12], $0x1000  }
0x75: {  	[sflag:s12] =	ssyncset.done $0x0  }
0x76: {  	s6 =	simm.s32 $0x0;
	s5 =	simm.s32 $0x40;
	[sflag:s12] =	ssyncadd.s32 $0xFFFFF000  }
.LBB2_7:
0x77: {  	v5 =	vld [tilespmem:s5+$0xFFFFFFC0];
	_ =	sdelay $0x4  }
0x78: {  	v5 =	vsub.s32 v5, v0  }
0x79: {  	vm0 =	vgt.s32 v5, $0x0  }
0x7a: {  	vm1 =	vlt.u32 v5, $0x4000;
	v5 =	vnsel vm0, $0x0, v5  }
0x7b: {  	v5 =	vmin.u32 v5, $0x3FFF;
	_ =	sdelay $0x2  }
0x7c: {  	s7 =	sadd.s32 s6, s1  }
0x7d: {  	v6 =	vor.u32 s7, v1  }
0x7e: {  	[tilespmem:v5+s13+$0x0] =	vst.idx.msk vm1, v6  }
0x7f: {  	v5 =	vld [tilespmem:s5+$0xFFFFFFD0];
	_ =	sdelay $0x4  }
0x80: {  	v5 =	vsub.s32 v5, v0  }
0x81: {  	vm14 =	vgt.s32 v5, $0x0  }
0x82: {  	vm15 =	vlt.u32 v5, $0x4000;
	v5 =	vnsel vm14, $0x0, v5  }
0x83: {  	v5 =	vmin.u32 v5, $0x3FFF;
	_ =	sdelay $0x2  }
0x84: {  	s8 =	sadd.s32 $0x10, s7  }
0x85: {  	v6 =	vor.u32 s8, v1  }
0x86: {  	[tilespmem:v5+s13+$0x0] =	vst.idx.msk vm15, v6  }
0x87: {  	v5 =	vld [tilespmem:s5+$0xFFFFFFE0];
	_ =	sdelay $0x4  }
0x88: {  	v5 =	vsub.s32 v5, v0  }
0x89: {  	vm4 =	vgt.s32 v5, $0x0  }
0x8a: {  	vm5 =	vlt.u32 v5, $0x4000;
	v5 =	vnsel vm4, $0x0, v5  }
0x8b: {  	v5 =	vmin.u32 v5, $0x3FFF;
	_ =	sdelay $0x2  }
0x8c: {  	s11 =	sadd.s32 $0x20, s7  }
0x8d: {  	v6 =	vor.u32 s11, v1  }
0x8e: {  	[tilespmem:v5+s13+$0x0] =	vst.idx.msk vm5, v6  }
0x8f: {  	v5 =	vld [tilespmem:s5+$0xFFFFFFF0];
	_ =	sdelay $0x4  }
0x90: {  	v5 =	vsub.s32 v5, v0  }
0x91: {  	vm6 =	vgt.s32 v5, $0x0  }
0x92: {  	vm7 =	vlt.u32 v5, $0x4000;
	v5 =	vnsel vm6, $0x0, v5  }
0x93: {  	v5 =	vmin.u32 v5, $0x3FFF;
	_ =	sdelay $0x2  }
0x94: {  	s19 =	sadd.s32 $0x30, s7  }
0x95: {  	v6 =	vor.u32 s19, v1  }
0x96: {  	[tilespmem:v5+s13+$0x0] =	vst.idx.msk vm7, v6  }
0x97: {  	v5 =	vld [tilespmem:s5+$0x0];
	_ =	sdelay $0x4  }
0x98: {  	v5 =	vsub.s32 v5, v0  }
0x99: {  	vm8 =	vgt.s32 v5, $0x0  }
0x9a: {  	vm9 =	vlt.u32 v5, $0x4000;
	v5 =	vnsel vm8, $0x0, v5  }
0x9b: {  	v5 =	vmin.u32 v5, $0x3FFF;
	_ =	sdelay $0x2  }
0x9c: {  	s20 =	sadd.s32 $0x40, s7  }
0x9d: {  	v6 =	vor.u32 s20, v1  }
0x9e: {  	[tilespmem:v5+s13+$0x0] =	vst.idx.msk vm9, v6  }
0x9f: {  	v5 =	vld [tilespmem:s5+$0x10];
	_ =	sdelay $0x4  }
0xa0: {  	v5 =	vsub.s32 v5, v0  }
0xa1: {  	vm10 =	vgt.s32 v5, $0x0  }
0xa2: {  	vm11 =	vlt.u32 v5, $0x4000;
	v5 =	vnsel vm10, $0x0, v5  }
0xa3: {  	v5 =	vmin.u32 v5, $0x3FFF;
	_ =	sdelay $0x2  }
0xa4: {  	s21 =	sadd.s32 $0x50, s7  }
0xa5: {  	v6 =	vor.u32 s21, v1  }
0xa6: {  	[tilespmem:v5+s13+$0x0] =	vst.idx.msk vm11, v6  }
0xa7: {  	v5 =	vld [tilespmem:s5+$0x20];
	_ =	sdelay $0x4  }
0xa8: {  	v5 =	vsub.s32 v5, v0  }
0xa9: {  	vm12 =	vgt.s32 v5, $0x0  }
0xaa: {  	vm13 =	vlt.u32 v5, $0x4000;
	v5 =	vnsel vm12, $0x0, v5  }
0xab: {  	v5 =	vmin.u32 v5, $0x3FFF;
	_ =	sdelay $0x2  }
0xac: {  	s31 =	sadd.s32 $0x60, s7  }
0xad: {  	v6 =	vor.u32 s31, v1  }
0xae: {  	[tilespmem:v5+s13+$0x0] =	vst.idx.msk vm13, v6  }
0xaf: {  	v5 =	vld [tilespmem:s5+$0x30];
	_ =	sdelay $0x4  }
0xb0: {  	v5 =	vsub.s32 v5, v0  }
0xb1: {  	vm14 =	vgt.s32 v5, $0x0  }
0xb2: {  	vm15 =	vlt.u32 v5, $0x4000;
	v5 =	vnsel vm14, $0x0, v5  }
0xb3: {  	p0 =	sne.s32 s6, $0xF80;
	v5 =	vmin.u32 v5, $0x3FFF  }
.Ltmp4:
0xb4: {  	_ = 	snop;
	(pc) =	sbr.rel @p0 .LBB2_7-.Ltmp4, $4  }
0xb5: {  	_ = 	snop  }
0xb6: {  	s7 =	sadd.s32 $0x70, s7  }
0xb7: {  	v6 =	vor.u32 s7, v1  }
0xb8: {  	s6 =	sadd.s32 $0x80, s6;
	s5 =	sadd.s32 $0x80, s5;
	[tilespmem:v5+s13+$0x0] =	vst.idx.msk vm15, v6  }
0xb9: {  	s4 =	sadd.s32 $0x1, s4  }
0xba: {  	p0 =	sne.s32 s4, $0x8  }
.Ltmp5:
0xbb: {  	_ = 	snop;
	(pc) =	sbr.rel @p0 .LBB2_6-.Ltmp5, $2  }
0xbc: {  	_ =	sdelay $0x2  }
0xbd: {  	s1 =	sadd.s32 $0x1000, s1  }
.Ltmp6:
0xbe: {  	(pc) =	sbr.rel .LBB2_10-.Ltmp6, $2  }
0xbf: {  	_ =	sdelay $0x2  }
0xc0: {  	s31 =	simm.s32 $0x1020;
	s1 =	simm.s32 $0x0  }
.LBB2_38:
0xc1: {  	s1 =	sadd.s32 $0x1, s1  }
0xc2: {  	p0 =	sne.s32 s1, $0x10  }
.Ltmp7:
0xc3: {  	_ = 	snop;
	(pc) =	sbr.rel @!p0 .LBB2_39-.Ltmp7, $2  }
0xc4: {  	_ =	sdelay $0x2  }
0xc5: {  	s31 =	sadd.s32 $0x400, s31  }
.LBB2_10:
0xc6: {  	v5 =	vld [tilespmem:s31+$0xFFFFFFE0];
	_ =	sdelay $0x4  }
0xc7: {  	v6 =	vor.u32 s30, v1;
	vm0 =	vgt.s32 v5, $0xFFFFFFFF  }
0xc8: {  	[tilespmem:s30+$0xF000] =	vst.msk vm0, v6;
	v6 =	vmpcnt.ones.xlane vm0  }
0xc9: {  	[tilespmem:s30+$0xF400] =	vst.msk vm0, v5  }
0xca: {  	v5 =	vxor.u32 $0x80000000, v6;
	v6 =	vld [tilespmem:s31+$0xFFFFFFF0]  }
0xcb: {  	(xrf0) =	vmax.scan.msk.u32 $0xffff, v5;
	_ =	sdelay $0x3  }
0xcc: {  	vm13 =	vgt.s32 v6, $0xFFFFFFFF  }
0xcd: {  	v5 =	vmpcnt.ones.xlane vm13  }
0xce: {  	v7, _, _ =	vpop (xrf0)  }
0xcf: {  	v5 =	vxor.u32 $0x80000000, v5;
	(v2sf) =	vpush v7, $0xF  }
0xd0: {  	(xrf0) =	vmax.scan.msk.u32 $0xffff, v5;
	_ =	sdelay $0x5  }
0xd1: {  	v5, _, _ =	vpop (xrf0)  }
0xd2: {  	(v2sf) =	vpush v5, $0xF;
	_ =	sdelay $0x6  }
0xd3: {  	s0 =	spop (v2sf)  }
0xd4: {  	s4 =	simm.s32 $0x10;
	s0 =	sadd.s32 $0x0, s0  }
0xd5: {  	v5 =	vor.u32 s4, v1;
	s0 =	sadd.s32 $0x80000000, s0  }
0xd6: {  	[tilespmem:s0+$0xF000] =	vst.msk vm13, v5  }
0xd7: {  	[tilespmem:s0+$0xF400] =	vst.msk vm13, v6  }
0xd8: {  	v5 =	vld [tilespmem:s31+$0x0];
	_ =	sdelay $0x2  }
0xd9: {  	s11 =	spop (v2sf)  }
0xda: {  	s19 =	simm.s32 $0x20;
	s0 =	sadd.s32 s11, s0  }
0xdb: {  	v6 =	vor.u32 s19, v1;
	s0 =	sadd.s32 $0x80000000, s0;
	vm14 =	vgt.s32 v5, $0xFFFFFFFF  }
0xdc: {  	[tilespmem:s0+$0xF000] =	vst.msk vm14, v6  }
0xdd: {  	[tilespmem:s0+$0xF400] =	vst.msk vm14, v5  }
0xde: {  	v5 =	vld [tilespmem:s31+$0x10];
	_ =	sdelay $0x1  }
0xdf: {  	v6 =	vmpcnt.ones.xlane vm14;
	_ =	sdelay $0x1  }
0xe0: {  	v6 =	vxor.u32 $0x80000000, v6  }
0xe1: {  	(xrf0) =	vmax.scan.msk.u32 $0xffff, v6;
	vm15 =	vgt.s32 v5, $0xFFFFFFFF  }
0xe2: {  	v6 =	vmpcnt.ones.xlane vm15;
	_ =	sdelay $0x1  }
0xe3: {  	v6 =	vxor.u32 $0x80000000, v6;
	_ =	sdelay $0x2  }
0xe4: {  	(xrf0) =	vmax.scan.msk.u32 $0xffff, v6;
	v6, _, _ =	vpop (xrf0)  }
0xe5: {  	(v2sf) =	vpush v6, $0xF;
	_ =	sdelay $0x6  }
0xe6: {  	v6, _, _ =	vpop (xrf0)  }
0xe7: {  	(v2sf) =	vpush v6, $0xF;
	_ =	sdelay $0x6  }
0xe8: {  	s20 =	spop (v2sf)  }
0xe9: {  	s21 =	simm.s32 $0x30;
	s0 =	sadd.s32 s20, s0  }
0xea: {  	v6 =	vor.u32 s21, v1;
	s7 =	sadd.s32 $0x80000000, s0  }
0xeb: {  	[tilespmem:s7+$0xF000] =	vst.msk vm15, v6  }
0xec: {  	s0 =	sadd.s32 $0x40, s31;
	[tilespmem:s7+$0xF400] =	vst.msk vm15, v5  }
0xed: {  	v6 =	vld [tilespmem:s0+$0xFFFFFFE0];
	_ =	sdelay $0x2  }
0xee: {  	s4 =	simm.s32 $0x40;
	s8 =	spop (v2sf)  }
0xef: {  	s5 =	simm.s32 $0x4;
	s6 =	simm.s32 $0x80;
	v5 =	vor.u32 s4, v1;
	s7 =	sadd.s32 s8, s7  }
.LBB2_11:
0xf0: {  	v7 =	vor.u32 s6, v1;
	s5 =	sadd.s32 $0x4, s5;
	vm0 =	vgt.s32 v6, $0xFFFFFFFF;
	s7 =	sadd.s32 $0x80000000, s7  }
0xf1: {  	p0 =	slt.u32 s5, $0x3C;
	[tilespmem:s7+$0xF000] =	vst.msk vm0, v5;
	v8 =	vmpcnt.ones.xlane vm0;
	v5 =	vmov v7  }
0xf2: {  	[tilespmem:s7+$0xF400] =	vst.msk vm0, v6  }
0xf3: {  	v6 =	vxor.u32 $0x80000000, v8;
	v7 =	vld [tilespmem:s0+$0xFFFFFFF0]  }
0xf4: {  	(xrf0) =	vmax.scan.msk.u32 $0xffff, v6;
	_ =	sdelay $0x3  }
0xf5: {  	vm0 =	vgt.s32 v7, $0xFFFFFFFF  }
0xf6: {  	v6 =	vmpcnt.ones.xlane vm0  }
0xf7: {  	v8, _, _ =	vpop (xrf0)  }
0xf8: {  	v6 =	vxor.u32 $0x80000000, v6;
	(v2sf) =	vpush v8, $0xF  }
0xf9: {  	(xrf0) =	vmax.scan.msk.u32 $0xffff, v6;
	_ =	sdelay $0x5  }
0xfa: {  	v6, _, _ =	vpop (xrf0)  }
0xfb: {  	(v2sf) =	vpush v6, $0xF;
	_ =	sdelay $0x6  }
0xfc: {  	s8 =	spop (v2sf)  }
0xfd: {  	s7 =	sadd.s32 s8, s7;
	s8 =	sadd.s32 $0x10, s4  }
0xfe: {  	s7 =	sadd.s32 $0x80000000, s7;
	v6 =	vor.u32 s8, v1  }
0xff: {  	[tilespmem:s7+$0xF000] =	vst.msk vm0, v6  }
0x100: {  	[tilespmem:s7+$0xF400] =	vst.msk vm0, v7  }
0x101: {  	v6 =	vld [tilespmem:s0+$0x0];
	_ =	sdelay $0x2  }
0x102: {  	s8 =	spop (v2sf)  }
0x103: {  	s7 =	sadd.s32 s8, s7;
	s8 =	sadd.s32 $0x20, s4  }
0x104: {  	s7 =	sadd.s32 $0x80000000, s7;
	vm0 =	vgt.s32 v6, $0xFFFFFFFF;
	v7 =	vor.u32 s8, v1  }
0x105: {  	[tilespmem:s7+$0xF000] =	vst.msk vm0, v7;
	v7 =	vmpcnt.ones.xlane vm0  }
0x106: {  	[tilespmem:s7+$0xF400] =	vst.msk vm0, v6  }
0x107: {  	v6 =	vxor.u32 $0x80000000, v7;
	v7 =	vld [tilespmem:s0+$0x10]  }
0x108: {  	(xrf0) =	vmax.scan.msk.u32 $0xffff, v6;
	_ =	sdelay $0x3  }
0x109: {  	vm0 =	vgt.s32 v7, $0xFFFFFFFF  }
0x10a: {  	v6 =	vmpcnt.ones.xlane vm0  }
0x10b: {  	v8, _, _ =	vpop (xrf0)  }
0x10c: {  	v6 =	vxor.u32 $0x80000000, v6;
	(v2sf) =	vpush v8, $0xF  }
0x10d: {  	(xrf0) =	vmax.scan.msk.u32 $0xffff, v6;
	_ =	sdelay $0x5  }
0x10e: {  	v6, _, _ =	vpop (xrf0)  }
0x10f: {  	(v2sf) =	vpush v6, $0xF;
	_ =	sdelay $0x6  }
0x110: {  	s8 =	spop (v2sf)  }
0x111: {  	s7 =	sadd.s32 s8, s7;
	s8 =	sadd.s32 $0x30, s4;
	s4 =	smov.u32 s6  }
0x112: {  	s7 =	sadd.s32 $0x80000000, s7;
	v6 =	vor.u32 s8, v1  }
0x113: {  	[tilespmem:s7+$0xF000] =	vst.msk vm0, v6  }
0x114: {  	s0 =	sadd.s32 $0x40, s0;
	[tilespmem:s7+$0xF400] =	vst.msk vm0, v7  }
.Ltmp8:
0x115: {  	v6 =	vld [tilespmem:s0+$0xFFFFFFE0];
	(pc) =	sbr.rel @p0 .LBB2_11-.Ltmp8, $3  }
0x116: {  	_ =	sdelay $0x1  }
0x117: {  	s8 =	spop (v2sf)  }
0x118: {  	s6 =	sadd.s32 $0x40, s6;
	s7 =	sadd.s32 s8, s7  }
0x119: {  	vm0 =	vgt.s32 v6, $0xFFFFFFFF;
	s5 =	sadd.s32 $0x80000000, s7  }
0x11a: {  	[tilespmem:s5+$0xF000] =	vst.msk vm0, v5;
	v5 =	vmpcnt.ones.xlane vm0  }
0x11b: {  	[tilespmem:s5+$0xF400] =	vst.msk vm0, v6  }
0x11c: {  	v5 =	vxor.u32 $0x80000000, v5;
	v6 =	vld [tilespmem:s0+$0xFFFFFFF0]  }
0x11d: {  	(xrf0) =	vmax.scan.msk.u32 $0xffff, v5;
	_ =	sdelay $0x3  }
0x11e: {  	vm13 =	vgt.s32 v6, $0xFFFFFFFF  }
0x11f: {  	v5 =	vmpcnt.ones.xlane vm13  }
0x120: {  	v7, _, _ =	vpop (xrf0)  }
0x121: {  	v5 =	vxor.u32 $0x80000000, v5;
	(v2sf) =	vpush v7, $0xF  }
0x122: {  	(xrf0) =	vmax.scan.msk.u32 $0xffff, v5;
	_ =	sdelay $0x5  }
0x123: {  	v5, _, _ =	vpop (xrf0)  }
0x124: {  	(v2sf) =	vpush v5, $0xF;
	_ =	sdelay $0x6  }
0x125: {  	s6 =	spop (v2sf)  }
0x126: {  	s19 =	sadd.s32 $0x10, s4;
	s5 =	sadd.s32 s6, s5  }
0x127: {  	v5 =	vor.u32 s19, v1;
	s5 =	sadd.s32 $0x80000000, s5  }
0x128: {  	[tilespmem:s5+$0xF000] =	vst.msk vm13, v5  }
0x129: {  	[tilespmem:s5+$0xF400] =	vst.msk vm13, v6  }
0x12a: {  	v5 =	vld [tilespmem:s0+$0x0];
	_ =	sdelay $0x2  }
0x12b: {  	s20 =	spop (v2sf)  }
0x12c: {  	s21 =	sadd.s32 $0x20, s4;
	s5 =	sadd.s32 s20, s5  }
0x12d: {  	v6 =	vor.u32 s21, v1;
	s5 =	sadd.s32 $0x80000000, s5;
	vm14 =	vgt.s32 v5, $0xFFFFFFFF  }
0x12e: {  	[tilespmem:s5+$0xF000] =	vst.msk vm14, v6  }
0x12f: {  	[tilespmem:s5+$0xF400] =	vst.msk vm14, v5  }
0x130: {  	v5 =	vld [tilespmem:s0+$0x10];
	_ =	sdelay $0x3  }
0x131: {  	v6 =	vmpcnt.ones.xlane vm14  }
0x132: {  	vm15 =	vgt.s32 v5, $0xFFFFFFFF  }
0x133: {  	v6 =	vxor.u32 $0x80000000, v6;
	v7 =	vmpcnt.ones.xlane vm15  }
0x134: {  	(xrf0) =	vmax.scan.msk.u32 $0xffff, v6  }
0x135: {  	v6 =	vxor.u32 $0x80000000, v7  }
0x136: {  	(xrf0) =	vmax.scan.msk.u32 $0xffff, v6;
	_ =	sdelay $0x3  }
0x137: {  	v6, _, _ =	vpop (xrf0)  }
0x138: {  	(v2sf) =	vpush v6, $0xF  }
0x139: {  	v6, _, _ =	vpop (xrf0)  }
0x13a: {  	(v2sf) =	vpush v6, $0xF;
	_ =	sdelay $0xc  }
0x13b: {  	s7 =	spop (v2sf)  }
0x13c: {  	s0 =	sadd.s32 s7, s5  }
0x13d: {  	s5 =	sadd.s32 $0x80000000, s0;
	s8 =	spop (v2sf)  }
0x13e: {  	s0 =	sadd.s32 s8, s5  }
0x13f: {  	s0 =	sadd.s32 $0x80000000, s0  }
0x140: {  	s9 =	sadd.s32 $0x7F, s0  }
0x141: {  	s10 =	sand.u32 $0x7F, s9  }
0x142: {  	s11 =	sshra.s32 s9, $0x1F;
	p1 =	slt.s32 s9, $0x1;
	p0 =	sne.s32 s10, $0x0  }
0x143: {  	s7 =	sshrl.u32 s11, $0x19;
	p0 =	por !p1, !p0  }
0x144: {  	s6 =	sadd.s32 s7, s9;
	s7 =	simm.s32 $0x1;
	p0 =	por !p0, !p0  }
0x145: {  	s6 =	sshra.s32 s6, $0x7;
	s7 =	simm.s32 @!p0 $0x0  }
0x146: {  	s19 =	sadd.s32 $0x30, s4;
	s4 =	ssub.s32 s6, s7  }
0x147: {  	p0 =	slt.s32 s4, $0x1  }
.Ltmp9:
0x148: {  	_ = 	snop;
	(pc) =	sbr.rel @p0 .LBB2_19-.Ltmp9, $4  }
0x149: {  	_ = 	snop  }
0x14a: {  	v6 =	vor.u32 s19, v1  }
0x14b: {  	s21 =	rddreg [dreg:$0x4];
	s20 =	sshll.u32 s1, $0x7;
	[tilespmem:s5+$0xF000] =	vst.msk vm15, v6  }
0x14c: {  	[tilespmem:s5+$0xF400] =	vst.msk vm15, v5;
	s5 =	sadd.s32 s21, s20;
	v5 =	vmov s0  }
.Ltmp10:
0x14d: {  	(pc) =	sbr.rel .LBB2_14-.Ltmp10, $2  }
0x14e: {  	_ =	sdelay $0x2  }
0x14f: {  	s6 =	simm.s32 $0x0  }
.LBB2_18:
0x150: {  	s6 =	sadd.s32 $0x1, s6  }
0x151: {  	p1 =	sne.s32 s6, s4  }
.Ltmp11:
0x152: {  	_ = 	snop;
	(pc) =	sbr.rel @!p1 .LBB2_19-.Ltmp11, $1  }
0x153: {  	_ =	sdelay $0x3  }
.LBB2_14:
0x154: {  	s7 =	sshll.u32 s6, $0x7  }
0x155: {  	v6 =	vld [tilespmem:s7+$0xF400];
	_ =	sdelay $0x4  }
0x156: {  	vm0 =	vgt.s32 v6, $0x0  }
0x157: {  	v6 =	vnsel vm0, $0x0, v6  }
0x158: {  	v6 =	vmin.u32 v6, $0x7CFF  }
0x159: {  	[tilespmem:$0xF800] =	vst v6  }
0x15a: {  	v6 =	vld [tilespmem:s7+$0xF410];
	_ =	sdelay $0x4  }
0x15b: {  	vm9 =	vgt.s32 v6, $0x0  }
0x15c: {  	v6 =	vnsel vm9, $0x0, v6  }
0x15d: {  	v6 =	vmin.u32 v6, $0x7CFF  }
0x15e: {  	[tilespmem:$0xF810] =	vst v6  }
0x15f: {  	v6 =	vld [tilespmem:s7+$0xF420];
	_ =	sdelay $0x4  }
0x160: {  	vm10 =	vgt.s32 v6, $0x0  }
0x161: {  	v6 =	vnsel vm10, $0x0, v6  }
0x162: {  	v6 =	vmin.u32 v6, $0x7CFF  }
0x163: {  	[tilespmem:$0xF820] =	vst v6  }
0x164: {  	v6 =	vld [tilespmem:s7+$0xF430];
	_ =	sdelay $0x4  }
0x165: {  	vm11 =	vgt.s32 v6, $0x0  }
0x166: {  	v6 =	vnsel vm11, $0x0, v6  }
0x167: {  	v6 =	vmin.u32 v6, $0x7CFF  }
0x168: {  	[tilespmem:$0xF830] =	vst v6  }
0x169: {  	v6 =	vld [tilespmem:s7+$0xF440];
	_ =	sdelay $0x4  }
0x16a: {  	vm12 =	vgt.s32 v6, $0x0  }
0x16b: {  	v6 =	vnsel vm12, $0x0, v6  }
0x16c: {  	v6 =	vmin.u32 v6, $0x7CFF  }
0x16d: {  	[tilespmem:$0xF840] =	vst v6  }
0x16e: {  	v6 =	vld [tilespmem:s7+$0xF450];
	_ =	sdelay $0x4  }
0x16f: {  	vm13 =	vgt.s32 v6, $0x0  }
0x170: {  	v6 =	vnsel vm13, $0x0, v6  }
0x171: {  	v6 =	vmin.u32 v6, $0x7CFF  }
0x172: {  	[tilespmem:$0xF850] =	vst v6  }
0x173: {  	v6 =	vld [tilespmem:s7+$0xF460];
	_ =	sdelay $0x4  }
0x174: {  	vm14 =	vgt.s32 v6, $0x0  }
0x175: {  	s8 =	ssub.s32 s0, s7;
	v6 =	vnsel vm14, $0x0, v6  }
0x176: {  	p1 =	slt.s32 s8, $0x80;
	v6 =	vmin.u32 v6, $0x7CFF  }
0x177: {  	p2 =	slt.s32 s8, $0xFFFFFFF2;
	s8 =	simm.s32 @!p1 $0x80;
	[tilespmem:$0xF860] =	vst v6  }
0x178: {  	s8 =	sadd.s32 $0xF, s8;
	v6 =	vld [tilespmem:s7+$0xF470]  }
0x179: {  	s9 =	sand.u32 $0xF, s8  }
0x17a: {  	s21 =	sshra.s32 s8, $0x1F;
	p6 =	sne.s32 s9, $0x0  }
0x17b: {  	s9 =	sshrl.u32 s21, $0x1C;
	p1 =	por !p2, !p6  }
0x17c: {  	s8 =	sadd.s32 s9, s8;
	s9 =	simm.s32 $0x1;
	p1 =	por !p1, !p1  }
0x17d: {  	s8 =	sshra.s32 s8, $0x4;
	s9 =	simm.s32 @!p1 $0x0;
	vm15 =	vgt.s32 v6, $0x0  }
0x17e: {  	s8 =	ssub.s32 s8, s9;
	v6 =	vnsel vm15, $0x0, v6  }
0x17f: {  	p1 =	slt.s32 s8, $0x1;
	v6 =	vmin.u32 v6, $0x7CFF  }
.Ltmp12:
0x180: {  	[tilespmem:$0xF870] =	vst v6;
	(pc) =	sbr.rel @p1 .LBB2_18-.Ltmp12, $4  }
0x181: {  	[tilespmem:s17], [sflag:$0x1] =	stream.indirect.gather [hbm4b:s2+s15], $0x40, s16, s15, $0xb8;
	[tilespmem:$0xF880] =	vst v63  }
0x182: {  	_ =	swait.ge [sflag:s14], $0x2000  }
0x183: {  	[sflag:s14] =	ssyncset.done $0x0  }
0x184: {  	s9 =	simm.s32 $0x0;
	[sflag:s14] =	ssyncadd.s32 $0xFFFFE000  }
.LBB2_15:
0x185: {  	s10 =	sshll.u32 s9, $0x4  }
0x186: {  	s11 =	sadd.s32 s7, s10  }
0x187: {  	v7 =	vld [tilespmem:s11+$0xF000]  }
0x188: {  	s19 =	simm.s32 $0x0  }
0x189: {  	v6 =	vmov s19  }
0x18a: {  	v8 =	vmov s10;
	v6 =	vand.u32 $0x1C, v6  }
0x18b: {  	v8 =	vshll.u32 v8, $0x6;
	v9 =	vbroadcast v6, $0x0  }
0x18c: {  	v6 =	vor.u32 v4, v8;
	vm0 =	vgt.s32 v7, $0x0  }
0x18d: {  	s20 =	simm.s32 $0x1;
	v9 =	vor.u32 v6, v9;
	v7 =	vnsel vm0, $0x0, v7  }
0x18e: {  	v11 =	vmov s20;
	v7 =	vmin.u32 v7, $0x3FF  }
0x18f: {  	s21 =	simm.s32 $0x0;
	v11 =	vand.u32 $0x1D, v11;
	v8 =	vshrl.u32 v7, $0x7  }
0x190: {  	v10 =	vor.u32 s11, v1;
	v11 =	vbroadcast v11, $0x0;
	v12 =	vor.u32 s21, v8  }
0x191: {  	vm0 =	vlt.s32 v10, v5;
	v7 =	vand.u32 $0x7F, v7;
	v10 =	vshll.u32 v12, $0x7  }
0x192: {  	v9 =	vld.idx.msk [tilespmem:v9+s17+$0x0], $0xffff;
	v10 =	vor.u32 v7, v10  }
0x193: {  	v11 =	vor.u32 v6, v11  }
0x194: {  	s11 =	simm.s32 $0x2  }
0x195: {  	s19 =	simm.s32 $0x8;
	v12 =	vmov s11  }
0x196: {  	v13 =	vor.u32 s19, v8;
	v12 =	vand.u32 $0x1E, v12  }
0x197: {  	[tilespmem:v10+s18+$0x0] =	vst.idx.msk vm0, v9;
	v9 =	vshll.u32 v13, $0x7;
	v10 =	vbroadcast v12, $0x0  }
0x198: {  	v11 =	vld.idx.msk [tilespmem:v11+s17+$0x0], $0xffff;
	v9 =	vor.u32 v7, v9  }
0x199: {  	v10 =	vor.u32 v6, v10  }
0x19a: {  	s20 =	simm.s32 $0x3  }
0x19b: {  	s21 =	simm.s32 $0x10;
	v12 =	vmov s20  }
0x19c: {  	v13 =	vor.u32 s21, v8;
	v12 =	vand.u32 $0x1F, v12  }
0x19d: {  	v12 =	vbroadcast v12, $0x0;
	[tilespmem:v9+s18+$0x0] =	vst.idx.msk vm0, v11;
	v11 =	vshll.u32 v13, $0x7  }
0x19e: {  	v9 =	vld.idx.msk [tilespmem:v10+s17+$0x0], $0xffff;
	v11 =	vor.u32 v7, v11  }
0x19f: {  	v10 =	vor.u32 v6, v12;
	_ =	sdelay $0x1  }
0x1a0: {  	s10 =	simm.s32 $0x4  }
0x1a1: {  	s19 =	simm.s32 $0x8;
	s11 =	simm.s32 $0x18;
	v12 =	vmov s10  }
.LBB2_16:
0x1a2: {  	p1 =	slt.u32 s19, $0x1C;
	v12 =	vand.u32 $0x1C, v12;
	[tilespmem:v11+s18+$0x0] =	vst.idx.msk vm0, v9;
	v9 =	vor.u32 s11, v8  }
0x1a3: {  	v11 =	vbroadcast v12, $0x0;
	v10 =	vld.idx.msk [tilespmem:v10+s17+$0x0], $0xffff;
	v9 =	vshll.u32 v9, $0x7  }
0x1a4: {  	v9 =	vor.u32 v7, v9  }
0x1a5: {  	v11 =	vor.u32 v6, v11;
	_ =	sdelay $0x1  }
0x1a6: {  	s20 =	sadd.s32 $0x1, s10;
	s11 =	sadd.s32 $0x20, s11  }
0x1a7: {  	s21 =	sadd.s32 $0xFFFFFFE8, s11;
	v12 =	vmov s20  }
0x1a8: {  	v13 =	vor.u32 s21, v8;
	v12 =	vand.u32 $0x1D, v12;
	[tilespmem:v9+s18+$0x0] =	vst.idx.msk vm0, v10  }
0x1a9: {  	v10 =	vshll.u32 v13, $0x7;
	v9 =	vld.idx.msk [tilespmem:v11+s17+$0x0], $0xffff;
	v11 =	vbroadcast v12, $0x0  }
0x1aa: {  	v10 =	vor.u32 v7, v10  }
0x1ab: {  	v11 =	vor.u32 v6, v11;
	_ =	sdelay $0x1  }
0x1ac: {  	s20 =	sadd.s32 $0x2, s10  }
0x1ad: {  	s21 =	sadd.s32 $0xFFFFFFF0, s11;
	v12 =	vmov s20  }
0x1ae: {  	[tilespmem:v10+s18+$0x0] =	vst.idx.msk vm0, v9;
	v9 =	vor.u32 s21, v8;
	v10 =	vand.u32 $0x1E, v12  }
0x1af: {  	v11 =	vld.idx.msk [tilespmem:v11+s17+$0x0], $0xffff;
	v9 =	vshll.u32 v9, $0x7;
	v10 =	vbroadcast v10, $0x0  }
0x1b0: {  	v9 =	vor.u32 v7, v9  }
0x1b1: {  	v10 =	vor.u32 v6, v10;
	_ =	sdelay $0x1  }
0x1b2: {  	s20 =	sadd.s32 $0x3, s10;
	s10 =	smov.u32 s19  }
0x1b3: {  	s21 =	sadd.s32 $0xFFFFFFF8, s11;
	v12 =	vmov s20  }
0x1b4: {  	v12 =	vand.u32 $0x1F, v12;
	[tilespmem:v9+s18+$0x0] =	vst.idx.msk vm0, v11;
	v11 =	vor.u32 s21, v8  }
0x1b5: {  	v12 =	vbroadcast v12, $0x0;
	v9 =	vld.idx.msk [tilespmem:v10+s17+$0x0], $0xffff;
	v10 =	vshll.u32 v11, $0x7  }
.Ltmp13:
0x1b6: {  	v11 =	vor.u32 v7, v10;
	(pc) =	sbr.rel @p1 .LBB2_16-.Ltmp13, $2  }
0x1b7: {  	v10 =	vor.u32 v6, v12;
	_ =	sdelay $0x2  }
0x1b8: {  	s19 =	sadd.s32 $0x4, s19;
	v12 =	vmov s10  }
0x1b9: {  	_ =	sdelay $0x3  }
0x1ba: {  	v12 =	vand.u32 $0x1C, v12;
	v13 =	vor.u32 s11, v8  }
0x1bb: {  	[tilespmem:v11+s18+$0x0] =	vst.idx.msk vm0, v9;
	v49 =	vbroadcast v12, $0x0;
	v50 =	vshll.u32 v13, $0x7  }
0x1bc: {  	v10 =	vld.idx.msk [tilespmem:v10+s17+$0x0], $0xffff;
	v11 =	vor.u32 v7, v50  }
0x1bd: {  	v9 =	vor.u32 v6, v49  }
0x1be: {  	s19 =	sadd.s32 $0x1, s10;
	s11 =	sadd.s32 $0x20, s11  }
0x1bf: {  	s20 =	sadd.s32 $0xFFFFFFE8, s11;
	v51 =	vmov s19  }
0x1c0: {  	v52 =	vor.u32 s20, v8;
	v12 =	vand.u32 $0x1D, v51  }
0x1c1: {  	v53 =	vshll.u32 v52, $0x7;
	v54 =	vbroadcast v12, $0x0;
	[tilespmem:v11+s18+$0x0] =	vst.idx.msk vm0, v10  }
0x1c2: {  	v10 =	vor.u32 v7, v53;
	v9 =	vld.idx.msk [tilespmem:v9+s17+$0x0], $0xffff  }
0x1c3: {  	v11 =	vor.u32 v6, v54  }
0x1c4: {  	s20 =	sadd.s32 $0x2, s10  }
0x1c5: {  	s21 =	sadd.s32 $0xFFFFFFF0, s11;
	v55 =	vmov s20  }
0x1c6: {  	v56 =	vor.u32 s21, v8;
	v12 =	vand.u32 $0x1E, v55  }
0x1c7: {  	v57 =	vshll.u32 v56, $0x7;
	v58 =	vbroadcast v12, $0x0;
	[tilespmem:v10+s18+$0x0] =	vst.idx.msk vm0, v9  }
0x1c8: {  	v9 =	vor.u32 v7, v57;
	v11 =	vld.idx.msk [tilespmem:v11+s17+$0x0], $0xffff  }
0x1c9: {  	v10 =	vor.u32 v6, v58  }
0x1ca: {  	s20 =	sadd.s32 $0x3, s10  }
0x1cb: {  	s21 =	sadd.s32 $0xFFFFFFF8, s11;
	v59 =	vmov s20  }
0x1cc: {  	v60 =	vor.u32 s21, v8;
	v12 =	vand.u32 $0x1F, v59  }
0x1cd: {  	v61 =	vshll.u32 v60, $0x7;
	v62 =	vbroadcast v12, $0x0;
	[tilespmem:v9+s18+$0x0] =	vst.idx.msk vm0, v11  }
0x1ce: {  	v9 =	vor.u32 v7, v61;
	v10 =	vld.idx.msk [tilespmem:v10+s17+$0x0], $0xffff  }
0x1cf: {  	v6 =	vor.u32 v6, v62;
	_ =	sdelay $0x2  }
0x1d0: {  	v63 =	vor.u32 s11, v8  }
0x1d1: {  	s9 =	sadd.s32 $0x1, s9;
	v8 =	vshll.u32 v63, $0x7;
	[tilespmem:v9+s18+$0x0] =	vst.idx.msk vm0, v10  }
0x1d2: {  	p1 =	sne.s32 s9, s8;
	v7 =	vor.u32 v7, v8;
	v6 =	vld.idx.msk [tilespmem:v6+s17+$0x0], $0xffff  }
.Ltmp14:
0x1d3: {  	_ = 	snop;
	(pc) =	sbr.rel @p1 .LBB2_15-.Ltmp14, $4  }
.Ltmp15:
0x1d4: {  	_ = 	snop;
	(pc) =	sbr.rel @!p1 .LBB2_18-.Ltmp15, $4  }
0x1d5: {  	_ = 	snop  }
0x1d6: {  	_ = 	snop  }
0x1d7: {  	[tilespmem:v7+s18+$0x0] =	vst.idx.msk vm0, v6  }
0x1d8: {  	_ = 	snop  }
.LBB2_19:
0x1d9: {  	s6 =	sld [smem:$0x7F6];
	_ =	sdelay $0x1  }
0x1da: {  	s8 =	sld [smem:$0x7F9]  }
0x1db: {  	s9 =	rddreg [dreg:$0x5];
	s6 =	sadd.s32 s6, s5  }
0x1dc: {  	[hbm4b:s6+s3] =	stream.linear.scatter [tilespmem:s18], [sflag:$0x2], $0x400, $0x38;
	[tilespmem:$0xF880] =	vst v63  }
0x1dd: {  	s21 =	simm.s32 $0x5400;
	s10 =	rddreg [dreg:$0x6];
	s6 =	sadd.s32 s5, s8  }
0x1de: {  	[hbm4b:s6+s3] =	stream.linear.scatter [tilespmem:s21], [sflag:$0x2], $0x400, $0x38;
	[tilespmem:$0xF880] =	vst v63  }
0x1df: {  	s7 =	simm.s32 $0x5800;
	s19 =	rddreg [dreg:$0x7];
	s6 =	sadd.s32 s5, s9  }
0x1e0: {  	[hbm4b:s6+s3] =	stream.linear.scatter [tilespmem:s7], [sflag:$0x2], $0x400, $0x38;
	[tilespmem:$0xF880] =	vst v63  }
0x1e1: {  	s11 =	simm.s32 $0x5C00;
	s8 =	rddreg [dreg:$0x8];
	s6 =	sadd.s32 s5, s10  }
0x1e2: {  	[hbm4b:s6+s3] =	stream.linear.scatter [tilespmem:s11], [sflag:$0x2], $0x400, $0x38;
	[tilespmem:$0xF880] =	vst v63  }
0x1e3: {  	s20 =	simm.s32 $0x6000;
	s10 =	rddreg [dreg:$0x9];
	s6 =	sadd.s32 s5, s19  }
0x1e4: {  	[hbm4b:s6+s3] =	stream.linear.scatter [tilespmem:s20], [sflag:$0x2], $0x400, $0x38;
	[tilespmem:$0xF880] =	vst v63  }
0x1e5: {  	s9 =	simm.s32 $0x6400;
	s19 =	rddreg [dreg:$0xa];
	s6 =	sadd.s32 s5, s8  }
0x1e6: {  	[hbm4b:s6+s3] =	stream.linear.scatter [tilespmem:s9], [sflag:$0x2], $0x400, $0x38;
	[tilespmem:$0xF880] =	vst v63  }
0x1e7: {  	s11 =	simm.s32 $0x6800;
	s8 =	rddreg [dreg:$0xb];
	s6 =	sadd.s32 s5, s10  }
0x1e8: {  	[hbm4b:s6+s3] =	stream.linear.scatter [tilespmem:s11], [sflag:$0x2], $0x400, $0x38;
	[tilespmem:$0xF880] =	vst v63  }
0x1e9: {  	s20 =	simm.s32 $0x6C00;
	s10 =	rddreg [dreg:$0xc];
	s6 =	sadd.s32 s5, s19  }
0x1ea: {  	[hbm4b:s6+s3] =	stream.linear.scatter [tilespmem:s20], [sflag:$0x2], $0x400, $0x38;
	[tilespmem:$0xF880] =	vst v63  }
0x1eb: {  	s9 =	simm.s32 $0x7000;
	s19 =	rddreg [dreg:$0xd];
	s6 =	sadd.s32 s5, s8  }
0x1ec: {  	[hbm4b:s6+s3] =	stream.linear.scatter [tilespmem:s9], [sflag:$0x2], $0x400, $0x38;
	[tilespmem:$0xF880] =	vst v63  }
0x1ed: {  	s11 =	simm.s32 $0x7400;
	s8 =	rddreg [dreg:$0xe];
	s6 =	sadd.s32 s5, s10  }
0x1ee: {  	[hbm4b:s6+s3] =	stream.linear.scatter [tilespmem:s11], [sflag:$0x2], $0x400, $0x38;
	[tilespmem:$0xF880] =	vst v63  }
0x1ef: {  	s20 =	simm.s32 $0x7800;
	s10 =	rddreg [dreg:$0xf];
	s6 =	sadd.s32 s5, s19  }
0x1f0: {  	[hbm4b:s6+s3] =	stream.linear.scatter [tilespmem:s20], [sflag:$0x2], $0x400, $0x38;
	[tilespmem:$0xF880] =	vst v63  }
0x1f1: {  	s9 =	simm.s32 $0x7C00;
	s19 =	rddreg [dreg:$0x10];
	s6 =	sadd.s32 s5, s8  }
0x1f2: {  	[hbm4b:s6+s3] =	stream.linear.scatter [tilespmem:s9], [sflag:$0x2], $0x400, $0x38;
	[tilespmem:$0xF880] =	vst v63  }
0x1f3: {  	s11 =	simm.s32 $0x8000;
	s8 =	rddreg [dreg:$0x11];
	s6 =	sadd.s32 s5, s10  }
0x1f4: {  	[hbm4b:s6+s3] =	stream.linear.scatter [tilespmem:s11], [sflag:$0x2], $0x400, $0x38;
	[tilespmem:$0xF880] =	vst v63  }
0x1f5: {  	s20 =	simm.s32 $0x8400;
	s10 =	rddreg [dreg:$0x12];
	s6 =	sadd.s32 s5, s19  }
0x1f6: {  	[hbm4b:s6+s3] =	stream.linear.scatter [tilespmem:s20], [sflag:$0x2], $0x400, $0x38;
	[tilespmem:$0xF880] =	vst v63  }
0x1f7: {  	s9 =	simm.s32 $0x8800;
	s19 =	rddreg [dreg:$0x13];
	s6 =	sadd.s32 s5, s8  }
0x1f8: {  	[hbm4b:s6+s3] =	stream.linear.scatter [tilespmem:s9], [sflag:$0x2], $0x400, $0x38;
	[tilespmem:$0xF880] =	vst v63  }
0x1f9: {  	s11 =	simm.s32 $0x8C00;
	s8 =	rddreg [dreg:$0x14];
	s6 =	sadd.s32 s5, s10  }
0x1fa: {  	[hbm4b:s6+s3] =	stream.linear.scatter [tilespmem:s11], [sflag:$0x2], $0x400, $0x38;
	[tilespmem:$0xF880] =	vst v63  }
0x1fb: {  	s20 =	simm.s32 $0x9000;
	s10 =	rddreg [dreg:$0x15];
	s6 =	sadd.s32 s5, s19  }
0x1fc: {  	[hbm4b:s6+s3] =	stream.linear.scatter [tilespmem:s20], [sflag:$0x2], $0x400, $0x38;
	[tilespmem:$0xF880] =	vst v63  }
0x1fd: {  	s9 =	simm.s32 $0x9400;
	s19 =	rddreg [dreg:$0x16];
	s6 =	sadd.s32 s5, s8  }
0x1fe: {  	[hbm4b:s6+s3] =	stream.linear.scatter [tilespmem:s9], [sflag:$0x2], $0x400, $0x38;
	[tilespmem:$0xF880] =	vst v63  }
0x1ff: {  	s11 =	simm.s32 $0x9800;
	s8 =	rddreg [dreg:$0x17];
	s6 =	sadd.s32 s5, s10  }
0x200: {  	[hbm4b:s6+s3] =	stream.linear.scatter [tilespmem:s11], [sflag:$0x2], $0x400, $0x38;
	[tilespmem:$0xF880] =	vst v63  }
0x201: {  	s20 =	simm.s32 $0x9C00;
	s10 =	rddreg [dreg:$0x18];
	s6 =	sadd.s32 s5, s19  }
0x202: {  	[hbm4b:s6+s3] =	stream.linear.scatter [tilespmem:s20], [sflag:$0x2], $0x400, $0x38;
	[tilespmem:$0xF880] =	vst v63  }
0x203: {  	s9 =	simm.s32 $0xA000;
	s19 =	rddreg [dreg:$0x19];
	s6 =	sadd.s32 s5, s8  }
0x204: {  	[hbm4b:s6+s3] =	stream.linear.scatter [tilespmem:s9], [sflag:$0x2], $0x400, $0x38;
	[tilespmem:$0xF880] =	vst v63  }
0x205: {  	s11 =	simm.s32 $0xA400;
	s8 =	rddreg [dreg:$0x1a];
	s6 =	sadd.s32 s5, s10  }
0x206: {  	[hbm4b:s6+s3] =	stream.linear.scatter [tilespmem:s11], [sflag:$0x2], $0x400, $0x38;
	[tilespmem:$0xF880] =	vst v63  }
0x207: {  	s20 =	simm.s32 $0xA800;
	s10 =	rddreg [dreg:$0x1b];
	s6 =	sadd.s32 s5, s19  }
0x208: {  	[hbm4b:s6+s3] =	stream.linear.scatter [tilespmem:s20], [sflag:$0x2], $0x400, $0x38;
	[tilespmem:$0xF880] =	vst v63  }
0x209: {  	s9 =	simm.s32 $0xAC00;
	s19 =	rddreg [dreg:$0x1c];
	s6 =	sadd.s32 s5, s8  }
0x20a: {  	[hbm4b:s6+s3] =	stream.linear.scatter [tilespmem:s9], [sflag:$0x2], $0x400, $0x38;
	[tilespmem:$0xF880] =	vst v63  }
0x20b: {  	s11 =	simm.s32 $0xB000;
	s8 =	rddreg [dreg:$0x1d];
	s6 =	sadd.s32 s5, s10  }
0x20c: {  	[hbm4b:s6+s3] =	stream.linear.scatter [tilespmem:s11], [sflag:$0x2], $0x400, $0x38;
	[tilespmem:$0xF880] =	vst v63  }
0x20d: {  	s20 =	simm.s32 $0xB400;
	s9 =	rddreg [dreg:$0x1e];
	s6 =	sadd.s32 s5, s19  }
0x20e: {  	[hbm4b:s6+s3] =	stream.linear.scatter [tilespmem:s20], [sflag:$0x2], $0x400, $0x38;
	[tilespmem:$0xF880] =	vst v63  }
0x20f: {  	s10 =	rddreg [dreg:$0x1f];
	s6 =	sadd.s32 s5, s8  }
0x210: {  	[hbm4b:s6+s3] =	stream.linear.scatter [tilespmem:s22], [sflag:$0x2], $0x400, $0x38;
	[tilespmem:$0xF880] =	vst v63  }
0x211: {  	s11 =	sld [smem:$0x7D8];
	s6 =	sadd.s32 s5, s9  }
0x212: {  	[hbm4b:s6+s3] =	stream.linear.scatter [tilespmem:s23], [sflag:$0x2], $0x400, $0x38;
	[tilespmem:$0xF880] =	vst v63  }
0x213: {  	s19 =	sld [smem:$0x7D9];
	s6 =	sadd.s32 s5, s10  }
0x214: {  	[hbm4b:s6+s3] =	stream.linear.scatter [tilespmem:s24], [sflag:$0x2], $0x400, $0x38;
	[tilespmem:$0xF880] =	vst v63  }
0x215: {  	s20 =	sld [smem:$0x7DA];
	s6 =	sadd.s32 s5, s11  }
0x216: {  	[hbm4b:s6+s3] =	stream.linear.scatter [tilespmem:s25], [sflag:$0x2], $0x400, $0x38;
	[tilespmem:$0xF880] =	vst v63  }
0x217: {  	s6 =	sadd.s32 s5, s19  }
0x218: {  	[hbm4b:s6+s3] =	stream.linear.scatter [tilespmem:s26], [sflag:$0x2], $0x400, $0x38;
	[tilespmem:$0xF880] =	vst v63  }
0x219: {  	s6 =	sadd.s32 s5, s20  }
0x21a: {  	[hbm4b:s6+s3] =	stream.linear.scatter [tilespmem:s28], [sflag:$0x2], $0x400, $0x38;
	[tilespmem:$0xF880] =	vst v63  }
0x21b: {  	_ =	swait.ge [sflag:s29], $0x400  }
0x21c: {  	[sflag:s29] =	ssyncset.done $0x0  }
0x21d: {  	[sflag:s29] =	ssyncadd.s32 $0xFFFFFC00  }
0x21e: {  	_ =	swait.ge [sflag:s29], $0x400  }
0x21f: {  	[sflag:s29] =	ssyncset.done $0x0  }
0x220: {  	[sflag:s29] =	ssyncadd.s32 $0xFFFFFC00  }
0x221: {  	_ =	swait.ge [sflag:s29], $0x400  }
0x222: {  	[sflag:s29] =	ssyncset.done $0x0  }
0x223: {  	[sflag:s29] =	ssyncadd.s32 $0xFFFFFC00  }
0x224: {  	_ =	swait.ge [sflag:s29], $0x400  }
0x225: {  	[sflag:s29] =	ssyncset.done $0x0  }
0x226: {  	[sflag:s29] =	ssyncadd.s32 $0xFFFFFC00  }
0x227: {  	_ =	swait.ge [sflag:s29], $0x400  }
0x228: {  	[sflag:s29] =	ssyncset.done $0x0  }
0x229: {  	[sflag:s29] =	ssyncadd.s32 $0xFFFFFC00  }
0x22a: {  	_ =	swait.ge [sflag:s29], $0x400  }
0x22b: {  	[sflag:s29] =	ssyncset.done $0x0  }
0x22c: {  	[sflag:s29] =	ssyncadd.s32 $0xFFFFFC00  }
0x22d: {  	_ =	swait.ge [sflag:s29], $0x400  }
0x22e: {  	[sflag:s29] =	ssyncset.done $0x0  }
0x22f: {  	[sflag:s29] =	ssyncadd.s32 $0xFFFFFC00  }
0x230: {  	_ =	swait.ge [sflag:s29], $0x400  }
0x231: {  	[sflag:s29] =	ssyncset.done $0x0  }
0x232: {  	[sflag:s29] =	ssyncadd.s32 $0xFFFFFC00  }
0x233: {  	_ =	swait.ge [sflag:s29], $0x400  }
0x234: {  	[sflag:s29] =	ssyncset.done $0x0  }
0x235: {  	[sflag:s29] =	ssyncadd.s32 $0xFFFFFC00  }
0x236: {  	_ =	swait.ge [sflag:s29], $0x400  }
0x237: {  	[sflag:s29] =	ssyncset.done $0x0  }
0x238: {  	[sflag:s29] =	ssyncadd.s32 $0xFFFFFC00  }
0x239: {  	_ =	swait.ge [sflag:s29], $0x400  }
0x23a: {  	[sflag:s29] =	ssyncset.done $0x0  }
0x23b: {  	[sflag:s29] =	ssyncadd.s32 $0xFFFFFC00  }
0x23c: {  	_ =	swait.ge [sflag:s29], $0x400  }
0x23d: {  	[sflag:s29] =	ssyncset.done $0x0  }
0x23e: {  	[sflag:s29] =	ssyncadd.s32 $0xFFFFFC00  }
0x23f: {  	_ =	swait.ge [sflag:s29], $0x400  }
0x240: {  	[sflag:s29] =	ssyncset.done $0x0  }
0x241: {  	[sflag:s29] =	ssyncadd.s32 $0xFFFFFC00  }
0x242: {  	_ =	swait.ge [sflag:s29], $0x400  }
0x243: {  	[sflag:s29] =	ssyncset.done $0x0  }
0x244: {  	[sflag:s29] =	ssyncadd.s32 $0xFFFFFC00  }
0x245: {  	_ =	swait.ge [sflag:s29], $0x400  }
0x246: {  	[sflag:s29] =	ssyncset.done $0x0  }
0x247: {  	[sflag:s29] =	ssyncadd.s32 $0xFFFFFC00  }
0x248: {  	_ =	swait.ge [sflag:s29], $0x400  }
0x249: {  	[sflag:s29] =	ssyncset.done $0x0  }
0x24a: {  	[sflag:s29] =	ssyncadd.s32 $0xFFFFFC00  }
0x24b: {  	_ =	swait.ge [sflag:s29], $0x400  }
0x24c: {  	[sflag:s29] =	ssyncset.done $0x0  }
0x24d: {  	[sflag:s29] =	ssyncadd.s32 $0xFFFFFC00  }
0x24e: {  	_ =	swait.ge [sflag:s29], $0x400  }
0x24f: {  	[sflag:s29] =	ssyncset.done $0x0  }
0x250: {  	[sflag:s29] =	ssyncadd.s32 $0xFFFFFC00  }
0x251: {  	_ =	swait.ge [sflag:s29], $0x400  }
0x252: {  	[sflag:s29] =	ssyncset.done $0x0  }
0x253: {  	[sflag:s29] =	ssyncadd.s32 $0xFFFFFC00  }
0x254: {  	_ =	swait.ge [sflag:s29], $0x400  }
0x255: {  	[sflag:s29] =	ssyncset.done $0x0  }
0x256: {  	[sflag:s29] =	ssyncadd.s32 $0xFFFFFC00  }
0x257: {  	_ =	swait.ge [sflag:s29], $0x400  }
0x258: {  	[sflag:s29] =	ssyncset.done $0x0  }
0x259: {  	[sflag:s29] =	ssyncadd.s32 $0xFFFFFC00  }
0x25a: {  	_ =	swait.ge [sflag:s29], $0x400  }
0x25b: {  	[sflag:s29] =	ssyncset.done $0x0  }
0x25c: {  	[sflag:s29] =	ssyncadd.s32 $0xFFFFFC00  }
0x25d: {  	_ =	swait.ge [sflag:s29], $0x400  }
0x25e: {  	[sflag:s29] =	ssyncset.done $0x0  }
0x25f: {  	[sflag:s29] =	ssyncadd.s32 $0xFFFFFC00  }
0x260: {  	_ =	swait.ge [sflag:s29], $0x400  }
0x261: {  	[sflag:s29] =	ssyncset.done $0x0  }
0x262: {  	[sflag:s29] =	ssyncadd.s32 $0xFFFFFC00  }
0x263: {  	_ =	swait.ge [sflag:s29], $0x400  }
0x264: {  	[sflag:s29] =	ssyncset.done $0x0  }
0x265: {  	[sflag:s29] =	ssyncadd.s32 $0xFFFFFC00  }
0x266: {  	_ =	swait.ge [sflag:s29], $0x400  }
0x267: {  	[sflag:s29] =	ssyncset.done $0x0  }
0x268: {  	[sflag:s29] =	ssyncadd.s32 $0xFFFFFC00  }
0x269: {  	_ =	swait.ge [sflag:s29], $0x400  }
0x26a: {  	[sflag:s29] =	ssyncset.done $0x0  }
0x26b: {  	[sflag:s29] =	ssyncadd.s32 $0xFFFFFC00  }
0x26c: {  	_ =	swait.ge [sflag:s29], $0x400  }
0x26d: {  	[sflag:s29] =	ssyncset.done $0x0  }
0x26e: {  	[sflag:s29] =	ssyncadd.s32 $0xFFFFFC00  }
0x26f: {  	_ =	swait.ge [sflag:s29], $0x400  }
0x270: {  	[sflag:s29] =	ssyncset.done $0x0  }
0x271: {  	[sflag:s29] =	ssyncadd.s32 $0xFFFFFC00  }
0x272: {  	_ =	swait.ge [sflag:s29], $0x400  }
0x273: {  	[sflag:s29] =	ssyncset.done $0x0  }
0x274: {  	[sflag:s29] =	ssyncadd.s32 $0xFFFFFC00  }
0x275: {  	_ =	swait.ge [sflag:s29], $0x400  }
.Ltmp16:
0x276: {  	[sflag:s29] =	ssyncset.done $0x0;
	(pc) =	sbr.rel @p0 .LBB2_31-.Ltmp16, $4  }
0x277: {  	[sflag:s29] =	ssyncadd.s32 $0xFFFFFC00  }
0x278: {  	_ =	swait.ge [sflag:s29], $0x400  }
0x279: {  	[sflag:s29] =	ssyncset.done $0x0  }
0x27a: {  	[sflag:s29] =	ssyncadd.s32 $0xFFFFFC00  }
.Ltmp17:
0x27b: {  	(pc) =	sbr.rel .LBB2_21-.Ltmp17, $2  }
0x27c: {  	_ =	sdelay $0x2  }
0x27d: {  	s7 =	simm.s32 $0x0  }
.LBB2_25:
0x27e: {  	s7 =	sadd.s32 $0x1, s7  }
0x27f: {  	p1 =	sne.s32 s7, s4  }
.Ltmp18:
0x280: {  	_ = 	snop;
	(pc) =	sbr.rel @!p1 .LBB2_26-.Ltmp18, $2  }
0x281: {  	_ =	sdelay $0x2  }
0x282: {  	s6 =	simm.s32 $0x0  }
.LBB2_21:
0x283: {  	s6 =	sshll.u32 s7, $0x7  }
0x284: {  	s8 =	ssub.s32 s0, s6  }
0x285: {  	p1 =	slt.s32 s8, $0x80  }
0x286: {  	p2 =	slt.s32 s8, $0xFFFFFFF2;
	s8 =	simm.s32 @!p1 $0x80  }
0x287: {  	s8 =	sadd.s32 $0xF, s8  }
0x288: {  	s9 =	sand.u32 $0xF, s8  }
0x289: {  	s20 =	sshra.s32 s8, $0x1F;
	p6 =	sne.s32 s9, $0x0  }
0x28a: {  	s9 =	sshrl.u32 s20, $0x1C;
	p1 =	por !p2, !p6  }
0x28b: {  	s8 =	sadd.s32 s9, s8;
	s9 =	simm.s32 $0x1;
	p1 =	por !p1, !p1  }
0x28c: {  	s8 =	sshra.s32 s8, $0x4;
	s9 =	simm.s32 @!p1 $0x0  }
0x28d: {  	s8 =	ssub.s32 s8, s9  }
0x28e: {  	p1 =	slt.s32 s8, $0x1  }
.Ltmp19:
0x28f: {  	_ = 	snop;
	(pc) =	sbr.rel @p1 .LBB2_25-.Ltmp19, $2  }
0x290: {  	_ =	sdelay $0x2  }
0x291: {  	s9 =	simm.s32 $0x0  }
.LBB2_22:
0x292: {  	s10 =	sshll.u32 s9, $0x4  }
0x293: {  	s10 =	sadd.s32 s6, s10  }
0x294: {  	v6 =	vld [tilespmem:s10+$0xF000];
	_ =	sdelay $0x4  }
0x295: {  	vm0 =	vgt.s32 v6, $0x0  }
0x296: {  	v6 =	vnsel vm0, $0x0, v6  }
0x297: {  	v6 =	vmin.u32 v6, $0x3FF  }
0x298: {  	s11 =	simm.s32 $0x0;
	v8 =	vor.u32 s10, v1;
	v7 =	vshrl.u32 v6, $0x7  }
0x299: {  	vm0 =	vlt.s32 v8, v5;
	v9 =	vor.u32 s11, v7;
	s11 =	simm.s32 $0x8  }
0x29a: {  	s19 =	simm.s32 $0x10;
	v6 =	vand.u32 $0x7F, v6;
	v8 =	vshll.u32 v9, $0x7;
	v9 =	vor.u32 s11, v7  }
0x29b: {  	v10 =	vor.u32 v6, v8;
	v8 =	vshll.u32 v9, $0x7;
	v9 =	vor.u32 s19, v7  }
0x29c: {  	s20 =	simm.s32 $0x18;
	v11 =	vor.u32 v6, v8;
	v8 =	vshll.u32 v9, $0x7  }
0x29d: {  	v13 =	vor.u32 v6, v8;
	v8 =	vor.u32 s20, v7  }
0x29e: {  	s11 =	simm.s32 $0x20;
	v8 =	vshll.u32 v8, $0x7  }
0x29f: {  	s19 =	simm.s32 $0x28;
	v9 =	vor.u32 s11, v7;
	v8 =	vor.u32 v6, v8  }
0x2a0: {  	v12 =	vor.u32 s19, v7;
	v9 =	vshll.u32 v9, $0x7;
	s20 =	simm.s32 $0x30;
	[tilespmem:v10+s18+$0x0] =	vst.idx.msk vm0, v3  }
0x2a1: {  	s10 =	simm.s32 $0x38;
	v9 =	vor.u32 v6, v9;
	v10 =	vshll.u32 v12, $0x7;
	v12 =	vor.u32 s20, v7;
	[tilespmem:v11+s18+$0x0] =	vst.idx.msk vm0, v3  }
0x2a2: {  	s11 =	simm.s32 $0x4;
	v10 =	vor.u32 v6, v10;
	v11 =	vshll.u32 v12, $0x7;
	v12 =	vor.u32 s10, v7;
	[tilespmem:v13+s18+$0x0] =	vst.idx.msk vm0, v3  }
.LBB2_23:
0x2a3: {  	s11 =	sadd.s32 $0x4, s11  }
0x2a4: {  	v13 =	vor.u32 v6, v11;
	v11 =	vshll.u32 v12, $0x7;
	s10 =	sadd.s32 $0x20, s10;
	[tilespmem:v8+s18+$0x0] =	vst.idx.msk vm0, v3;
	p1 =	slt.u32 s11, $0x1C  }
.Ltmp20:
0x2a5: {  	s19 =	sadd.s32 $0xFFFFFFE8, s10;
	v8 =	vor.u32 v6, v11;
	(pc) =	sbr.rel @p1 .LBB2_23-.Ltmp20, $4  }
0x2a6: {  	v11 =	vor.u32 s19, v7;
	s19 =	sadd.s32 $0xFFFFFFF0, s10  }
0x2a7: {  	v11 =	vshll.u32 v11, $0x7;
	v12 =	vor.u32 s19, v7;
	s19 =	sadd.s32 $0xFFFFFFF8, s10;
	[tilespmem:v9+s18+$0x0] =	vst.idx.msk vm0, v3  }
0x2a8: {  	v9 =	vor.u32 v6, v11;
	v11 =	vshll.u32 v12, $0x7;
	v12 =	vor.u32 s19, v7;
	[tilespmem:v10+s18+$0x0] =	vst.idx.msk vm0, v3  }
0x2a9: {  	v10 =	vor.u32 v6, v11;
	v11 =	vshll.u32 v12, $0x7;
	v12 =	vor.u32 s10, v7;
	[tilespmem:v13+s18+$0x0] =	vst.idx.msk vm0, v3  }
0x2aa: {  	_ =	sdelay $0x2  }
0x2ab: {  	v7 =	vor.u32 v6, v11;
	v63 =	vshll.u32 v12, $0x7;
	s9 =	sadd.s32 $0x1, s9  }
0x2ac: {  	v6 =	vor.u32 v6, v63;
	p1 =	sne.s32 s9, s8  }
.Ltmp21:
0x2ad: {  	[tilespmem:v8+s18+$0x0] =	vst.idx.msk vm0, v3;
	(pc) =	sbr.rel @p1 .LBB2_22-.Ltmp21, $4  }
.Ltmp22:
0x2ae: {  	[tilespmem:v9+s18+$0x0] =	vst.idx.msk vm0, v3;
	(pc) =	sbr.rel @!p1 .LBB2_25-.Ltmp22, $4  }
0x2af: {  	[tilespmem:v10+s18+$0x0] =	vst.idx.msk vm0, v3  }
0x2b0: {  	[tilespmem:v7+s18+$0x0] =	vst.idx.msk vm0, v3  }
0x2b1: {  	[tilespmem:v6+s18+$0x0] =	vst.idx.msk vm0, v3  }
0x2b2: {  	_ = 	snop  }
.LBB2_30:
0x2b3: {  	s6 =	sadd.s32 $0x1, s6  }
0x2b4: {  	p1 =	sne.s32 s6, s4  }
.Ltmp23:
0x2b5: {  	_ = 	snop;
	(pc) =	sbr.rel @!p1 .LBB2_31-.Ltmp23, $1  }
0x2b6: {  	_ =	sdelay $0x3  }
.LBB2_26:
0x2b7: {  	p1 =	slt.s32 s0, $0x81;
	s7 =	sshll.u32 s6, $0x7  }
0x2b8: {  	v6 =	vld @!p1 [tilespmem:s7+$0xF400];
	_ =	sdelay $0x4  }
0x2b9: {  	vm0 =	vgt.s32 @!p1 v6, $0x0  }
0x2ba: {  	v6 =	vnsel @!p1 vm0, $0x0, v6  }
0x2bb: {  	v6 =	vmin.u32 @!p1 v6, $0x7CFF  }
0x2bc: {  	[tilespmem:$0xF800] =	vst @!p1 v6  }
0x2bd: {  	v6 =	vld @!p1 [tilespmem:s7+$0xF410];
	_ =	sdelay $0x4  }
0x2be: {  	vm0 =	vgt.s32 @!p1 v6, $0x0  }
0x2bf: {  	v6 =	vnsel @!p1 vm0, $0x0, v6  }
0x2c0: {  	v6 =	vmin.u32 @!p1 v6, $0x7CFF  }
0x2c1: {  	[tilespmem:$0xF810] =	vst @!p1 v6  }
0x2c2: {  	v6 =	vld @!p1 [tilespmem:s7+$0xF420];
	_ =	sdelay $0x4  }
0x2c3: {  	vm0 =	vgt.s32 @!p1 v6, $0x0  }
0x2c4: {  	v6 =	vnsel @!p1 vm0, $0x0, v6  }
0x2c5: {  	v6 =	vmin.u32 @!p1 v6, $0x7CFF  }
0x2c6: {  	[tilespmem:$0xF820] =	vst @!p1 v6  }
0x2c7: {  	v6 =	vld @!p1 [tilespmem:s7+$0xF430];
	_ =	sdelay $0x4  }
0x2c8: {  	vm0 =	vgt.s32 @!p1 v6, $0x0  }
0x2c9: {  	v6 =	vnsel @!p1 vm0, $0x0, v6  }
0x2ca: {  	v6 =	vmin.u32 @!p1 v6, $0x7CFF  }
0x2cb: {  	[tilespmem:$0xF830] =	vst @!p1 v6  }
0x2cc: {  	v6 =	vld @!p1 [tilespmem:s7+$0xF440];
	_ =	sdelay $0x4  }
0x2cd: {  	vm0 =	vgt.s32 @!p1 v6, $0x0  }
0x2ce: {  	v6 =	vnsel @!p1 vm0, $0x0, v6  }
0x2cf: {  	v6 =	vmin.u32 @!p1 v6, $0x7CFF  }
0x2d0: {  	[tilespmem:$0xF840] =	vst @!p1 v6  }
0x2d1: {  	v6 =	vld @!p1 [tilespmem:s7+$0xF450];
	_ =	sdelay $0x4  }
0x2d2: {  	vm0 =	vgt.s32 @!p1 v6, $0x0  }
0x2d3: {  	v6 =	vnsel @!p1 vm0, $0x0, v6  }
0x2d4: {  	v6 =	vmin.u32 @!p1 v6, $0x7CFF  }
0x2d5: {  	[tilespmem:$0xF850] =	vst @!p1 v6  }
0x2d6: {  	v6 =	vld @!p1 [tilespmem:s7+$0xF460];
	_ =	sdelay $0x4  }
0x2d7: {  	vm0 =	vgt.s32 @!p1 v6, $0x0  }
0x2d8: {  	v6 =	vnsel @!p1 vm0, $0x0, v6  }
0x2d9: {  	v6 =	vmin.u32 @!p1 v6, $0x7CFF  }
0x2da: {  	[tilespmem:$0xF860] =	vst @!p1 v6  }
0x2db: {  	v6 =	vld @!p1 [tilespmem:s7+$0xF470];
	_ =	sdelay $0x4  }
0x2dc: {  	vm0 =	vgt.s32 @!p1 v6, $0x0  }
0x2dd: {  	v6 =	vnsel @!p1 vm0, $0x0, v6  }
0x2de: {  	v6 =	vmin.u32 @!p1 v6, $0x7CFF  }
0x2df: {  	s8 =	simm.s32 @!p1 $0x80;
	s9 =	simm.s32 @!p1 $0xF800;
	s10 =	simm.s32 @!p1 $0xD000;
	[tilespmem:$0xF870] =	vst @!p1 v6  }
0x2e0: {  	[tilespmem:s10], [sflag:$0x1] =	stream.indirect.gather @!p1 [hbm4b:s2+s8], $0x40, s9, s8, $0xb8;
	[tilespmem:$0xF880] =	vst v63  }
0x2e1: {  	s8 =	ssub.s32 s0, s7  }
0x2e2: {  	p2 =	slt.s32 s8, $0x80  }
0x2e3: {  	p3 =	slt.s32 s8, $0xFFFFFFF2;
	s8 =	simm.s32 @!p2 $0x80  }
0x2e4: {  	s8 =	sadd.s32 $0xF, s8  }
0x2e5: {  	s11 =	sand.u32 $0xF, s8  }
0x2e6: {  	s19 =	sshra.s32 s8, $0x1F;
	p6 =	sne.s32 s11, $0x0  }
0x2e7: {  	s20 =	sshrl.u32 s19, $0x1C;
	p2 =	por !p3, !p6  }
0x2e8: {  	s9 =	simm.s32 $0x1;
	s8 =	sadd.s32 s20, s8;
	p2 =	por !p2, !p2  }
0x2e9: {  	s8 =	sshra.s32 s8, $0x4;
	s9 =	simm.s32 @!p2 $0x0  }
0x2ea: {  	s8 =	ssub.s32 s8, s9  }
0x2eb: {  	p2 =	slt.s32 s8, $0x1  }
.Ltmp24:
0x2ec: {  	_ = 	snop;
	(pc) =	sbr.rel @p2 .LBB2_30-.Ltmp24, $4  }
0x2ed: {  	s10 =	simm.s32 @!p1 $0x1  }
0x2ee: {  	_ =	swait.ge @!p1 [sflag:s10], $0x2000  }
0x2ef: {  	[sflag:s10] =	ssyncset.done @!p1 $0x0  }
0x2f0: {  	[sflag:s10] =	ssyncadd.s32 @!p1 $0xFFFFE000;
	s9 =	simm.s32 $0x0  }
.LBB2_27:
0x2f1: {  	s10 =	sshll.u32 s9, $0x4  }
0x2f2: {  	s11 =	sadd.s32 s7, s10  }
0x2f3: {  	s19 =	simm.s32 $0x0;
	v7 =	vld [tilespmem:s11+$0xF000]  }
0x2f4: {  	v6 =	vmov s19  }
0x2f5: {  	v6 =	vadd.s32 $0x20, v6  }
0x2f6: {  	v8 =	vmov s10;
	v6 =	vand.u32 $0x3C, v6  }
0x2f7: {  	v8 =	vshll.u32 v8, $0x6;
	v9 =	vbroadcast v6, $0x0  }
0x2f8: {  	s20 =	simm.s32 $0x1;
	v6 =	vor.u32 v4, v8;
	vm0 =	vgt.s32 v7, $0x0  }
0x2f9: {  	v10 =	vmov s20;
	v9 =	vor.u32 v6, v9;
	v7 =	vnsel vm0, $0x0, v7  }
0x2fa: {  	v10 =	vadd.s32 $0x20, v10;
	v7 =	vmin.u32 v7, $0x3FF  }
0x2fb: {  	s19 =	simm.s32 $0x0;
	v10 =	vand.u32 $0x3D, v10;
	v8 =	vshrl.u32 v7, $0x7  }
0x2fc: {  	v11 =	vor.u32 s11, v1;
	v10 =	vbroadcast v10, $0x0;
	v12 =	vor.u32 s19, v8  }
0x2fd: {  	vm0 =	vlt.s32 v11, v5;
	v7 =	vand.u32 $0x7F, v7;
	v11 =	vshll.u32 v12, $0x7  }
0x2fe: {  	v9 =	vld.idx.msk [tilespmem:v9+s17+$0x0], $0xffff;
	v11 =	vor.u32 v7, v11  }
0x2ff: {  	s20 =	simm.s32 $0x2;
	v10 =	vor.u32 v6, v10  }
0x300: {  	v12 =	vmov s20  }
0x301: {  	s11 =	simm.s32 $0x8;
	v12 =	vadd.s32 $0x20, v12  }
0x302: {  	v13 =	vor.u32 s11, v8;
	v12 =	vand.u32 $0x3E, v12  }
0x303: {  	[tilespmem:v11+s18+$0x0] =	vst.idx.msk vm0, v9;
	v9 =	vshll.u32 v13, $0x7;
	v11 =	vbroadcast v12, $0x0  }
0x304: {  	v10 =	vld.idx.msk [tilespmem:v10+s17+$0x0], $0xffff;
	v9 =	vor.u32 v7, v9  }
0x305: {  	s19 =	simm.s32 $0x3;
	v11 =	vor.u32 v6, v11  }
0x306: {  	v12 =	vmov s19  }
0x307: {  	s20 =	simm.s32 $0x10;
	v12 =	vadd.s32 $0x20, v12  }
0x308: {  	v13 =	vor.u32 s20, v8;
	v12 =	vand.u32 $0x3F, v12  }
0x309: {  	v12 =	vbroadcast v12, $0x0;
	[tilespmem:v9+s18+$0x0] =	vst.idx.msk vm0, v10;
	v10 =	vshll.u32 v13, $0x7  }
0x30a: {  	v9 =	vld.idx.msk [tilespmem:v11+s17+$0x0], $0xffff;
	v11 =	vor.u32 v7, v10  }
0x30b: {  	v10 =	vor.u32 v6, v12  }
0x30c: {  	s10 =	simm.s32 $0x4  }
0x30d: {  	s11 =	simm.s32 $0x18;
	s19 =	simm.s32 $0x8;
	v12 =	vmov s10  }
.LBB2_28:
0x30e: {  	p1 =	slt.u32 s19, $0x1C;
	v12 =	vadd.s32 $0x20, v12  }
0x30f: {  	v12 =	vand.u32 $0x3C, v12;
	[tilespmem:v11+s18+$0x0] =	vst.idx.msk vm0, v9;
	v9 =	vor.u32 s11, v8  }
0x310: {  	v11 =	vbroadcast v12, $0x0;
	v10 =	vld.idx.msk [tilespmem:v10+s17+$0x0], $0xffff;
	v9 =	vshll.u32 v9, $0x7  }
0x311: {  	v9 =	vor.u32 v7, v9  }
0x312: {  	v11 =	vor.u32 v6, v11  }
0x313: {  	s20 =	sadd.s32 $0x1, s10  }
0x314: {  	s11 =	sadd.s32 $0x20, s11;
	v12 =	vmov s20  }
0x315: {  	s20 =	sadd.s32 $0xFFFFFFE8, s11;
	v12 =	vadd.s32 $0x20, v12  }
0x316: {  	v13 =	vor.u32 s20, v8;
	v12 =	vand.u32 $0x3D, v12;
	[tilespmem:v9+s18+$0x0] =	vst.idx.msk vm0, v10  }
0x317: {  	v10 =	vshll.u32 v13, $0x7;
	v9 =	vld.idx.msk [tilespmem:v11+s17+$0x0], $0xffff;
	v11 =	vbroadcast v12, $0x0  }
0x318: {  	v10 =	vor.u32 v7, v10  }
0x319: {  	v11 =	vor.u32 v6, v11  }
0x31a: {  	s20 =	sadd.s32 $0x2, s10  }
0x31b: {  	v12 =	vmov s20  }
0x31c: {  	s20 =	sadd.s32 $0xFFFFFFF0, s11;
	v12 =	vadd.s32 $0x20, v12  }
0x31d: {  	[tilespmem:v10+s18+$0x0] =	vst.idx.msk vm0, v9;
	v9 =	vor.u32 s20, v8;
	v10 =	vand.u32 $0x3E, v12  }
0x31e: {  	v11 =	vld.idx.msk [tilespmem:v11+s17+$0x0], $0xffff;
	v9 =	vshll.u32 v9, $0x7;
	v10 =	vbroadcast v10, $0x0  }
0x31f: {  	v9 =	vor.u32 v7, v9  }
0x320: {  	v10 =	vor.u32 v6, v10  }
0x321: {  	s20 =	sadd.s32 $0x3, s10;
	s10 =	smov.u32 s19  }
0x322: {  	v12 =	vmov s20  }
0x323: {  	s20 =	sadd.s32 $0xFFFFFFF8, s11;
	v12 =	vadd.s32 $0x20, v12  }
0x324: {  	v12 =	vand.u32 $0x3F, v12;
	[tilespmem:v9+s18+$0x0] =	vst.idx.msk vm0, v11;
	v11 =	vor.u32 s20, v8  }
.Ltmp25:
0x325: {  	v12 =	vbroadcast v12, $0x0;
	v9 =	vld.idx.msk [tilespmem:v10+s17+$0x0], $0xffff;
	v10 =	vshll.u32 v11, $0x7;
	(pc) =	sbr.rel @p1 .LBB2_28-.Ltmp25, $3  }
0x326: {  	v11 =	vor.u32 v7, v10  }
0x327: {  	v10 =	vor.u32 v6, v12;
	_ =	sdelay $0x1  }
0x328: {  	s19 =	sadd.s32 $0x4, s19;
	v12 =	vmov s10  }
0x329: {  	_ =	sdelay $0x2  }
0x32a: {  	v12 =	vadd.s32 $0x20, v12  }
0x32b: {  	v13 =	vor.u32 s11, v8;
	v12 =	vand.u32 $0x3C, v12  }
0x32c: {  	[tilespmem:v11+s18+$0x0] =	vst.idx.msk vm0, v9;
	v50 =	vshll.u32 v13, $0x7;
	v49 =	vbroadcast v12, $0x0  }
0x32d: {  	v10 =	vld.idx.msk [tilespmem:v10+s17+$0x0], $0xffff;
	v11 =	vor.u32 v7, v50  }
0x32e: {  	s19 =	sadd.s32 $0x1, s10;
	v9 =	vor.u32 v6, v49  }
0x32f: {  	s11 =	sadd.s32 $0x20, s11;
	v51 =	vmov s19  }
0x330: {  	s20 =	sadd.s32 $0xFFFFFFE8, s11;
	v12 =	vadd.s32 $0x20, v51  }
0x331: {  	v52 =	vor.u32 s20, v8;
	v12 =	vand.u32 $0x3D, v12  }
0x332: {  	v53 =	vshll.u32 v52, $0x7;
	v54 =	vbroadcast v12, $0x0;
	[tilespmem:v11+s18+$0x0] =	vst.idx.msk vm0, v10  }
0x333: {  	v10 =	vor.u32 v7, v53;
	v9 =	vld.idx.msk [tilespmem:v9+s17+$0x0], $0xffff  }
0x334: {  	s20 =	sadd.s32 $0x2, s10;
	v11 =	vor.u32 v6, v54  }
0x335: {  	v55 =	vmov s20  }
0x336: {  	s20 =	sadd.s32 $0xFFFFFFF0, s11;
	v12 =	vadd.s32 $0x20, v55  }
0x337: {  	v56 =	vor.u32 s20, v8;
	v12 =	vand.u32 $0x3E, v12  }
0x338: {  	v57 =	vshll.u32 v56, $0x7;
	v58 =	vbroadcast v12, $0x0;
	[tilespmem:v10+s18+$0x0] =	vst.idx.msk vm0, v9  }
0x339: {  	v9 =	vor.u32 v7, v57;
	v11 =	vld.idx.msk [tilespmem:v11+s17+$0x0], $0xffff  }
0x33a: {  	s19 =	sadd.s32 $0x3, s10;
	v10 =	vor.u32 v6, v58  }
0x33b: {  	v59 =	vmov s19  }
0x33c: {  	s20 =	sadd.s32 $0xFFFFFFF8, s11;
	v12 =	vadd.s32 $0x20, v59  }
0x33d: {  	v60 =	vor.u32 s20, v8;
	v12 =	vand.u32 $0x3F, v12  }
0x33e: {  	v61 =	vshll.u32 v60, $0x7;
	v62 =	vbroadcast v12, $0x0;
	[tilespmem:v9+s18+$0x0] =	vst.idx.msk vm0, v11  }
0x33f: {  	v9 =	vor.u32 v7, v61;
	v10 =	vld.idx.msk [tilespmem:v10+s17+$0x0], $0xffff  }
0x340: {  	v6 =	vor.u32 v6, v62;
	_ =	sdelay $0x2  }
0x341: {  	v63 =	vor.u32 s11, v8  }
0x342: {  	s9 =	sadd.s32 $0x1, s9;
	v8 =	vshll.u32 v63, $0x7;
	[tilespmem:v9+s18+$0x0] =	vst.idx.msk vm0, v10  }
0x343: {  	p1 =	sne.s32 s9, s8;
	v7 =	vor.u32 v7, v8;
	v6 =	vld.idx.msk [tilespmem:v6+s17+$0x0], $0xffff  }
.Ltmp26:
0x344: {  	_ = 	snop;
	(pc) =	sbr.rel @p1 .LBB2_27-.Ltmp26, $4  }
.Ltmp27:
0x345: {  	_ = 	snop;
	(pc) =	sbr.rel @!p1 .LBB2_30-.Ltmp27, $4  }
0x346: {  	_ = 	snop  }
0x347: {  	_ = 	snop  }
0x348: {  	[tilespmem:v7+s18+$0x0] =	vst.idx.msk vm0, v6  }
0x349: {  	_ = 	snop  }
.LBB2_31:
0x34a: {  	s6 =	sld [smem:$0x7DB];
	_ =	sdelay $0x1  }
0x34b: {  	s7 =	sld [smem:$0x7DC]  }
0x34c: {  	s8 =	sld [smem:$0x7DD];
	s6 =	sadd.s32 s5, s6  }
0x34d: {  	[hbm4b:s6+s3] =	stream.linear.scatter [tilespmem:s18], [sflag:$0x2], $0x400, $0x38;
	[tilespmem:$0xF880] =	vst v63  }
0x34e: {  	s9 =	sld [smem:$0x7DE];
	s6 =	sadd.s32 s5, s7  }
0x34f: {  	[hbm4b:s6+s3] =	stream.linear.scatter [tilespmem:s21], [sflag:$0x2], $0x400, $0x38;
	[tilespmem:$0xF880] =	vst v63  }
0x350: {  	s11 =	sld [smem:$0x7DF];
	s7 =	simm.s32 $0x5800;
	s6 =	sadd.s32 s5, s8  }
0x351: {  	[hbm4b:s6+s3] =	stream.linear.scatter [tilespmem:s7], [sflag:$0x2], $0x400, $0x38;
	[tilespmem:$0xF880] =	vst v63  }
0x352: {  	s10 =	simm.s32 $0x5C00;
	s20 =	sld [smem:$0x7E0];
	s6 =	sadd.s32 s5, s9  }
0x353: {  	[hbm4b:s6+s3] =	stream.linear.scatter [tilespmem:s10], [sflag:$0x2], $0x400, $0x38;
	[tilespmem:$0xF880] =	vst v63  }
0x354: {  	s19 =	simm.s32 $0x6000;
	s7 =	sld [smem:$0x7E1];
	s6 =	sadd.s32 s5, s11  }
0x355: {  	[hbm4b:s6+s3] =	stream.linear.scatter [tilespmem:s19], [sflag:$0x2], $0x400, $0x38;
	[tilespmem:$0xF880] =	vst v63  }
0x356: {  	s21 =	simm.s32 $0x6400;
	s9 =	sld [smem:$0x7E2];
	s6 =	sadd.s32 s5, s20  }
0x357: {  	[hbm4b:s6+s3] =	stream.linear.scatter [tilespmem:s21], [sflag:$0x2], $0x400, $0x38;
	[tilespmem:$0xF880] =	vst v63  }
0x358: {  	s8 =	simm.s32 $0x6800;
	s11 =	sld [smem:$0x7E3];
	s6 =	sadd.s32 s5, s7  }
0x359: {  	[hbm4b:s6+s3] =	stream.linear.scatter [tilespmem:s8], [sflag:$0x2], $0x400, $0x38;
	[tilespmem:$0xF880] =	vst v63  }
0x35a: {  	s10 =	simm.s32 $0x6C00;
	s20 =	sld [smem:$0x7E4];
	s6 =	sadd.s32 s5, s9  }
0x35b: {  	[hbm4b:s6+s3] =	stream.linear.scatter [tilespmem:s10], [sflag:$0x2], $0x400, $0x38;
	[tilespmem:$0xF880] =	vst v63  }
0x35c: {  	s19 =	simm.s32 $0x7000;
	s7 =	sld [smem:$0x7E5];
	s6 =	sadd.s32 s5, s11  }
0x35d: {  	[hbm4b:s6+s3] =	stream.linear.scatter [tilespmem:s19], [sflag:$0x2], $0x400, $0x38;
	[tilespmem:$0xF880] =	vst v63  }
0x35e: {  	s21 =	simm.s32 $0x7400;
	s9 =	sld [smem:$0x7E6];
	s6 =	sadd.s32 s5, s20  }
0x35f: {  	[hbm4b:s6+s3] =	stream.linear.scatter [tilespmem:s21], [sflag:$0x2], $0x400, $0x38;
	[tilespmem:$0xF880] =	vst v63  }
0x360: {  	s8 =	simm.s32 $0x7800;
	s11 =	sld [smem:$0x7E7];
	s6 =	sadd.s32 s5, s7  }
0x361: {  	[hbm4b:s6+s3] =	stream.linear.scatter [tilespmem:s8], [sflag:$0x2], $0x400, $0x38;
	[tilespmem:$0xF880] =	vst v63  }
0x362: {  	s10 =	simm.s32 $0x7C00;
	s20 =	sld [smem:$0x7E8];
	s6 =	sadd.s32 s5, s9  }
0x363: {  	[hbm4b:s6+s3] =	stream.linear.scatter [tilespmem:s10], [sflag:$0x2], $0x400, $0x38;
	[tilespmem:$0xF880] =	vst v63  }
0x364: {  	s19 =	simm.s32 $0x8000;
	s7 =	sld [smem:$0x7E9];
	s6 =	sadd.s32 s5, s11  }
0x365: {  	[hbm4b:s6+s3] =	stream.linear.scatter [tilespmem:s19], [sflag:$0x2], $0x400, $0x38;
	[tilespmem:$0xF880] =	vst v63  }
0x366: {  	s21 =	simm.s32 $0x8400;
	s9 =	sld [smem:$0x7EA];
	s6 =	sadd.s32 s5, s20  }
0x367: {  	[hbm4b:s6+s3] =	stream.linear.scatter [tilespmem:s21], [sflag:$0x2], $0x400, $0x38;
	[tilespmem:$0xF880] =	vst v63  }
0x368: {  	s8 =	simm.s32 $0x8800;
	s11 =	sld [smem:$0x7EB];
	s6 =	sadd.s32 s5, s7  }
0x369: {  	[hbm4b:s6+s3] =	stream.linear.scatter [tilespmem:s8], [sflag:$0x2], $0x400, $0x38;
	[tilespmem:$0xF880] =	vst v63  }
0x36a: {  	s10 =	simm.s32 $0x8C00;
	s20 =	sld [smem:$0x7EC];
	s6 =	sadd.s32 s5, s9  }
0x36b: {  	[hbm4b:s6+s3] =	stream.linear.scatter [tilespmem:s10], [sflag:$0x2], $0x400, $0x38;
	[tilespmem:$0xF880] =	vst v63  }
0x36c: {  	s19 =	simm.s32 $0x9000;
	s7 =	sld [smem:$0x7ED];
	s6 =	sadd.s32 s5, s11  }
0x36d: {  	[hbm4b:s6+s3] =	stream.linear.scatter [tilespmem:s19], [sflag:$0x2], $0x400, $0x38;
	[tilespmem:$0xF880] =	vst v63  }
0x36e: {  	s21 =	simm.s32 $0x9400;
	s9 =	sld [smem:$0x7EE];
	s6 =	sadd.s32 s5, s20  }
0x36f: {  	[hbm4b:s6+s3] =	stream.linear.scatter [tilespmem:s21], [sflag:$0x2], $0x400, $0x38;
	[tilespmem:$0xF880] =	vst v63  }
0x370: {  	s8 =	simm.s32 $0x9800;
	s11 =	sld [smem:$0x7EF];
	s6 =	sadd.s32 s5, s7  }
0x371: {  	[hbm4b:s6+s3] =	stream.linear.scatter [tilespmem:s8], [sflag:$0x2], $0x400, $0x38;
	[tilespmem:$0xF880] =	vst v63  }
0x372: {  	s10 =	simm.s32 $0x9C00;
	s20 =	sld [smem:$0x7F0];
	s6 =	sadd.s32 s5, s9  }
0x373: {  	[hbm4b:s6+s3] =	stream.linear.scatter [tilespmem:s10], [sflag:$0x2], $0x400, $0x38;
	[tilespmem:$0xF880] =	vst v63  }
0x374: {  	s19 =	simm.s32 $0xA000;
	s7 =	sld [smem:$0x7F1];
	s6 =	sadd.s32 s5, s11  }
0x375: {  	[hbm4b:s6+s3] =	stream.linear.scatter [tilespmem:s19], [sflag:$0x2], $0x400, $0x38;
	[tilespmem:$0xF880] =	vst v63  }
0x376: {  	s21 =	simm.s32 $0xA400;
	s9 =	sld [smem:$0x7F2];
	s6 =	sadd.s32 s5, s20  }
0x377: {  	[hbm4b:s6+s3] =	stream.linear.scatter [tilespmem:s21], [sflag:$0x2], $0x400, $0x38;
	[tilespmem:$0xF880] =	vst v63  }
0x378: {  	s8 =	simm.s32 $0xA800;
	s11 =	sld [smem:$0x7F3];
	s6 =	sadd.s32 s5, s7  }
0x379: {  	[hbm4b:s6+s3] =	stream.linear.scatter [tilespmem:s8], [sflag:$0x2], $0x400, $0x38;
	[tilespmem:$0xF880] =	vst v63  }
0x37a: {  	s10 =	simm.s32 $0xAC00;
	s20 =	sld [smem:$0x7F4];
	s6 =	sadd.s32 s5, s9  }
0x37b: {  	[hbm4b:s6+s3] =	stream.linear.scatter [tilespmem:s10], [sflag:$0x2], $0x400, $0x38;
	[tilespmem:$0xF880] =	vst v63  }
0x37c: {  	s19 =	simm.s32 $0xB000;
	s8 =	sld [smem:$0x7F5];
	s6 =	sadd.s32 s5, s11  }
0x37d: {  	[hbm4b:s6+s3] =	stream.linear.scatter [tilespmem:s19], [sflag:$0x2], $0x400, $0x38;
	[tilespmem:$0xF880] =	vst v63  }
0x37e: {  	s21 =	simm.s32 $0xB400;
	s9 =	sld [smem:$0x7F7];
	s6 =	sadd.s32 s5, s20  }
0x37f: {  	[hbm4b:s6+s3] =	stream.linear.scatter [tilespmem:s21], [sflag:$0x2], $0x400, $0x38;
	[tilespmem:$0xF880] =	vst v63  }
0x380: {  	s10 =	sld [smem:$0x7F8];
	s6 =	sadd.s32 s5, s8  }
0x381: {  	[hbm4b:s6+s3] =	stream.linear.scatter [tilespmem:s22], [sflag:$0x2], $0x400, $0x38;
	[tilespmem:$0xF880] =	vst v63  }
0x382: {  	s11 =	sld [smem:$0x7FA];
	s6 =	sadd.s32 s5, s9  }
0x383: {  	[hbm4b:s6+s3] =	stream.linear.scatter [tilespmem:s23], [sflag:$0x2], $0x400, $0x38;
	[tilespmem:$0xF880] =	vst v63  }
0x384: {  	s19 =	sld [smem:$0x7FB];
	s6 =	sadd.s32 s5, s10  }
0x385: {  	[hbm4b:s6+s3] =	stream.linear.scatter [tilespmem:s24], [sflag:$0x2], $0x400, $0x38;
	[tilespmem:$0xF880] =	vst v63  }
0x386: {  	s20 =	sld [smem:$0x7FC];
	s6 =	sadd.s32 s5, s11  }
0x387: {  	[hbm4b:s6+s3] =	stream.linear.scatter [tilespmem:s25], [sflag:$0x2], $0x400, $0x38;
	[tilespmem:$0xF880] =	vst v63  }
0x388: {  	s6 =	sadd.s32 s5, s19  }
0x389: {  	[hbm4b:s6+s3] =	stream.linear.scatter [tilespmem:s26], [sflag:$0x2], $0x400, $0x38;
	[tilespmem:$0xF880] =	vst v63  }
0x38a: {  	s21 =	sadd.s32 s5, s20  }
0x38b: {  	[hbm4b:s21+s3] =	stream.linear.scatter [tilespmem:s28], [sflag:$0x2], $0x400, $0x38;
	[tilespmem:$0xF880] =	vst v63  }
0x38c: {  	_ =	swait.ge [sflag:s29], $0x400  }
0x38d: {  	[sflag:s29] =	ssyncset.done $0x0  }
0x38e: {  	[sflag:s29] =	ssyncadd.s32 $0xFFFFFC00  }
0x38f: {  	_ =	swait.ge [sflag:s29], $0x400  }
0x390: {  	[sflag:s29] =	ssyncset.done $0x0  }
0x391: {  	[sflag:s29] =	ssyncadd.s32 $0xFFFFFC00  }
0x392: {  	_ =	swait.ge [sflag:s29], $0x400  }
0x393: {  	[sflag:s29] =	ssyncset.done $0x0  }
0x394: {  	[sflag:s29] =	ssyncadd.s32 $0xFFFFFC00  }
0x395: {  	_ =	swait.ge [sflag:s29], $0x400  }
0x396: {  	[sflag:s29] =	ssyncset.done $0x0  }
0x397: {  	[sflag:s29] =	ssyncadd.s32 $0xFFFFFC00  }
0x398: {  	_ =	swait.ge [sflag:s29], $0x400  }
0x399: {  	[sflag:s29] =	ssyncset.done $0x0  }
0x39a: {  	[sflag:s29] =	ssyncadd.s32 $0xFFFFFC00  }
0x39b: {  	_ =	swait.ge [sflag:s29], $0x400  }
0x39c: {  	[sflag:s29] =	ssyncset.done $0x0  }
0x39d: {  	[sflag:s29] =	ssyncadd.s32 $0xFFFFFC00  }
0x39e: {  	_ =	swait.ge [sflag:s29], $0x400  }
0x39f: {  	[sflag:s29] =	ssyncset.done $0x0  }
0x3a0: {  	[sflag:s29] =	ssyncadd.s32 $0xFFFFFC00  }
0x3a1: {  	_ =	swait.ge [sflag:s29], $0x400  }
0x3a2: {  	[sflag:s29] =	ssyncset.done $0x0  }
0x3a3: {  	[sflag:s29] =	ssyncadd.s32 $0xFFFFFC00  }
0x3a4: {  	_ =	swait.ge [sflag:s29], $0x400  }
0x3a5: {  	[sflag:s29] =	ssyncset.done $0x0  }
0x3a6: {  	[sflag:s29] =	ssyncadd.s32 $0xFFFFFC00  }
0x3a7: {  	_ =	swait.ge [sflag:s29], $0x400  }
0x3a8: {  	[sflag:s29] =	ssyncset.done $0x0  }
0x3a9: {  	[sflag:s29] =	ssyncadd.s32 $0xFFFFFC00  }
0x3aa: {  	_ =	swait.ge [sflag:s29], $0x400  }
0x3ab: {  	[sflag:s29] =	ssyncset.done $0x0  }
0x3ac: {  	[sflag:s29] =	ssyncadd.s32 $0xFFFFFC00  }
0x3ad: {  	_ =	swait.ge [sflag:s29], $0x400  }
0x3ae: {  	[sflag:s29] =	ssyncset.done $0x0  }
0x3af: {  	[sflag:s29] =	ssyncadd.s32 $0xFFFFFC00  }
0x3b0: {  	_ =	swait.ge [sflag:s29], $0x400  }
0x3b1: {  	[sflag:s29] =	ssyncset.done $0x0  }
0x3b2: {  	[sflag:s29] =	ssyncadd.s32 $0xFFFFFC00  }
0x3b3: {  	_ =	swait.ge [sflag:s29], $0x400  }
0x3b4: {  	[sflag:s29] =	ssyncset.done $0x0  }
0x3b5: {  	[sflag:s29] =	ssyncadd.s32 $0xFFFFFC00  }
0x3b6: {  	_ =	swait.ge [sflag:s29], $0x400  }
0x3b7: {  	[sflag:s29] =	ssyncset.done $0x0  }
0x3b8: {  	[sflag:s29] =	ssyncadd.s32 $0xFFFFFC00  }
0x3b9: {  	_ =	swait.ge [sflag:s29], $0x400  }
0x3ba: {  	[sflag:s29] =	ssyncset.done $0x0  }
0x3bb: {  	[sflag:s29] =	ssyncadd.s32 $0xFFFFFC00  }
0x3bc: {  	_ =	swait.ge [sflag:s29], $0x400  }
0x3bd: {  	[sflag:s29] =	ssyncset.done $0x0  }
0x3be: {  	[sflag:s29] =	ssyncadd.s32 $0xFFFFFC00  }
0x3bf: {  	_ =	swait.ge [sflag:s29], $0x400  }
0x3c0: {  	[sflag:s29] =	ssyncset.done $0x0  }
0x3c1: {  	[sflag:s29] =	ssyncadd.s32 $0xFFFFFC00  }
0x3c2: {  	_ =	swait.ge [sflag:s29], $0x400  }
0x3c3: {  	[sflag:s29] =	ssyncset.done $0x0  }
0x3c4: {  	[sflag:s29] =	ssyncadd.s32 $0xFFFFFC00  }
0x3c5: {  	_ =	swait.ge [sflag:s29], $0x400  }
0x3c6: {  	[sflag:s29] =	ssyncset.done $0x0  }
0x3c7: {  	[sflag:s29] =	ssyncadd.s32 $0xFFFFFC00  }
0x3c8: {  	_ =	swait.ge [sflag:s29], $0x400  }
0x3c9: {  	[sflag:s29] =	ssyncset.done $0x0  }
0x3ca: {  	[sflag:s29] =	ssyncadd.s32 $0xFFFFFC00  }
0x3cb: {  	_ =	swait.ge [sflag:s29], $0x400  }
0x3cc: {  	[sflag:s29] =	ssyncset.done $0x0  }
0x3cd: {  	[sflag:s29] =	ssyncadd.s32 $0xFFFFFC00  }
0x3ce: {  	_ =	swait.ge [sflag:s29], $0x400  }
0x3cf: {  	[sflag:s29] =	ssyncset.done $0x0  }
0x3d0: {  	[sflag:s29] =	ssyncadd.s32 $0xFFFFFC00  }
0x3d1: {  	_ =	swait.ge [sflag:s29], $0x400  }
0x3d2: {  	[sflag:s29] =	ssyncset.done $0x0  }
0x3d3: {  	[sflag:s29] =	ssyncadd.s32 $0xFFFFFC00  }
0x3d4: {  	_ =	swait.ge [sflag:s29], $0x400  }
0x3d5: {  	[sflag:s29] =	ssyncset.done $0x0  }
0x3d6: {  	[sflag:s29] =	ssyncadd.s32 $0xFFFFFC00  }
0x3d7: {  	_ =	swait.ge [sflag:s29], $0x400  }
0x3d8: {  	[sflag:s29] =	ssyncset.done $0x0  }
0x3d9: {  	[sflag:s29] =	ssyncadd.s32 $0xFFFFFC00  }
0x3da: {  	_ =	swait.ge [sflag:s29], $0x400  }
0x3db: {  	[sflag:s29] =	ssyncset.done $0x0  }
0x3dc: {  	[sflag:s29] =	ssyncadd.s32 $0xFFFFFC00  }
0x3dd: {  	_ =	swait.ge [sflag:s29], $0x400  }
0x3de: {  	[sflag:s29] =	ssyncset.done $0x0  }
0x3df: {  	[sflag:s29] =	ssyncadd.s32 $0xFFFFFC00  }
0x3e0: {  	_ =	swait.ge [sflag:s29], $0x400  }
0x3e1: {  	[sflag:s29] =	ssyncset.done $0x0  }
0x3e2: {  	[sflag:s29] =	ssyncadd.s32 $0xFFFFFC00  }
0x3e3: {  	_ =	swait.ge [sflag:s29], $0x400  }
0x3e4: {  	[sflag:s29] =	ssyncset.done $0x0  }
0x3e5: {  	[sflag:s29] =	ssyncadd.s32 $0xFFFFFC00  }
0x3e6: {  	_ =	swait.ge [sflag:s29], $0x400  }
.Ltmp28:
0x3e7: {  	[sflag:s29] =	ssyncset.done $0x0;
	(pc) =	sbr.rel @p0 .LBB2_38-.Ltmp28, $4  }
0x3e8: {  	[sflag:s29] =	ssyncadd.s32 $0xFFFFFC00  }
0x3e9: {  	_ =	swait.ge [sflag:s29], $0x400  }
0x3ea: {  	[sflag:s29] =	ssyncset.done $0x0  }
0x3eb: {  	[sflag:s29] =	ssyncadd.s32 $0xFFFFFC00  }
.Ltmp29:
0x3ec: {  	(pc) =	sbr.rel .LBB2_33-.Ltmp29, $2  }
0x3ed: {  	_ =	sdelay $0x2  }
0x3ee: {  	s5 =	simm.s32 $0x0  }
.LBB2_37:
0x3ef: {  	s5 =	sadd.s32 $0x1, s5  }
0x3f0: {  	p0 =	sne.s32 s5, s4  }
.Ltmp30:
0x3f1: {  	_ = 	snop;
	(pc) =	sbr.rel @!p0 .LBB2_38-.Ltmp30, $1  }
0x3f2: {  	_ =	sdelay $0x3  }
.LBB2_33:
0x3f3: {  	s6 =	sshll.u32 s5, $0x7  }
0x3f4: {  	s7 =	ssub.s32 s0, s6  }
0x3f5: {  	p0 =	slt.s32 s7, $0x80  }
0x3f6: {  	p1 =	slt.s32 s7, $0xFFFFFFF2;
	s7 =	simm.s32 @!p0 $0x80  }
0x3f7: {  	s7 =	sadd.s32 $0xF, s7  }
0x3f8: {  	s8 =	sand.u32 $0xF, s7  }
0x3f9: {  	s21 =	sshra.s32 s7, $0x1F;
	p6 =	sne.s32 s8, $0x0  }
0x3fa: {  	s8 =	sshrl.u32 s21, $0x1C;
	p0 =	por !p1, !p6  }
0x3fb: {  	s7 =	sadd.s32 s8, s7;
	s8 =	simm.s32 $0x1;
	p0 =	por !p0, !p0  }
0x3fc: {  	s7 =	sshra.s32 s7, $0x4;
	s8 =	simm.s32 @!p0 $0x0  }
0x3fd: {  	s7 =	ssub.s32 s7, s8  }
0x3fe: {  	p0 =	slt.s32 s7, $0x1  }
.Ltmp31:
0x3ff: {  	_ = 	snop;
	(pc) =	sbr.rel @p0 .LBB2_37-.Ltmp31, $2  }
0x400: {  	_ =	sdelay $0x2  }
0x401: {  	s8 =	simm.s32 $0x0  }
.LBB2_34:
0x402: {  	s9 =	sshll.u32 s8, $0x4  }
0x403: {  	s9 =	sadd.s32 s6, s9  }
0x404: {  	v6 =	vld [tilespmem:s9+$0xF000];
	_ =	sdelay $0x4  }
0x405: {  	vm0 =	vgt.s32 v6, $0x0  }
0x406: {  	v6 =	vnsel vm0, $0x0, v6  }
0x407: {  	v6 =	vmin.u32 v6, $0x3FF  }
0x408: {  	s10 =	simm.s32 $0x0;
	v8 =	vor.u32 s9, v1;
	v7 =	vshrl.u32 v6, $0x7  }
0x409: {  	s21 =	simm.s32 $0x8;
	vm0 =	vlt.s32 v8, v5;
	v9 =	vor.u32 s10, v7  }
0x40a: {  	v6 =	vand.u32 $0x7F, v6;
	s10 =	simm.s32 $0x10;
	v8 =	vshll.u32 v9, $0x7;
	v9 =	vor.u32 s21, v7  }
0x40b: {  	v10 =	vor.u32 v6, v8;
	v8 =	vshll.u32 v9, $0x7;
	v9 =	vor.u32 s10, v7  }
0x40c: {  	s11 =	simm.s32 $0x18;
	v11 =	vor.u32 v6, v8;
	v8 =	vshll.u32 v9, $0x7  }
0x40d: {  	v13 =	vor.u32 v6, v8;
	v8 =	vor.u32 s11, v7  }
0x40e: {  	s19 =	simm.s32 $0x20;
	v8 =	vshll.u32 v8, $0x7  }
0x40f: {  	s20 =	simm.s32 $0x28;
	v9 =	vor.u32 s19, v7;
	v8 =	vor.u32 v6, v8  }
0x410: {  	v12 =	vor.u32 s20, v7;
	s21 =	simm.s32 $0x30;
	v9 =	vshll.u32 v9, $0x7;
	[tilespmem:v10+s18+$0x0] =	vst.idx.msk vm0, v3  }
0x411: {  	s9 =	simm.s32 $0x38;
	v9 =	vor.u32 v6, v9;
	v10 =	vshll.u32 v12, $0x7;
	v12 =	vor.u32 s21, v7;
	[tilespmem:v11+s18+$0x0] =	vst.idx.msk vm0, v3  }
0x412: {  	s10 =	simm.s32 $0x4;
	v10 =	vor.u32 v6, v10;
	v11 =	vshll.u32 v12, $0x7;
	v12 =	vor.u32 s9, v7;
	[tilespmem:v13+s18+$0x0] =	vst.idx.msk vm0, v3  }
.LBB2_35:
0x413: {  	s10 =	sadd.s32 $0x4, s10  }
0x414: {  	v13 =	vor.u32 v6, v11;
	v11 =	vshll.u32 v12, $0x7;
	s9 =	sadd.s32 $0x20, s9;
	[tilespmem:v8+s18+$0x0] =	vst.idx.msk vm0, v3;
	p0 =	slt.u32 s10, $0x1C  }
.Ltmp32:
0x415: {  	s11 =	sadd.s32 $0xFFFFFFE8, s9;
	v8 =	vor.u32 v6, v11;
	(pc) =	sbr.rel @p0 .LBB2_35-.Ltmp32, $4  }
0x416: {  	v11 =	vor.u32 s11, v7;
	s11 =	sadd.s32 $0xFFFFFFF0, s9  }
0x417: {  	v11 =	vshll.u32 v11, $0x7;
	v12 =	vor.u32 s11, v7;
	s11 =	sadd.s32 $0xFFFFFFF8, s9;
	[tilespmem:v9+s18+$0x0] =	vst.idx.msk vm0, v3  }
0x418: {  	v9 =	vor.u32 v6, v11;
	v11 =	vshll.u32 v12, $0x7;
	v12 =	vor.u32 s11, v7;
	[tilespmem:v10+s18+$0x0] =	vst.idx.msk vm0, v3  }
0x419: {  	v10 =	vor.u32 v6, v11;
	v11 =	vshll.u32 v12, $0x7;
	v12 =	vor.u32 s9, v7;
	[tilespmem:v13+s18+$0x0] =	vst.idx.msk vm0, v3  }
0x41a: {  	_ =	sdelay $0x2  }
0x41b: {  	v7 =	vor.u32 v6, v11;
	v63 =	vshll.u32 v12, $0x7;
	s8 =	sadd.s32 $0x1, s8  }
0x41c: {  	v6 =	vor.u32 v6, v63;
	p0 =	sne.s32 s8, s7  }
.Ltmp33:
0x41d: {  	[tilespmem:v8+s18+$0x0] =	vst.idx.msk vm0, v3;
	(pc) =	sbr.rel @p0 .LBB2_34-.Ltmp33, $4  }
.Ltmp34:
0x41e: {  	[tilespmem:v9+s18+$0x0] =	vst.idx.msk vm0, v3;
	(pc) =	sbr.rel @!p0 .LBB2_37-.Ltmp34, $4  }
0x41f: {  	[tilespmem:v10+s18+$0x0] =	vst.idx.msk vm0, v3  }
0x420: {  	[tilespmem:v7+s18+$0x0] =	vst.idx.msk vm0, v3  }
0x421: {  	[tilespmem:v6+s18+$0x0] =	vst.idx.msk vm0, v3  }
0x422: {  	_ = 	snop  }
.LBB2_40:
0x423: {  	_ =	sfence.sel $0x180000  }
0x424: {  	[bflag:$0x0] =	sbarrier.arrive $0xFFFF  }
0x425: {  	_ =	strace $0x90000047  }
0x426: {  	s0 =	stileid.u32;
	[bflag:$0x2] =	sbarrier.arrive $0xFFFF  }
0x427: {  	p0 =	sne.s32 s0, $0x0;
	s0 =	rddreg [dreg:$0x2]  }
0x428: {  	s0 =	sadd.s32 @!p0 $0x100000, s0  }
0x429: {  	[sflag:s0] =	ssyncadd.tile.s32 @!p0 $0x1;
	_ =	shalt  }
.Lfunc_end2:
_tile_overlayer_lowered:
.L_overlay_start_2:
0x42a: {  	(tag) =	ssettag $0x2  }
0x42b: {  	s0 =	rddreg [dreg:$0x0];
	s2 =	stileid.u32  }
0x42c: {  	s1 =	rddreg [dreg:$0x1];
	p0 =	sne.s32 s2, $0x0  }
0x42d: {  	s3 =	rddreg [dreg:$0x2];
	[bflag:$0x3] =	sbarrier.arrive $0xFFFF;
	s2 =	simm.s32 @!p0 $0x1C03  }
0x42e: {  	[timem:s3], [sflag:s2] =	dma.local @!p0 [hbm:s0], s1  }
0x42f: {  	s0 =	simm.s32 @!p0 $0x3  }
0x430: {  	_ =	swait.ge @!p0 [sflag:s0], s1  }
0x431: {  	s1 =	ssub.s32 @!p0 $0x0, s1;
	[sflag:s0] =	ssyncset.done @!p0 $0x0  }
0x432: {  	[sflag:s0] =	ssyncadd.s32 @!p0 s1  }
0x433: {  	[bflag:$0x3] =	sbarrier.arrive $0xFFFF  }
0x434: {  	_ =	shalt  }

</sc_bundles>
